<compile_context>
chip_gen: v7x
topology: tpu7x:2x2x1
jax: 0.10.2.dev20260603
libtpu: 0.0.44.dev20260713+nightly
codegen_flags: <defaults>
</compile_context>

<pallas_src>
import jax
import jax.numpy as jnp
from jax import lax
from jax.experimental import pallas as pl
from jax.experimental.pallas import tpu as pltpu
from jax.experimental.pallas import tpu_sc as plsc

_N = 10000
_D = 128
_E = 320000
_DW = 144
_NC = 2
_NS = 16
_NW = _NC * _NS
_EPW = _E // _NW
_C = 48
_NCH = 210
_EPWP = _C * _NCH
_REC = 3 * _C
_NP = 10016
_RPS = _NP // _NS


def _mm_first(x, Wl, bl, Wr, br):
    blk = 1000

    def body(x_ref, wl_ref, bl_ref, wr_ref, br_ref, o_ref):
        xv = x_ref[...]
        o_ref[0] = jnp.dot(xv, wl_ref[...], preferred_element_type=jnp.float32) + bl_ref[...]
        o_ref[1] = jnp.dot(xv, wr_ref[...], preferred_element_type=jnp.float32) + br_ref[...]

    return pl.pallas_call(
        body,
        grid=(_N // blk,),
        in_specs=[
            pl.BlockSpec((blk, _D), lambda i: (i, 0)),
            pl.BlockSpec((_D, _D), lambda i: (0, 0)),
            pl.BlockSpec((1, _D), lambda i: (0, 0)),
            pl.BlockSpec((_D, _D), lambda i: (0, 0)),
            pl.BlockSpec((1, _D), lambda i: (0, 0)),
        ],
        out_specs=pl.BlockSpec((2, blk, _D), lambda i: (0, i, 0)),
        out_shape=jax.ShapeDtypeStruct((2, _N, _D), jnp.float32),
    )(x, Wl, bl.reshape(1, _D), Wr, br.reshape(1, _D))


def _fin_mm(parts, bias_prev, Wl, bl, Wr, br):
    blk = 1000

    def body(p_ref, bp_ref, wl_ref, bl_ref, wr_ref, br_ref, o_ref):
        num = p_ref[0, :, :_D] + p_ref[1, :, :_D]
        den = p_ref[0, :, _D:_D + 1] + p_ref[1, :, _D:_D + 1]
        y = num / (den + 1e-16) + bp_ref[...]
        y = jnp.maximum(y, 0.0)
        o_ref[0] = jnp.dot(y, wl_ref[...], preferred_element_type=jnp.float32) + bl_ref[...]
        o_ref[1] = jnp.dot(y, wr_ref[...], preferred_element_type=jnp.float32) + br_ref[...]

    return pl.pallas_call(
        body,
        grid=(_N // blk,),
        in_specs=[
            pl.BlockSpec((_NC, blk, _DW), lambda i: (0, i, 0)),
            pl.BlockSpec((1, _D), lambda i: (0, 0)),
            pl.BlockSpec((_D, _D), lambda i: (0, 0)),
            pl.BlockSpec((1, _D), lambda i: (0, 0)),
            pl.BlockSpec((_D, _D), lambda i: (0, 0)),
            pl.BlockSpec((1, _D), lambda i: (0, 0)),
        ],
        out_specs=pl.BlockSpec((2, blk, _D), lambda i: (0, i, 0)),
        out_shape=jax.ShapeDtypeStruct((2, _N, _D), jnp.float32),
    )(parts, bias_prev.reshape(1, _D), Wl, bl.reshape(1, _D), Wr, br.reshape(1, _D))


def _fin_last(parts, bias):
    blk = 1000

    def body(p_ref, b_ref, y_ref):
        num = p_ref[0, :, :_D] + p_ref[1, :, :_D]
        den = p_ref[0, :, _D:_D + 1] + p_ref[1, :, _D:_D + 1]
        y = num / (den + 1e-16) + b_ref[...]
        y_ref[...] = jnp.where(y > 0, y, 0.01 * y)

    return pl.pallas_call(
        body,
        grid=(_N // blk,),
        in_specs=[
            pl.BlockSpec((_NC, blk, _DW), lambda i: (0, i, 0)),
            pl.BlockSpec((1, _D), lambda i: (0, 0)),
        ],
        out_specs=pl.BlockSpec((blk, _D), lambda i: (i, 0)),
        out_shape=jax.ShapeDtypeStruct((_N, _D), jnp.float32),
    )(parts, bias.reshape(1, _D))


def _edge_body(tab_hbm, edata_hbm, ewdata_hbm, perms_hbm, oh_hbm, wer_hbm, att_hbm,
               parts_hbm,
               ebuf, gidx, dsc, ewb, rows, outb, perms_v, oh_v, wer_v, att_v,
               acc, sem_e, sem_w, sem_g, sem_s):
    cid = lax.axis_index("c")
    sid = lax.axis_index("s")
    w = cid * _NS + sid
    gbase = w * _NCH

    pltpu.sync_copy(wer_hbm, wer_v)
    pltpu.sync_copy(att_hbm, att_v)
    pltpu.sync_copy(perms_hbm, perms_v)
    pltpu.sync_copy(oh_hbm, oh_v)

    zero16 = jnp.zeros((16,), jnp.float32)

    def zrow(i, carry):
        for k in range(_DW // 16):
            outb[i, pl.ds(16 * k, 16)] = zero16
        return carry

    lax.fori_loop(0, 2 * _C, zrow, 0)
    rbase = sid * _RPS
    for t in range(_RPS // (2 * _C)):
        pltpu.sync_copy(outb, acc.at[pl.ds(rbase + t * 2 * _C, 2 * _C)])
    rem = _RPS % (2 * _C)
    if rem:
        pltpu.sync_copy(outb.at[pl.ds(0, rem)],
                        acc.at[pl.ds(rbase + _RPS - rem, rem)])
    plsc.subcore_barrier()

    wek = [wer_v[pl.ds(16 * k, 16)] for k in range(_D // 16)]
    attk = [att_v[pl.ds(16 * k, 16)] for k in range(_D // 16)]
    permv = [perms_v[pl.ds(16 * r, 16)] for r in range(4)]
    onehot = oh_v[pl.ds(0, 16)]
    _gdn = lax.GatherDimensionNumbers(offset_dims=(), collapsed_slice_dims=(0,),
                                      start_index_map=(0,))

    def _shuffle(v, perm):
        return lax.gather(v, perm[:, None], _gdn, (1,),
                          mode=lax.GatherScatterMode.PROMISE_IN_BOUNDS)

    def issue_edata(c):
        pltpu.async_copy(edata_hbm.at[pl.ds((gbase + c) * _REC, _REC)],
                         ebuf.at[pl.ds((c % 2) * _REC, _REC)], sem_e)

    def wait_edata(c):
        pltpu.make_async_copy(edata_hbm.at[pl.ds((gbase + c) * _REC, _REC)],
                              ebuf.at[pl.ds((c % 2) * _REC, _REC)], sem_e).wait()

    def issue_ewdata(c):
        pltpu.async_copy(ewdata_hbm.at[pl.ds((gbase + c) * _C, _C)],
                         ewb.at[pl.ds((c % 2) * _C, _C)], sem_w)

    def wait_ewdata(c):
        pltpu.make_async_copy(ewdata_hbm.at[pl.ds((gbase + c) * _C, _C)],
                              ewb.at[pl.ds((c % 2) * _C, _C)], sem_w).wait()

    def build(c):
        h2 = c % 2
        h3 = c % 3
        eoff = h2 * _REC
        for k in range(_C // 16):
            gidx[h2, pl.ds(16 * k, 16)] = ebuf[pl.ds(eoff + 16 * k, 16)]
            gidx[h2, pl.ds(_C + 16 * k, 16)] = ebuf[pl.ds(eoff + _C + 16 * k, 16)]
            dsc[h3, pl.ds(16 * k, 16)] = ebuf[pl.ds(eoff + 2 * _C + 16 * k, 16)]

    def issue_gather(c):
        pltpu.async_copy(tab_hbm.at[gidx.at[c % 2]],
                         rows.at[pl.ds((c % 2) * 2 * _C, 2 * _C)], sem_g)

    def wait_gather(c):
        pltpu.make_async_copy(tab_hbm.at[gidx.at[c % 2]],
                              rows.at[pl.ds((c % 2) * 2 * _C, 2 * _C)], sem_g).wait()

    def issue_scatter(c):
        pltpu.async_copy(outb.at[pl.ds((c % 2) * _C, _C)],
                         acc.at[dsc.at[c % 3]], sem_s, add=True)

    def wait_scatter(c):
        pltpu.make_async_copy(outb.at[pl.ds((c % 2) * _C, _C)],
                              acc.at[dsc.at[c % 3]], sem_s).wait()

    def compute(c):
        boff = (c % 2) * 2 * _C
        ooff = (c % 2) * _C
        eslot = (c % 2) * _C

        def edge(e, carry):
            ew_vec = ewb[pl.ds(eslot + (e // 16) * 16, 16)]
            ew_spl = _shuffle(ew_vec, jnp.full((16,), e % 16, jnp.int32))
            accv = jnp.zeros((16,), jnp.float32)
            xls = []
            for k in range(_D // 16):
                xlv = rows[boff + e, pl.ds(16 * k, 16)]
                xrv = rows[boff + _C + e, pl.ds(16 * k, 16)]
                u = xlv + xrv + ew_spl * wek[k]
                m = jnp.where(u > 0, u, 0.2 * u)
                accv = accv + m * attk[k]
                xls.append(xlv)
            for r in range(4):
                accv = accv + _shuffle(accv, permv[r])
            espl = jnp.exp(accv)
            for k in range(_D // 16):
                outb[ooff + e, pl.ds(16 * k, 16)] = espl * xls[k]
            outb[ooff + e, pl.ds(_D, 16)] = espl * onehot
            return carry

        lax.fori_loop(0, _C, edge, 0)

    issue_edata(0)
    issue_ewdata(0)
    wait_edata(0)
    build(0)
    issue_edata(1)
    issue_ewdata(1)
    issue_gather(0)

    def step(c, carry):
        pl.when(c >= 2)(lambda: wait_scatter(c - 2))
        pl.when(c + 1 < _NCH)(lambda: wait_edata(c + 1))
        pl.when(c + 1 < _NCH)(lambda: build(c + 1))
        pl.when(c + 2 < _NCH)(lambda: issue_edata(c + 2))
        wait_gather(c)
        pl.when(c + 1 < _NCH)(lambda: issue_gather(c + 1))
        wait_ewdata(c)
        compute(c)
        pl.when(c + 2 < _NCH)(lambda: issue_ewdata(c + 2))
        issue_scatter(c)
        return carry

    lax.fori_loop(0, _NCH, step, 0)
    wait_scatter(_NCH - 2)
    wait_scatter(_NCH - 1)

    plsc.subcore_barrier()
    pltpu.sync_copy(acc.at[pl.ds(rbase, _RPS)], parts_hbm.at[cid, pl.ds(rbase, _RPS)])


def _edge_kernel(tab, edata, ewdata, perms, oh, werow, att):
    mesh = plsc.VectorSubcoreMesh(core_axis_name="c", subcore_axis_name="s")
    kern = pl.kernel(
        _edge_body,
        out_type=jax.ShapeDtypeStruct((_NC, _NP, _DW), jnp.float32),
        mesh=mesh,
        compiler_params=pltpu.CompilerParams(use_tc_tiling_on_sc=False),
        scratch_types=[
            pltpu.VMEM((2 * _REC,), jnp.int32),
            pltpu.VMEM((2, 2 * _C), jnp.int32),
            pltpu.VMEM((3, _C), jnp.int32),
            pltpu.VMEM((2 * _C * 16,), jnp.float32),
            pltpu.VMEM((4 * _C, _D), jnp.float32),
            pltpu.VMEM((2 * _C, _DW), jnp.float32),
            pltpu.VMEM((64,), jnp.int32),
            pltpu.VMEM((16,), jnp.float32),
            pltpu.VMEM((_D,), jnp.float32),
            pltpu.VMEM((_D,), jnp.float32),
            pltpu.VMEM_SHARED((_NP, _DW), jnp.float32),
            pltpu.SemaphoreType.DMA,
            pltpu.SemaphoreType.DMA,
            pltpu.SemaphoreType.DMA,
            pltpu.SemaphoreType.DMA,
        ],
    )
    return kern(tab, edata, ewdata, perms, oh, werow, att)


def _pack_edata(src, dst, ew):
    pad = _EPWP - _EPW
    srcw = jnp.pad(src.reshape(_NW, _EPW), ((0, 0), (0, pad)))
    dstw = jnp.pad(dst.reshape(_NW, _EPW), ((0, 0), (0, pad)))
    gdst = dstw + _N
    sdst = jnp.pad(dst.reshape(_NW, _EPW), ((0, 0), (0, pad)), constant_values=_N)
    eww = jnp.pad(ew.reshape(_NW, _EPW), ((0, 0), (0, pad)))
    rec = jnp.stack([
        srcw.reshape(_NW, _NCH, _C),
        gdst.reshape(_NW, _NCH, _C),
        sdst.reshape(_NW, _NCH, _C),
    ], axis=2)
    return rec.reshape(_NW * _NCH * _REC), eww.reshape(_NW * _EPWP)


def kernel(x, edge_index, edge_weight,
           W1l, b1l, W1r, b1r, We1, att1, bias1,
           W2l, b2l, W2r, b2r, We2, att2, bias2,
           W3l, b3l, W3r, b3r, We3, att3, bias3):
    src = edge_index[0]
    dst = edge_index[1]
    ew = edge_weight[:, 0]
    edata, ewdata = _pack_edata(src, dst, ew)
    lane = jnp.arange(16, dtype=jnp.int32)
    perms = jnp.concatenate([lane ^ (1 << r) for r in range(4)])
    oh = (lane == 0).astype(jnp.float32)

    t1 = _mm_first(x, W1l, b1l, W1r, b1r)
    p1 = _edge_kernel(t1.reshape(2 * _N, _D), edata, ewdata, perms, oh, We1[0], att1)
    t2 = _fin_mm(p1, bias1, W2l, b2l, W2r, b2r)
    p2 = _edge_kernel(t2.reshape(2 * _N, _D), edata, ewdata, perms, oh, We2[0], att2)
    t3 = _fin_mm(p2, bias2, W3l, b3l, W3r, b3r)
    p3 = _edge_kernel(t3.reshape(2 * _N, _D), edata, ewdata, perms, oh, We3[0], att3)
    return _fin_last(p3, bias3)

# --- scband reference (transcript-rebuilt; emitter-appended) ---
"""Pipeline reference for scband-wgnn-gat-78847009620175 (READ-ONLY COPY).

The authoritative reference and input builder live on the scoring server;
editing this copy changes nothing except your own understanding.
"""

import jax, jax.numpy as jnp
import numpy as np

N = 10000
E = 320000
D = 128

def _lin(k, fan_in, fan_out):
    return (jax.random.normal(k, (fan_in, fan_out), dtype=jnp.float32) / np.sqrt(fan_in)).astype(jnp.float32)

def _gatv2(x, src, dst, edge_attr, Wl, bl, Wr, br, We, att, bias, n):
    # GATv2Conv (heads=1, add_self_loops=False, share_weights=False)
    xl = x @ Wl + bl                      # lin_l applied to source features
    xr = x @ Wr + br                      # lin_r applied to target features
    ef = edge_attr @ We                   # lin_edge (no bias)
    m = jax.nn.leaky_relu(xl[src] + xr[dst] + ef, negative_slope=0.2)
    logits = m @ att                      # [E]
    mx = jax.ops.segment_max(logits, dst, num_segments=n)
    mx = jnp.where(jnp.isfinite(mx), mx, 0.0)
    ex = jnp.exp(logits - mx[dst])
    den = jax.ops.segment_sum(ex, dst, num_segments=n)
    alpha = ex / (den[dst] + 1e-16)
    out = jax.ops.segment_sum(alpha[:, None] * xl[src], dst, num_segments=n)
    return out + bias

def setup_inputs(seed: int = 0) -> dict:
    key = jax.random.key(seed)
    ks = jax.random.split(key, 32)
    inp = {}
    inp["x"] = jax.random.normal(ks[0], (N, D), dtype=jnp.float32)
    inp["edge_index"] = jax.random.randint(ks[1], (2, E), 0, N, dtype=jnp.int32)
    inp["edge_weight"] = jax.random.uniform(ks[2], (E, 1), dtype=jnp.float32)
    kidx = 3
    for i in (1, 2, 3):
        inp[f"W{i}l"] = _lin(ks[kidx + 0], D, D)
        inp[f"b{i}l"] = jnp.zeros((D,), dtype=jnp.float32)
        inp[f"W{i}r"] = _lin(ks[kidx + 1], D, D)
        inp[f"b{i}r"] = jnp.zeros((D,), dtype=jnp.float32)
        inp[f"We{i}"] = _lin(ks[kidx + 2], 1, D)
        inp[f"att{i}"] = (jax.random.normal(ks[kidx + 3], (D,), dtype=jnp.float32) / np.sqrt(D)).astype(jnp.float32)
        inp[f"bias{i}"] = jnp.zeros((D,), dtype=jnp.float32)
        kidx += 4
    return inp

def reference(x, edge_index, edge_weight,
              W1l, b1l, W1r, b1r, We1, att1, bias1,
              W2l, b2l, W2r, b2r, We2, att2, bias2,
              W3l, b3l, W3r, b3r, We3, att3, bias3):
    src = edge_index[0]
    dst = edge_index[1]
    y = _gatv2(x, src, dst, edge_weight, W1l, b1l, W1r, b1r, We1, att1, bias1, N)
    y = jax.nn.relu(y)
    y = _gatv2(y, src, dst, edge_weight, W2l, b2l, W2r, b2r, We2, att2, bias2, N)
    y = jax.nn.relu(y)
    y = _gatv2(y, src, dst, edge_weight, W3l, b3l, W3r, b3r, We3, att3, bias3, N)
    y = jax.nn.leaky_relu(y, negative_slope=0.01)
    return y

if __name__ == "__main__":
    import jax
    _d = setup_inputs()
    print(jax.jit(kernel)(*tuple(_d.values())))

</pallas_src>

<mosaic_0001>
#map = affine_map<(d0, d1) -> (0, 0)>
#map1 = affine_map<(d0, d1) -> (0)>
#map2 = affine_map<(d0, d1) -> (0, 0, 0)>
module attributes {stable_mosaic.version = 14 : i64} {
  func.func @_edge_body(%arg0: i32, %arg1: i32, %arg2: memref<20000x128xf32, #tpu.memory_space<hbm>>, %arg3: memref<967680xi32, #tpu.memory_space<hbm>>, %arg4: memref<322560xf32, #tpu.memory_space<hbm>>, %arg5: memref<64xi32, #tpu.memory_space<hbm>>, %arg6: memref<16xf32, #tpu.memory_space<hbm>>, %arg7: memref<128xf32, #tpu.memory_space<hbm>>, %arg8: memref<128xf32, #tpu.memory_space<hbm>>, %arg9: memref<2x10016x144xf32, #tpu.memory_space<hbm>>, %arg10: memref<288xi32, #tpu.memory_space<vmem>>, %arg11: memref<2x96xi32, #tpu.memory_space<vmem>>, %arg12: memref<3x48xi32, #tpu.memory_space<vmem>>, %arg13: memref<1536xf32, #tpu.memory_space<vmem>>, %arg14: memref<192x128xf32, #tpu.memory_space<vmem>>, %arg15: memref<96x144xf32, #tpu.memory_space<vmem>>, %arg16: memref<64xi32, #tpu.memory_space<vmem>>, %arg17: memref<16xf32, #tpu.memory_space<vmem>>, %arg18: memref<128xf32, #tpu.memory_space<vmem>>, %arg19: memref<128xf32, #tpu.memory_space<vmem>>, %arg20: memref<10016x144xf32, #tpu.memory_space<vmem_shared>>, %arg21: memref<!tpu.dma_semaphore, #tpu.memory_space<semaphore_mem>>, %arg22: memref<!tpu.dma_semaphore, #tpu.memory_space<semaphore_mem>>, %arg23: memref<!tpu.dma_semaphore, #tpu.memory_space<semaphore_mem>>, %arg24: memref<!tpu.dma_semaphore, #tpu.memory_space<semaphore_mem>>) attributes {dimension_semantics = [#tpu.dimension_semantics<core_parallel>, #tpu.dimension_semantics<subcore_parallel>], iteration_bounds = array<i64: 2, 16>, scalar_prefetch = 0 : i64, scratch_operands = 15 : i64, tpu.core_type = #tpu.core_type<sc_vector_subcore>, window_params = [{transform_indices = #map}, {transform_indices = #map1}, {transform_indices = #map1}, {transform_indices = #map1}, {transform_indices = #map1}, {transform_indices = #map1}, {transform_indices = #map1}, {transform_indices = #map2}]} {
    %mul3A = arith.constant 16 : i32
    %mul3A_0 = arith.muli %arg0, %mul3A : i32
    %add3A = arith.addi %mul3A_0, %arg1 : i32
    %mul3A_1 = arith.constant 210 : i32
    %mul3A_2 = arith.muli %add3A, %mul3A_1 : i32
    "tpu.region"() ({
      %run_scoped3A = tpu.sem_alloc : memref<!tpu.dma_semaphore, #tpu.memory_space<semaphore_mem>>
      tpu.enqueue_dma source(%arg7 : memref<128xf32, #tpu.memory_space<hbm>>) target(%arg18 : memref<128xf32, #tpu.memory_space<vmem>>) target_semaphore(%run_scoped3A : memref<!tpu.dma_semaphore, #tpu.memory_space<semaphore_mem>>)
      tpu.wait_dma2 semaphore(%run_scoped3A : memref<!tpu.dma_semaphore, #tpu.memory_space<semaphore_mem>>) src(%arg7 : memref<128xf32, #tpu.memory_space<hbm>>) dst(%arg18 : memref<128xf32, #tpu.memory_space<vmem>>)
      tpu.yield
    }) : () -> ()
    "tpu.region"() ({
      %run_scoped3A = tpu.sem_alloc : memref<!tpu.dma_semaphore, #tpu.memory_space<semaphore_mem>>
      tpu.enqueue_dma source(%arg8 : memref<128xf32, #tpu.memory_space<hbm>>) target(%arg19 : memref<128xf32, #tpu.memory_space<vmem>>) target_semaphore(%run_scoped3A : memref<!tpu.dma_semaphore, #tpu.memory_space<semaphore_mem>>)
      tpu.wait_dma2 semaphore(%run_scoped3A : memref<!tpu.dma_semaphore, #tpu.memory_space<semaphore_mem>>) src(%arg8 : memref<128xf32, #tpu.memory_space<hbm>>) dst(%arg19 : memref<128xf32, #tpu.memory_space<vmem>>)
      tpu.yield
    }) : () -> ()
    "tpu.region"() ({
      %run_scoped3A = tpu.sem_alloc : memref<!tpu.dma_semaphore, #tpu.memory_space<semaphore_mem>>
      tpu.enqueue_dma source(%arg5 : memref<64xi32, #tpu.memory_space<hbm>>) target(%arg16 : memref<64xi32, #tpu.memory_space<vmem>>) target_semaphore(%run_scoped3A : memref<!tpu.dma_semaphore, #tpu.memory_space<semaphore_mem>>)
      tpu.wait_dma2 semaphore(%run_scoped3A : memref<!tpu.dma_semaphore, #tpu.memory_space<semaphore_mem>>) src(%arg5 : memref<64xi32, #tpu.memory_space<hbm>>) dst(%arg16 : memref<64xi32, #tpu.memory_space<vmem>>)
      tpu.yield
    }) : () -> ()
    "tpu.region"() ({
      %run_scoped3A = tpu.sem_alloc : memref<!tpu.dma_semaphore, #tpu.memory_space<semaphore_mem>>
      tpu.enqueue_dma source(%arg6 : memref<16xf32, #tpu.memory_space<hbm>>) target(%arg17 : memref<16xf32, #tpu.memory_space<vmem>>) target_semaphore(%run_scoped3A : memref<!tpu.dma_semaphore, #tpu.memory_space<semaphore_mem>>)
      tpu.wait_dma2 semaphore(%run_scoped3A : memref<!tpu.dma_semaphore, #tpu.memory_space<semaphore_mem>>) src(%arg6 : memref<16xf32, #tpu.memory_space<hbm>>) dst(%arg17 : memref<16xf32, #tpu.memory_space<vmem>>)
      tpu.yield
    }) : () -> ()
    %broadcast_in_dim3A = arith.constant 0.000000e+00 : f32
    %broadcast_in_dim3A_3 = vector.broadcast %broadcast_in_dim3A : f32 to vector<16xf32>
    %scan3A = arith.constant 0 : i32
    %scan3A_4 = arith.constant 0 : i32
    %scan3A_5 = arith.constant 96 : i32
    %scan3A_6 = arith.addi %scan3A_4, %scan3A_5 : i32
    %scan3A_7 = arith.constant 1 : i32
    scf.for %scan3A_253 = %scan3A_4 to %scan3A_6 step %scan3A_7  : i32 {
      %swap3A_254 = arith.index_cast %scan3A_253 : i32 to index
      %swap3A_255 = arith.constant 0 : index
      %swap3A_256 = tpu.vector_load %arg15[%swap3A_254, %swap3A_255] {strides = array<i32>} : memref<96x144xf32, #tpu.memory_space<vmem>>, vector<1x16xf32>,
      %swap3A_257 = vector.shape_cast %swap3A_256 : vector<1x16xf32> to vector<16xf32>
      %swap3A_258 = vector.shape_cast %broadcast_in_dim3A_3 : vector<16xf32> to vector<1x16xf32>
      tpu.vector_store %arg15[%swap3A_254, %swap3A_255], %swap3A_258 {strides = array<i32>} : memref<96x144xf32, #tpu.memory_space<vmem>>, vector<1x16xf32>,
      %swap3A_259 = arith.index_cast %scan3A_253 : i32 to index
      %swap3A_260 = arith.constant 16 : index
      %swap3A_261 = tpu.vector_load %arg15[%swap3A_259, %swap3A_260] {strides = array<i32>} : memref<96x144xf32, #tpu.memory_space<vmem>>, vector<1x16xf32>,
      %swap3A_262 = vector.shape_cast %swap3A_261 : vector<1x16xf32> to vector<16xf32>
      %swap3A_263 = vector.shape_cast %broadcast_in_dim3A_3 : vector<16xf32> to vector<1x16xf32>
      tpu.vector_store %arg15[%swap3A_259, %swap3A_260], %swap3A_263 {strides = array<i32>} : memref<96x144xf32, #tpu.memory_space<vmem>>, vector<1x16xf32>,
      %swap3A_264 = arith.index_cast %scan3A_253 : i32 to index
      %swap3A_265 = arith.constant 32 : index
      %swap3A_266 = tpu.vector_load %arg15[%swap3A_264, %swap3A_265] {strides = array<i32>} : memref<96x144xf32, #tpu.memory_space<vmem>>, vector<1x16xf32>,
      %swap3A_267 = vector.shape_cast %swap3A_266 : vector<1x16xf32> to vector<16xf32>
      %swap3A_268 = vector.shape_cast %broadcast_in_dim3A_3 : vector<16xf32> to vector<1x16xf32>
      tpu.vector_store %arg15[%swap3A_264, %swap3A_265], %swap3A_268 {strides = array<i32>} : memref<96x144xf32, #tpu.memory_space<vmem>>, vector<1x16xf32>,
      %swap3A_269 = arith.index_cast %scan3A_253 : i32 to index
      %swap3A_270 = arith.constant 48 : index
      %swap3A_271 = tpu.vector_load %arg15[%swap3A_269, %swap3A_270] {strides = array<i32>} : memref<96x144xf32, #tpu.memory_space<vmem>>, vector<1x16xf32>,
      %swap3A_272 = vector.shape_cast %swap3A_271 : vector<1x16xf32> to vector<16xf32>
      %swap3A_273 = vector.shape_cast %broadcast_in_dim3A_3 : vector<16xf32> to vector<1x16xf32>
      tpu.vector_store %arg15[%swap3A_269, %swap3A_270], %swap3A_273 {strides = array<i32>} : memref<96x144xf32, #tpu.memory_space<vmem>>, vector<1x16xf32>,
      %swap3A_274 = arith.index_cast %scan3A_253 : i32 to index
      %swap3A_275 = arith.constant 64 : index
      %swap3A_276 = tpu.vector_load %arg15[%swap3A_274, %swap3A_275] {strides = array<i32>} : memref<96x144xf32, #tpu.memory_space<vmem>>, vector<1x16xf32>,
      %swap3A_277 = vector.shape_cast %swap3A_276 : vector<1x16xf32> to vector<16xf32>
      %swap3A_278 = vector.shape_cast %broadcast_in_dim3A_3 : vector<16xf32> to vector<1x16xf32>
      tpu.vector_store %arg15[%swap3A_274, %swap3A_275], %swap3A_278 {strides = array<i32>} : memref<96x144xf32, #tpu.memory_space<vmem>>, vector<1x16xf32>,
      %swap3A_279 = arith.index_cast %scan3A_253 : i32 to index
      %swap3A_280 = arith.constant 80 : index
      %swap3A_281 = tpu.vector_load %arg15[%swap3A_279, %swap3A_280] {strides = array<i32>} : memref<96x144xf32, #tpu.memory_space<vmem>>, vector<1x16xf32>,
      %swap3A_282 = vector.shape_cast %swap3A_281 : vector<1x16xf32> to vector<16xf32>
      %swap3A_283 = vector.shape_cast %broadcast_in_dim3A_3 : vector<16xf32> to vector<1x16xf32>
      tpu.vector_store %arg15[%swap3A_279, %swap3A_280], %swap3A_283 {strides = array<i32>} : memref<96x144xf32, #tpu.memory_space<vmem>>, vector<1x16xf32>,
      %swap3A_284 = arith.index_cast %scan3A_253 : i32 to index
      %swap3A_285 = arith.constant 96 : index
      %swap3A_286 = tpu.vector_load %arg15[%swap3A_284, %swap3A_285] {strides = array<i32>} : memref<96x144xf32, #tpu.memory_space<vmem>>, vector<1x16xf32>,
      %swap3A_287 = vector.shape_cast %swap3A_286 : vector<1x16xf32> to vector<16xf32>
      %swap3A_288 = vector.shape_cast %broadcast_in_dim3A_3 : vector<16xf32> to vector<1x16xf32>
      tpu.vector_store %arg15[%swap3A_284, %swap3A_285], %swap3A_288 {strides = array<i32>} : memref<96x144xf32, #tpu.memory_space<vmem>>, vector<1x16xf32>,
      %swap3A_289 = arith.index_cast %scan3A_253 : i32 to index
      %swap3A_290 = arith.constant 112 : index
      %swap3A_291 = tpu.vector_load %arg15[%swap3A_289, %swap3A_290] {strides = array<i32>} : memref<96x144xf32, #tpu.memory_space<vmem>>, vector<1x16xf32>,
      %swap3A_292 = vector.shape_cast %swap3A_291 : vector<1x16xf32> to vector<16xf32>
      %swap3A_293 = vector.shape_cast %broadcast_in_dim3A_3 : vector<16xf32> to vector<1x16xf32>
      tpu.vector_store %arg15[%swap3A_289, %swap3A_290], %swap3A_293 {strides = array<i32>} : memref<96x144xf32, #tpu.memory_space<vmem>>, vector<1x16xf32>,
      %swap3A_294 = arith.index_cast %scan3A_253 : i32 to index
      %swap3A_295 = arith.constant 128 : index
      %swap3A_296 = tpu.vector_load %arg15[%swap3A_294, %swap3A_295] {strides = array<i32>} : memref<96x144xf32, #tpu.memory_space<vmem>>, vector<1x16xf32>,
      %swap3A_297 = vector.shape_cast %swap3A_296 : vector<1x16xf32> to vector<16xf32>
      %swap3A_298 = vector.shape_cast %broadcast_in_dim3A_3 : vector<16xf32> to vector<1x16xf32>
      tpu.vector_store %arg15[%swap3A_294, %swap3A_295], %swap3A_298 {strides = array<i32>} : memref<96x144xf32, #tpu.memory_space<vmem>>, vector<1x16xf32>,
    }
    %scan3A_8 = arith.constant 96 : i32
    %mul3A_9 = arith.constant 626 : i32
    %mul3A_10 = arith.muli %arg1, %mul3A_9 : i32
    %add3A_11 = arith.constant 0 : i32
    %add3A_12 = arith.addi %mul3A_10, %add3A_11 : i32
    "tpu.region"() ({
      %run_scoped3A = tpu.sem_alloc : memref<!tpu.dma_semaphore, #tpu.memory_space<semaphore_mem>>
      %dma_start3A_253 = arith.constant 0 : i32
      %dma_start3A_254 = tpu.memref_slice %arg20[%add3A_12, %dma_start3A_253] : memref<10016x144xf32, #tpu.memory_space<vmem_shared>> -> memref<96x144xf32, #tpu.memory_space<vmem_shared>>
      %dma_start3A_255 = arith.constant 0 : i32
      %dma_start3A_256 = tpu.memref_slice %arg20[%add3A_12, %dma_start3A_255] : memref<10016x144xf32, #tpu.memory_space<vmem_shared>> -> memref<96x144xf32, #tpu.memory_space<vmem_shared>>
      tpu.enqueue_dma source(%arg15 : memref<96x144xf32, #tpu.memory_space<vmem>>) target(%dma_start3A_256 : memref<96x144xf32, #tpu.memory_space<vmem_shared>>) target_semaphore(%run_scoped3A : memref<!tpu.dma_semaphore, #tpu.memory_space<semaphore_mem>>)
      %dma_wait3A_257 = arith.constant 0 : i32
      %dma_wait3A_258 = tpu.memref_slice %arg20[%add3A_12, %dma_wait3A_257] : memref<10016x144xf32, #tpu.memory_space<vmem_shared>> -> memref<96x144xf32, #tpu.memory_space<vmem_shared>>
      %dma_wait3A_259 = arith.constant 0 : i32
      %dma_wait3A_260 = tpu.memref_slice %arg20[%add3A_12, %dma_wait3A_259] : memref<10016x144xf32, #tpu.memory_space<vmem_shared>> -> memref<96x144xf32, #tpu.memory_space<vmem_shared>>
      tpu.wait_dma2 semaphore(%run_scoped3A : memref<!tpu.dma_semaphore, #tpu.memory_space<semaphore_mem>>) src(%arg15 : memref<96x144xf32, #tpu.memory_space<vmem>>) dst(%dma_wait3A_260 : memref<96x144xf32, #tpu.memory_space<vmem_shared>>)
      tpu.yield
    }) : () -> ()
    %add3A_13 = arith.constant 96 : i32
    %add3A_14 = arith.addi %mul3A_10, %add3A_13 : i32
    "tpu.region"() ({
      %run_scoped3A = tpu.sem_alloc : memref<!tpu.dma_semaphore, #tpu.memory_space<semaphore_mem>>
      %dma_start3A_253 = arith.constant 0 : i32
      %dma_start3A_254 = tpu.memref_slice %arg20[%add3A_14, %dma_start3A_253] : memref<10016x144xf32, #tpu.memory_space<vmem_shared>> -> memref<96x144xf32, #tpu.memory_space<vmem_shared>>
      %dma_start3A_255 = arith.constant 0 : i32
      %dma_start3A_256 = tpu.memref_slice %arg20[%add3A_14, %dma_start3A_255] : memref<10016x144xf32, #tpu.memory_space<vmem_shared>> -> memref<96x144xf32, #tpu.memory_space<vmem_shared>>
      tpu.enqueue_dma source(%arg15 : memref<96x144xf32, #tpu.memory_space<vmem>>) target(%dma_start3A_256 : memref<96x144xf32, #tpu.memory_space<vmem_shared>>) target_semaphore(%run_scoped3A : memref<!tpu.dma_semaphore, #tpu.memory_space<semaphore_mem>>)
      %dma_wait3A_257 = arith.constant 0 : i32
      %dma_wait3A_258 = tpu.memref_slice %arg20[%add3A_14, %dma_wait3A_257] : memref<10016x144xf32, #tpu.memory_space<vmem_shared>> -> memref<96x144xf32, #tpu.memory_space<vmem_shared>>
      %dma_wait3A_259 = arith.constant 0 : i32
      %dma_wait3A_260 = tpu.memref_slice %arg20[%add3A_14, %dma_wait3A_259] : memref<10016x144xf32, #tpu.memory_space<vmem_shared>> -> memref<96x144xf32, #tpu.memory_space<vmem_shared>>
      tpu.wait_dma2 semaphore(%run_scoped3A : memref<!tpu.dma_semaphore, #tpu.memory_space<semaphore_mem>>) src(%arg15 : memref<96x144xf32, #tpu.memory_space<vmem>>) dst(%dma_wait3A_260 : memref<96x144xf32, #tpu.memory_space<vmem_shared>>)
      tpu.yield
    }) : () -> ()
    %add3A_15 = arith.constant 192 : i32
    %add3A_16 = arith.addi %mul3A_10, %add3A_15 : i32
    "tpu.region"() ({
      %run_scoped3A = tpu.sem_alloc : memref<!tpu.dma_semaphore, #tpu.memory_space<semaphore_mem>>
      %dma_start3A_253 = arith.constant 0 : i32
      %dma_start3A_254 = tpu.memref_slice %arg20[%add3A_16, %dma_start3A_253] : memref<10016x144xf32, #tpu.memory_space<vmem_shared>> -> memref<96x144xf32, #tpu.memory_space<vmem_shared>>
      %dma_start3A_255 = arith.constant 0 : i32
      %dma_start3A_256 = tpu.memref_slice %arg20[%add3A_16, %dma_start3A_255] : memref<10016x144xf32, #tpu.memory_space<vmem_shared>> -> memref<96x144xf32, #tpu.memory_space<vmem_shared>>
      tpu.enqueue_dma source(%arg15 : memref<96x144xf32, #tpu.memory_space<vmem>>) target(%dma_start3A_256 : memref<96x144xf32, #tpu.memory_space<vmem_shared>>) target_semaphore(%run_scoped3A : memref<!tpu.dma_semaphore, #tpu.memory_space<semaphore_mem>>)
      %dma_wait3A_257 = arith.constant 0 : i32
      %dma_wait3A_258 = tpu.memref_slice %arg20[%add3A_16, %dma_wait3A_257] : memref<10016x144xf32, #tpu.memory_space<vmem_shared>> -> memref<96x144xf32, #tpu.memory_space<vmem_shared>>
      %dma_wait3A_259 = arith.constant 0 : i32
      %dma_wait3A_260 = tpu.memref_slice %arg20[%add3A_16, %dma_wait3A_259] : memref<10016x144xf32, #tpu.memory_space<vmem_shared>> -> memref<96x144xf32, #tpu.memory_space<vmem_shared>>
      tpu.wait_dma2 semaphore(%run_scoped3A : memref<!tpu.dma_semaphore, #tpu.memory_space<semaphore_mem>>) src(%arg15 : memref<96x144xf32, #tpu.memory_space<vmem>>) dst(%dma_wait3A_260 : memref<96x144xf32, #tpu.memory_space<vmem_shared>>)
      tpu.yield
    }) : () -> ()
    %add3A_17 = arith.constant 288 : i32
    %add3A_18 = arith.addi %mul3A_10, %add3A_17 : i32
    "tpu.region"() ({
      %run_scoped3A = tpu.sem_alloc : memref<!tpu.dma_semaphore, #tpu.memory_space<semaphore_mem>>
      %dma_start3A_253 = arith.constant 0 : i32
      %dma_start3A_254 = tpu.memref_slice %arg20[%add3A_18, %dma_start3A_253] : memref<10016x144xf32, #tpu.memory_space<vmem_shared>> -> memref<96x144xf32, #tpu.memory_space<vmem_shared>>
      %dma_start3A_255 = arith.constant 0 : i32
      %dma_start3A_256 = tpu.memref_slice %arg20[%add3A_18, %dma_start3A_255] : memref<10016x144xf32, #tpu.memory_space<vmem_shared>> -> memref<96x144xf32, #tpu.memory_space<vmem_shared>>
      tpu.enqueue_dma source(%arg15 : memref<96x144xf32, #tpu.memory_space<vmem>>) target(%dma_start3A_256 : memref<96x144xf32, #tpu.memory_space<vmem_shared>>) target_semaphore(%run_scoped3A : memref<!tpu.dma_semaphore, #tpu.memory_space<semaphore_mem>>)
      %dma_wait3A_257 = arith.constant 0 : i32
      %dma_wait3A_258 = tpu.memref_slice %arg20[%add3A_18, %dma_wait3A_257] : memref<10016x144xf32, #tpu.memory_space<vmem_shared>> -> memref<96x144xf32, #tpu.memory_space<vmem_shared>>
      %dma_wait3A_259 = arith.constant 0 : i32
      %dma_wait3A_260 = tpu.memref_slice %arg20[%add3A_18, %dma_wait3A_259] : memref<10016x144xf32, #tpu.memory_space<vmem_shared>> -> memref<96x144xf32, #tpu.memory_space<vmem_shared>>
      tpu.wait_dma2 semaphore(%run_scoped3A : memref<!tpu.dma_semaphore, #tpu.memory_space<semaphore_mem>>) src(%arg15 : memref<96x144xf32, #tpu.memory_space<vmem>>) dst(%dma_wait3A_260 : memref<96x144xf32, #tpu.memory_space<vmem_shared>>)
      tpu.yield
    }) : () -> ()
    %add3A_19 = arith.constant 384 : i32
    %add3A_20 = arith.addi %mul3A_10, %add3A_19 : i32
    "tpu.region"() ({
      %run_scoped3A = tpu.sem_alloc : memref<!tpu.dma_semaphore, #tpu.memory_space<semaphore_mem>>
      %dma_start3A_253 = arith.constant 0 : i32
      %dma_start3A_254 = tpu.memref_slice %arg20[%add3A_20, %dma_start3A_253] : memref<10016x144xf32, #tpu.memory_space<vmem_shared>> -> memref<96x144xf32, #tpu.memory_space<vmem_shared>>
      %dma_start3A_255 = arith.constant 0 : i32
      %dma_start3A_256 = tpu.memref_slice %arg20[%add3A_20, %dma_start3A_255] : memref<10016x144xf32, #tpu.memory_space<vmem_shared>> -> memref<96x144xf32, #tpu.memory_space<vmem_shared>>
      tpu.enqueue_dma source(%arg15 : memref<96x144xf32, #tpu.memory_space<vmem>>) target(%dma_start3A_256 : memref<96x144xf32, #tpu.memory_space<vmem_shared>>) target_semaphore(%run_scoped3A : memref<!tpu.dma_semaphore, #tpu.memory_space<semaphore_mem>>)
      %dma_wait3A_257 = arith.constant 0 : i32
      %dma_wait3A_258 = tpu.memref_slice %arg20[%add3A_20, %dma_wait3A_257] : memref<10016x144xf32, #tpu.memory_space<vmem_shared>> -> memref<96x144xf32, #tpu.memory_space<vmem_shared>>
      %dma_wait3A_259 = arith.constant 0 : i32
      %dma_wait3A_260 = tpu.memref_slice %arg20[%add3A_20, %dma_wait3A_259] : memref<10016x144xf32, #tpu.memory_space<vmem_shared>> -> memref<96x144xf32, #tpu.memory_space<vmem_shared>>
      tpu.wait_dma2 semaphore(%run_scoped3A : memref<!tpu.dma_semaphore, #tpu.memory_space<semaphore_mem>>) src(%arg15 : memref<96x144xf32, #tpu.memory_space<vmem>>) dst(%dma_wait3A_260 : memref<96x144xf32, #tpu.memory_space<vmem_shared>>)
      tpu.yield
    }) : () -> ()
    %add3A_21 = arith.constant 480 : i32
    %add3A_22 = arith.addi %mul3A_10, %add3A_21 : i32
    "tpu.region"() ({
      %run_scoped3A = tpu.sem_alloc : memref<!tpu.dma_semaphore, #tpu.memory_space<semaphore_mem>>
      %dma_start3A_253 = arith.constant 0 : i32
      %dma_start3A_254 = tpu.memref_slice %arg20[%add3A_22, %dma_start3A_253] : memref<10016x144xf32, #tpu.memory_space<vmem_shared>> -> memref<96x144xf32, #tpu.memory_space<vmem_shared>>
      %dma_start3A_255 = arith.constant 0 : i32
      %dma_start3A_256 = tpu.memref_slice %arg20[%add3A_22, %dma_start3A_255] : memref<10016x144xf32, #tpu.memory_space<vmem_shared>> -> memref<96x144xf32, #tpu.memory_space<vmem_shared>>
      tpu.enqueue_dma source(%arg15 : memref<96x144xf32, #tpu.memory_space<vmem>>) target(%dma_start3A_256 : memref<96x144xf32, #tpu.memory_space<vmem_shared>>) target_semaphore(%run_scoped3A : memref<!tpu.dma_semaphore, #tpu.memory_space<semaphore_mem>>)
      %dma_wait3A_257 = arith.constant 0 : i32
      %dma_wait3A_258 = tpu.memref_slice %arg20[%add3A_22, %dma_wait3A_257] : memref<10016x144xf32, #tpu.memory_space<vmem_shared>> -> memref<96x144xf32, #tpu.memory_space<vmem_shared>>
      %dma_wait3A_259 = arith.constant 0 : i32
      %dma_wait3A_260 = tpu.memref_slice %arg20[%add3A_22, %dma_wait3A_259] : memref<10016x144xf32, #tpu.memory_space<vmem_shared>> -> memref<96x144xf32, #tpu.memory_space<vmem_shared>>
      tpu.wait_dma2 semaphore(%run_scoped3A : memref<!tpu.dma_semaphore, #tpu.memory_space<semaphore_mem>>) src(%arg15 : memref<96x144xf32, #tpu.memory_space<vmem>>) dst(%dma_wait3A_260 : memref<96x144xf32, #tpu.memory_space<vmem_shared>>)
      tpu.yield
    }) : () -> ()
    %add3A_23 = arith.constant 626 : i32
    %add3A_24 = arith.addi %mul3A_10, %add3A_23 : i32
    %sub3A = arith.constant 50 : i32
    %sub3A_25 = arith.subi %add3A_24, %sub3A : i32
    "tpu.region"() ({
      %run_scoped3A = tpu.sem_alloc : memref<!tpu.dma_semaphore, #tpu.memory_space<semaphore_mem>>
      %dma_start3A_253 = arith.constant 0 : i32
      %dma_start3A_254 = arith.constant 0 : i32
      %dma_start3A_255 = tpu.memref_slice %arg15[%dma_start3A_253, %dma_start3A_254] : memref<96x144xf32, #tpu.memory_space<vmem>> -> memref<50x144xf32, #tpu.memory_space<vmem>>
      %dma_start3A_256 = arith.constant 0 : i32
      %dma_start3A_257 = tpu.memref_slice %arg20[%sub3A_25, %dma_start3A_256] : memref<10016x144xf32, #tpu.memory_space<vmem_shared>> -> memref<50x144xf32, #tpu.memory_space<vmem_shared>>
      %dma_start3A_258 = arith.constant 0 : i32
      %dma_start3A_259 = tpu.memref_slice %arg20[%sub3A_25, %dma_start3A_258] : memref<10016x144xf32, #tpu.memory_space<vmem_shared>> -> memref<50x144xf32, #tpu.memory_space<vmem_shared>>
      %dma_start3A_260 = arith.constant 0 : i32
      %dma_start3A_261 = arith.constant 0 : i32
      %dma_start3A_262 = tpu.memref_slice %arg15[%dma_start3A_260, %dma_start3A_261] : memref<96x144xf32, #tpu.memory_space<vmem>> -> memref<50x144xf32, #tpu.memory_space<vmem>>
      tpu.enqueue_dma source(%dma_start3A_262 : memref<50x144xf32, #tpu.memory_space<vmem>>) target(%dma_start3A_259 : memref<50x144xf32, #tpu.memory_space<vmem_shared>>) target_semaphore(%run_scoped3A : memref<!tpu.dma_semaphore, #tpu.memory_space<semaphore_mem>>)
      %dma_wait3A_263 = arith.constant 0 : i32
      %dma_wait3A_264 = arith.constant 0 : i32
      %dma_wait3A_265 = tpu.memref_slice %arg15[%dma_wait3A_263, %dma_wait3A_264] : memref<96x144xf32, #tpu.memory_space<vmem>> -> memref<50x144xf32, #tpu.memory_space<vmem>>
      %dma_wait3A_266 = arith.constant 0 : i32
      %dma_wait3A_267 = tpu.memref_slice %arg20[%sub3A_25, %dma_wait3A_266] : memref<10016x144xf32, #tpu.memory_space<vmem_shared>> -> memref<50x144xf32, #tpu.memory_space<vmem_shared>>
      %dma_wait3A_268 = arith.constant 0 : i32
      %dma_wait3A_269 = tpu.memref_slice %arg20[%sub3A_25, %dma_wait3A_268] : memref<10016x144xf32, #tpu.memory_space<vmem_shared>> -> memref<50x144xf32, #tpu.memory_space<vmem_shared>>
      %dma_wait3A_270 = arith.constant 0 : i32
      %dma_wait3A_271 = arith.constant 0 : i32
      %dma_wait3A_272 = tpu.memref_slice %arg15[%dma_wait3A_270, %dma_wait3A_271] : memref<96x144xf32, #tpu.memory_space<vmem>> -> memref<50x144xf32, #tpu.memory_space<vmem>>
      tpu.wait_dma2 semaphore(%run_scoped3A : memref<!tpu.dma_semaphore, #tpu.memory_space<semaphore_mem>>) src(%dma_wait3A_272 : memref<50x144xf32, #tpu.memory_space<vmem>>) dst(%dma_wait3A_269 : memref<50x144xf32, #tpu.memory_space<vmem_shared>>)
      tpu.yield
    }) : () -> ()
    %barrier3A = arith.constant 0 : index
    tpu.barrier barrier_id(%barrier3A)
    %get3A = arith.constant 0 : index
    %get3A_26 = tpu.vector_load %arg18[%get3A] {strides = array<i32>} : memref<128xf32, #tpu.memory_space<vmem>>, vector<16xf32>,
    %get3A_27 = vector.shape_cast %get3A_26 : vector<16xf32> to vector<16xf32>
    %get3A_28 = arith.constant 16 : index
    %get3A_29 = tpu.vector_load %arg18[%get3A_28] {strides = array<i32>} : memref<128xf32, #tpu.memory_space<vmem>>, vector<16xf32>,
    %get3A_30 = vector.shape_cast %get3A_29 : vector<16xf32> to vector<16xf32>
    %get3A_31 = arith.constant 32 : index
    %get3A_32 = tpu.vector_load %arg18[%get3A_31] {strides = array<i32>} : memref<128xf32, #tpu.memory_space<vmem>>, vector<16xf32>,
    %get3A_33 = vector.shape_cast %get3A_32 : vector<16xf32> to vector<16xf32>
    %get3A_34 = arith.constant 48 : index
    %get3A_35 = tpu.vector_load %arg18[%get3A_34] {strides = array<i32>} : memref<128xf32, #tpu.memory_space<vmem>>, vector<16xf32>,
    %get3A_36 = vector.shape_cast %get3A_35 : vector<16xf32> to vector<16xf32>
    %get3A_37 = arith.constant 64 : index
    %get3A_38 = tpu.vector_load %arg18[%get3A_37] {strides = array<i32>} : memref<128xf32, #tpu.memory_space<vmem>>, vector<16xf32>,
    %get3A_39 = vector.shape_cast %get3A_38 : vector<16xf32> to vector<16xf32>
    %get3A_40 = arith.constant 80 : index
    %get3A_41 = tpu.vector_load %arg18[%get3A_40] {strides = array<i32>} : memref<128xf32, #tpu.memory_space<vmem>>, vector<16xf32>,
    %get3A_42 = vector.shape_cast %get3A_41 : vector<16xf32> to vector<16xf32>
    %get3A_43 = arith.constant 96 : index
    %get3A_44 = tpu.vector_load %arg18[%get3A_43] {strides = array<i32>} : memref<128xf32, #tpu.memory_space<vmem>>, vector<16xf32>,
    %get3A_45 = vector.shape_cast %get3A_44 : vector<16xf32> to vector<16xf32>
    %get3A_46 = arith.constant 112 : index
    %get3A_47 = tpu.vector_load %arg18[%get3A_46] {strides = array<i32>} : memref<128xf32, #tpu.memory_space<vmem>>, vector<16xf32>,
    %get3A_48 = vector.shape_cast %get3A_47 : vector<16xf32> to vector<16xf32>
    %get3A_49 = arith.constant 0 : index
    %get3A_50 = tpu.vector_load %arg19[%get3A_49] {strides = array<i32>} : memref<128xf32, #tpu.memory_space<vmem>>, vector<16xf32>,
    %get3A_51 = vector.shape_cast %get3A_50 : vector<16xf32> to vector<16xf32>
    %get3A_52 = arith.constant 16 : index
    %get3A_53 = tpu.vector_load %arg19[%get3A_52] {strides = array<i32>} : memref<128xf32, #tpu.memory_space<vmem>>, vector<16xf32>,
    %get3A_54 = vector.shape_cast %get3A_53 : vector<16xf32> to vector<16xf32>
    %get3A_55 = arith.constant 32 : index
    %get3A_56 = tpu.vector_load %arg19[%get3A_55] {strides = array<i32>} : memref<128xf32, #tpu.memory_space<vmem>>, vector<16xf32>,
    %get3A_57 = vector.shape_cast %get3A_56 : vector<16xf32> to vector<16xf32>
    %get3A_58 = arith.constant 48 : index
    %get3A_59 = tpu.vector_load %arg19[%get3A_58] {strides = array<i32>} : memref<128xf32, #tpu.memory_space<vmem>>, vector<16xf32>,
    %get3A_60 = vector.shape_cast %get3A_59 : vector<16xf32> to vector<16xf32>
    %get3A_61 = arith.constant 64 : index
    %get3A_62 = tpu.vector_load %arg19[%get3A_61] {strides = array<i32>} : memref<128xf32, #tpu.memory_space<vmem>>, vector<16xf32>,
    %get3A_63 = vector.shape_cast %get3A_62 : vector<16xf32> to vector<16xf32>
    %get3A_64 = arith.constant 80 : index
    %get3A_65 = tpu.vector_load %arg19[%get3A_64] {strides = array<i32>} : memref<128xf32, #tpu.memory_space<vmem>>, vector<16xf32>,
    %get3A_66 = vector.shape_cast %get3A_65 : vector<16xf32> to vector<16xf32>
    %get3A_67 = arith.constant 96 : index
    %get3A_68 = tpu.vector_load %arg19[%get3A_67] {strides = array<i32>} : memref<128xf32, #tpu.memory_space<vmem>>, vector<16xf32>,
    %get3A_69 = vector.shape_cast %get3A_68 : vector<16xf32> to vector<16xf32>
    %get3A_70 = arith.constant 112 : index
    %get3A_71 = tpu.vector_load %arg19[%get3A_70] {strides = array<i32>} : memref<128xf32, #tpu.memory_space<vmem>>, vector<16xf32>,
    %get3A_72 = vector.shape_cast %get3A_71 : vector<16xf32> to vector<16xf32>
    %get3A_73 = arith.constant 0 : index
    %get3A_74 = tpu.vector_load %arg16[%get3A_73] {strides = array<i32>} : memref<64xi32, #tpu.memory_space<vmem>>, vector<16xi32>,
    %get3A_75 = vector.shape_cast %get3A_74 : vector<16xi32> to vector<16xi32>
    %get3A_76 = arith.constant 16 : index
    %get3A_77 = tpu.vector_load %arg16[%get3A_76] {strides = array<i32>} : memref<64xi32, #tpu.memory_space<vmem>>, vector<16xi32>,
    %get3A_78 = vector.shape_cast %get3A_77 : vector<16xi32> to vector<16xi32>
    %get3A_79 = arith.constant 32 : index
    %get3A_80 = tpu.vector_load %arg16[%get3A_79] {strides = array<i32>} : memref<64xi32, #tpu.memory_space<vmem>>, vector<16xi32>,
    %get3A_81 = vector.shape_cast %get3A_80 : vector<16xi32> to vector<16xi32>
    %get3A_82 = arith.constant 48 : index
    %get3A_83 = tpu.vector_load %arg16[%get3A_82] {strides = array<i32>} : memref<64xi32, #tpu.memory_space<vmem>>, vector<16xi32>,
    %get3A_84 = vector.shape_cast %get3A_83 : vector<16xi32> to vector<16xi32>
    %get3A_85 = arith.constant 0 : index
    %get3A_86 = tpu.vector_load %arg17[%get3A_85] {strides = array<i32>} : memref<16xf32, #tpu.memory_space<vmem>>, vector<16xf32>,
    %get3A_87 = vector.shape_cast %get3A_86 : vector<16xf32> to vector<16xf32>
    %add3A_88 = arith.constant 0 : i32
    %add3A_89 = arith.addi %mul3A_2, %add3A_88 : i32
    %mul3A_90 = arith.constant 144 : i32
    %mul3A_91 = arith.muli %add3A_89, %mul3A_90 : i32
    %dma_start3A = arith.constant 0 : i32
    %dma_start3A_92 = tpu.memref_slice %arg10[%dma_start3A] : memref<288xi32, #tpu.memory_space<vmem>> -> memref<144xi32, #tpu.memory_space<vmem>>
    %dma_start3A_93 = tpu.memref_slice %arg3[%mul3A_91] : memref<967680xi32, #tpu.memory_space<hbm>> -> memref<144xi32, #tpu.memory_space<hbm>>
    %dma_start3A_94 = arith.constant 0 : i32
    %dma_start3A_95 = tpu.memref_slice %arg10[%dma_start3A_94] : memref<288xi32, #tpu.memory_space<vmem>> -> memref<144xi32, #tpu.memory_space<vmem>>
    %dma_start3A_96 = tpu.memref_slice %arg3[%mul3A_91] : memref<967680xi32, #tpu.memory_space<hbm>> -> memref<144xi32, #tpu.memory_space<hbm>>
    tpu.enqueue_dma source(%dma_start3A_96 : memref<144xi32, #tpu.memory_space<hbm>>) target(%dma_start3A_95 : memref<144xi32, #tpu.memory_space<vmem>>) target_semaphore(%arg21 : memref<!tpu.dma_semaphore, #tpu.memory_space<semaphore_mem>>)
    %add3A_97 = arith.constant 0 : i32
    %add3A_98 = arith.addi %mul3A_2, %add3A_97 : i32
    %mul3A_99 = arith.constant 48 : i32
    %mul3A_100 = arith.muli %add3A_98, %mul3A_99 : i32
    %dma_start3A_101 = arith.constant 0 : i32
    %dma_start3A_102 = tpu.memref_slice %arg13[%dma_start3A_101] : memref<1536xf32, #tpu.memory_space<vmem>> -> memref<48xf32, #tpu.memory_space<vmem>>
    %dma_start3A_103 = tpu.memref_slice %arg4[%mul3A_100] : memref<322560xf32, #tpu.memory_space<hbm>> -> memref<48xf32, #tpu.memory_space<hbm>>
    %dma_start3A_104 = arith.constant 0 : i32
    %dma_start3A_105 = tpu.memref_slice %arg13[%dma_start3A_104] : memref<1536xf32, #tpu.memory_space<vmem>> -> memref<48xf32, #tpu.memory_space<vmem>>
    %dma_start3A_106 = tpu.memref_slice %arg4[%mul3A_100] : memref<322560xf32, #tpu.memory_space<hbm>> -> memref<48xf32, #tpu.memory_space<hbm>>
    tpu.enqueue_dma source(%dma_start3A_106 : memref<48xf32, #tpu.memory_space<hbm>>) target(%dma_start3A_105 : memref<48xf32, #tpu.memory_space<vmem>>) target_semaphore(%arg22 : memref<!tpu.dma_semaphore, #tpu.memory_space<semaphore_mem>>)
    %add3A_107 = arith.constant 0 : i32
    %add3A_108 = arith.addi %mul3A_2, %add3A_107 : i32
    %mul3A_109 = arith.constant 144 : i32
    %mul3A_110 = arith.muli %add3A_108, %mul3A_109 : i32
    %dma_wait3A = arith.constant 0 : i32
    %dma_wait3A_111 = tpu.memref_slice %arg10[%dma_wait3A] : memref<288xi32, #tpu.memory_space<vmem>> -> memref<144xi32, #tpu.memory_space<vmem>>
    %dma_wait3A_112 = tpu.memref_slice %arg3[%mul3A_110] : memref<967680xi32, #tpu.memory_space<hbm>> -> memref<144xi32, #tpu.memory_space<hbm>>
    %dma_wait3A_113 = arith.constant 0 : i32
    %dma_wait3A_114 = tpu.memref_slice %arg10[%dma_wait3A_113] : memref<288xi32, #tpu.memory_space<vmem>> -> memref<144xi32, #tpu.memory_space<vmem>>
    %dma_wait3A_115 = tpu.memref_slice %arg3[%mul3A_110] : memref<967680xi32, #tpu.memory_space<hbm>> -> memref<144xi32, #tpu.memory_space<hbm>>
    tpu.wait_dma2 semaphore(%arg21 : memref<!tpu.dma_semaphore, #tpu.memory_space<semaphore_mem>>) src(%dma_wait3A_115 : memref<144xi32, #tpu.memory_space<hbm>>) dst(%dma_wait3A_114 : memref<144xi32, #tpu.memory_space<vmem>>)
    %get3A_116 = arith.constant 0 : index
    %get3A_117 = tpu.vector_load %arg10[%get3A_116] {strides = array<i32>} : memref<288xi32, #tpu.memory_space<vmem>>, vector<16xi32>,
    %get3A_118 = vector.shape_cast %get3A_117 : vector<16xi32> to vector<16xi32>
    %swap3A = arith.constant 0 : i32
    %swap3A_119 = arith.index_cast %swap3A : i32 to index
    %swap3A_120 = arith.constant 0 : index
    %swap3A_121 = tpu.vector_load %arg11[%swap3A_119, %swap3A_120] {strides = array<i32>} : memref<2x96xi32, #tpu.memory_space<vmem>>, vector<1x16xi32>,
    %swap3A_122 = vector.shape_cast %swap3A_121 : vector<1x16xi32> to vector<16xi32>
    %swap3A_123 = vector.shape_cast %get3A_118 : vector<16xi32> to vector<1x16xi32>
    tpu.vector_store %arg11[%swap3A_119, %swap3A_120], %swap3A_123 {strides = array<i32>} : memref<2x96xi32, #tpu.memory_space<vmem>>, vector<1x16xi32>,
    %get3A_124 = arith.constant 48 : index
    %get3A_125 = tpu.vector_load %arg10[%get3A_124] {strides = array<i32>} : memref<288xi32, #tpu.memory_space<vmem>>, vector<16xi32>,
    %get3A_126 = vector.shape_cast %get3A_125 : vector<16xi32> to vector<16xi32>
    %swap3A_127 = arith.constant 0 : i32
    %swap3A_128 = arith.index_cast %swap3A_127 : i32 to index
    %swap3A_129 = arith.constant 48 : index
    %swap3A_130 = tpu.vector_load %arg11[%swap3A_128, %swap3A_129] {strides = array<i32>} : memref<2x96xi32, #tpu.memory_space<vmem>>, vector<1x16xi32>,
    %swap3A_131 = vector.shape_cast %swap3A_130 : vector<1x16xi32> to vector<16xi32>
    %swap3A_132 = vector.shape_cast %get3A_126 : vector<16xi32> to vector<1x16xi32>
    tpu.vector_store %arg11[%swap3A_128, %swap3A_129], %swap3A_132 {strides = array<i32>} : memref<2x96xi32, #tpu.memory_space<vmem>>, vector<1x16xi32>,
    %get3A_133 = arith.constant 96 : index
    %get3A_134 = tpu.vector_load %arg10[%get3A_133] {strides = array<i32>} : memref<288xi32, #tpu.memory_space<vmem>>, vector<16xi32>,
    %get3A_135 = vector.shape_cast %get3A_134 : vector<16xi32> to vector<16xi32>
    %swap3A_136 = arith.constant 0 : i32
    %swap3A_137 = arith.index_cast %swap3A_136 : i32 to index
    %swap3A_138 = arith.constant 0 : index
    %swap3A_139 = tpu.vector_load %arg12[%swap3A_137, %swap3A_138] {strides = array<i32>} : memref<3x48xi32, #tpu.memory_space<vmem>>, vector<1x16xi32>,
    %swap3A_140 = vector.shape_cast %swap3A_139 : vector<1x16xi32> to vector<16xi32>
    %swap3A_141 = vector.shape_cast %get3A_135 : vector<16xi32> to vector<1x16xi32>
    tpu.vector_store %arg12[%swap3A_137, %swap3A_138], %swap3A_141 {strides = array<i32>} : memref<3x48xi32, #tpu.memory_space<vmem>>, vector<1x16xi32>,
    %get3A_142 = arith.constant 16 : index
    %get3A_143 = tpu.vector_load %arg10[%get3A_142] {strides = array<i32>} : memref<288xi32, #tpu.memory_space<vmem>>, vector<16xi32>,
    %get3A_144 = vector.shape_cast %get3A_143 : vector<16xi32> to vector<16xi32>
    %swap3A_145 = arith.constant 0 : i32
    %swap3A_146 = arith.index_cast %swap3A_145 : i32 to index
    %swap3A_147 = arith.constant 16 : index
    %swap3A_148 = tpu.vector_load %arg11[%swap3A_146, %swap3A_147] {strides = array<i32>} : memref<2x96xi32, #tpu.memory_space<vmem>>, vector<1x16xi32>,
    %swap3A_149 = vector.shape_cast %swap3A_148 : vector<1x16xi32> to vector<16xi32>
    %swap3A_150 = vector.shape_cast %get3A_144 : vector<16xi32> to vector<1x16xi32>
    tpu.vector_store %arg11[%swap3A_146, %swap3A_147], %swap3A_150 {strides = array<i32>} : memref<2x96xi32, #tpu.memory_space<vmem>>, vector<1x16xi32>,
    %get3A_151 = arith.constant 64 : index
    %get3A_152 = tpu.vector_load %arg10[%get3A_151] {strides = array<i32>} : memref<288xi32, #tpu.memory_space<vmem>>, vector<16xi32>,
    %get3A_153 = vector.shape_cast %get3A_152 : vector<16xi32> to vector<16xi32>
    %swap3A_154 = arith.constant 0 : i32
    %swap3A_155 = arith.index_cast %swap3A_154 : i32 to index
    %swap3A_156 = arith.constant 64 : index
    %swap3A_157 = tpu.vector_load %arg11[%swap3A_155, %swap3A_156] {strides = array<i32>} : memref<2x96xi32, #tpu.memory_space<vmem>>, vector<1x16xi32>,
    %swap3A_158 = vector.shape_cast %swap3A_157 : vector<1x16xi32> to vector<16xi32>
    %swap3A_159 = vector.shape_cast %get3A_153 : vector<16xi32> to vector<1x16xi32>
    tpu.vector_store %arg11[%swap3A_155, %swap3A_156], %swap3A_159 {strides = array<i32>} : memref<2x96xi32, #tpu.memory_space<vmem>>, vector<1x16xi32>,
    %get3A_160 = arith.constant 112 : index
    %get3A_161 = tpu.vector_load %arg10[%get3A_160] {strides = array<i32>} : memref<288xi32, #tpu.memory_space<vmem>>, vector<16xi32>,
    %get3A_162 = vector.shape_cast %get3A_161 : vector<16xi32> to vector<16xi32>
    %swap3A_163 = arith.constant 0 : i32
    %swap3A_164 = arith.index_cast %swap3A_163 : i32 to index
    %swap3A_165 = arith.constant 16 : index
    %swap3A_166 = tpu.vector_load %arg12[%swap3A_164, %swap3A_165] {strides = array<i32>} : memref<3x48xi32, #tpu.memory_space<vmem>>, vector<1x16xi32>,
    %swap3A_167 = vector.shape_cast %swap3A_166 : vector<1x16xi32> to vector<16xi32>
    %swap3A_168 = vector.shape_cast %get3A_162 : vector<16xi32> to vector<1x16xi32>
    tpu.vector_store %arg12[%swap3A_164, %swap3A_165], %swap3A_168 {strides = array<i32>} : memref<3x48xi32, #tpu.memory_space<vmem>>, vector<1x16xi32>,
    %get3A_169 = arith.constant 32 : index
    %get3A_170 = tpu.vector_load %arg10[%get3A_169] {strides = array<i32>} : memref<288xi32, #tpu.memory_space<vmem>>, vector<16xi32>,
    %get3A_171 = vector.shape_cast %get3A_170 : vector<16xi32> to vector<16xi32>
    %swap3A_172 = arith.constant 0 : i32
    %swap3A_173 = arith.index_cast %swap3A_172 : i32 to index
    %swap3A_174 = arith.constant 32 : index
    %swap3A_175 = tpu.vector_load %arg11[%swap3A_173, %swap3A_174] {strides = array<i32>} : memref<2x96xi32, #tpu.memory_space<vmem>>, vector<1x16xi32>,
    %swap3A_176 = vector.shape_cast %swap3A_175 : vector<1x16xi32> to vector<16xi32>
    %swap3A_177 = vector.shape_cast %get3A_171 : vector<16xi32> to vector<1x16xi32>
    tpu.vector_store %arg11[%swap3A_173, %swap3A_174], %swap3A_177 {strides = array<i32>} : memref<2x96xi32, #tpu.memory_space<vmem>>, vector<1x16xi32>,
    %get3A_178 = arith.constant 80 : index
    %get3A_179 = tpu.vector_load %arg10[%get3A_178] {strides = array<i32>} : memref<288xi32, #tpu.memory_space<vmem>>, vector<16xi32>,
    %get3A_180 = vector.shape_cast %get3A_179 : vector<16xi32> to vector<16xi32>
    %swap3A_181 = arith.constant 0 : i32
    %swap3A_182 = arith.index_cast %swap3A_181 : i32 to index
    %swap3A_183 = arith.constant 80 : index
    %swap3A_184 = tpu.vector_load %arg11[%swap3A_182, %swap3A_183] {strides = array<i32>} : memref<2x96xi32, #tpu.memory_space<vmem>>, vector<1x16xi32>,
    %swap3A_185 = vector.shape_cast %swap3A_184 : vector<1x16xi32> to vector<16xi32>
    %swap3A_186 = vector.shape_cast %get3A_180 : vector<16xi32> to vector<1x16xi32>
    tpu.vector_store %arg11[%swap3A_182, %swap3A_183], %swap3A_186 {strides = array<i32>} : memref<2x96xi32, #tpu.memory_space<vmem>>, vector<1x16xi32>,
    %get3A_187 = arith.constant 128 : index
    %get3A_188 = tpu.vector_load %arg10[%get3A_187] {strides = array<i32>} : memref<288xi32, #tpu.memory_space<vmem>>, vector<16xi32>,
    %get3A_189 = vector.shape_cast %get3A_188 : vector<16xi32> to vector<16xi32>
    %swap3A_190 = arith.constant 0 : i32
    %swap3A_191 = arith.index_cast %swap3A_190 : i32 to index
    %swap3A_192 = arith.constant 32 : index
    %swap3A_193 = tpu.vector_load %arg12[%swap3A_191, %swap3A_192] {strides = array<i32>} : memref<3x48xi32, #tpu.memory_space<vmem>>, vector<1x16xi32>,
    %swap3A_194 = vector.shape_cast %swap3A_193 : vector<1x16xi32> to vector<16xi32>
    %swap3A_195 = vector.shape_cast %get3A_189 : vector<16xi32> to vector<1x16xi32>
    tpu.vector_store %arg12[%swap3A_191, %swap3A_192], %swap3A_195 {strides = array<i32>} : memref<3x48xi32, #tpu.memory_space<vmem>>, vector<1x16xi32>,
    %add3A_196 = arith.constant 1 : i32
    %add3A_197 = arith.addi %mul3A_2, %add3A_196 : i32
    %mul3A_198 = arith.constant 144 : i32
    %mul3A_199 = arith.muli %add3A_197, %mul3A_198 : i32
    %dma_start3A_200 = arith.constant 144 : i32
    %dma_start3A_201 = tpu.memref_slice %arg10[%dma_start3A_200] : memref<288xi32, #tpu.memory_space<vmem>> -> memref<144xi32, #tpu.memory_space<vmem>>
    %dma_start3A_202 = tpu.memref_slice %arg3[%mul3A_199] : memref<967680xi32, #tpu.memory_space<hbm>> -> memref<144xi32, #tpu.memory_space<hbm>>
    %dma_start3A_203 = arith.constant 144 : i32
    %dma_start3A_204 = tpu.memref_slice %arg10[%dma_start3A_203] : memref<288xi32, #tpu.memory_space<vmem>> -> memref<144xi32, #tpu.memory_space<vmem>>
    %dma_start3A_205 = tpu.memref_slice %arg3[%mul3A_199] : memref<967680xi32, #tpu.memory_space<hbm>> -> memref<144xi32, #tpu.memory_space<hbm>>
    tpu.enqueue_dma source(%dma_start3A_205 : memref<144xi32, #tpu.memory_space<hbm>>) target(%dma_start3A_204 : memref<144xi32, #tpu.memory_space<vmem>>) target_semaphore(%arg21 : memref<!tpu.dma_semaphore, #tpu.memory_space<semaphore_mem>>)
    %add3A_206 = arith.constant 1 : i32
    %add3A_207 = arith.addi %mul3A_2, %add3A_206 : i32
    %mul3A_208 = arith.constant 48 : i32
    %mul3A_209 = arith.muli %add3A_207, %mul3A_208 : i32
    %dma_start3A_210 = arith.constant 48 : i32
    %dma_start3A_211 = tpu.memref_slice %arg13[%dma_start3A_210] : memref<1536xf32, #tpu.memory_space<vmem>> -> memref<48xf32, #tpu.memory_space<vmem>>
    %dma_start3A_212 = tpu.memref_slice %arg4[%mul3A_209] : memref<322560xf32, #tpu.memory_space<hbm>> -> memref<48xf32, #tpu.memory_space<hbm>>
    %dma_start3A_213 = arith.constant 48 : i32
    %dma_start3A_214 = tpu.memref_slice %arg13[%dma_start3A_213] : memref<1536xf32, #tpu.memory_space<vmem>> -> memref<48xf32, #tpu.memory_space<vmem>>
    %dma_start3A_215 = tpu.memref_slice %arg4[%mul3A_209] : memref<322560xf32, #tpu.memory_space<hbm>> -> memref<48xf32, #tpu.memory_space<hbm>>
    tpu.enqueue_dma source(%dma_start3A_215 : memref<48xf32, #tpu.memory_space<hbm>>) target(%dma_start3A_214 : memref<48xf32, #tpu.memory_space<vmem>>) target_semaphore(%arg22 : memref<!tpu.dma_semaphore, #tpu.memory_space<semaphore_mem>>)
    %dma_start3A_216 = arith.constant 0 : i32
    %dma_start3A_217 = arith.constant 0 : i32
    %dma_start3A_218 = arith.constant 0 : i32
    %dma_start3A_219 = tpu.memref_slice %arg14[%dma_start3A_217, %dma_start3A_218] : memref<192x128xf32, #tpu.memory_space<vmem>> -> memref<96x128xf32, #tpu.memory_space<vmem>>
    %dma_start3A_220 = arith.constant 0 : i32
    %dma_start3A_221 = tpu.memref_slice %arg11[%dma_start3A_216, %dma_start3A_220] : memref<2x96xi32, #tpu.memory_space<vmem>> -> memref<1x96xi32, #tpu.memory_space<vmem>>
    %dma_start3A_222 = tpu.memref_squeeze %dma_start3A_221 : memref<1x96xi32, #tpu.memory_space<vmem>> -> memref<96xi32, #tpu.memory_space<vmem>>
    %dma_start3A_223 = arith.constant 0 : i32
    %dma_start3A_224 = arith.constant 0 : i32
    %dma_start3A_225 = tpu.memref_slice %arg2[%dma_start3A_223, %dma_start3A_224] : memref<20000x128xf32, #tpu.memory_space<hbm>> -> memref<20000x128xf32, #tpu.memory_space<hbm>>
    tpu.enqueue_indirect_dma source(%dma_start3A_225 : memref<20000x128xf32, #tpu.memory_space<hbm>>) target(%dma_start3A_219 : memref<96x128xf32, #tpu.memory_space<vmem>>) offsets(%dma_start3A_222 : memref<96xi32, #tpu.memory_space<vmem>>) semaphore(%arg23 : memref<!tpu.dma_semaphore, #tpu.memory_space<semaphore_mem>>)
    %scan3A_226 = arith.constant 0 : i32
    %scan3A_227 = arith.constant 0 : i32
    %scan3A_228 = arith.constant 210 : i32
    %scan3A_229 = arith.addi %scan3A_227, %scan3A_228 : i32
    %scan3A_230 = arith.constant 1 : i32
    scf.for %scan3A_253 = %scan3A_227 to %scan3A_229 step %scan3A_230  : i32 {
      %ge3A = arith.constant 2 : i32
      %ge3A_254 = arith.cmpi sge, %scan3A_253, %ge3A : i32
      %convert_element_type3A = arith.extui %ge3A_254 : i1 to i32
      %cond3A = arith.constant 0 : i32
      %cond3A_255 = arith.cmpi ne, %convert_element_type3A, %cond3A : i32
      scf.if %cond3A_255 {
        %sub3A_457 = arith.constant 2 : i32
        %sub3A_458 = arith.subi %scan3A_253, %sub3A_457 : i32
        %jit3A_459 = arith.constant 2 : i32
        %eq3A_460 = arith.constant 0 : i32
        %eq3A_461 = arith.cmpi eq, %jit3A_459, %eq3A_460 : i32
        %jit3A_462 = arith.constant 1 : i32
        %select_n3A_463 = arith.select %eq3A_461, %jit3A_462, %jit3A_459 : i32
        %rem3A_464 = arith.remsi %sub3A_458, %select_n3A_463 : i32
        %ne3A_465 = arith.constant 0 : i32
        %ne3A_466 = arith.cmpi ne, %rem3A_464, %ne3A_465 : i32
        %lt3A_467 = arith.constant 0 : i32
        %lt3A_468 = arith.cmpi slt, %rem3A_464, %lt3A_467 : i32
        %lt3A_469 = arith.constant 0 : i32
        %lt3A_470 = arith.cmpi slt, %select_n3A_463, %lt3A_469 : i32
        %ne3A_471 = arith.xori %lt3A_468, %lt3A_470 : i1
        %and3A_472 = arith.andi %ne3A_471, %ne3A_466 : i1
        %add3A_473 = arith.addi %rem3A_464, %select_n3A_463 : i32
        %select_n3A_474 = arith.select %and3A_472, %add3A_473, %rem3A_464 : i32
        %mul3A_475 = arith.constant 48 : i32
        %mul3A_476 = arith.muli %select_n3A_474, %mul3A_475 : i32
        %jit3A_477 = arith.constant 3 : i32
        %eq3A_478 = arith.constant 0 : i32
        %eq3A_479 = arith.cmpi eq, %jit3A_477, %eq3A_478 : i32
        %jit3A_480 = arith.constant 1 : i32
        %select_n3A_481 = arith.select %eq3A_479, %jit3A_480, %jit3A_477 : i32
        %rem3A_482 = arith.remsi %sub3A_458, %select_n3A_481 : i32
        %ne3A_483 = arith.constant 0 : i32
        %ne3A_484 = arith.cmpi ne, %rem3A_482, %ne3A_483 : i32
        %lt3A_485 = arith.constant 0 : i32
        %lt3A_486 = arith.cmpi slt, %rem3A_482, %lt3A_485 : i32
        %lt3A_487 = arith.constant 0 : i32
        %lt3A_488 = arith.cmpi slt, %select_n3A_481, %lt3A_487 : i32
        %ne3A_489 = arith.xori %lt3A_486, %lt3A_488 : i1
        %and3A_490 = arith.andi %ne3A_489, %ne3A_484 : i1
        %add3A_491 = arith.addi %rem3A_482, %select_n3A_481 : i32
        %select_n3A_492 = arith.select %and3A_490, %add3A_491, %rem3A_482 : i32
        %dma_wait3A_493 = arith.constant 0 : i32
        %dma_wait3A_494 = tpu.memref_slice %arg15[%mul3A_476, %dma_wait3A_493] : memref<96x144xf32, #tpu.memory_space<vmem>> -> memref<48x144xf32, #tpu.memory_space<vmem>>
        %dma_wait3A_495 = arith.constant 0 : i32
        %dma_wait3A_496 = tpu.memref_slice %arg12[%select_n3A_492, %dma_wait3A_495] : memref<3x48xi32, #tpu.memory_space<vmem>> -> memref<1x48xi32, #tpu.memory_space<vmem>>
        %dma_wait3A_497 = tpu.memref_squeeze %dma_wait3A_496 : memref<1x48xi32, #tpu.memory_space<vmem>> -> memref<48xi32, #tpu.memory_space<vmem>>
        %dma_wait3A_498 = arith.constant 0 : i32
        %dma_wait3A_499 = arith.constant 0 : i32
        %dma_wait3A_500 = tpu.memref_slice %arg20[%dma_wait3A_498, %dma_wait3A_499] : memref<10016x144xf32, #tpu.memory_space<vmem_shared>> -> memref<10016x144xf32, #tpu.memory_space<vmem_shared>>
        tpu.wait_indirect_dma semaphore(%arg24 : memref<!tpu.dma_semaphore, #tpu.memory_space<semaphore_mem>>) src(%dma_wait3A_494 : memref<48x144xf32, #tpu.memory_space<vmem>>) dst(%dma_wait3A_500 : memref<10016x144xf32, #tpu.memory_space<vmem_shared>>)
      } else {
      }
      %add3A_256 = arith.constant 1 : i32
      %add3A_257 = arith.addi %scan3A_253, %add3A_256 : i32
      %lt3A = arith.constant 210 : i32
      %lt3A_258 = arith.cmpi slt, %add3A_257, %lt3A : i32
      %convert_element_type3A_259 = arith.extui %lt3A_258 : i1 to i32
      %cond3A_260 = arith.constant 0 : i32
      %cond3A_261 = arith.cmpi ne, %convert_element_type3A_259, %cond3A_260 : i32
      scf.if %cond3A_261 {
        %add3A_457 = arith.constant 1 : i32
        %add3A_458 = arith.addi %scan3A_253, %add3A_457 : i32
        %add3A_459 = arith.addi %mul3A_2, %add3A_458 : i32
        %mul3A_460 = arith.constant 144 : i32
        %mul3A_461 = arith.muli %add3A_459, %mul3A_460 : i32
        %jit3A_462 = arith.constant 2 : i32
        %eq3A_463 = arith.constant 0 : i32
        %eq3A_464 = arith.cmpi eq, %jit3A_462, %eq3A_463 : i32
        %jit3A_465 = arith.constant 1 : i32
        %select_n3A_466 = arith.select %eq3A_464, %jit3A_465, %jit3A_462 : i32
        %rem3A_467 = arith.remsi %add3A_458, %select_n3A_466 : i32
        %ne3A_468 = arith.constant 0 : i32
        %ne3A_469 = arith.cmpi ne, %rem3A_467, %ne3A_468 : i32
        %lt3A_470 = arith.constant 0 : i32
        %lt3A_471 = arith.cmpi slt, %rem3A_467, %lt3A_470 : i32
        %lt3A_472 = arith.constant 0 : i32
        %lt3A_473 = arith.cmpi slt, %select_n3A_466, %lt3A_472 : i32
        %ne3A_474 = arith.xori %lt3A_471, %lt3A_473 : i1
        %and3A_475 = arith.andi %ne3A_474, %ne3A_469 : i1
        %add3A_476 = arith.addi %rem3A_467, %select_n3A_466 : i32
        %select_n3A_477 = arith.select %and3A_475, %add3A_476, %rem3A_467 : i32
        %mul3A_478 = arith.constant 144 : i32
        %mul3A_479 = arith.muli %select_n3A_477, %mul3A_478 : i32
        %dma_wait3A_480 = tpu.memref_slice %arg10[%mul3A_479] : memref<288xi32, #tpu.memory_space<vmem>> -> memref<144xi32, #tpu.memory_space<vmem>>
        %dma_wait3A_481 = tpu.memref_slice %arg3[%mul3A_461] : memref<967680xi32, #tpu.memory_space<hbm>> -> memref<144xi32, #tpu.memory_space<hbm>>
        %dma_wait3A_482 = tpu.memref_slice %arg10[%mul3A_479] : memref<288xi32, #tpu.memory_space<vmem>> -> memref<144xi32, #tpu.memory_space<vmem>>
        %dma_wait3A_483 = tpu.memref_slice %arg3[%mul3A_461] : memref<967680xi32, #tpu.memory_space<hbm>> -> memref<144xi32, #tpu.memory_space<hbm>>
        tpu.wait_dma2 semaphore(%arg21 : memref<!tpu.dma_semaphore, #tpu.memory_space<semaphore_mem>>) src(%dma_wait3A_483 : memref<144xi32, #tpu.memory_space<hbm>>) dst(%dma_wait3A_482 : memref<144xi32, #tpu.memory_space<vmem>>)
      } else {
      }
      %add3A_262 = arith.constant 1 : i32
      %add3A_263 = arith.addi %scan3A_253, %add3A_262 : i32
      %lt3A_264 = arith.constant 210 : i32
      %lt3A_265 = arith.cmpi slt, %add3A_263, %lt3A_264 : i32
      %convert_element_type3A_266 = arith.extui %lt3A_265 : i1 to i32
      %cond3A_267 = arith.constant 0 : i32
      %cond3A_268 = arith.cmpi ne, %convert_element_type3A_266, %cond3A_267 : i32
      scf.if %cond3A_268 {
        %add3A_457 = arith.constant 1 : i32
        %add3A_458 = arith.addi %scan3A_253, %add3A_457 : i32
        %jit3A_459 = arith.constant 2 : i32
        %eq3A_460 = arith.constant 0 : i32
        %eq3A_461 = arith.cmpi eq, %jit3A_459, %eq3A_460 : i32
        %jit3A_462 = arith.constant 1 : i32
        %select_n3A_463 = arith.select %eq3A_461, %jit3A_462, %jit3A_459 : i32
        %rem3A_464 = arith.remsi %add3A_458, %select_n3A_463 : i32
        %ne3A_465 = arith.constant 0 : i32
        %ne3A_466 = arith.cmpi ne, %rem3A_464, %ne3A_465 : i32
        %lt3A_467 = arith.constant 0 : i32
        %lt3A_468 = arith.cmpi slt, %rem3A_464, %lt3A_467 : i32
        %lt3A_469 = arith.constant 0 : i32
        %lt3A_470 = arith.cmpi slt, %select_n3A_463, %lt3A_469 : i32
        %ne3A_471 = arith.xori %lt3A_468, %lt3A_470 : i1
        %and3A_472 = arith.andi %ne3A_471, %ne3A_466 : i1
        %add3A_473 = arith.addi %rem3A_464, %select_n3A_463 : i32
        %select_n3A_474 = arith.select %and3A_472, %add3A_473, %rem3A_464 : i32
        %jit3A_475 = arith.constant 3 : i32
        %eq3A_476 = arith.constant 0 : i32
        %eq3A_477 = arith.cmpi eq, %jit3A_475, %eq3A_476 : i32
        %jit3A_478 = arith.constant 1 : i32
        %select_n3A_479 = arith.select %eq3A_477, %jit3A_478, %jit3A_475 : i32
        %rem3A_480 = arith.remsi %add3A_458, %select_n3A_479 : i32
        %ne3A_481 = arith.constant 0 : i32
        %ne3A_482 = arith.cmpi ne, %rem3A_480, %ne3A_481 : i32
        %lt3A_483 = arith.constant 0 : i32
        %lt3A_484 = arith.cmpi slt, %rem3A_480, %lt3A_483 : i32
        %lt3A_485 = arith.constant 0 : i32
        %lt3A_486 = arith.cmpi slt, %select_n3A_479, %lt3A_485 : i32
        %ne3A_487 = arith.xori %lt3A_484, %lt3A_486 : i1
        %and3A_488 = arith.andi %ne3A_487, %ne3A_482 : i1
        %add3A_489 = arith.addi %rem3A_480, %select_n3A_479 : i32
        %select_n3A_490 = arith.select %and3A_488, %add3A_489, %rem3A_480 : i32
        %mul3A_491 = arith.constant 144 : i32
        %mul3A_492 = arith.muli %select_n3A_474, %mul3A_491 : i32
        %add3A_493 = arith.constant 0 : i32
        %add3A_494 = arith.addi %mul3A_492, %add3A_493 : i32
        %get3A_495 = arith.index_cast %add3A_494 : i32 to index
        %get3A_496 = tpu.vector_load %arg10[%get3A_495] {strides = array<i32>} : memref<288xi32, #tpu.memory_space<vmem>>, vector<16xi32>,
        %get3A_497 = vector.shape_cast %get3A_496 : vector<16xi32> to vector<16xi32>
        %swap3A_498 = arith.index_cast %select_n3A_474 : i32 to index
        %swap3A_499 = arith.constant 0 : index
        %swap3A_500 = tpu.vector_load %arg11[%swap3A_498, %swap3A_499] {strides = array<i32>} : memref<2x96xi32, #tpu.memory_space<vmem>>, vector<1x16xi32>,
        %swap3A_501 = vector.shape_cast %swap3A_500 : vector<1x16xi32> to vector<16xi32>
        %swap3A_502 = vector.shape_cast %get3A_497 : vector<16xi32> to vector<1x16xi32>
        tpu.vector_store %arg11[%swap3A_498, %swap3A_499], %swap3A_502 {strides = array<i32>} : memref<2x96xi32, #tpu.memory_space<vmem>>, vector<1x16xi32>,
        %add3A_503 = arith.constant 48 : i32
        %add3A_504 = arith.addi %mul3A_492, %add3A_503 : i32
        %add3A_505 = arith.constant 0 : i32
        %add3A_506 = arith.addi %add3A_504, %add3A_505 : i32
        %get3A_507 = arith.index_cast %add3A_506 : i32 to index
        %get3A_508 = tpu.vector_load %arg10[%get3A_507] {strides = array<i32>} : memref<288xi32, #tpu.memory_space<vmem>>, vector<16xi32>,
        %get3A_509 = vector.shape_cast %get3A_508 : vector<16xi32> to vector<16xi32>
        %swap3A_510 = arith.index_cast %select_n3A_474 : i32 to index
        %swap3A_511 = arith.constant 48 : index
        %swap3A_512 = tpu.vector_load %arg11[%swap3A_510, %swap3A_511] {strides = array<i32>} : memref<2x96xi32, #tpu.memory_space<vmem>>, vector<1x16xi32>,
        %swap3A_513 = vector.shape_cast %swap3A_512 : vector<1x16xi32> to vector<16xi32>
        %swap3A_514 = vector.shape_cast %get3A_509 : vector<16xi32> to vector<1x16xi32>
        tpu.vector_store %arg11[%swap3A_510, %swap3A_511], %swap3A_514 {strides = array<i32>} : memref<2x96xi32, #tpu.memory_space<vmem>>, vector<1x16xi32>,
        %add3A_515 = arith.constant 96 : i32
        %add3A_516 = arith.addi %mul3A_492, %add3A_515 : i32
        %add3A_517 = arith.constant 0 : i32
        %add3A_518 = arith.addi %add3A_516, %add3A_517 : i32
        %get3A_519 = arith.index_cast %add3A_518 : i32 to index
        %get3A_520 = tpu.vector_load %arg10[%get3A_519] {strides = array<i32>} : memref<288xi32, #tpu.memory_space<vmem>>, vector<16xi32>,
        %get3A_521 = vector.shape_cast %get3A_520 : vector<16xi32> to vector<16xi32>
        %swap3A_522 = arith.index_cast %select_n3A_490 : i32 to index
        %swap3A_523 = arith.constant 0 : index
        %swap3A_524 = tpu.vector_load %arg12[%swap3A_522, %swap3A_523] {strides = array<i32>} : memref<3x48xi32, #tpu.memory_space<vmem>>, vector<1x16xi32>,
        %swap3A_525 = vector.shape_cast %swap3A_524 : vector<1x16xi32> to vector<16xi32>
        %swap3A_526 = vector.shape_cast %get3A_521 : vector<16xi32> to vector<1x16xi32>
        tpu.vector_store %arg12[%swap3A_522, %swap3A_523], %swap3A_526 {strides = array<i32>} : memref<3x48xi32, #tpu.memory_space<vmem>>, vector<1x16xi32>,
        %add3A_527 = arith.constant 16 : i32
        %add3A_528 = arith.addi %mul3A_492, %add3A_527 : i32
        %get3A_529 = arith.index_cast %add3A_528 : i32 to index
        %get3A_530 = tpu.vector_load %arg10[%get3A_529] {strides = array<i32>} : memref<288xi32, #tpu.memory_space<vmem>>, vector<16xi32>,
        %get3A_531 = vector.shape_cast %get3A_530 : vector<16xi32> to vector<16xi32>
        %swap3A_532 = arith.index_cast %select_n3A_474 : i32 to index
        %swap3A_533 = arith.constant 16 : index
        %swap3A_534 = tpu.vector_load %arg11[%swap3A_532, %swap3A_533] {strides = array<i32>} : memref<2x96xi32, #tpu.memory_space<vmem>>, vector<1x16xi32>,
        %swap3A_535 = vector.shape_cast %swap3A_534 : vector<1x16xi32> to vector<16xi32>
        %swap3A_536 = vector.shape_cast %get3A_531 : vector<16xi32> to vector<1x16xi32>
        tpu.vector_store %arg11[%swap3A_532, %swap3A_533], %swap3A_536 {strides = array<i32>} : memref<2x96xi32, #tpu.memory_space<vmem>>, vector<1x16xi32>,
        %add3A_537 = arith.constant 48 : i32
        %add3A_538 = arith.addi %mul3A_492, %add3A_537 : i32
        %add3A_539 = arith.constant 16 : i32
        %add3A_540 = arith.addi %add3A_538, %add3A_539 : i32
        %get3A_541 = arith.index_cast %add3A_540 : i32 to index
        %get3A_542 = tpu.vector_load %arg10[%get3A_541] {strides = array<i32>} : memref<288xi32, #tpu.memory_space<vmem>>, vector<16xi32>,
        %get3A_543 = vector.shape_cast %get3A_542 : vector<16xi32> to vector<16xi32>
        %swap3A_544 = arith.index_cast %select_n3A_474 : i32 to index
        %swap3A_545 = arith.constant 64 : index
        %swap3A_546 = tpu.vector_load %arg11[%swap3A_544, %swap3A_545] {strides = array<i32>} : memref<2x96xi32, #tpu.memory_space<vmem>>, vector<1x16xi32>,
        %swap3A_547 = vector.shape_cast %swap3A_546 : vector<1x16xi32> to vector<16xi32>
        %swap3A_548 = vector.shape_cast %get3A_543 : vector<16xi32> to vector<1x16xi32>
        tpu.vector_store %arg11[%swap3A_544, %swap3A_545], %swap3A_548 {strides = array<i32>} : memref<2x96xi32, #tpu.memory_space<vmem>>, vector<1x16xi32>,
        %add3A_549 = arith.constant 96 : i32
        %add3A_550 = arith.addi %mul3A_492, %add3A_549 : i32
        %add3A_551 = arith.constant 16 : i32
        %add3A_552 = arith.addi %add3A_550, %add3A_551 : i32
        %get3A_553 = arith.index_cast %add3A_552 : i32 to index
        %get3A_554 = tpu.vector_load %arg10[%get3A_553] {strides = array<i32>} : memref<288xi32, #tpu.memory_space<vmem>>, vector<16xi32>,
        %get3A_555 = vector.shape_cast %get3A_554 : vector<16xi32> to vector<16xi32>
        %swap3A_556 = arith.index_cast %select_n3A_490 : i32 to index
        %swap3A_557 = arith.constant 16 : index
        %swap3A_558 = tpu.vector_load %arg12[%swap3A_556, %swap3A_557] {strides = array<i32>} : memref<3x48xi32, #tpu.memory_space<vmem>>, vector<1x16xi32>,
        %swap3A_559 = vector.shape_cast %swap3A_558 : vector<1x16xi32> to vector<16xi32>
        %swap3A_560 = vector.shape_cast %get3A_555 : vector<16xi32> to vector<1x16xi32>
        tpu.vector_store %arg12[%swap3A_556, %swap3A_557], %swap3A_560 {strides = array<i32>} : memref<3x48xi32, #tpu.memory_space<vmem>>, vector<1x16xi32>,
        %add3A_561 = arith.constant 32 : i32
        %add3A_562 = arith.addi %mul3A_492, %add3A_561 : i32
        %get3A_563 = arith.index_cast %add3A_562 : i32 to index
        %get3A_564 = tpu.vector_load %arg10[%get3A_563] {strides = array<i32>} : memref<288xi32, #tpu.memory_space<vmem>>, vector<16xi32>,
        %get3A_565 = vector.shape_cast %get3A_564 : vector<16xi32> to vector<16xi32>
        %swap3A_566 = arith.index_cast %select_n3A_474 : i32 to index
        %swap3A_567 = arith.constant 32 : index
        %swap3A_568 = tpu.vector_load %arg11[%swap3A_566, %swap3A_567] {strides = array<i32>} : memref<2x96xi32, #tpu.memory_space<vmem>>, vector<1x16xi32>,
        %swap3A_569 = vector.shape_cast %swap3A_568 : vector<1x16xi32> to vector<16xi32>
        %swap3A_570 = vector.shape_cast %get3A_565 : vector<16xi32> to vector<1x16xi32>
        tpu.vector_store %arg11[%swap3A_566, %swap3A_567], %swap3A_570 {strides = array<i32>} : memref<2x96xi32, #tpu.memory_space<vmem>>, vector<1x16xi32>,
        %add3A_571 = arith.constant 48 : i32
        %add3A_572 = arith.addi %mul3A_492, %add3A_571 : i32
        %add3A_573 = arith.constant 32 : i32
        %add3A_574 = arith.addi %add3A_572, %add3A_573 : i32
        %get3A_575 = arith.index_cast %add3A_574 : i32 to index
        %get3A_576 = tpu.vector_load %arg10[%get3A_575] {strides = array<i32>} : memref<288xi32, #tpu.memory_space<vmem>>, vector<16xi32>,
        %get3A_577 = vector.shape_cast %get3A_576 : vector<16xi32> to vector<16xi32>
        %swap3A_578 = arith.index_cast %select_n3A_474 : i32 to index
        %swap3A_579 = arith.constant 80 : index
        %swap3A_580 = tpu.vector_load %arg11[%swap3A_578, %swap3A_579] {strides = array<i32>} : memref<2x96xi32, #tpu.memory_space<vmem>>, vector<1x16xi32>,
        %swap3A_581 = vector.shape_cast %swap3A_580 : vector<1x16xi32> to vector<16xi32>
        %swap3A_582 = vector.shape_cast %get3A_577 : vector<16xi32> to vector<1x16xi32>
        tpu.vector_store %arg11[%swap3A_578, %swap3A_579], %swap3A_582 {strides = array<i32>} : memref<2x96xi32, #tpu.memory_space<vmem>>, vector<1x16xi32>,
        %add3A_583 = arith.constant 96 : i32
        %add3A_584 = arith.addi %mul3A_492, %add3A_583 : i32
        %add3A_585 = arith.constant 32 : i32
        %add3A_586 = arith.addi %add3A_584, %add3A_585 : i32
        %get3A_587 = arith.index_cast %add3A_586 : i32 to index
        %get3A_588 = tpu.vector_load %arg10[%get3A_587] {strides = array<i32>} : memref<288xi32, #tpu.memory_space<vmem>>, vector<16xi32>,
        %get3A_589 = vector.shape_cast %get3A_588 : vector<16xi32> to vector<16xi32>
        %swap3A_590 = arith.index_cast %select_n3A_490 : i32 to index
        %swap3A_591 = arith.constant 32 : index
        %swap3A_592 = tpu.vector_load %arg12[%swap3A_590, %swap3A_591] {strides = array<i32>} : memref<3x48xi32, #tpu.memory_space<vmem>>, vector<1x16xi32>,
        %swap3A_593 = vector.shape_cast %swap3A_592 : vector<1x16xi32> to vector<16xi32>
        %swap3A_594 = vector.shape_cast %get3A_589 : vector<16xi32> to vector<1x16xi32>
        tpu.vector_store %arg12[%swap3A_590, %swap3A_591], %swap3A_594 {strides = array<i32>} : memref<3x48xi32, #tpu.memory_space<vmem>>, vector<1x16xi32>,
      } else {
      }
      %add3A_269 = arith.constant 2 : i32
      %add3A_270 = arith.addi %scan3A_253, %add3A_269 : i32
      %lt3A_271 = arith.constant 210 : i32
      %lt3A_272 = arith.cmpi slt, %add3A_270, %lt3A_271 : i32
      %convert_element_type3A_273 = arith.extui %lt3A_272 : i1 to i32
      %cond3A_274 = arith.constant 0 : i32
      %cond3A_275 = arith.cmpi ne, %convert_element_type3A_273, %cond3A_274 : i32
      scf.if %cond3A_275 {
        %add3A_457 = arith.constant 2 : i32
        %add3A_458 = arith.addi %scan3A_253, %add3A_457 : i32
        %add3A_459 = arith.addi %mul3A_2, %add3A_458 : i32
        %mul3A_460 = arith.constant 144 : i32
        %mul3A_461 = arith.muli %add3A_459, %mul3A_460 : i32
        %jit3A_462 = arith.constant 2 : i32
        %eq3A_463 = arith.constant 0 : i32
        %eq3A_464 = arith.cmpi eq, %jit3A_462, %eq3A_463 : i32
        %jit3A_465 = arith.constant 1 : i32
        %select_n3A_466 = arith.select %eq3A_464, %jit3A_465, %jit3A_462 : i32
        %rem3A_467 = arith.remsi %add3A_458, %select_n3A_466 : i32
        %ne3A_468 = arith.constant 0 : i32
        %ne3A_469 = arith.cmpi ne, %rem3A_467, %ne3A_468 : i32
        %lt3A_470 = arith.constant 0 : i32
        %lt3A_471 = arith.cmpi slt, %rem3A_467, %lt3A_470 : i32
        %lt3A_472 = arith.constant 0 : i32
        %lt3A_473 = arith.cmpi slt, %select_n3A_466, %lt3A_472 : i32
        %ne3A_474 = arith.xori %lt3A_471, %lt3A_473 : i1
        %and3A_475 = arith.andi %ne3A_474, %ne3A_469 : i1
        %add3A_476 = arith.addi %rem3A_467, %select_n3A_466 : i32
        %select_n3A_477 = arith.select %and3A_475, %add3A_476, %rem3A_467 : i32
        %mul3A_478 = arith.constant 144 : i32
        %mul3A_479 = arith.muli %select_n3A_477, %mul3A_478 : i32
        %dma_start3A_480 = tpu.memref_slice %arg10[%mul3A_479] : memref<288xi32, #tpu.memory_space<vmem>> -> memref<144xi32, #tpu.memory_space<vmem>>
        %dma_start3A_481 = tpu.memref_slice %arg3[%mul3A_461] : memref<967680xi32, #tpu.memory_space<hbm>> -> memref<144xi32, #tpu.memory_space<hbm>>
        %dma_start3A_482 = tpu.memref_slice %arg10[%mul3A_479] : memref<288xi32, #tpu.memory_space<vmem>> -> memref<144xi32, #tpu.memory_space<vmem>>
        %dma_start3A_483 = tpu.memref_slice %arg3[%mul3A_461] : memref<967680xi32, #tpu.memory_space<hbm>> -> memref<144xi32, #tpu.memory_space<hbm>>
        tpu.enqueue_dma source(%dma_start3A_483 : memref<144xi32, #tpu.memory_space<hbm>>) target(%dma_start3A_482 : memref<144xi32, #tpu.memory_space<vmem>>) target_semaphore(%arg21 : memref<!tpu.dma_semaphore, #tpu.memory_space<semaphore_mem>>)
      } else {
      }
      %jit3A = arith.constant 2 : i32
      %eq3A = arith.constant 0 : i32
      %eq3A_276 = arith.cmpi eq, %jit3A, %eq3A : i32
      %jit3A_277 = arith.constant 1 : i32
      %select_n3A = arith.select %eq3A_276, %jit3A_277, %jit3A : i32
      %rem3A = arith.remsi %scan3A_253, %select_n3A : i32
      %ne3A = arith.constant 0 : i32
      %ne3A_278 = arith.cmpi ne, %rem3A, %ne3A : i32
      %lt3A_279 = arith.constant 0 : i32
      %lt3A_280 = arith.cmpi slt, %rem3A, %lt3A_279 : i32
      %lt3A_281 = arith.constant 0 : i32
      %lt3A_282 = arith.cmpi slt, %select_n3A, %lt3A_281 : i32
      %ne3A_283 = arith.xori %lt3A_280, %lt3A_282 : i1
      %and3A = arith.andi %ne3A_283, %ne3A_278 : i1
      %add3A_284 = arith.addi %rem3A, %select_n3A : i32
      %select_n3A_285 = arith.select %and3A, %add3A_284, %rem3A : i32
      %jit3A_286 = arith.constant 2 : i32
      %eq3A_287 = arith.constant 0 : i32
      %eq3A_288 = arith.cmpi eq, %jit3A_286, %eq3A_287 : i32
      %jit3A_289 = arith.constant 1 : i32
      %select_n3A_290 = arith.select %eq3A_288, %jit3A_289, %jit3A_286 : i32
      %rem3A_291 = arith.remsi %scan3A_253, %select_n3A_290 : i32
      %ne3A_292 = arith.constant 0 : i32
      %ne3A_293 = arith.cmpi ne, %rem3A_291, %ne3A_292 : i32
      %lt3A_294 = arith.constant 0 : i32
      %lt3A_295 = arith.cmpi slt, %rem3A_291, %lt3A_294 : i32
      %lt3A_296 = arith.constant 0 : i32
      %lt3A_297 = arith.cmpi slt, %select_n3A_290, %lt3A_296 : i32
      %ne3A_298 = arith.xori %lt3A_295, %lt3A_297 : i1
      %and3A_299 = arith.andi %ne3A_298, %ne3A_293 : i1
      %add3A_300 = arith.addi %rem3A_291, %select_n3A_290 : i32
      %select_n3A_301 = arith.select %and3A_299, %add3A_300, %rem3A_291 : i32
      %mul3A_302 = arith.constant 2 : i32
      %mul3A_303 = arith.muli %select_n3A_301, %mul3A_302 : i32
      %mul3A_304 = arith.constant 48 : i32
      %mul3A_305 = arith.muli %mul3A_303, %mul3A_304 : i32
      %dma_wait3A_306 = arith.constant 0 : i32
      %dma_wait3A_307 = tpu.memref_slice %arg14[%mul3A_305, %dma_wait3A_306] : memref<192x128xf32, #tpu.memory_space<vmem>> -> memref<96x128xf32, #tpu.memory_space<vmem>>
      %dma_wait3A_308 = arith.constant 0 : i32
      %dma_wait3A_309 = tpu.memref_slice %arg11[%select_n3A_285, %dma_wait3A_308] : memref<2x96xi32, #tpu.memory_space<vmem>> -> memref<1x96xi32, #tpu.memory_space<vmem>>
      %dma_wait3A_310 = tpu.memref_squeeze %dma_wait3A_309 : memref<1x96xi32, #tpu.memory_space<vmem>> -> memref<96xi32, #tpu.memory_space<vmem>>
      %dma_wait3A_311 = arith.constant 0 : i32
      %dma_wait3A_312 = arith.constant 0 : i32
      %dma_wait3A_313 = tpu.memref_slice %arg2[%dma_wait3A_311, %dma_wait3A_312] : memref<20000x128xf32, #tpu.memory_space<hbm>> -> memref<20000x128xf32, #tpu.memory_space<hbm>>
      tpu.wait_indirect_dma semaphore(%arg23 : memref<!tpu.dma_semaphore, #tpu.memory_space<semaphore_mem>>) src(%dma_wait3A_313 : memref<20000x128xf32, #tpu.memory_space<hbm>>) dst(%dma_wait3A_307 : memref<96x128xf32, #tpu.memory_space<vmem>>)
      %add3A_314 = arith.constant 1 : i32
      %add3A_315 = arith.addi %scan3A_253, %add3A_314 : i32
      %lt3A_316 = arith.constant 210 : i32
      %lt3A_317 = arith.cmpi slt, %add3A_315, %lt3A_316 : i32
      %convert_element_type3A_318 = arith.extui %lt3A_317 : i1 to i32
      %cond3A_319 = arith.constant 0 : i32
      %cond3A_320 = arith.cmpi ne, %convert_element_type3A_318, %cond3A_319 : i32
      scf.if %cond3A_320 {
        %add3A_457 = arith.constant 1 : i32
        %add3A_458 = arith.addi %scan3A_253, %add3A_457 : i32
        %jit3A_459 = arith.constant 2 : i32
        %eq3A_460 = arith.constant 0 : i32
        %eq3A_461 = arith.cmpi eq, %jit3A_459, %eq3A_460 : i32
        %jit3A_462 = arith.constant 1 : i32
        %select_n3A_463 = arith.select %eq3A_461, %jit3A_462, %jit3A_459 : i32
        %rem3A_464 = arith.remsi %add3A_458, %select_n3A_463 : i32
        %ne3A_465 = arith.constant 0 : i32
        %ne3A_466 = arith.cmpi ne, %rem3A_464, %ne3A_465 : i32
        %lt3A_467 = arith.constant 0 : i32
        %lt3A_468 = arith.cmpi slt, %rem3A_464, %lt3A_467 : i32
        %lt3A_469 = arith.constant 0 : i32
        %lt3A_470 = arith.cmpi slt, %select_n3A_463, %lt3A_469 : i32
        %ne3A_471 = arith.xori %lt3A_468, %lt3A_470 : i1
        %and3A_472 = arith.andi %ne3A_471, %ne3A_466 : i1
        %add3A_473 = arith.addi %rem3A_464, %select_n3A_463 : i32
        %select_n3A_474 = arith.select %and3A_472, %add3A_473, %rem3A_464 : i32
        %jit3A_475 = arith.constant 2 : i32
        %eq3A_476 = arith.constant 0 : i32
        %eq3A_477 = arith.cmpi eq, %jit3A_475, %eq3A_476 : i32
        %jit3A_478 = arith.constant 1 : i32
        %select_n3A_479 = arith.select %eq3A_477, %jit3A_478, %jit3A_475 : i32
        %rem3A_480 = arith.remsi %add3A_458, %select_n3A_479 : i32
        %ne3A_481 = arith.constant 0 : i32
        %ne3A_482 = arith.cmpi ne, %rem3A_480, %ne3A_481 : i32
        %lt3A_483 = arith.constant 0 : i32
        %lt3A_484 = arith.cmpi slt, %rem3A_480, %lt3A_483 : i32
        %lt3A_485 = arith.constant 0 : i32
        %lt3A_486 = arith.cmpi slt, %select_n3A_479, %lt3A_485 : i32
        %ne3A_487 = arith.xori %lt3A_484, %lt3A_486 : i1
        %and3A_488 = arith.andi %ne3A_487, %ne3A_482 : i1
        %add3A_489 = arith.addi %rem3A_480, %select_n3A_479 : i32
        %select_n3A_490 = arith.select %and3A_488, %add3A_489, %rem3A_480 : i32
        %mul3A_491 = arith.constant 2 : i32
        %mul3A_492 = arith.muli %select_n3A_490, %mul3A_491 : i32
        %mul3A_493 = arith.constant 48 : i32
        %mul3A_494 = arith.muli %mul3A_492, %mul3A_493 : i32
        %dma_start3A_495 = arith.constant 0 : i32
        %dma_start3A_496 = tpu.memref_slice %arg14[%mul3A_494, %dma_start3A_495] : memref<192x128xf32, #tpu.memory_space<vmem>> -> memref<96x128xf32, #tpu.memory_space<vmem>>
        %dma_start3A_497 = arith.constant 0 : i32
        %dma_start3A_498 = tpu.memref_slice %arg11[%select_n3A_474, %dma_start3A_497] : memref<2x96xi32, #tpu.memory_space<vmem>> -> memref<1x96xi32, #tpu.memory_space<vmem>>
        %dma_start3A_499 = tpu.memref_squeeze %dma_start3A_498 : memref<1x96xi32, #tpu.memory_space<vmem>> -> memref<96xi32, #tpu.memory_space<vmem>>
        %dma_start3A_500 = arith.constant 0 : i32
        %dma_start3A_501 = arith.constant 0 : i32
        %dma_start3A_502 = tpu.memref_slice %arg2[%dma_start3A_500, %dma_start3A_501] : memref<20000x128xf32, #tpu.memory_space<hbm>> -> memref<20000x128xf32, #tpu.memory_space<hbm>>
        tpu.enqueue_indirect_dma source(%dma_start3A_502 : memref<20000x128xf32, #tpu.memory_space<hbm>>) target(%dma_start3A_496 : memref<96x128xf32, #tpu.memory_space<vmem>>) offsets(%dma_start3A_499 : memref<96xi32, #tpu.memory_space<vmem>>) semaphore(%arg23 : memref<!tpu.dma_semaphore, #tpu.memory_space<semaphore_mem>>)
      } else {
      }
      %add3A_321 = arith.addi %mul3A_2, %scan3A_253 : i32
      %mul3A_322 = arith.constant 48 : i32
      %mul3A_323 = arith.muli %add3A_321, %mul3A_322 : i32
      %jit3A_324 = arith.constant 2 : i32
      %eq3A_325 = arith.constant 0 : i32
      %eq3A_326 = arith.cmpi eq, %jit3A_324, %eq3A_325 : i32
      %jit3A_327 = arith.constant 1 : i32
      %select_n3A_328 = arith.select %eq3A_326, %jit3A_327, %jit3A_324 : i32
      %rem3A_329 = arith.remsi %scan3A_253, %select_n3A_328 : i32
      %ne3A_330 = arith.constant 0 : i32
      %ne3A_331 = arith.cmpi ne, %rem3A_329, %ne3A_330 : i32
      %lt3A_332 = arith.constant 0 : i32
      %lt3A_333 = arith.cmpi slt, %rem3A_329, %lt3A_332 : i32
      %lt3A_334 = arith.constant 0 : i32
      %lt3A_335 = arith.cmpi slt, %select_n3A_328, %lt3A_334 : i32
      %ne3A_336 = arith.xori %lt3A_333, %lt3A_335 : i1
      %and3A_337 = arith.andi %ne3A_336, %ne3A_331 : i1
      %add3A_338 = arith.addi %rem3A_329, %select_n3A_328 : i32
      %select_n3A_339 = arith.select %and3A_337, %add3A_338, %rem3A_329 : i32
      %mul3A_340 = arith.constant 48 : i32
      %mul3A_341 = arith.muli %select_n3A_339, %mul3A_340 : i32
      %dma_wait3A_342 = tpu.memref_slice %arg13[%mul3A_341] : memref<1536xf32, #tpu.memory_space<vmem>> -> memref<48xf32, #tpu.memory_space<vmem>>
      %dma_wait3A_343 = tpu.memref_slice %arg4[%mul3A_323] : memref<322560xf32, #tpu.memory_space<hbm>> -> memref<48xf32, #tpu.memory_space<hbm>>
      %dma_wait3A_344 = tpu.memref_slice %arg13[%mul3A_341] : memref<1536xf32, #tpu.memory_space<vmem>> -> memref<48xf32, #tpu.memory_space<vmem>>
      %dma_wait3A_345 = tpu.memref_slice %arg4[%mul3A_323] : memref<322560xf32, #tpu.memory_space<hbm>> -> memref<48xf32, #tpu.memory_space<hbm>>
      tpu.wait_dma2 semaphore(%arg22 : memref<!tpu.dma_semaphore, #tpu.memory_space<semaphore_mem>>) src(%dma_wait3A_345 : memref<48xf32, #tpu.memory_space<hbm>>) dst(%dma_wait3A_344 : memref<48xf32, #tpu.memory_space<vmem>>)
      %jit3A_346 = arith.constant 2 : i32
      %eq3A_347 = arith.constant 0 : i32
      %eq3A_348 = arith.cmpi eq, %jit3A_346, %eq3A_347 : i32
      %jit3A_349 = arith.constant 1 : i32
      %select_n3A_350 = arith.select %eq3A_348, %jit3A_349, %jit3A_346 : i32
      %rem3A_351 = arith.remsi %scan3A_253, %select_n3A_350 : i32
      %ne3A_352 = arith.constant 0 : i32
      %ne3A_353 = arith.cmpi ne, %rem3A_351, %ne3A_352 : i32
      %lt3A_354 = arith.constant 0 : i32
      %lt3A_355 = arith.cmpi slt, %rem3A_351, %lt3A_354 : i32
      %lt3A_356 = arith.constant 0 : i32
      %lt3A_357 = arith.cmpi slt, %select_n3A_350, %lt3A_356 : i32
      %ne3A_358 = arith.xori %lt3A_355, %lt3A_357 : i1
      %and3A_359 = arith.andi %ne3A_358, %ne3A_353 : i1
      %add3A_360 = arith.addi %rem3A_351, %select_n3A_350 : i32
      %select_n3A_361 = arith.select %and3A_359, %add3A_360, %rem3A_351 : i32
      %mul3A_362 = arith.constant 2 : i32
      %mul3A_363 = arith.muli %select_n3A_361, %mul3A_362 : i32
      %mul3A_364 = arith.constant 48 : i32
      %mul3A_365 = arith.muli %mul3A_363, %mul3A_364 : i32
      %jit3A_366 = arith.constant 2 : i32
      %eq3A_367 = arith.constant 0 : i32
      %eq3A_368 = arith.cmpi eq, %jit3A_366, %eq3A_367 : i32
      %jit3A_369 = arith.constant 1 : i32
      %select_n3A_370 = arith.select %eq3A_368, %jit3A_369, %jit3A_366 : i32
      %rem3A_371 = arith.remsi %scan3A_253, %select_n3A_370 : i32
      %ne3A_372 = arith.constant 0 : i32
      %ne3A_373 = arith.cmpi ne, %rem3A_371, %ne3A_372 : i32
      %lt3A_374 = arith.constant 0 : i32
      %lt3A_375 = arith.cmpi slt, %rem3A_371, %lt3A_374 : i32
      %lt3A_376 = arith.constant 0 : i32
      %lt3A_377 = arith.cmpi slt, %select_n3A_370, %lt3A_376 : i32
      %ne3A_378 = arith.xori %lt3A_375, %lt3A_377 : i1
      %and3A_379 = arith.andi %ne3A_378, %ne3A_373 : i1
      %add3A_380 = arith.addi %rem3A_371, %select_n3A_370 : i32
      %select_n3A_381 = arith.select %and3A_379, %add3A_380, %rem3A_371 : i32
      %mul3A_382 = arith.constant 48 : i32
      %mul3A_383 = arith.muli %select_n3A_381, %mul3A_382 : i32
      %jit3A_384 = arith.constant 2 : i32
      %eq3A_385 = arith.constant 0 : i32
      %eq3A_386 = arith.cmpi eq, %jit3A_384, %eq3A_385 : i32
      %jit3A_387 = arith.constant 1 : i32
      %select_n3A_388 = arith.select %eq3A_386, %jit3A_387, %jit3A_384 : i32
      %rem3A_389 = arith.remsi %scan3A_253, %select_n3A_388 : i32
      %ne3A_390 = arith.constant 0 : i32
      %ne3A_391 = arith.cmpi ne, %rem3A_389, %ne3A_390 : i32
      %lt3A_392 = arith.constant 0 : i32
      %lt3A_393 = arith.cmpi slt, %rem3A_389, %lt3A_392 : i32
      %lt3A_394 = arith.constant 0 : i32
      %lt3A_395 = arith.cmpi slt, %select_n3A_388, %lt3A_394 : i32
      %ne3A_396 = arith.xori %lt3A_393, %lt3A_395 : i1
      %and3A_397 = arith.andi %ne3A_396, %ne3A_391 : i1
      %add3A_398 = arith.addi %rem3A_389, %select_n3A_388 : i32
      %select_n3A_399 = arith.select %and3A_397, %add3A_398, %rem3A_389 : i32
      %mul3A_400 = arith.constant 48 : i32
      %mul3A_401 = arith.muli %select_n3A_399, %mul3A_400 : i32
      %scan3A_402 = arith.constant 0 : i32
      %scan3A_403 = arith.constant 0 : i32
      %scan3A_404 = arith.constant 48 : i32
      %scan3A_405 = arith.addi %scan3A_403, %scan3A_404 : i32
      %scan3A_406 = arith.constant 1 : i32
      scf.for %scan3A_457 = %scan3A_403 to %scan3A_405 step %scan3A_406  : i32 {
        %jit3A_458 = arith.constant 16 : i32
        %div3A = arith.divsi %scan3A_457, %jit3A_458 : i32
        %sign3A = arith.constant 0 : i32
        %sign3A_459 = arith.cmpi sgt, %scan3A_457, %sign3A : i32
        %sign3A_460 = arith.extui %sign3A_459 : i1 to i32
        %sign3A_461 = arith.constant 0 : i32
        %sign3A_462 = arith.cmpi slt, %scan3A_457, %sign3A_461 : i32
        %sign3A_463 = arith.extui %sign3A_462 : i1 to i32
        %sign3A_464 = arith.subi %sign3A_460, %sign3A_463 : i32
        %sign3A_465 = arith.constant 0 : i32
        %sign3A_466 = arith.cmpi sgt, %jit3A_458, %sign3A_465 : i32
        %sign3A_467 = arith.extui %sign3A_466 : i1 to i32
        %sign3A_468 = arith.constant 0 : i32
        %sign3A_469 = arith.cmpi slt, %jit3A_458, %sign3A_468 : i32
        %sign3A_470 = arith.extui %sign3A_469 : i1 to i32
        %sign3A_471 = arith.subi %sign3A_467, %sign3A_470 : i32
        %ne3A_472 = arith.cmpi ne, %sign3A_464, %sign3A_471 : i32
        %rem3A_473 = arith.remsi %scan3A_457, %jit3A_458 : i32
        %ne3A_474 = arith.constant 0 : i32
        %ne3A_475 = arith.cmpi ne, %rem3A_473, %ne3A_474 : i32
        %and3A_476 = arith.andi %ne3A_472, %ne3A_475 : i1
        %sub3A_477 = arith.constant 1 : i32
        %sub3A_478 = arith.subi %div3A, %sub3A_477 : i32
        %select_n3A_479 = arith.select %and3A_476, %sub3A_478, %div3A : i32
        %mul3A_480 = arith.constant 16 : i32
        %mul3A_481 = arith.muli %select_n3A_479, %mul3A_480 : i32
        %add3A_482 = arith.addi %mul3A_401, %mul3A_481 : i32
        %get3A_483 = arith.index_cast %add3A_482 : i32 to index
        %get3A_484 = tpu.vector_load %arg13[%get3A_483] {strides = array<i32>} : memref<1536xf32, #tpu.memory_space<vmem>>, vector<16xf32>,
        %get3A_485 = vector.shape_cast %get3A_484 : vector<16xf32> to vector<16xf32>
        %jit3A_486 = arith.constant 16 : i32
        %eq3A_487 = arith.constant 0 : i32
        %eq3A_488 = arith.cmpi eq, %jit3A_486, %eq3A_487 : i32
        %jit3A_489 = arith.constant 1 : i32
        %select_n3A_490 = arith.select %eq3A_488, %jit3A_489, %jit3A_486 : i32
        %rem3A_491 = arith.remsi %scan3A_457, %select_n3A_490 : i32
        %ne3A_492 = arith.constant 0 : i32
        %ne3A_493 = arith.cmpi ne, %rem3A_491, %ne3A_492 : i32
        %lt3A_494 = arith.constant 0 : i32
        %lt3A_495 = arith.cmpi slt, %rem3A_491, %lt3A_494 : i32
        %lt3A_496 = arith.constant 0 : i32
        %lt3A_497 = arith.cmpi slt, %select_n3A_490, %lt3A_496 : i32
        %ne3A_498 = arith.xori %lt3A_495, %lt3A_497 : i1
        %and3A_499 = arith.andi %ne3A_498, %ne3A_493 : i1
        %add3A_500 = arith.addi %rem3A_491, %select_n3A_490 : i32
        %select_n3A_501 = arith.select %and3A_499, %add3A_500, %rem3A_491 : i32
        %broadcast_in_dim3A_502 = vector.broadcast %select_n3A_501 : i32 to vector<16xi32>
        %broadcast_in_dim3A_503 = vector.shape_cast %broadcast_in_dim3A_502 : vector<16xi32> to vector<16x1xi32>
        %gather3A = vector.shape_cast %broadcast_in_dim3A_503 : vector<16x1xi32> to vector<16xi32>
        %gather3A_504 = tpu.dynamic_gather %get3A_485[%gather3A] in [0] : vector<16xf32>, vector<16xi32> -> vector<16xf32>
        %broadcast_in_dim3A_505 = arith.constant 0.000000e+00 : f32
        %broadcast_in_dim3A_506 = vector.broadcast %broadcast_in_dim3A_505 : f32 to vector<16xf32>
        %add3A_507 = arith.addi %mul3A_365, %scan3A_457 : i32
        %get3A_508 = arith.index_cast %add3A_507 : i32 to index
        %get3A_509 = arith.constant 0 : index
        %get3A_510 = tpu.vector_load %arg14[%get3A_508, %get3A_509] {strides = array<i32>} : memref<192x128xf32, #tpu.memory_space<vmem>>, vector<1x16xf32>,
        %get3A_511 = vector.shape_cast %get3A_510 : vector<1x16xf32> to vector<16xf32>
        %add3A_512 = arith.constant 48 : i32
        %add3A_513 = arith.addi %mul3A_365, %add3A_512 : i32
        %add3A_514 = arith.addi %add3A_513, %scan3A_457 : i32
        %get3A_515 = arith.index_cast %add3A_514 : i32 to index
        %get3A_516 = arith.constant 0 : index
        %get3A_517 = tpu.vector_load %arg14[%get3A_515, %get3A_516] {strides = array<i32>} : memref<192x128xf32, #tpu.memory_space<vmem>>, vector<1x16xf32>,
        %get3A_518 = vector.shape_cast %get3A_517 : vector<1x16xf32> to vector<16xf32>
        %add3A_519 = arith.addf %get3A_511, %get3A_518 : vector<16xf32>
        %mul3A_520 = arith.mulf %gather3A_504, %get3A_27 : vector<16xf32>
        %add3A_521 = arith.addf %add3A_519, %mul3A_520 : vector<16xf32>
        %gt3A = arith.constant 0.000000e+00 : f32
        %gt3A_522 = vector.broadcast %gt3A : f32 to vector<16xf32>
        %gt3A_523 = arith.cmpf ogt, %add3A_521, %gt3A_522 : vector<16xf32>
        %mul3A_524 = arith.constant 2.000000e-01 : f32
        %mul3A_525 = vector.broadcast %mul3A_524 : f32 to vector<16xf32>
        %mul3A_526 = arith.mulf %mul3A_525, %add3A_521 : vector<16xf32>
        %select_n3A_527 = arith.select %gt3A_523, %add3A_521, %mul3A_526 : vector<16xi1>, vector<16xf32>
        %mul3A_528 = arith.mulf %select_n3A_527, %get3A_51 : vector<16xf32>
        %add3A_529 = arith.addf %broadcast_in_dim3A_506, %mul3A_528 : vector<16xf32>
        %add3A_530 = arith.addi %mul3A_365, %scan3A_457 : i32
        %get3A_531 = arith.index_cast %add3A_530 : i32 to index
        %get3A_532 = arith.constant 16 : index
        %get3A_533 = tpu.vector_load %arg14[%get3A_531, %get3A_532] {strides = array<i32>} : memref<192x128xf32, #tpu.memory_space<vmem>>, vector<1x16xf32>,
        %get3A_534 = vector.shape_cast %get3A_533 : vector<1x16xf32> to vector<16xf32>
        %add3A_535 = arith.constant 48 : i32
        %add3A_536 = arith.addi %mul3A_365, %add3A_535 : i32
        %add3A_537 = arith.addi %add3A_536, %scan3A_457 : i32
        %get3A_538 = arith.index_cast %add3A_537 : i32 to index
        %get3A_539 = arith.constant 16 : index
        %get3A_540 = tpu.vector_load %arg14[%get3A_538, %get3A_539] {strides = array<i32>} : memref<192x128xf32, #tpu.memory_space<vmem>>, vector<1x16xf32>,
        %get3A_541 = vector.shape_cast %get3A_540 : vector<1x16xf32> to vector<16xf32>
        %add3A_542 = arith.addf %get3A_534, %get3A_541 : vector<16xf32>
        %mul3A_543 = arith.mulf %gather3A_504, %get3A_30 : vector<16xf32>
        %add3A_544 = arith.addf %add3A_542, %mul3A_543 : vector<16xf32>
        %gt3A_545 = arith.constant 0.000000e+00 : f32
        %gt3A_546 = vector.broadcast %gt3A_545 : f32 to vector<16xf32>
        %gt3A_547 = arith.cmpf ogt, %add3A_544, %gt3A_546 : vector<16xf32>
        %mul3A_548 = arith.constant 2.000000e-01 : f32
        %mul3A_549 = vector.broadcast %mul3A_548 : f32 to vector<16xf32>
        %mul3A_550 = arith.mulf %mul3A_549, %add3A_544 : vector<16xf32>
        %select_n3A_551 = arith.select %gt3A_547, %add3A_544, %mul3A_550 : vector<16xi1>, vector<16xf32>
        %mul3A_552 = arith.mulf %select_n3A_551, %get3A_54 : vector<16xf32>
        %add3A_553 = arith.addf %add3A_529, %mul3A_552 : vector<16xf32>
        %add3A_554 = arith.addi %mul3A_365, %scan3A_457 : i32
        %get3A_555 = arith.index_cast %add3A_554 : i32 to index
        %get3A_556 = arith.constant 32 : index
        %get3A_557 = tpu.vector_load %arg14[%get3A_555, %get3A_556] {strides = array<i32>} : memref<192x128xf32, #tpu.memory_space<vmem>>, vector<1x16xf32>,
        %get3A_558 = vector.shape_cast %get3A_557 : vector<1x16xf32> to vector<16xf32>
        %add3A_559 = arith.constant 48 : i32
        %add3A_560 = arith.addi %mul3A_365, %add3A_559 : i32
        %add3A_561 = arith.addi %add3A_560, %scan3A_457 : i32
        %get3A_562 = arith.index_cast %add3A_561 : i32 to index
        %get3A_563 = arith.constant 32 : index
        %get3A_564 = tpu.vector_load %arg14[%get3A_562, %get3A_563] {strides = array<i32>} : memref<192x128xf32, #tpu.memory_space<vmem>>, vector<1x16xf32>,
        %get3A_565 = vector.shape_cast %get3A_564 : vector<1x16xf32> to vector<16xf32>
        %add3A_566 = arith.addf %get3A_558, %get3A_565 : vector<16xf32>
        %mul3A_567 = arith.mulf %gather3A_504, %get3A_33 : vector<16xf32>
        %add3A_568 = arith.addf %add3A_566, %mul3A_567 : vector<16xf32>
        %gt3A_569 = arith.constant 0.000000e+00 : f32
        %gt3A_570 = vector.broadcast %gt3A_569 : f32 to vector<16xf32>
        %gt3A_571 = arith.cmpf ogt, %add3A_568, %gt3A_570 : vector<16xf32>
        %mul3A_572 = arith.constant 2.000000e-01 : f32
        %mul3A_573 = vector.broadcast %mul3A_572 : f32 to vector<16xf32>
        %mul3A_574 = arith.mulf %mul3A_573, %add3A_568 : vector<16xf32>
        %select_n3A_575 = arith.select %gt3A_571, %add3A_568, %mul3A_574 : vector<16xi1>, vector<16xf32>
        %mul3A_576 = arith.mulf %select_n3A_575, %get3A_57 : vector<16xf32>
        %add3A_577 = arith.addf %add3A_553, %mul3A_576 : vector<16xf32>
        %add3A_578 = arith.addi %mul3A_365, %scan3A_457 : i32
        %get3A_579 = arith.index_cast %add3A_578 : i32 to index
        %get3A_580 = arith.constant 48 : index
        %get3A_581 = tpu.vector_load %arg14[%get3A_579, %get3A_580] {strides = array<i32>} : memref<192x128xf32, #tpu.memory_space<vmem>>, vector<1x16xf32>,
        %get3A_582 = vector.shape_cast %get3A_581 : vector<1x16xf32> to vector<16xf32>
        %add3A_583 = arith.constant 48 : i32
        %add3A_584 = arith.addi %mul3A_365, %add3A_583 : i32
        %add3A_585 = arith.addi %add3A_584, %scan3A_457 : i32
        %get3A_586 = arith.index_cast %add3A_585 : i32 to index
        %get3A_587 = arith.constant 48 : index
        %get3A_588 = tpu.vector_load %arg14[%get3A_586, %get3A_587] {strides = array<i32>} : memref<192x128xf32, #tpu.memory_space<vmem>>, vector<1x16xf32>,
        %get3A_589 = vector.shape_cast %get3A_588 : vector<1x16xf32> to vector<16xf32>
        %add3A_590 = arith.addf %get3A_582, %get3A_589 : vector<16xf32>
        %mul3A_591 = arith.mulf %gather3A_504, %get3A_36 : vector<16xf32>
        %add3A_592 = arith.addf %add3A_590, %mul3A_591 : vector<16xf32>
        %gt3A_593 = arith.constant 0.000000e+00 : f32
        %gt3A_594 = vector.broadcast %gt3A_593 : f32 to vector<16xf32>
        %gt3A_595 = arith.cmpf ogt, %add3A_592, %gt3A_594 : vector<16xf32>
        %mul3A_596 = arith.constant 2.000000e-01 : f32
        %mul3A_597 = vector.broadcast %mul3A_596 : f32 to vector<16xf32>
        %mul3A_598 = arith.mulf %mul3A_597, %add3A_592 : vector<16xf32>
        %select_n3A_599 = arith.select %gt3A_595, %add3A_592, %mul3A_598 : vector<16xi1>, vector<16xf32>
        %mul3A_600 = arith.mulf %select_n3A_599, %get3A_60 : vector<16xf32>
        %add3A_601 = arith.addf %add3A_577, %mul3A_600 : vector<16xf32>
        %add3A_602 = arith.addi %mul3A_365, %scan3A_457 : i32
        %get3A_603 = arith.index_cast %add3A_602 : i32 to index
        %get3A_604 = arith.constant 64 : index
        %get3A_605 = tpu.vector_load %arg14[%get3A_603, %get3A_604] {strides = array<i32>} : memref<192x128xf32, #tpu.memory_space<vmem>>, vector<1x16xf32>,
        %get3A_606 = vector.shape_cast %get3A_605 : vector<1x16xf32> to vector<16xf32>
        %add3A_607 = arith.constant 48 : i32
        %add3A_608 = arith.addi %mul3A_365, %add3A_607 : i32
        %add3A_609 = arith.addi %add3A_608, %scan3A_457 : i32
        %get3A_610 = arith.index_cast %add3A_609 : i32 to index
        %get3A_611 = arith.constant 64 : index
        %get3A_612 = tpu.vector_load %arg14[%get3A_610, %get3A_611] {strides = array<i32>} : memref<192x128xf32, #tpu.memory_space<vmem>>, vector<1x16xf32>,
        %get3A_613 = vector.shape_cast %get3A_612 : vector<1x16xf32> to vector<16xf32>
        %add3A_614 = arith.addf %get3A_606, %get3A_613 : vector<16xf32>
        %mul3A_615 = arith.mulf %gather3A_504, %get3A_39 : vector<16xf32>
        %add3A_616 = arith.addf %add3A_614, %mul3A_615 : vector<16xf32>
        %gt3A_617 = arith.constant 0.000000e+00 : f32
        %gt3A_618 = vector.broadcast %gt3A_617 : f32 to vector<16xf32>
        %gt3A_619 = arith.cmpf ogt, %add3A_616, %gt3A_618 : vector<16xf32>
        %mul3A_620 = arith.constant 2.000000e-01 : f32
        %mul3A_621 = vector.broadcast %mul3A_620 : f32 to vector<16xf32>
        %mul3A_622 = arith.mulf %mul3A_621, %add3A_616 : vector<16xf32>
        %select_n3A_623 = arith.select %gt3A_619, %add3A_616, %mul3A_622 : vector<16xi1>, vector<16xf32>
        %mul3A_624 = arith.mulf %select_n3A_623, %get3A_63 : vector<16xf32>
        %add3A_625 = arith.addf %add3A_601, %mul3A_624 : vector<16xf32>
        %add3A_626 = arith.addi %mul3A_365, %scan3A_457 : i32
        %get3A_627 = arith.index_cast %add3A_626 : i32 to index
        %get3A_628 = arith.constant 80 : index
        %get3A_629 = tpu.vector_load %arg14[%get3A_627, %get3A_628] {strides = array<i32>} : memref<192x128xf32, #tpu.memory_space<vmem>>, vector<1x16xf32>,
        %get3A_630 = vector.shape_cast %get3A_629 : vector<1x16xf32> to vector<16xf32>
        %add3A_631 = arith.constant 48 : i32
        %add3A_632 = arith.addi %mul3A_365, %add3A_631 : i32
        %add3A_633 = arith.addi %add3A_632, %scan3A_457 : i32
        %get3A_634 = arith.index_cast %add3A_633 : i32 to index
        %get3A_635 = arith.constant 80 : index
        %get3A_636 = tpu.vector_load %arg14[%get3A_634, %get3A_635] {strides = array<i32>} : memref<192x128xf32, #tpu.memory_space<vmem>>, vector<1x16xf32>,
        %get3A_637 = vector.shape_cast %get3A_636 : vector<1x16xf32> to vector<16xf32>
        %add3A_638 = arith.addf %get3A_630, %get3A_637 : vector<16xf32>
        %mul3A_639 = arith.mulf %gather3A_504, %get3A_42 : vector<16xf32>
        %add3A_640 = arith.addf %add3A_638, %mul3A_639 : vector<16xf32>
        %gt3A_641 = arith.constant 0.000000e+00 : f32
        %gt3A_642 = vector.broadcast %gt3A_641 : f32 to vector<16xf32>
        %gt3A_643 = arith.cmpf ogt, %add3A_640, %gt3A_642 : vector<16xf32>
        %mul3A_644 = arith.constant 2.000000e-01 : f32
        %mul3A_645 = vector.broadcast %mul3A_644 : f32 to vector<16xf32>
        %mul3A_646 = arith.mulf %mul3A_645, %add3A_640 : vector<16xf32>
        %select_n3A_647 = arith.select %gt3A_643, %add3A_640, %mul3A_646 : vector<16xi1>, vector<16xf32>
        %mul3A_648 = arith.mulf %select_n3A_647, %get3A_66 : vector<16xf32>
        %add3A_649 = arith.addf %add3A_625, %mul3A_648 : vector<16xf32>
        %add3A_650 = arith.addi %mul3A_365, %scan3A_457 : i32
        %get3A_651 = arith.index_cast %add3A_650 : i32 to index
        %get3A_652 = arith.constant 96 : index
        %get3A_653 = tpu.vector_load %arg14[%get3A_651, %get3A_652] {strides = array<i32>} : memref<192x128xf32, #tpu.memory_space<vmem>>, vector<1x16xf32>,
        %get3A_654 = vector.shape_cast %get3A_653 : vector<1x16xf32> to vector<16xf32>
        %add3A_655 = arith.constant 48 : i32
        %add3A_656 = arith.addi %mul3A_365, %add3A_655 : i32
        %add3A_657 = arith.addi %add3A_656, %scan3A_457 : i32
        %get3A_658 = arith.index_cast %add3A_657 : i32 to index
        %get3A_659 = arith.constant 96 : index
        %get3A_660 = tpu.vector_load %arg14[%get3A_658, %get3A_659] {strides = array<i32>} : memref<192x128xf32, #tpu.memory_space<vmem>>, vector<1x16xf32>,
        %get3A_661 = vector.shape_cast %get3A_660 : vector<1x16xf32> to vector<16xf32>
        %add3A_662 = arith.addf %get3A_654, %get3A_661 : vector<16xf32>
        %mul3A_663 = arith.mulf %gather3A_504, %get3A_45 : vector<16xf32>
        %add3A_664 = arith.addf %add3A_662, %mul3A_663 : vector<16xf32>
        %gt3A_665 = arith.constant 0.000000e+00 : f32
        %gt3A_666 = vector.broadcast %gt3A_665 : f32 to vector<16xf32>
        %gt3A_667 = arith.cmpf ogt, %add3A_664, %gt3A_666 : vector<16xf32>
        %mul3A_668 = arith.constant 2.000000e-01 : f32
        %mul3A_669 = vector.broadcast %mul3A_668 : f32 to vector<16xf32>
        %mul3A_670 = arith.mulf %mul3A_669, %add3A_664 : vector<16xf32>
        %select_n3A_671 = arith.select %gt3A_667, %add3A_664, %mul3A_670 : vector<16xi1>, vector<16xf32>
        %mul3A_672 = arith.mulf %select_n3A_671, %get3A_69 : vector<16xf32>
        %add3A_673 = arith.addf %add3A_649, %mul3A_672 : vector<16xf32>
        %add3A_674 = arith.addi %mul3A_365, %scan3A_457 : i32
        %get3A_675 = arith.index_cast %add3A_674 : i32 to index
        %get3A_676 = arith.constant 112 : index
        %get3A_677 = tpu.vector_load %arg14[%get3A_675, %get3A_676] {strides = array<i32>} : memref<192x128xf32, #tpu.memory_space<vmem>>, vector<1x16xf32>,
        %get3A_678 = vector.shape_cast %get3A_677 : vector<1x16xf32> to vector<16xf32>
        %add3A_679 = arith.constant 48 : i32
        %add3A_680 = arith.addi %mul3A_365, %add3A_679 : i32
        %add3A_681 = arith.addi %add3A_680, %scan3A_457 : i32
        %get3A_682 = arith.index_cast %add3A_681 : i32 to index
        %get3A_683 = arith.constant 112 : index
        %get3A_684 = tpu.vector_load %arg14[%get3A_682, %get3A_683] {strides = array<i32>} : memref<192x128xf32, #tpu.memory_space<vmem>>, vector<1x16xf32>,
        %get3A_685 = vector.shape_cast %get3A_684 : vector<1x16xf32> to vector<16xf32>
        %add3A_686 = arith.addf %get3A_678, %get3A_685 : vector<16xf32>
        %mul3A_687 = arith.mulf %gather3A_504, %get3A_48 : vector<16xf32>
        %add3A_688 = arith.addf %add3A_686, %mul3A_687 : vector<16xf32>
        %gt3A_689 = arith.constant 0.000000e+00 : f32
        %gt3A_690 = vector.broadcast %gt3A_689 : f32 to vector<16xf32>
        %gt3A_691 = arith.cmpf ogt, %add3A_688, %gt3A_690 : vector<16xf32>
        %mul3A_692 = arith.constant 2.000000e-01 : f32
        %mul3A_693 = vector.broadcast %mul3A_692 : f32 to vector<16xf32>
        %mul3A_694 = arith.mulf %mul3A_693, %add3A_688 : vector<16xf32>
        %select_n3A_695 = arith.select %gt3A_691, %add3A_688, %mul3A_694 : vector<16xi1>, vector<16xf32>
        %mul3A_696 = arith.mulf %select_n3A_695, %get3A_72 : vector<16xf32>
        %add3A_697 = arith.addf %add3A_673, %mul3A_696 : vector<16xf32>
        %broadcast_in_dim3A_698 = vector.shape_cast %get3A_75 : vector<16xi32> to vector<16x1xi32>
        %gather3A_699 = vector.shape_cast %broadcast_in_dim3A_698 : vector<16x1xi32> to vector<16xi32>
        %gather3A_700 = tpu.dynamic_gather %add3A_697[%gather3A_699] in [0] : vector<16xf32>, vector<16xi32> -> vector<16xf32>
        %add3A_701 = arith.addf %add3A_697, %gather3A_700 : vector<16xf32>
        %broadcast_in_dim3A_702 = vector.shape_cast %get3A_78 : vector<16xi32> to vector<16x1xi32>
        %gather3A_703 = vector.shape_cast %broadcast_in_dim3A_702 : vector<16x1xi32> to vector<16xi32>
        %gather3A_704 = tpu.dynamic_gather %add3A_701[%gather3A_703] in [0] : vector<16xf32>, vector<16xi32> -> vector<16xf32>
        %add3A_705 = arith.addf %add3A_701, %gather3A_704 : vector<16xf32>
        %broadcast_in_dim3A_706 = vector.shape_cast %get3A_81 : vector<16xi32> to vector<16x1xi32>
        %gather3A_707 = vector.shape_cast %broadcast_in_dim3A_706 : vector<16x1xi32> to vector<16xi32>
        %gather3A_708 = tpu.dynamic_gather %add3A_705[%gather3A_707] in [0] : vector<16xf32>, vector<16xi32> -> vector<16xf32>
        %add3A_709 = arith.addf %add3A_705, %gather3A_708 : vector<16xf32>
        %broadcast_in_dim3A_710 = vector.shape_cast %get3A_84 : vector<16xi32> to vector<16x1xi32>
        %gather3A_711 = vector.shape_cast %broadcast_in_dim3A_710 : vector<16x1xi32> to vector<16xi32>
        %gather3A_712 = tpu.dynamic_gather %add3A_709[%gather3A_711] in [0] : vector<16xf32>, vector<16xi32> -> vector<16xf32>
        %add3A_713 = arith.addf %add3A_709, %gather3A_712 : vector<16xf32>
        %exp3A = math.exp %add3A_713 : vector<16xf32>
        %mul3A_714 = arith.mulf %exp3A, %get3A_511 : vector<16xf32>
        %add3A_715 = arith.addi %mul3A_383, %scan3A_457 : i32
        %swap3A_716 = arith.index_cast %add3A_715 : i32 to index
        %swap3A_717 = arith.constant 0 : index
        %swap3A_718 = tpu.vector_load %arg15[%swap3A_716, %swap3A_717] {strides = array<i32>} : memref<96x144xf32, #tpu.memory_space<vmem>>, vector<1x16xf32>,
        %swap3A_719 = vector.shape_cast %swap3A_718 : vector<1x16xf32> to vector<16xf32>
        %swap3A_720 = vector.shape_cast %mul3A_714 : vector<16xf32> to vector<1x16xf32>
        tpu.vector_store %arg15[%swap3A_716, %swap3A_717], %swap3A_720 {strides = array<i32>} : memref<96x144xf32, #tpu.memory_space<vmem>>, vector<1x16xf32>,
        %mul3A_721 = arith.mulf %exp3A, %get3A_534 : vector<16xf32>
        %add3A_722 = arith.addi %mul3A_383, %scan3A_457 : i32
        %swap3A_723 = arith.index_cast %add3A_722 : i32 to index
        %swap3A_724 = arith.constant 16 : index
        %swap3A_725 = tpu.vector_load %arg15[%swap3A_723, %swap3A_724] {strides = array<i32>} : memref<96x144xf32, #tpu.memory_space<vmem>>, vector<1x16xf32>,
        %swap3A_726 = vector.shape_cast %swap3A_725 : vector<1x16xf32> to vector<16xf32>
        %swap3A_727 = vector.shape_cast %mul3A_721 : vector<16xf32> to vector<1x16xf32>
        tpu.vector_store %arg15[%swap3A_723, %swap3A_724], %swap3A_727 {strides = array<i32>} : memref<96x144xf32, #tpu.memory_space<vmem>>, vector<1x16xf32>,
        %mul3A_728 = arith.mulf %exp3A, %get3A_558 : vector<16xf32>
        %add3A_729 = arith.addi %mul3A_383, %scan3A_457 : i32
        %swap3A_730 = arith.index_cast %add3A_729 : i32 to index
        %swap3A_731 = arith.constant 32 : index
        %swap3A_732 = tpu.vector_load %arg15[%swap3A_730, %swap3A_731] {strides = array<i32>} : memref<96x144xf32, #tpu.memory_space<vmem>>, vector<1x16xf32>,
        %swap3A_733 = vector.shape_cast %swap3A_732 : vector<1x16xf32> to vector<16xf32>
        %swap3A_734 = vector.shape_cast %mul3A_728 : vector<16xf32> to vector<1x16xf32>
        tpu.vector_store %arg15[%swap3A_730, %swap3A_731], %swap3A_734 {strides = array<i32>} : memref<96x144xf32, #tpu.memory_space<vmem>>, vector<1x16xf32>,
        %mul3A_735 = arith.mulf %exp3A, %get3A_582 : vector<16xf32>
        %add3A_736 = arith.addi %mul3A_383, %scan3A_457 : i32
        %swap3A_737 = arith.index_cast %add3A_736 : i32 to index
        %swap3A_738 = arith.constant 48 : index
        %swap3A_739 = tpu.vector_load %arg15[%swap3A_737, %swap3A_738] {strides = array<i32>} : memref<96x144xf32, #tpu.memory_space<vmem>>, vector<1x16xf32>,
        %swap3A_740 = vector.shape_cast %swap3A_739 : vector<1x16xf32> to vector<16xf32>
        %swap3A_741 = vector.shape_cast %mul3A_735 : vector<16xf32> to vector<1x16xf32>
        tpu.vector_store %arg15[%swap3A_737, %swap3A_738], %swap3A_741 {strides = array<i32>} : memref<96x144xf32, #tpu.memory_space<vmem>>, vector<1x16xf32>,
        %mul3A_742 = arith.mulf %exp3A, %get3A_606 : vector<16xf32>
        %add3A_743 = arith.addi %mul3A_383, %scan3A_457 : i32
        %swap3A_744 = arith.index_cast %add3A_743 : i32 to index
        %swap3A_745 = arith.constant 64 : index
        %swap3A_746 = tpu.vector_load %arg15[%swap3A_744, %swap3A_745] {strides = array<i32>} : memref<96x144xf32, #tpu.memory_space<vmem>>, vector<1x16xf32>,
        %swap3A_747 = vector.shape_cast %swap3A_746 : vector<1x16xf32> to vector<16xf32>
        %swap3A_748 = vector.shape_cast %mul3A_742 : vector<16xf32> to vector<1x16xf32>
        tpu.vector_store %arg15[%swap3A_744, %swap3A_745], %swap3A_748 {strides = array<i32>} : memref<96x144xf32, #tpu.memory_space<vmem>>, vector<1x16xf32>,
        %mul3A_749 = arith.mulf %exp3A, %get3A_630 : vector<16xf32>
        %add3A_750 = arith.addi %mul3A_383, %scan3A_457 : i32
        %swap3A_751 = arith.index_cast %add3A_750 : i32 to index
        %swap3A_752 = arith.constant 80 : index
        %swap3A_753 = tpu.vector_load %arg15[%swap3A_751, %swap3A_752] {strides = array<i32>} : memref<96x144xf32, #tpu.memory_space<vmem>>, vector<1x16xf32>,
        %swap3A_754 = vector.shape_cast %swap3A_753 : vector<1x16xf32> to vector<16xf32>
        %swap3A_755 = vector.shape_cast %mul3A_749 : vector<16xf32> to vector<1x16xf32>
        tpu.vector_store %arg15[%swap3A_751, %swap3A_752], %swap3A_755 {strides = array<i32>} : memref<96x144xf32, #tpu.memory_space<vmem>>, vector<1x16xf32>,
        %mul3A_756 = arith.mulf %exp3A, %get3A_654 : vector<16xf32>
        %add3A_757 = arith.addi %mul3A_383, %scan3A_457 : i32
        %swap3A_758 = arith.index_cast %add3A_757 : i32 to index
        %swap3A_759 = arith.constant 96 : index
        %swap3A_760 = tpu.vector_load %arg15[%swap3A_758, %swap3A_759] {strides = array<i32>} : memref<96x144xf32, #tpu.memory_space<vmem>>, vector<1x16xf32>,
        %swap3A_761 = vector.shape_cast %swap3A_760 : vector<1x16xf32> to vector<16xf32>
        %swap3A_762 = vector.shape_cast %mul3A_756 : vector<16xf32> to vector<1x16xf32>
        tpu.vector_store %arg15[%swap3A_758, %swap3A_759], %swap3A_762 {strides = array<i32>} : memref<96x144xf32, #tpu.memory_space<vmem>>, vector<1x16xf32>,
        %mul3A_763 = arith.mulf %exp3A, %get3A_678 : vector<16xf32>
        %add3A_764 = arith.addi %mul3A_383, %scan3A_457 : i32
        %swap3A_765 = arith.index_cast %add3A_764 : i32 to index
        %swap3A_766 = arith.constant 112 : index
        %swap3A_767 = tpu.vector_load %arg15[%swap3A_765, %swap3A_766] {strides = array<i32>} : memref<96x144xf32, #tpu.memory_space<vmem>>, vector<1x16xf32>,
        %swap3A_768 = vector.shape_cast %swap3A_767 : vector<1x16xf32> to vector<16xf32>
        %swap3A_769 = vector.shape_cast %mul3A_763 : vector<16xf32> to vector<1x16xf32>
        tpu.vector_store %arg15[%swap3A_765, %swap3A_766], %swap3A_769 {strides = array<i32>} : memref<96x144xf32, #tpu.memory_space<vmem>>, vector<1x16xf32>,
        %mul3A_770 = arith.mulf %exp3A, %get3A_87 : vector<16xf32>
        %add3A_771 = arith.addi %mul3A_383, %scan3A_457 : i32
        %swap3A_772 = arith.index_cast %add3A_771 : i32 to index
        %swap3A_773 = arith.constant 128 : index
        %swap3A_774 = tpu.vector_load %arg15[%swap3A_772, %swap3A_773] {strides = array<i32>} : memref<96x144xf32, #tpu.memory_space<vmem>>, vector<1x16xf32>,
        %swap3A_775 = vector.shape_cast %swap3A_774 : vector<1x16xf32> to vector<16xf32>
        %swap3A_776 = vector.shape_cast %mul3A_770 : vector<16xf32> to vector<1x16xf32>
        tpu.vector_store %arg15[%swap3A_772, %swap3A_773], %swap3A_776 {strides = array<i32>} : memref<96x144xf32, #tpu.memory_space<vmem>>, vector<1x16xf32>,
      }
      %scan3A_407 = arith.constant 48 : i32
      %add3A_408 = arith.constant 2 : i32
      %add3A_409 = arith.addi %scan3A_253, %add3A_408 : i32
      %lt3A_410 = arith.constant 210 : i32
      %lt3A_411 = arith.cmpi slt, %add3A_409, %lt3A_410 : i32
      %convert_element_type3A_412 = arith.extui %lt3A_411 : i1 to i32
      %cond3A_413 = arith.constant 0 : i32
      %cond3A_414 = arith.cmpi ne, %convert_element_type3A_412, %cond3A_413 : i32
      scf.if %cond3A_414 {
        %add3A_457 = arith.constant 2 : i32
        %add3A_458 = arith.addi %scan3A_253, %add3A_457 : i32
        %add3A_459 = arith.addi %mul3A_2, %add3A_458 : i32
        %mul3A_460 = arith.constant 48 : i32
        %mul3A_461 = arith.muli %add3A_459, %mul3A_460 : i32
        %jit3A_462 = arith.constant 2 : i32
        %eq3A_463 = arith.constant 0 : i32
        %eq3A_464 = arith.cmpi eq, %jit3A_462, %eq3A_463 : i32
        %jit3A_465 = arith.constant 1 : i32
        %select_n3A_466 = arith.select %eq3A_464, %jit3A_465, %jit3A_462 : i32
        %rem3A_467 = arith.remsi %add3A_458, %select_n3A_466 : i32
        %ne3A_468 = arith.constant 0 : i32
        %ne3A_469 = arith.cmpi ne, %rem3A_467, %ne3A_468 : i32
        %lt3A_470 = arith.constant 0 : i32
        %lt3A_471 = arith.cmpi slt, %rem3A_467, %lt3A_470 : i32
        %lt3A_472 = arith.constant 0 : i32
        %lt3A_473 = arith.cmpi slt, %select_n3A_466, %lt3A_472 : i32
        %ne3A_474 = arith.xori %lt3A_471, %lt3A_473 : i1
        %and3A_475 = arith.andi %ne3A_474, %ne3A_469 : i1
        %add3A_476 = arith.addi %rem3A_467, %select_n3A_466 : i32
        %select_n3A_477 = arith.select %and3A_475, %add3A_476, %rem3A_467 : i32
        %mul3A_478 = arith.constant 48 : i32
        %mul3A_479 = arith.muli %select_n3A_477, %mul3A_478 : i32
        %dma_start3A_480 = tpu.memref_slice %arg13[%mul3A_479] : memref<1536xf32, #tpu.memory_space<vmem>> -> memref<48xf32, #tpu.memory_space<vmem>>
        %dma_start3A_481 = tpu.memref_slice %arg4[%mul3A_461] : memref<322560xf32, #tpu.memory_space<hbm>> -> memref<48xf32, #tpu.memory_space<hbm>>
        %dma_start3A_482 = tpu.memref_slice %arg13[%mul3A_479] : memref<1536xf32, #tpu.memory_space<vmem>> -> memref<48xf32, #tpu.memory_space<vmem>>
        %dma_start3A_483 = tpu.memref_slice %arg4[%mul3A_461] : memref<322560xf32, #tpu.memory_space<hbm>> -> memref<48xf32, #tpu.memory_space<hbm>>
        tpu.enqueue_dma source(%dma_start3A_483 : memref<48xf32, #tpu.memory_space<hbm>>) target(%dma_start3A_482 : memref<48xf32, #tpu.memory_space<vmem>>) target_semaphore(%arg22 : memref<!tpu.dma_semaphore, #tpu.memory_space<semaphore_mem>>)
      } else {
      }
      %jit3A_415 = arith.constant 2 : i32
      %eq3A_416 = arith.constant 0 : i32
      %eq3A_417 = arith.cmpi eq, %jit3A_415, %eq3A_416 : i32
      %jit3A_418 = arith.constant 1 : i32
      %select_n3A_419 = arith.select %eq3A_417, %jit3A_418, %jit3A_415 : i32
      %rem3A_420 = arith.remsi %scan3A_253, %select_n3A_419 : i32
      %ne3A_421 = arith.constant 0 : i32
      %ne3A_422 = arith.cmpi ne, %rem3A_420, %ne3A_421 : i32
      %lt3A_423 = arith.constant 0 : i32
      %lt3A_424 = arith.cmpi slt, %rem3A_420, %lt3A_423 : i32
      %lt3A_425 = arith.constant 0 : i32
      %lt3A_426 = arith.cmpi slt, %select_n3A_419, %lt3A_425 : i32
      %ne3A_427 = arith.xori %lt3A_424, %lt3A_426 : i1
      %and3A_428 = arith.andi %ne3A_427, %ne3A_422 : i1
      %add3A_429 = arith.addi %rem3A_420, %select_n3A_419 : i32
      %select_n3A_430 = arith.select %and3A_428, %add3A_429, %rem3A_420 : i32
      %mul3A_431 = arith.constant 48 : i32
      %mul3A_432 = arith.muli %select_n3A_430, %mul3A_431 : i32
      %jit3A_433 = arith.constant 3 : i32
      %eq3A_434 = arith.constant 0 : i32
      %eq3A_435 = arith.cmpi eq, %jit3A_433, %eq3A_434 : i32
      %jit3A_436 = arith.constant 1 : i32
      %select_n3A_437 = arith.select %eq3A_435, %jit3A_436, %jit3A_433 : i32
      %rem3A_438 = arith.remsi %scan3A_253, %select_n3A_437 : i32
      %ne3A_439 = arith.constant 0 : i32
      %ne3A_440 = arith.cmpi ne, %rem3A_438, %ne3A_439 : i32
      %lt3A_441 = arith.constant 0 : i32
      %lt3A_442 = arith.cmpi slt, %rem3A_438, %lt3A_441 : i32
      %lt3A_443 = arith.constant 0 : i32
      %lt3A_444 = arith.cmpi slt, %select_n3A_437, %lt3A_443 : i32
      %ne3A_445 = arith.xori %lt3A_442, %lt3A_444 : i1
      %and3A_446 = arith.andi %ne3A_445, %ne3A_440 : i1
      %add3A_447 = arith.addi %rem3A_438, %select_n3A_437 : i32
      %select_n3A_448 = arith.select %and3A_446, %add3A_447, %rem3A_438 : i32
      %dma_start3A_449 = arith.constant 0 : i32
      %dma_start3A_450 = tpu.memref_slice %arg15[%mul3A_432, %dma_start3A_449] : memref<96x144xf32, #tpu.memory_space<vmem>> -> memref<48x144xf32, #tpu.memory_space<vmem>>
      %dma_start3A_451 = arith.constant 0 : i32
      %dma_start3A_452 = tpu.memref_slice %arg12[%select_n3A_448, %dma_start3A_451] : memref<3x48xi32, #tpu.memory_space<vmem>> -> memref<1x48xi32, #tpu.memory_space<vmem>>
      %dma_start3A_453 = tpu.memref_squeeze %dma_start3A_452 : memref<1x48xi32, #tpu.memory_space<vmem>> -> memref<48xi32, #tpu.memory_space<vmem>>
      %dma_start3A_454 = arith.constant 0 : i32
      %dma_start3A_455 = arith.constant 0 : i32
      %dma_start3A_456 = tpu.memref_slice %arg20[%dma_start3A_454, %dma_start3A_455] : memref<10016x144xf32, #tpu.memory_space<vmem_shared>> -> memref<10016x144xf32, #tpu.memory_space<vmem_shared>>
      tpu.enqueue_indirect_dma source(%dma_start3A_450 : memref<48x144xf32, #tpu.memory_space<vmem>>) target(%dma_start3A_456 : memref<10016x144xf32, #tpu.memory_space<vmem_shared>>) offsets(%dma_start3A_453 : memref<48xi32, #tpu.memory_space<vmem>>) semaphore(%arg24 : memref<!tpu.dma_semaphore, #tpu.memory_space<semaphore_mem>>) {add = true}
    }
    %scan3A_231 = arith.constant 210 : i32
    %dma_wait3A_232 = arith.constant 1 : i32
    %dma_wait3A_233 = arith.constant 0 : i32
    %dma_wait3A_234 = arith.constant 0 : i32
    %dma_wait3A_235 = tpu.memref_slice %arg15[%dma_wait3A_233, %dma_wait3A_234] : memref<96x144xf32, #tpu.memory_space<vmem>> -> memref<48x144xf32, #tpu.memory_space<vmem>>
    %dma_wait3A_236 = arith.constant 0 : i32
    %dma_wait3A_237 = tpu.memref_slice %arg12[%dma_wait3A_232, %dma_wait3A_236] : memref<3x48xi32, #tpu.memory_space<vmem>> -> memref<1x48xi32, #tpu.memory_space<vmem>>
    %dma_wait3A_238 = tpu.memref_squeeze %dma_wait3A_237 : memref<1x48xi32, #tpu.memory_space<vmem>> -> memref<48xi32, #tpu.memory_space<vmem>>
    %dma_wait3A_239 = arith.constant 0 : i32
    %dma_wait3A_240 = arith.constant 0 : i32
    %dma_wait3A_241 = tpu.memref_slice %arg20[%dma_wait3A_239, %dma_wait3A_240] : memref<10016x144xf32, #tpu.memory_space<vmem_shared>> -> memref<10016x144xf32, #tpu.memory_space<vmem_shared>>
    tpu.wait_indirect_dma semaphore(%arg24 : memref<!tpu.dma_semaphore, #tpu.memory_space<semaphore_mem>>) src(%dma_wait3A_235 : memref<48x144xf32, #tpu.memory_space<vmem>>) dst(%dma_wait3A_241 : memref<10016x144xf32, #tpu.memory_space<vmem_shared>>)
    %dma_wait3A_242 = arith.constant 2 : i32
    %dma_wait3A_243 = arith.constant 48 : i32
    %dma_wait3A_244 = arith.constant 0 : i32
    %dma_wait3A_245 = tpu.memref_slice %arg15[%dma_wait3A_243, %dma_wait3A_244] : memref<96x144xf32, #tpu.memory_space<vmem>> -> memref<48x144xf32, #tpu.memory_space<vmem>>
    %dma_wait3A_246 = arith.constant 0 : i32
    %dma_wait3A_247 = tpu.memref_slice %arg12[%dma_wait3A_242, %dma_wait3A_246] : memref<3x48xi32, #tpu.memory_space<vmem>> -> memref<1x48xi32, #tpu.memory_space<vmem>>
    %dma_wait3A_248 = tpu.memref_squeeze %dma_wait3A_247 : memref<1x48xi32, #tpu.memory_space<vmem>> -> memref<48xi32, #tpu.memory_space<vmem>>
    %dma_wait3A_249 = arith.constant 0 : i32
    %dma_wait3A_250 = arith.constant 0 : i32
    %dma_wait3A_251 = tpu.memref_slice %arg20[%dma_wait3A_249, %dma_wait3A_250] : memref<10016x144xf32, #tpu.memory_space<vmem_shared>> -> memref<10016x144xf32, #tpu.memory_space<vmem_shared>>
    tpu.wait_indirect_dma semaphore(%arg24 : memref<!tpu.dma_semaphore, #tpu.memory_space<semaphore_mem>>) src(%dma_wait3A_245 : memref<48x144xf32, #tpu.memory_space<vmem>>) dst(%dma_wait3A_251 : memref<10016x144xf32, #tpu.memory_space<vmem_shared>>)
    %barrier3A_252 = arith.constant 0 : index
    tpu.barrier barrier_id(%barrier3A_252)
    "tpu.region"() ({
      %run_scoped3A = tpu.sem_alloc : memref<!tpu.dma_semaphore, #tpu.memory_space<semaphore_mem>>
      %dma_start3A_253 = arith.constant 0 : i32
      %dma_start3A_254 = tpu.memref_slice %arg9[%arg0, %mul3A_10, %dma_start3A_253] : memref<2x10016x144xf32, #tpu.memory_space<hbm>> -> memref<1x626x144xf32, #tpu.memory_space<hbm>>
      %dma_start3A_255 = tpu.memref_squeeze %dma_start3A_254 : memref<1x626x144xf32, #tpu.memory_space<hbm>> -> memref<626x144xf32, #tpu.memory_space<hbm>>
      %dma_start3A_256 = arith.constant 0 : i32
      %dma_start3A_257 = tpu.memref_slice %arg20[%mul3A_10, %dma_start3A_256] : memref<10016x144xf32, #tpu.memory_space<vmem_shared>> -> memref<626x144xf32, #tpu.memory_space<vmem_shared>>
      tpu.enqueue_dma source(%dma_start3A_257 : memref<626x144xf32, #tpu.memory_space<vmem_shared>>) target(%dma_start3A_255 : memref<626x144xf32, #tpu.memory_space<hbm>>) target_semaphore(%run_scoped3A : memref<!tpu.dma_semaphore, #tpu.memory_space<semaphore_mem>>)
      %dma_wait3A_258 = arith.constant 0 : i32
      %dma_wait3A_259 = tpu.memref_slice %arg9[%arg0, %mul3A_10, %dma_wait3A_258] : memref<2x10016x144xf32, #tpu.memory_space<hbm>> -> memref<1x626x144xf32, #tpu.memory_space<hbm>>
      %dma_wait3A_260 = tpu.memref_squeeze %dma_wait3A_259 : memref<1x626x144xf32, #tpu.memory_space<hbm>> -> memref<626x144xf32, #tpu.memory_space<hbm>>
      %dma_wait3A_261 = arith.constant 0 : i32
      %dma_wait3A_262 = tpu.memref_slice %arg20[%mul3A_10, %dma_wait3A_261] : memref<10016x144xf32, #tpu.memory_space<vmem_shared>> -> memref<626x144xf32, #tpu.memory_space<vmem_shared>>
      tpu.wait_dma2 semaphore(%run_scoped3A : memref<!tpu.dma_semaphore, #tpu.memory_space<semaphore_mem>>) src(%dma_wait3A_262 : memref<626x144xf32, #tpu.memory_space<vmem_shared>>) dst(%dma_wait3A_260 : memref<626x144xf32, #tpu.memory_space<hbm>>)
      tpu.yield
    }) : () -> ()
    return
  }
}

#map = affine_map<(d0, d1) -> (0, 0)>
#map1 = affine_map<(d0, d1) -> (0)>
#map2 = affine_map<(d0, d1) -> (0, 0, 0)>
module attributes {stable_mosaic.version = 14 : i64} {
  func.func @_edge_body(%arg0: i32, %arg1: i32, %arg2: memref<20000x128xf32, #tpu.memory_space<hbm>>, %arg3: memref<967680xi32, #tpu.memory_space<hbm>>, %arg4: memref<322560xf32, #tpu.memory_space<hbm>>, %arg5: memref<64xi32, #tpu.memory_space<hbm>>, %arg6: memref<16xf32, #tpu.memory_space<hbm>>, %arg7: memref<128xf32, #tpu.memory_space<hbm>>, %arg8: memref<128xf32, #tpu.memory_space<hbm>>, %arg9: memref<2x10016x144xf32, #tpu.memory_space<hbm>>, %arg10: memref<288xi32, #tpu.memory_space<vmem>>, %arg11: memref<2x96xi32, #tpu.memory_space<vmem>>, %arg12: memref<3x48xi32, #tpu.memory_space<vmem>>, %arg13: memref<1536xf32, #tpu.memory_space<vmem>>, %arg14: memref<192x128xf32, #tpu.memory_space<vmem>>, %arg15: memref<96x144xf32, #tpu.memory_space<vmem>>, %arg16: memref<64xi32, #tpu.memory_space<vmem>>, %arg17: memref<16xf32, #tpu.memory_space<vmem>>, %arg18: memref<128xf32, #tpu.memory_space<vmem>>, %arg19: memref<128xf32, #tpu.memory_space<vmem>>, %arg20: memref<10016x144xf32, #tpu.memory_space<vmem_shared>>, %arg21: memref<!tpu.dma_semaphore, #tpu.memory_space<semaphore_mem>>, %arg22: memref<!tpu.dma_semaphore, #tpu.memory_space<semaphore_mem>>, %arg23: memref<!tpu.dma_semaphore, #tpu.memory_space<semaphore_mem>>, %arg24: memref<!tpu.dma_semaphore, #tpu.memory_space<semaphore_mem>>) attributes {dimension_semantics = [#tpu.dimension_semantics<core_parallel>, #tpu.dimension_semantics<subcore_parallel>], iteration_bounds = array<i64: 2, 16>, scalar_prefetch = 0 : i64, scratch_operands = 15 : i64, tpu.core_type = #tpu.core_type<sc_vector_subcore>, window_params = [{transform_indices = #map}, {transform_indices = #map1}, {transform_indices = #map1}, {transform_indices = #map1}, {transform_indices = #map1}, {transform_indices = #map1}, {transform_indices = #map1}, {transform_indices = #map2}]} {
    %mul3A = arith.constant 16 : i32
    %mul3A_0 = arith.muli %arg0, %mul3A : i32
    %add3A = arith.addi %mul3A_0, %arg1 : i32
    %mul3A_1 = arith.constant 210 : i32
    %mul3A_2 = arith.muli %add3A, %mul3A_1 : i32
    "tpu.region"() ({
      %run_scoped3A = tpu.sem_alloc : memref<!tpu.dma_semaphore, #tpu.memory_space<semaphore_mem>>
      tpu.enqueue_dma source(%arg7 : memref<128xf32, #tpu.memory_space<hbm>>) target(%arg18 : memref<128xf32, #tpu.memory_space<vmem>>) target_semaphore(%run_scoped3A : memref<!tpu.dma_semaphore, #tpu.memory_space<semaphore_mem>>)
      tpu.wait_dma2 semaphore(%run_scoped3A : memref<!tpu.dma_semaphore, #tpu.memory_space<semaphore_mem>>) src(%arg7 : memref<128xf32, #tpu.memory_space<hbm>>) dst(%arg18 : memref<128xf32, #tpu.memory_space<vmem>>)
      tpu.yield
    }) : () -> ()
    "tpu.region"() ({
      %run_scoped3A = tpu.sem_alloc : memref<!tpu.dma_semaphore, #tpu.memory_space<semaphore_mem>>
      tpu.enqueue_dma source(%arg8 : memref<128xf32, #tpu.memory_space<hbm>>) target(%arg19 : memref<128xf32, #tpu.memory_space<vmem>>) target_semaphore(%run_scoped3A : memref<!tpu.dma_semaphore, #tpu.memory_space<semaphore_mem>>)
      tpu.wait_dma2 semaphore(%run_scoped3A : memref<!tpu.dma_semaphore, #tpu.memory_space<semaphore_mem>>) src(%arg8 : memref<128xf32, #tpu.memory_space<hbm>>) dst(%arg19 : memref<128xf32, #tpu.memory_space<vmem>>)
      tpu.yield
    }) : () -> ()
    "tpu.region"() ({
      %run_scoped3A = tpu.sem_alloc : memref<!tpu.dma_semaphore, #tpu.memory_space<semaphore_mem>>
      tpu.enqueue_dma source(%arg5 : memref<64xi32, #tpu.memory_space<hbm>>) target(%arg16 : memref<64xi32, #tpu.memory_space<vmem>>) target_semaphore(%run_scoped3A : memref<!tpu.dma_semaphore, #tpu.memory_space<semaphore_mem>>)
      tpu.wait_dma2 semaphore(%run_scoped3A : memref<!tpu.dma_semaphore, #tpu.memory_space<semaphore_mem>>) src(%arg5 : memref<64xi32, #tpu.memory_space<hbm>>) dst(%arg16 : memref<64xi32, #tpu.memory_space<vmem>>)
      tpu.yield
    }) : () -> ()
    "tpu.region"() ({
      %run_scoped3A = tpu.sem_alloc : memref<!tpu.dma_semaphore, #tpu.memory_space<semaphore_mem>>
      tpu.enqueue_dma source(%arg6 : memref<16xf32, #tpu.memory_space<hbm>>) target(%arg17 : memref<16xf32, #tpu.memory_space<vmem>>) target_semaphore(%run_scoped3A : memref<!tpu.dma_semaphore, #tpu.memory_space<semaphore_mem>>)
      tpu.wait_dma2 semaphore(%run_scoped3A : memref<!tpu.dma_semaphore, #tpu.memory_space<semaphore_mem>>) src(%arg6 : memref<16xf32, #tpu.memory_space<hbm>>) dst(%arg17 : memref<16xf32, #tpu.memory_space<vmem>>)
      tpu.yield
    }) : () -> ()
    %broadcast_in_dim3A = arith.constant 0.000000e+00 : f32
    %broadcast_in_dim3A_3 = vector.broadcast %broadcast_in_dim3A : f32 to vector<16xf32>
    %scan3A = arith.constant 0 : i32
    %scan3A_4 = arith.constant 0 : i32
    %scan3A_5 = arith.constant 96 : i32
    %scan3A_6 = arith.addi %scan3A_4, %scan3A_5 : i32
    %scan3A_7 = arith.constant 1 : i32
    scf.for %scan3A_253 = %scan3A_4 to %scan3A_6 step %scan3A_7  : i32 {
      %swap3A_254 = arith.index_cast %scan3A_253 : i32 to index
      %swap3A_255 = arith.constant 0 : index
      %swap3A_256 = tpu.vector_load %arg15[%swap3A_254, %swap3A_255] {strides = array<i32>} : memref<96x144xf32, #tpu.memory_space<vmem>>, vector<1x16xf32>,
      %swap3A_257 = vector.shape_cast %swap3A_256 : vector<1x16xf32> to vector<16xf32>
      %swap3A_258 = vector.shape_cast %broadcast_in_dim3A_3 : vector<16xf32> to vector<1x16xf32>
      tpu.vector_store %arg15[%swap3A_254, %swap3A_255], %swap3A_258 {strides = array<i32>} : memref<96x144xf32, #tpu.memory_space<vmem>>, vector<1x16xf32>,
      %swap3A_259 = arith.index_cast %scan3A_253 : i32 to index
      %swap3A_260 = arith.constant 16 : index
      %swap3A_261 = tpu.vector_load %arg15[%swap3A_259, %swap3A_260] {strides = array<i32>} : memref<96x144xf32, #tpu.memory_space<vmem>>, vector<1x16xf32>,
      %swap3A_262 = vector.shape_cast %swap3A_261 : vector<1x16xf32> to vector<16xf32>
      %swap3A_263 = vector.shape_cast %broadcast_in_dim3A_3 : vector<16xf32> to vector<1x16xf32>
      tpu.vector_store %arg15[%swap3A_259, %swap3A_260], %swap3A_263 {strides = array<i32>} : memref<96x144xf32, #tpu.memory_space<vmem>>, vector<1x16xf32>,
      %swap3A_264 = arith.index_cast %scan3A_253 : i32 to index
      %swap3A_265 = arith.constant 32 : index
      %swap3A_266 = tpu.vector_load %arg15[%swap3A_264, %swap3A_265] {strides = array<i32>} : memref<96x144xf32, #tpu.memory_space<vmem>>, vector<1x16xf32>,
      %swap3A_267 = vector.shape_cast %swap3A_266 : vector<1x16xf32> to vector<16xf32>
      %swap3A_268 = vector.shape_cast %broadcast_in_dim3A_3 : vector<16xf32> to vector<1x16xf32>
      tpu.vector_store %arg15[%swap3A_264, %swap3A_265], %swap3A_268 {strides = array<i32>} : memref<96x144xf32, #tpu.memory_space<vmem>>, vector<1x16xf32>,
      %swap3A_269 = arith.index_cast %scan3A_253 : i32 to index
      %swap3A_270 = arith.constant 48 : index
      %swap3A_271 = tpu.vector_load %arg15[%swap3A_269, %swap3A_270] {strides = array<i32>} : memref<96x144xf32, #tpu.memory_space<vmem>>, vector<1x16xf32>,
      %swap3A_272 = vector.shape_cast %swap3A_271 : vector<1x16xf32> to vector<16xf32>
      %swap3A_273 = vector.shape_cast %broadcast_in_dim3A_3 : vector<16xf32> to vector<1x16xf32>
      tpu.vector_store %arg15[%swap3A_269, %swap3A_270], %swap3A_273 {strides = array<i32>} : memref<96x144xf32, #tpu.memory_space<vmem>>, vector<1x16xf32>,
      %swap3A_274 = arith.index_cast %scan3A_253 : i32 to index
      %swap3A_275 = arith.constant 64 : index
      %swap3A_276 = tpu.vector_load %arg15[%swap3A_274, %swap3A_275] {strides = array<i32>} : memref<96x144xf32, #tpu.memory_space<vmem>>, vector<1x16xf32>,
      %swap3A_277 = vector.shape_cast %swap3A_276 : vector<1x16xf32> to vector<16xf32>
      %swap3A_278 = vector.shape_cast %broadcast_in_dim3A_3 : vector<16xf32> to vector<1x16xf32>
      tpu.vector_store %arg15[%swap3A_274, %swap3A_275], %swap3A_278 {strides = array<i32>} : memref<96x144xf32, #tpu.memory_space<vmem>>, vector<1x16xf32>,
      %swap3A_279 = arith.index_cast %scan3A_253 : i32 to index
      %swap3A_280 = arith.constant 80 : index
      %swap3A_281 = tpu.vector_load %arg15[%swap3A_279, %swap3A_280] {strides = array<i32>} : memref<96x144xf32, #tpu.memory_space<vmem>>, vector<1x16xf32>,
      %swap3A_282 = vector.shape_cast %swap3A_281 : vector<1x16xf32> to vector<16xf32>
      %swap3A_283 = vector.shape_cast %broadcast_in_dim3A_3 : vector<16xf32> to vector<1x16xf32>
      tpu.vector_store %arg15[%swap3A_279, %swap3A_280], %swap3A_283 {strides = array<i32>} : memref<96x144xf32, #tpu.memory_space<vmem>>, vector<1x16xf32>,
      %swap3A_284 = arith.index_cast %scan3A_253 : i32 to index
      %swap3A_285 = arith.constant 96 : index
      %swap3A_286 = tpu.vector_load %arg15[%swap3A_284, %swap3A_285] {strides = array<i32>} : memref<96x144xf32, #tpu.memory_space<vmem>>, vector<1x16xf32>,
      %swap3A_287 = vector.shape_cast %swap3A_286 : vector<1x16xf32> to vector<16xf32>
      %swap3A_288 = vector.shape_cast %broadcast_in_dim3A_3 : vector<16xf32> to vector<1x16xf32>
      tpu.vector_store %arg15[%swap3A_284, %swap3A_285], %swap3A_288 {strides = array<i32>} : memref<96x144xf32, #tpu.memory_space<vmem>>, vector<1x16xf32>,
      %swap3A_289 = arith.index_cast %scan3A_253 : i32 to index
      %swap3A_290 = arith.constant 112 : index
      %swap3A_291 = tpu.vector_load %arg15[%swap3A_289, %swap3A_290] {strides = array<i32>} : memref<96x144xf32, #tpu.memory_space<vmem>>, vector<1x16xf32>,
      %swap3A_292 = vector.shape_cast %swap3A_291 : vector<1x16xf32> to vector<16xf32>
      %swap3A_293 = vector.shape_cast %broadcast_in_dim3A_3 : vector<16xf32> to vector<1x16xf32>
      tpu.vector_store %arg15[%swap3A_289, %swap3A_290], %swap3A_293 {strides = array<i32>} : memref<96x144xf32, #tpu.memory_space<vmem>>, vector<1x16xf32>,
      %swap3A_294 = arith.index_cast %scan3A_253 : i32 to index
      %swap3A_295 = arith.constant 128 : index
      %swap3A_296 = tpu.vector_load %arg15[%swap3A_294, %swap3A_295] {strides = array<i32>} : memref<96x144xf32, #tpu.memory_space<vmem>>, vector<1x16xf32>,
      %swap3A_297 = vector.shape_cast %swap3A_296 : vector<1x16xf32> to vector<16xf32>
      %swap3A_298 = vector.shape_cast %broadcast_in_dim3A_3 : vector<16xf32> to vector<1x16xf32>
      tpu.vector_store %arg15[%swap3A_294, %swap3A_295], %swap3A_298 {strides = array<i32>} : memref<96x144xf32, #tpu.memory_space<vmem>>, vector<1x16xf32>,
    }
    %scan3A_8 = arith.constant 96 : i32
    %mul3A_9 = arith.constant 626 : i32
    %mul3A_10 = arith.muli %arg1, %mul3A_9 : i32
    %add3A_11 = arith.constant 0 : i32
    %add3A_12 = arith.addi %mul3A_10, %add3A_11 : i32
    "tpu.region"() ({
      %run_scoped3A = tpu.sem_alloc : memref<!tpu.dma_semaphore, #tpu.memory_space<semaphore_mem>>
      %dma_start3A_253 = arith.constant 0 : i32
      %dma_start3A_254 = tpu.memref_slice %arg20[%add3A_12, %dma_start3A_253] : memref<10016x144xf32, #tpu.memory_space<vmem_shared>> -> memref<96x144xf32, #tpu.memory_space<vmem_shared>>
      %dma_start3A_255 = arith.constant 0 : i32
      %dma_start3A_256 = tpu.memref_slice %arg20[%add3A_12, %dma_start3A_255] : memref<10016x144xf32, #tpu.memory_space<vmem_shared>> -> memref<96x144xf32, #tpu.memory_space<vmem_shared>>
      tpu.enqueue_dma source(%arg15 : memref<96x144xf32, #tpu.memory_space<vmem>>) target(%dma_start3A_256 : memref<96x144xf32, #tpu.memory_space<vmem_shared>>) target_semaphore(%run_scoped3A : memref<!tpu.dma_semaphore, #tpu.memory_space<semaphore_mem>>)
      %dma_wait3A_257 = arith.constant 0 : i32
      %dma_wait3A_258 = tpu.memref_slice %arg20[%add3A_12, %dma_wait3A_257] : memref<10016x144xf32, #tpu.memory_space<vmem_shared>> -> memref<96x144xf32, #tpu.memory_space<vmem_shared>>
      %dma_wait3A_259 = arith.constant 0 : i32
      %dma_wait3A_260 = tpu.memref_slice %arg20[%add3A_12, %dma_wait3A_259] : memref<10016x144xf32, #tpu.memory_space<vmem_shared>> -> memref<96x144xf32, #tpu.memory_space<vmem_shared>>
      tpu.wait_dma2 semaphore(%run_scoped3A : memref<!tpu.dma_semaphore, #tpu.memory_space<semaphore_mem>>) src(%arg15 : memref<96x144xf32, #tpu.memory_space<vmem>>) dst(%dma_wait3A_260 : memref<96x144xf32, #tpu.memory_space<vmem_shared>>)
      tpu.yield
    }) : () -> ()
    %add3A_13 = arith.constant 96 : i32
    %add3A_14 = arith.addi %mul3A_10, %add3A_13 : i32
    "tpu.region"() ({
      %run_scoped3A = tpu.sem_alloc : memref<!tpu.dma_semaphore, #tpu.memory_space<semaphore_mem>>
      %dma_start3A_253 = arith.constant 0 : i32
      %dma_start3A_254 = tpu.memref_slice %arg20[%add3A_14, %dma_start3A_253] : memref<10016x144xf32, #tpu.memory_space<vmem_shared>> -> memref<96x144xf32, #tpu.memory_space<vmem_shared>>
      %dma_start3A_255 = arith.constant 0 : i32
      %dma_start3A_256 = tpu.memref_slice %arg20[%add3A_14, %dma_start3A_255] : memref<10016x144xf32, #tpu.memory_space<vmem_shared>> -> memref<96x144xf32, #tpu.memory_space<vmem_shared>>
      tpu.enqueue_dma source(%arg15 : memref<96x144xf32, #tpu.memory_space<vmem>>) target(%dma_start3A_256 : memref<96x144xf32, #tpu.memory_space<vmem_shared>>) target_semaphore(%run_scoped3A : memref<!tpu.dma_semaphore, #tpu.memory_space<semaphore_mem>>)
      %dma_wait3A_257 = arith.constant 0 : i32
      %dma_wait3A_258 = tpu.memref_slice %arg20[%add3A_14, %dma_wait3A_257] : memref<10016x144xf32, #tpu.memory_space<vmem_shared>> -> memref<96x144xf32, #tpu.memory_space<vmem_shared>>
      %dma_wait3A_259 = arith.constant 0 : i32
      %dma_wait3A_260 = tpu.memref_slice %arg20[%add3A_14, %dma_wait3A_259] : memref<10016x144xf32, #tpu.memory_space<vmem_shared>> -> memref<96x144xf32, #tpu.memory_space<vmem_shared>>
      tpu.wait_dma2 semaphore(%run_scoped3A : memref<!tpu.dma_semaphore, #tpu.memory_space<semaphore_mem>>) src(%arg15 : memref<96x144xf32, #tpu.memory_space<vmem>>) dst(%dma_wait3A_260 : memref<96x144xf32, #tpu.memory_space<vmem_shared>>)
      tpu.yield
    }) : () -> ()
    %add3A_15 = arith.constant 192 : i32
    %add3A_16 = arith.addi %mul3A_10, %add3A_15 : i32
    "tpu.region"() ({
      %run_scoped3A = tpu.sem_alloc : memref<!tpu.dma_semaphore, #tpu.memory_space<semaphore_mem>>
      %dma_start3A_253 = arith.constant 0 : i32
      %dma_start3A_254 = tpu.memref_slice %arg20[%add3A_16, %dma_start3A_253] : memref<10016x144xf32, #tpu.memory_space<vmem_shared>> -> memref<96x144xf32, #tpu.memory_space<vmem_shared>>
      %dma_start3A_255 = arith.constant 0 : i32
      %dma_start3A_256 = tpu.memref_slice %arg20[%add3A_16, %dma_start3A_255] : memref<10016x144xf32, #tpu.memory_space<vmem_shared>> -> memref<96x144xf32, #tpu.memory_space<vmem_shared>>
      tpu.enqueue_dma source(%arg15 : memref<96x144xf32, #tpu.memory_space<vmem>>) target(%dma_start3A_256 : memref<96x144xf32, #tpu.memory_space<vmem_shared>>) target_semaphore(%run_scoped3A : memref<!tpu.dma_semaphore, #tpu.memory_space<semaphore_mem>>)
      %dma_wait3A_257 = arith.constant 0 : i32
      %dma_wait3A_258 = tpu.memref_slice %arg20[%add3A_16, %dma_wait3A_257] : memref<10016x144xf32, #tpu.memory_space<vmem_shared>> -> memref<96x144xf32, #tpu.memory_space<vmem_shared>>
      %dma_wait3A_259 = arith.constant 0 : i32
      %dma_wait3A_260 = tpu.memref_slice %arg20[%add3A_16, %dma_wait3A_259] : memref<10016x144xf32, #tpu.memory_space<vmem_shared>> -> memref<96x144xf32, #tpu.memory_space<vmem_shared>>
      tpu.wait_dma2 semaphore(%run_scoped3A : memref<!tpu.dma_semaphore, #tpu.memory_space<semaphore_mem>>) src(%arg15 : memref<96x144xf32, #tpu.memory_space<vmem>>) dst(%dma_wait3A_260 : memref<96x144xf32, #tpu.memory_space<vmem_shared>>)
      tpu.yield
    }) : () -> ()
    %add3A_17 = arith.constant 288 : i32
    %add3A_18 = arith.addi %mul3A_10, %add3A_17 : i32
    "tpu.region"() ({
      %run_scoped3A = tpu.sem_alloc : memref<!tpu.dma_semaphore, #tpu.memory_space<semaphore_mem>>
      %dma_start3A_253 = arith.constant 0 : i32
      %dma_start3A_254 = tpu.memref_slice %arg20[%add3A_18, %dma_start3A_253] : memref<10016x144xf32, #tpu.memory_space<vmem_shared>> -> memref<96x144xf32, #tpu.memory_space<vmem_shared>>
      %dma_start3A_255 = arith.constant 0 : i32
      %dma_start3A_256 = tpu.memref_slice %arg20[%add3A_18, %dma_start3A_255] : memref<10016x144xf32, #tpu.memory_space<vmem_shared>> -> memref<96x144xf32, #tpu.memory_space<vmem_shared>>
      tpu.enqueue_dma source(%arg15 : memref<96x144xf32, #tpu.memory_space<vmem>>) target(%dma_start3A_256 : memref<96x144xf32, #tpu.memory_space<vmem_shared>>) target_semaphore(%run_scoped3A : memref<!tpu.dma_semaphore, #tpu.memory_space<semaphore_mem>>)
      %dma_wait3A_257 = arith.constant 0 : i32
      %dma_wait3A_258 = tpu.memref_slice %arg20[%add3A_18, %dma_wait3A_257] : memref<10016x144xf32, #tpu.memory_space<vmem_shared>> -> memref<96x144xf32, #tpu.memory_space<vmem_shared>>
      %dma_wait3A_259 = arith.constant 0 : i32
      %dma_wait3A_260 = tpu.memref_slice %arg20[%add3A_18, %dma_wait3A_259] : memref<10016x144xf32, #tpu.memory_space<vmem_shared>> -> memref<96x144xf32, #tpu.memory_space<vmem_shared>>
      tpu.wait_dma2 semaphore(%run_scoped3A : memref<!tpu.dma_semaphore, #tpu.memory_space<semaphore_mem>>) src(%arg15 : memref<96x144xf32, #tpu.memory_space<vmem>>) dst(%dma_wait3A_260 : memref<96x144xf32, #tpu.memory_space<vmem_shared>>)
      tpu.yield
    }) : () -> ()
    %add3A_19 = arith.constant 384 : i32
    %add3A_20 = arith.addi %mul3A_10, %add3A_19 : i32
    "tpu.region"() ({
      %run_scoped3A = tpu.sem_alloc : memref<!tpu.dma_semaphore, #tpu.memory_space<semaphore_mem>>
      %dma_start3A_253 = arith.constant 0 : i32
      %dma_start3A_254 = tpu.memref_slice %arg20[%add3A_20, %dma_start3A_253] : memref<10016x144xf32, #tpu.memory_space<vmem_shared>> -> memref<96x144xf32, #tpu.memory_space<vmem_shared>>
      %dma_start3A_255 = arith.constant 0 : i32
      %dma_start3A_256 = tpu.memref_slice %arg20[%add3A_20, %dma_start3A_255] : memref<10016x144xf32, #tpu.memory_space<vmem_shared>> -> memref<96x144xf32, #tpu.memory_space<vmem_shared>>
      tpu.enqueue_dma source(%arg15 : memref<96x144xf32, #tpu.memory_space<vmem>>) target(%dma_start3A_256 : memref<96x144xf32, #tpu.memory_space<vmem_shared>>) target_semaphore(%run_scoped3A : memref<!tpu.dma_semaphore, #tpu.memory_space<semaphore_mem>>)
      %dma_wait3A_257 = arith.constant 0 : i32
      %dma_wait3A_258 = tpu.memref_slice %arg20[%add3A_20, %dma_wait3A_257] : memref<10016x144xf32, #tpu.memory_space<vmem_shared>> -> memref<96x144xf32, #tpu.memory_space<vmem_shared>>
      %dma_wait3A_259 = arith.constant 0 : i32
      %dma_wait3A_260 = tpu.memref_slice %arg20[%add3A_20, %dma_wait3A_259] : memref<10016x144xf32, #tpu.memory_space<vmem_shared>> -> memref<96x144xf32, #tpu.memory_space<vmem_shared>>
      tpu.wait_dma2 semaphore(%run_scoped3A : memref<!tpu.dma_semaphore, #tpu.memory_space<semaphore_mem>>) src(%arg15 : memref<96x144xf32, #tpu.memory_space<vmem>>) dst(%dma_wait3A_260 : memref<96x144xf32, #tpu.memory_space<vmem_shared>>)
      tpu.yield
    }) : () -> ()
    %add3A_21 = arith.constant 480 : i32
    %add3A_22 = arith.addi %mul3A_10, %add3A_21 : i32
    "tpu.region"() ({
      %run_scoped3A = tpu.sem_alloc : memref<!tpu.dma_semaphore, #tpu.memory_space<semaphore_mem>>
      %dma_start3A_253 = arith.constant 0 : i32
      %dma_start3A_254 = tpu.memref_slice %arg20[%add3A_22, %dma_start3A_253] : memref<10016x144xf32, #tpu.memory_space<vmem_shared>> -> memref<96x144xf32, #tpu.memory_space<vmem_shared>>
      %dma_start3A_255 = arith.constant 0 : i32
      %dma_start3A_256 = tpu.memref_slice %arg20[%add3A_22, %dma_start3A_255] : memref<10016x144xf32, #tpu.memory_space<vmem_shared>> -> memref<96x144xf32, #tpu.memory_space<vmem_shared>>
      tpu.enqueue_dma source(%arg15 : memref<96x144xf32, #tpu.memory_space<vmem>>) target(%dma_start3A_256 : memref<96x144xf32, #tpu.memory_space<vmem_shared>>) target_semaphore(%run_scoped3A : memref<!tpu.dma_semaphore, #tpu.memory_space<semaphore_mem>>)
      %dma_wait3A_257 = arith.constant 0 : i32
      %dma_wait3A_258 = tpu.memref_slice %arg20[%add3A_22, %dma_wait3A_257] : memref<10016x144xf32, #tpu.memory_space<vmem_shared>> -> memref<96x144xf32, #tpu.memory_space<vmem_shared>>
      %dma_wait3A_259 = arith.constant 0 : i32
      %dma_wait3A_260 = tpu.memref_slice %arg20[%add3A_22, %dma_wait3A_259] : memref<10016x144xf32, #tpu.memory_space<vmem_shared>> -> memref<96x144xf32, #tpu.memory_space<vmem_shared>>
      tpu.wait_dma2 semaphore(%run_scoped3A : memref<!tpu.dma_semaphore, #tpu.memory_space<semaphore_mem>>) src(%arg15 : memref<96x144xf32, #tpu.memory_space<vmem>>) dst(%dma_wait3A_260 : memref<96x144xf32, #tpu.memory_space<vmem_shared>>)
      tpu.yield
    }) : () -> ()
    %add3A_23 = arith.constant 626 : i32
    %add3A_24 = arith.addi %mul3A_10, %add3A_23 : i32
    %sub3A = arith.constant 50 : i32
    %sub3A_25 = arith.subi %add3A_24, %sub3A : i32
    "tpu.region"() ({
      %run_scoped3A = tpu.sem_alloc : memref<!tpu.dma_semaphore, #tpu.memory_space<semaphore_mem>>
      %dma_start3A_253 = arith.constant 0 : i32
      %dma_start3A_254 = arith.constant 0 : i32
      %dma_start3A_255 = tpu.memref_slice %arg15[%dma_start3A_253, %dma_start3A_254] : memref<96x144xf32, #tpu.memory_space<vmem>> -> memref<50x144xf32, #tpu.memory_space<vmem>>
      %dma_start3A_256 = arith.constant 0 : i32
      %dma_start3A_257 = tpu.memref_slice %arg20[%sub3A_25, %dma_start3A_256] : memref<10016x144xf32, #tpu.memory_space<vmem_shared>> -> memref<50x144xf32, #tpu.memory_space<vmem_shared>>
      %dma_start3A_258 = arith.constant 0 : i32
      %dma_start3A_259 = tpu.memref_slice %arg20[%sub3A_25, %dma_start3A_258] : memref<10016x144xf32, #tpu.memory_space<vmem_shared>> -> memref<50x144xf32, #tpu.memory_space<vmem_shared>>
      %dma_start3A_260 = arith.constant 0 : i32
      %dma_start3A_261 = arith.constant 0 : i32
      %dma_start3A_262 = tpu.memref_slice %arg15[%dma_start3A_260, %dma_start3A_261] : memref<96x144xf32, #tpu.memory_space<vmem>> -> memref<50x144xf32, #tpu.memory_space<vmem>>
      tpu.enqueue_dma source(%dma_start3A_262 : memref<50x144xf32, #tpu.memory_space<vmem>>) target(%dma_start3A_259 : memref<50x144xf32, #tpu.memory_space<vmem_shared>>) target_semaphore(%run_scoped3A : memref<!tpu.dma_semaphore, #tpu.memory_space<semaphore_mem>>)
      %dma_wait3A_263 = arith.constant 0 : i32
      %dma_wait3A_264 = arith.constant 0 : i32
      %dma_wait3A_265 = tpu.memref_slice %arg15[%dma_wait3A_263, %dma_wait3A_264] : memref<96x144xf32, #tpu.memory_space<vmem>> -> memref<50x144xf32, #tpu.memory_space<vmem>>
      %dma_wait3A_266 = arith.constant 0 : i32
      %dma_wait3A_267 = tpu.memref_slice %arg20[%sub3A_25, %dma_wait3A_266] : memref<10016x144xf32, #tpu.memory_space<vmem_shared>> -> memref<50x144xf32, #tpu.memory_space<vmem_shared>>
      %dma_wait3A_268 = arith.constant 0 : i32
      %dma_wait3A_269 = tpu.memref_slice %arg20[%sub3A_25, %dma_wait3A_268] : memref<10016x144xf32, #tpu.memory_space<vmem_shared>> -> memref<50x144xf32, #tpu.memory_space<vmem_shared>>
      %dma_wait3A_270 = arith.constant 0 : i32
      %dma_wait3A_271 = arith.constant 0 : i32
      %dma_wait3A_272 = tpu.memref_slice %arg15[%dma_wait3A_270, %dma_wait3A_271] : memref<96x144xf32, #tpu.memory_space<vmem>> -> memref<50x144xf32, #tpu.memory_space<vmem>>
      tpu.wait_dma2 semaphore(%run_scoped3A : memref<!tpu.dma_semaphore, #tpu.memory_space<semaphore_mem>>) src(%dma_wait3A_272 : memref<50x144xf32, #tpu.memory_space<vmem>>) dst(%dma_wait3A_269 : memref<50x144xf32, #tpu.memory_space<vmem_shared>>)
      tpu.yield
    }) : () -> ()
    %barrier3A = arith.constant 0 : index
    tpu.barrier barrier_id(%barrier3A)
    %get3A = arith.constant 0 : index
    %get3A_26 = tpu.vector_load %arg18[%get3A] {strides = array<i32>} : memref<128xf32, #tpu.memory_space<vmem>>, vector<16xf32>,
    %get3A_27 = vector.shape_cast %get3A_26 : vector<16xf32> to vector<16xf32>
    %get3A_28 = arith.constant 16 : index
    %get3A_29 = tpu.vector_load %arg18[%get3A_28] {strides = array<i32>} : memref<128xf32, #tpu.memory_space<vmem>>, vector<16xf32>,
    %get3A_30 = vector.shape_cast %get3A_29 : vector<16xf32> to vector<16xf32>
    %get3A_31 = arith.constant 32 : index
    %get3A_32 = tpu.vector_load %arg18[%get3A_31] {strides = array<i32>} : memref<128xf32, #tpu.memory_space<vmem>>, vector<16xf32>,
    %get3A_33 = vector.shape_cast %get3A_32 : vector<16xf32> to vector<16xf32>
    %get3A_34 = arith.constant 48 : index
    %get3A_35 = tpu.vector_load %arg18[%get3A_34] {strides = array<i32>} : memref<128xf32, #tpu.memory_space<vmem>>, vector<16xf32>,
    %get3A_36 = vector.shape_cast %get3A_35 : vector<16xf32> to vector<16xf32>
    %get3A_37 = arith.constant 64 : index
    %get3A_38 = tpu.vector_load %arg18[%get3A_37] {strides = array<i32>} : memref<128xf32, #tpu.memory_space<vmem>>, vector<16xf32>,
    %get3A_39 = vector.shape_cast %get3A_38 : vector<16xf32> to vector<16xf32>
    %get3A_40 = arith.constant 80 : index
    %get3A_41 = tpu.vector_load %arg18[%get3A_40] {strides = array<i32>} : memref<128xf32, #tpu.memory_space<vmem>>, vector<16xf32>,
    %get3A_42 = vector.shape_cast %get3A_41 : vector<16xf32> to vector<16xf32>
    %get3A_43 = arith.constant 96 : index
    %get3A_44 = tpu.vector_load %arg18[%get3A_43] {strides = array<i32>} : memref<128xf32, #tpu.memory_space<vmem>>, vector<16xf32>,
    %get3A_45 = vector.shape_cast %get3A_44 : vector<16xf32> to vector<16xf32>
    %get3A_46 = arith.constant 112 : index
    %get3A_47 = tpu.vector_load %arg18[%get3A_46] {strides = array<i32>} : memref<128xf32, #tpu.memory_space<vmem>>, vector<16xf32>,
    %get3A_48 = vector.shape_cast %get3A_47 : vector<16xf32> to vector<16xf32>
    %get3A_49 = arith.constant 0 : index
    %get3A_50 = tpu.vector_load %arg19[%get3A_49] {strides = array<i32>} : memref<128xf32, #tpu.memory_space<vmem>>, vector<16xf32>,
    %get3A_51 = vector.shape_cast %get3A_50 : vector<16xf32> to vector<16xf32>
    %get3A_52 = arith.constant 16 : index
    %get3A_53 = tpu.vector_load %arg19[%get3A_52] {strides = array<i32>} : memref<128xf32, #tpu.memory_space<vmem>>, vector<16xf32>,
    %get3A_54 = vector.shape_cast %get3A_53 : vector<16xf32> to vector<16xf32>
    %get3A_55 = arith.constant 32 : index
    %get3A_56 = tpu.vector_load %arg19[%get3A_55] {strides = array<i32>} : memref<128xf32, #tpu.memory_space<vmem>>, vector<16xf32>,
    %get3A_57 = vector.shape_cast %get3A_56 : vector<16xf32> to vector<16xf32>
    %get3A_58 = arith.constant 48 : index
    %get3A_59 = tpu.vector_load %arg19[%get3A_58] {strides = array<i32>} : memref<128xf32, #tpu.memory_space<vmem>>, vector<16xf32>,
    %get3A_60 = vector.shape_cast %get3A_59 : vector<16xf32> to vector<16xf32>
    %get3A_61 = arith.constant 64 : index
    %get3A_62 = tpu.vector_load %arg19[%get3A_61] {strides = array<i32>} : memref<128xf32, #tpu.memory_space<vmem>>, vector<16xf32>,
    %get3A_63 = vector.shape_cast %get3A_62 : vector<16xf32> to vector<16xf32>
    %get3A_64 = arith.constant 80 : index
    %get3A_65 = tpu.vector_load %arg19[%get3A_64] {strides = array<i32>} : memref<128xf32, #tpu.memory_space<vmem>>, vector<16xf32>,
    %get3A_66 = vector.shape_cast %get3A_65 : vector<16xf32> to vector<16xf32>
    %get3A_67 = arith.constant 96 : index
    %get3A_68 = tpu.vector_load %arg19[%get3A_67] {strides = array<i32>} : memref<128xf32, #tpu.memory_space<vmem>>, vector<16xf32>,
    %get3A_69 = vector.shape_cast %get3A_68 : vector<16xf32> to vector<16xf32>
    %get3A_70 = arith.constant 112 : index
    %get3A_71 = tpu.vector_load %arg19[%get3A_70] {strides = array<i32>} : memref<128xf32, #tpu.memory_space<vmem>>, vector<16xf32>,
    %get3A_72 = vector.shape_cast %get3A_71 : vector<16xf32> to vector<16xf32>
    %get3A_73 = arith.constant 0 : index
    %get3A_74 = tpu.vector_load %arg16[%get3A_73] {strides = array<i32>} : memref<64xi32, #tpu.memory_space<vmem>>, vector<16xi32>,
    %get3A_75 = vector.shape_cast %get3A_74 : vector<16xi32> to vector<16xi32>
    %get3A_76 = arith.constant 16 : index
    %get3A_77 = tpu.vector_load %arg16[%get3A_76] {strides = array<i32>} : memref<64xi32, #tpu.memory_space<vmem>>, vector<16xi32>,
    %get3A_78 = vector.shape_cast %get3A_77 : vector<16xi32> to vector<16xi32>
    %get3A_79 = arith.constant 32 : index
    %get3A_80 = tpu.vector_load %arg16[%get3A_79] {strides = array<i32>} : memref<64xi32, #tpu.memory_space<vmem>>, vector<16xi32>,
    %get3A_81 = vector.shape_cast %get3A_80 : vector<16xi32> to vector<16xi32>
    %get3A_82 = arith.constant 48 : index
    %get3A_83 = tpu.vector_load %arg16[%get3A_82] {strides = array<i32>} : memref<64xi32, #tpu.memory_space<vmem>>, vector<16xi32>,
    %get3A_84 = vector.shape_cast %get3A_83 : vector<16xi32> to vector<16xi32>
    %get3A_85 = arith.constant 0 : index
    %get3A_86 = tpu.vector_load %arg17[%get3A_85] {strides = array<i32>} : memref<16xf32, #tpu.memory_space<vmem>>, vector<16xf32>,
    %get3A_87 = vector.shape_cast %get3A_86 : vector<16xf32> to vector<16xf32>
    %add3A_88 = arith.constant 0 : i32
    %add3A_89 = arith.addi %mul3A_2, %add3A_88 : i32
    %mul3A_90 = arith.constant 144 : i32
    %mul3A_91 = arith.muli %add3A_89, %mul3A_90 : i32
    %dma_start3A = arith.constant 0 : i32
    %dma_start3A_92 = tpu.memref_slice %arg10[%dma_start3A] : memref<288xi32, #tpu.memory_space<vmem>> -> memref<144xi32, #tpu.memory_space<vmem>>
    %dma_start3A_93 = tpu.memref_slice %arg3[%mul3A_91] : memref<967680xi32, #tpu.memory_space<hbm>> -> memref<144xi32, #tpu.memory_space<hbm>>
    %dma_start3A_94 = arith.constant 0 : i32
    %dma_start3A_95 = tpu.memref_slice %arg10[%dma_start3A_94] : memref<288xi32, #tpu.memory_space<vmem>> -> memref<144xi32, #tpu.memory_space<vmem>>
    %dma_start3A_96 = tpu.memref_slice %arg3[%mul3A_91] : memref<967680xi32, #tpu.memory_space<hbm>> -> memref<144xi32, #tpu.memory_space<hbm>>
    tpu.enqueue_dma source(%dma_start3A_96 : memref<144xi32, #tpu.memory_space<hbm>>) target(%dma_start3A_95 : memref<144xi32, #tpu.memory_space<vmem>>) target_semaphore(%arg21 : memref<!tpu.dma_semaphore, #tpu.memory_space<semaphore_mem>>)
    %add3A_97 = arith.constant 0 : i32
    %add3A_98 = arith.addi %mul3A_2, %add3A_97 : i32
    %mul3A_99 = arith.constant 48 : i32
    %mul3A_100 = arith.muli %add3A_98, %mul3A_99 : i32
    %dma_start3A_101 = arith.constant 0 : i32
    %dma_start3A_102 = tpu.memref_slice %arg13[%dma_start3A_101] : memref<1536xf32, #tpu.memory_space<vmem>> -> memref<48xf32, #tpu.memory_space<vmem>>
    %dma_start3A_103 = tpu.memref_slice %arg4[%mul3A_100] : memref<322560xf32, #tpu.memory_space<hbm>> -> memref<48xf32, #tpu.memory_space<hbm>>
    %dma_start3A_104 = arith.constant 0 : i32
    %dma_start3A_105 = tpu.memref_slice %arg13[%dma_start3A_104] : memref<1536xf32, #tpu.memory_space<vmem>> -> memref<48xf32, #tpu.memory_space<vmem>>
    %dma_start3A_106 = tpu.memref_slice %arg4[%mul3A_100] : memref<322560xf32, #tpu.memory_space<hbm>> -> memref<48xf32, #tpu.memory_space<hbm>>
    tpu.enqueue_dma source(%dma_start3A_106 : memref<48xf32, #tpu.memory_space<hbm>>) target(%dma_start3A_105 : memref<48xf32, #tpu.memory_space<vmem>>) target_semaphore(%arg22 : memref<!tpu.dma_semaphore, #tpu.memory_space<semaphore_mem>>)
    %add3A_107 = arith.constant 0 : i32
    %add3A_108 = arith.addi %mul3A_2, %add3A_107 : i32
    %mul3A_109 = arith.constant 144 : i32
    %mul3A_110 = arith.muli %add3A_108, %mul3A_109 : i32
    %dma_wait3A = arith.constant 0 : i32
    %dma_wait3A_111 = tpu.memref_slice %arg10[%dma_wait3A] : memref<288xi32, #tpu.memory_space<vmem>> -> memref<144xi32, #tpu.memory_space<vmem>>
    %dma_wait3A_112 = tpu.memref_slice %arg3[%mul3A_110] : memref<967680xi32, #tpu.memory_space<hbm>> -> memref<144xi32, #tpu.memory_space<hbm>>
    %dma_wait3A_113 = arith.constant 0 : i32
    %dma_wait3A_114 = tpu.memref_slice %arg10[%dma_wait3A_113] : memref<288xi32, #tpu.memory_space<vmem>> -> memref<144xi32, #tpu.memory_space<vmem>>
    %dma_wait3A_115 = tpu.memref_slice %arg3[%mul3A_110] : memref<967680xi32, #tpu.memory_space<hbm>> -> memref<144xi32, #tpu.memory_space<hbm>>
    tpu.wait_dma2 semaphore(%arg21 : memref<!tpu.dma_semaphore, #tpu.memory_space<semaphore_mem>>) src(%dma_wait3A_115 : memref<144xi32, #tpu.memory_space<hbm>>) dst(%dma_wait3A_114 : memref<144xi32, #tpu.memory_space<vmem>>)
    %get3A_116 = arith.constant 0 : index
    %get3A_117 = tpu.vector_load %arg10[%get3A_116] {strides = array<i32>} : memref<288xi32, #tpu.memory_space<vmem>>, vector<16xi32>,
    %get3A_118 = vector.shape_cast %get3A_117 : vector<16xi32> to vector<16xi32>
    %swap3A = arith.constant 0 : i32
    %swap3A_119 = arith.index_cast %swap3A : i32 to index
    %swap3A_120 = arith.constant 0 : index
    %swap3A_121 = tpu.vector_load %arg11[%swap3A_119, %swap3A_120] {strides = array<i32>} : memref<2x96xi32, #tpu.memory_space<vmem>>, vector<1x16xi32>,
    %swap3A_122 = vector.shape_cast %swap3A_121 : vector<1x16xi32> to vector<16xi32>
    %swap3A_123 = vector.shape_cast %get3A_118 : vector<16xi32> to vector<1x16xi32>
    tpu.vector_store %arg11[%swap3A_119, %swap3A_120], %swap3A_123 {strides = array<i32>} : memref<2x96xi32, #tpu.memory_space<vmem>>, vector<1x16xi32>,
    %get3A_124 = arith.constant 48 : index
    %get3A_125 = tpu.vector_load %arg10[%get3A_124] {strides = array<i32>} : memref<288xi32, #tpu.memory_space<vmem>>, vector<16xi32>,
    %get3A_126 = vector.shape_cast %get3A_125 : vector<16xi32> to vector<16xi32>
    %swap3A_127 = arith.constant 0 : i32
    %swap3A_128 = arith.index_cast %swap3A_127 : i32 to index
    %swap3A_129 = arith.constant 48 : index
    %swap3A_130 = tpu.vector_load %arg11[%swap3A_128, %swap3A_129] {strides = array<i32>} : memref<2x96xi32, #tpu.memory_space<vmem>>, vector<1x16xi32>,
    %swap3A_131 = vector.shape_cast %swap3A_130 : vector<1x16xi32> to vector<16xi32>
    %swap3A_132 = vector.shape_cast %get3A_126 : vector<16xi32> to vector<1x16xi32>
    tpu.vector_store %arg11[%swap3A_128, %swap3A_129], %swap3A_132 {strides = array<i32>} : memref<2x96xi32, #tpu.memory_space<vmem>>, vector<1x16xi32>,
    %get3A_133 = arith.constant 96 : index
    %get3A_134 = tpu.vector_load %arg10[%get3A_133] {strides = array<i32>} : memref<288xi32, #tpu.memory_space<vmem>>, vector<16xi32>,
    %get3A_135 = vector.shape_cast %get3A_134 : vector<16xi32> to vector<16xi32>
    %swap3A_136 = arith.constant 0 : i32
    %swap3A_137 = arith.index_cast %swap3A_136 : i32 to index
    %swap3A_138 = arith.constant 0 : index
    %swap3A_139 = tpu.vector_load %arg12[%swap3A_137, %swap3A_138] {strides = array<i32>} : memref<3x48xi32, #tpu.memory_space<vmem>>, vector<1x16xi32>,
    %swap3A_140 = vector.shape_cast %swap3A_139 : vector<1x16xi32> to vector<16xi32>
    %swap3A_141 = vector.shape_cast %get3A_135 : vector<16xi32> to vector<1x16xi32>
    tpu.vector_store %arg12[%swap3A_137, %swap3A_138], %swap3A_141 {strides = array<i32>} : memref<3x48xi32, #tpu.memory_space<vmem>>, vector<1x16xi32>,
    %get3A_142 = arith.constant 16 : index
    %get3A_143 = tpu.vector_load %arg10[%get3A_142] {strides = array<i32>} : memref<288xi32, #tpu.memory_space<vmem>>, vector<16xi32>,
    %get3A_144 = vector.shape_cast %get3A_143 : vector<16xi32> to vector<16xi32>
    %swap3A_145 = arith.constant 0 : i32
    %swap3A_146 = arith.index_cast %swap3A_145 : i32 to index
    %swap3A_147 = arith.constant 16 : index
    %swap3A_148 = tpu.vector_load %arg11[%swap3A_146, %swap3A_147] {strides = array<i32>} : memref<2x96xi32, #tpu.memory_space<vmem>>, vector<1x16xi32>,
    %swap3A_149 = vector.shape_cast %swap3A_148 : vector<1x16xi32> to vector<16xi32>
    %swap3A_150 = vector.shape_cast %get3A_144 : vector<16xi32> to vector<1x16xi32>
    tpu.vector_store %arg11[%swap3A_146, %swap3A_147], %swap3A_150 {strides = array<i32>} : memref<2x96xi32, #tpu.memory_space<vmem>>, vector<1x16xi32>,
    %get3A_151 = arith.constant 64 : index
    %get3A_152 = tpu.vector_load %arg10[%get3A_151] {strides = array<i32>} : memref<288xi32, #tpu.memory_space<vmem>>, vector<16xi32>,
    %get3A_153 = vector.shape_cast %get3A_152 : vector<16xi32> to vector<16xi32>
    %swap3A_154 = arith.constant 0 : i32
    %swap3A_155 = arith.index_cast %swap3A_154 : i32 to index
    %swap3A_156 = arith.constant 64 : index
    %swap3A_157 = tpu.vector_load %arg11[%swap3A_155, %swap3A_156] {strides = array<i32>} : memref<2x96xi32, #tpu.memory_space<vmem>>, vector<1x16xi32>,
    %swap3A_158 = vector.shape_cast %swap3A_157 : vector<1x16xi32> to vector<16xi32>
    %swap3A_159 = vector.shape_cast %get3A_153 : vector<16xi32> to vector<1x16xi32>
    tpu.vector_store %arg11[%swap3A_155, %swap3A_156], %swap3A_159 {strides = array<i32>} : memref<2x96xi32, #tpu.memory_space<vmem>>, vector<1x16xi32>,
    %get3A_160 = arith.constant 112 : index
    %get3A_161 = tpu.vector_load %arg10[%get3A_160] {strides = array<i32>} : memref<288xi32, #tpu.memory_space<vmem>>, vector<16xi32>,
    %get3A_162 = vector.shape_cast %get3A_161 : vector<16xi32> to vector<16xi32>
    %swap3A_163 = arith.constant 0 : i32
    %swap3A_164 = arith.index_cast %swap3A_163 : i32 to index
    %swap3A_165 = arith.constant 16 : index
    %swap3A_166 = tpu.vector_load %arg12[%swap3A_164, %swap3A_165] {strides = array<i32>} : memref<3x48xi32, #tpu.memory_space<vmem>>, vector<1x16xi32>,
    %swap3A_167 = vector.shape_cast %swap3A_166 : vector<1x16xi32> to vector<16xi32>
    %swap3A_168 = vector.shape_cast %get3A_162 : vector<16xi32> to vector<1x16xi32>
    tpu.vector_store %arg12[%swap3A_164, %swap3A_165], %swap3A_168 {strides = array<i32>} : memref<3x48xi32, #tpu.memory_space<vmem>>, vector<1x16xi32>,
    %get3A_169 = arith.constant 32 : index
    %get3A_170 = tpu.vector_load %arg10[%get3A_169] {strides = array<i32>} : memref<288xi32, #tpu.memory_space<vmem>>, vector<16xi32>,
    %get3A_171 = vector.shape_cast %get3A_170 : vector<16xi32> to vector<16xi32>
    %swap3A_172 = arith.constant 0 : i32
    %swap3A_173 = arith.index_cast %swap3A_172 : i32 to index
    %swap3A_174 = arith.constant 32 : index
    %swap3A_175 = tpu.vector_load %arg11[%swap3A_173, %swap3A_174] {strides = array<i32>} : memref<2x96xi32, #tpu.memory_space<vmem>>, vector<1x16xi32>,
    %swap3A_176 = vector.shape_cast %swap3A_175 : vector<1x16xi32> to vector<16xi32>
    %swap3A_177 = vector.shape_cast %get3A_171 : vector<16xi32> to vector<1x16xi32>
    tpu.vector_store %arg11[%swap3A_173, %swap3A_174], %swap3A_177 {strides = array<i32>} : memref<2x96xi32, #tpu.memory_space<vmem>>, vector<1x16xi32>,
    %get3A_178 = arith.constant 80 : index
    %get3A_179 = tpu.vector_load %arg10[%get3A_178] {strides = array<i32>} : memref<288xi32, #tpu.memory_space<vmem>>, vector<16xi32>,
    %get3A_180 = vector.shape_cast %get3A_179 : vector<16xi32> to vector<16xi32>
    %swap3A_181 = arith.constant 0 : i32
    %swap3A_182 = arith.index_cast %swap3A_181 : i32 to index
    %swap3A_183 = arith.constant 80 : index
    %swap3A_184 = tpu.vector_load %arg11[%swap3A_182, %swap3A_183] {strides = array<i32>} : memref<2x96xi32, #tpu.memory_space<vmem>>, vector<1x16xi32>,
    %swap3A_185 = vector.shape_cast %swap3A_184 : vector<1x16xi32> to vector<16xi32>
    %swap3A_186 = vector.shape_cast %get3A_180 : vector<16xi32> to vector<1x16xi32>
    tpu.vector_store %arg11[%swap3A_182, %swap3A_183], %swap3A_186 {strides = array<i32>} : memref<2x96xi32, #tpu.memory_space<vmem>>, vector<1x16xi32>,
    %get3A_187 = arith.constant 128 : index
    %get3A_188 = tpu.vector_load %arg10[%get3A_187] {strides = array<i32>} : memref<288xi32, #tpu.memory_space<vmem>>, vector<16xi32>,
    %get3A_189 = vector.shape_cast %get3A_188 : vector<16xi32> to vector<16xi32>
    %swap3A_190 = arith.constant 0 : i32
    %swap3A_191 = arith.index_cast %swap3A_190 : i32 to index
    %swap3A_192 = arith.constant 32 : index
    %swap3A_193 = tpu.vector_load %arg12[%swap3A_191, %swap3A_192] {strides = array<i32>} : memref<3x48xi32, #tpu.memory_space<vmem>>, vector<1x16xi32>,
    %swap3A_194 = vector.shape_cast %swap3A_193 : vector<1x16xi32> to vector<16xi32>
    %swap3A_195 = vector.shape_cast %get3A_189 : vector<16xi32> to vector<1x16xi32>
    tpu.vector_store %arg12[%swap3A_191, %swap3A_192], %swap3A_195 {strides = array<i32>} : memref<3x48xi32, #tpu.memory_space<vmem>>, vector<1x16xi32>,
    %add3A_196 = arith.constant 1 : i32
    %add3A_197 = arith.addi %mul3A_2, %add3A_196 : i32
    %mul3A_198 = arith.constant 144 : i32
    %mul3A_199 = arith.muli %add3A_197, %mul3A_198 : i32
    %dma_start3A_200 = arith.constant 144 : i32
    %dma_start3A_201 = tpu.memref_slice %arg10[%dma_start3A_200] : memref<288xi32, #tpu.memory_space<vmem>> -> memref<144xi32, #tpu.memory_space<vmem>>
    %dma_start3A_202 = tpu.memref_slice %arg3[%mul3A_199] : memref<967680xi32, #tpu.memory_space<hbm>> -> memref<144xi32, #tpu.memory_space<hbm>>
    %dma_start3A_203 = arith.constant 144 : i32
    %dma_start3A_204 = tpu.memref_slice %arg10[%dma_start3A_203] : memref<288xi32, #tpu.memory_space<vmem>> -> memref<144xi32, #tpu.memory_space<vmem>>
    %dma_start3A_205 = tpu.memref_slice %arg3[%mul3A_199] : memref<967680xi32, #tpu.memory_space<hbm>> -> memref<144xi32, #tpu.memory_space<hbm>>
    tpu.enqueue_dma source(%dma_start3A_205 : memref<144xi32, #tpu.memory_space<hbm>>) target(%dma_start3A_204 : memref<144xi32, #tpu.memory_space<vmem>>) target_semaphore(%arg21 : memref<!tpu.dma_semaphore, #tpu.memory_space<semaphore_mem>>)
    %add3A_206 = arith.constant 1 : i32
    %add3A_207 = arith.addi %mul3A_2, %add3A_206 : i32
    %mul3A_208 = arith.constant 48 : i32
    %mul3A_209 = arith.muli %add3A_207, %mul3A_208 : i32
    %dma_start3A_210 = arith.constant 48 : i32
    %dma_start3A_211 = tpu.memref_slice %arg13[%dma_start3A_210] : memref<1536xf32, #tpu.memory_space<vmem>> -> memref<48xf32, #tpu.memory_space<vmem>>
    %dma_start3A_212 = tpu.memref_slice %arg4[%mul3A_209] : memref<322560xf32, #tpu.memory_space<hbm>> -> memref<48xf32, #tpu.memory_space<hbm>>
    %dma_start3A_213 = arith.constant 48 : i32
    %dma_start3A_214 = tpu.memref_slice %arg13[%dma_start3A_213] : memref<1536xf32, #tpu.memory_space<vmem>> -> memref<48xf32, #tpu.memory_space<vmem>>
    %dma_start3A_215 = tpu.memref_slice %arg4[%mul3A_209] : memref<322560xf32, #tpu.memory_space<hbm>> -> memref<48xf32, #tpu.memory_space<hbm>>
    tpu.enqueue_dma source(%dma_start3A_215 : memref<48xf32, #tpu.memory_space<hbm>>) target(%dma_start3A_214 : memref<48xf32, #tpu.memory_space<vmem>>) target_semaphore(%arg22 : memref<!tpu.dma_semaphore, #tpu.memory_space<semaphore_mem>>)
    %dma_start3A_216 = arith.constant 0 : i32
    %dma_start3A_217 = arith.constant 0 : i32
    %dma_start3A_218 = arith.constant 0 : i32
    %dma_start3A_219 = tpu.memref_slice %arg14[%dma_start3A_217, %dma_start3A_218] : memref<192x128xf32, #tpu.memory_space<vmem>> -> memref<96x128xf32, #tpu.memory_space<vmem>>
    %dma_start3A_220 = arith.constant 0 : i32
    %dma_start3A_221 = tpu.memref_slice %arg11[%dma_start3A_216, %dma_start3A_220] : memref<2x96xi32, #tpu.memory_space<vmem>> -> memref<1x96xi32, #tpu.memory_space<vmem>>
    %dma_start3A_222 = tpu.memref_squeeze %dma_start3A_221 : memref<1x96xi32, #tpu.memory_space<vmem>> -> memref<96xi32, #tpu.memory_space<vmem>>
    %dma_start3A_223 = arith.constant 0 : i32
    %dma_start3A_224 = arith.constant 0 : i32
    %dma_start3A_225 = tpu.memref_slice %arg2[%dma_start3A_223, %dma_start3A_224] : memref<20000x128xf32, #tpu.memory_space<hbm>> -> memref<20000x128xf32, #tpu.memory_space<hbm>>
    tpu.enqueue_indirect_dma source(%dma_start3A_225 : memref<20000x128xf32, #tpu.memory_space<hbm>>) target(%dma_start3A_219 : memref<96x128xf32, #tpu.memory_space<vmem>>) offsets(%dma_start3A_222 : memref<96xi32, #tpu.memory_space<vmem>>) semaphore(%arg23 : memref<!tpu.dma_semaphore, #tpu.memory_space<semaphore_mem>>)
    %scan3A_226 = arith.constant 0 : i32
    %scan3A_227 = arith.constant 0 : i32
    %scan3A_228 = arith.constant 210 : i32
    %scan3A_229 = arith.addi %scan3A_227, %scan3A_228 : i32
    %scan3A_230 = arith.constant 1 : i32
    scf.for %scan3A_253 = %scan3A_227 to %scan3A_229 step %scan3A_230  : i32 {
      %ge3A = arith.constant 2 : i32
      %ge3A_254 = arith.cmpi sge, %scan3A_253, %ge3A : i32
      %convert_element_type3A = arith.extui %ge3A_254 : i1 to i32
      %cond3A = arith.constant 0 : i32
      %cond3A_255 = arith.cmpi ne, %convert_element_type3A, %cond3A : i32
      scf.if %cond3A_255 {
        %sub3A_457 = arith.constant 2 : i32
        %sub3A_458 = arith.subi %scan3A_253, %sub3A_457 : i32
        %jit3A_459 = arith.constant 2 : i32
        %eq3A_460 = arith.constant 0 : i32
        %eq3A_461 = arith.cmpi eq, %jit3A_459, %eq3A_460 : i32
        %jit3A_462 = arith.constant 1 : i32
        %select_n3A_463 = arith.select %eq3A_461, %jit3A_462, %jit3A_459 : i32
        %rem3A_464 = arith.remsi %sub3A_458, %select_n3A_463 : i32
        %ne3A_465 = arith.constant 0 : i32
        %ne3A_466 = arith.cmpi ne, %rem3A_464, %ne3A_465 : i32
        %lt3A_467 = arith.constant 0 : i32
        %lt3A_468 = arith.cmpi slt, %rem3A_464, %lt3A_467 : i32
        %lt3A_469 = arith.constant 0 : i32
        %lt3A_470 = arith.cmpi slt, %select_n3A_463, %lt3A_469 : i32
        %ne3A_471 = arith.xori %lt3A_468, %lt3A_470 : i1
        %and3A_472 = arith.andi %ne3A_471, %ne3A_466 : i1
        %add3A_473 = arith.addi %rem3A_464, %select_n3A_463 : i32
        %select_n3A_474 = arith.select %and3A_472, %add3A_473, %rem3A_464 : i32
        %mul3A_475 = arith.constant 48 : i32
        %mul3A_476 = arith.muli %select_n3A_474, %mul3A_475 : i32
        %jit3A_477 = arith.constant 3 : i32
        %eq3A_478 = arith.constant 0 : i32
        %eq3A_479 = arith.cmpi eq, %jit3A_477, %eq3A_478 : i32
        %jit3A_480 = arith.constant 1 : i32
        %select_n3A_481 = arith.select %eq3A_479, %jit3A_480, %jit3A_477 : i32
        %rem3A_482 = arith.remsi %sub3A_458, %select_n3A_481 : i32
        %ne3A_483 = arith.constant 0 : i32
        %ne3A_484 = arith.cmpi ne, %rem3A_482, %ne3A_483 : i32
        %lt3A_485 = arith.constant 0 : i32
        %lt3A_486 = arith.cmpi slt, %rem3A_482, %lt3A_485 : i32
        %lt3A_487 = arith.constant 0 : i32
        %lt3A_488 = arith.cmpi slt, %select_n3A_481, %lt3A_487 : i32
        %ne3A_489 = arith.xori %lt3A_486, %lt3A_488 : i1
        %and3A_490 = arith.andi %ne3A_489, %ne3A_484 : i1
        %add3A_491 = arith.addi %rem3A_482, %select_n3A_481 : i32
        %select_n3A_492 = arith.select %and3A_490, %add3A_491, %rem3A_482 : i32
        %dma_wait3A_493 = arith.constant 0 : i32
        %dma_wait3A_494 = tpu.memref_slice %arg15[%mul3A_476, %dma_wait3A_493] : memref<96x144xf32, #tpu.memory_space<vmem>> -> memref<48x144xf32, #tpu.memory_space<vmem>>
        %dma_wait3A_495 = arith.constant 0 : i32
        %dma_wait3A_496 = tpu.memref_slice %arg12[%select_n3A_492, %dma_wait3A_495] : memref<3x48xi32, #tpu.memory_space<vmem>> -> memref<1x48xi32, #tpu.memory_space<vmem>>
        %dma_wait3A_497 = tpu.memref_squeeze %dma_wait3A_496 : memref<1x48xi32, #tpu.memory_space<vmem>> -> memref<48xi32, #tpu.memory_space<vmem>>
        %dma_wait3A_498 = arith.constant 0 : i32
        %dma_wait3A_499 = arith.constant 0 : i32
        %dma_wait3A_500 = tpu.memref_slice %arg20[%dma_wait3A_498, %dma_wait3A_499] : memref<10016x144xf32, #tpu.memory_space<vmem_shared>> -> memref<10016x144xf32, #tpu.memory_space<vmem_shared>>
        tpu.wait_indirect_dma semaphore(%arg24 : memref<!tpu.dma_semaphore, #tpu.memory_space<semaphore_mem>>) src(%dma_wait3A_494 : memref<48x144xf32, #tpu.memory_space<vmem>>) dst(%dma_wait3A_500 : memref<10016x144xf32, #tpu.memory_space<vmem_shared>>)
      } else {
      }
      %add3A_256 = arith.constant 1 : i32
      %add3A_257 = arith.addi %scan3A_253, %add3A_256 : i32
      %lt3A = arith.constant 210 : i32
      %lt3A_258 = arith.cmpi slt, %add3A_257, %lt3A : i32
      %convert_element_type3A_259 = arith.extui %lt3A_258 : i1 to i32
      %cond3A_260 = arith.constant 0 : i32
      %cond3A_261 = arith.cmpi ne, %convert_element_type3A_259, %cond3A_260 : i32
      scf.if %cond3A_261 {
        %add3A_457 = arith.constant 1 : i32
        %add3A_458 = arith.addi %scan3A_253, %add3A_457 : i32
        %add3A_459 = arith.addi %mul3A_2, %add3A_458 : i32
        %mul3A_460 = arith.constant 144 : i32
        %mul3A_461 = arith.muli %add3A_459, %mul3A_460 : i32
        %jit3A_462 = arith.constant 2 : i32
        %eq3A_463 = arith.constant 0 : i32
        %eq3A_464 = arith.cmpi eq, %jit3A_462, %eq3A_463 : i32
        %jit3A_465 = arith.constant 1 : i32
        %select_n3A_466 = arith.select %eq3A_464, %jit3A_465, %jit3A_462 : i32
        %rem3A_467 = arith.remsi %add3A_458, %select_n3A_466 : i32
        %ne3A_468 = arith.constant 0 : i32
        %ne3A_469 = arith.cmpi ne, %rem3A_467, %ne3A_468 : i32
        %lt3A_470 = arith.constant 0 : i32
        %lt3A_471 = arith.cmpi slt, %rem3A_467, %lt3A_470 : i32
        %lt3A_472 = arith.constant 0 : i32
        %lt3A_473 = arith.cmpi slt, %select_n3A_466, %lt3A_472 : i32
        %ne3A_474 = arith.xori %lt3A_471, %lt3A_473 : i1
        %and3A_475 = arith.andi %ne3A_474, %ne3A_469 : i1
        %add3A_476 = arith.addi %rem3A_467, %select_n3A_466 : i32
        %select_n3A_477 = arith.select %and3A_475, %add3A_476, %rem3A_467 : i32
        %mul3A_478 = arith.constant 144 : i32
        %mul3A_479 = arith.muli %select_n3A_477, %mul3A_478 : i32
        %dma_wait3A_480 = tpu.memref_slice %arg10[%mul3A_479] : memref<288xi32, #tpu.memory_space<vmem>> -> memref<144xi32, #tpu.memory_space<vmem>>
        %dma_wait3A_481 = tpu.memref_slice %arg3[%mul3A_461] : memref<967680xi32, #tpu.memory_space<hbm>> -> memref<144xi32, #tpu.memory_space<hbm>>
        %dma_wait3A_482 = tpu.memref_slice %arg10[%mul3A_479] : memref<288xi32, #tpu.memory_space<vmem>> -> memref<144xi32, #tpu.memory_space<vmem>>
        %dma_wait3A_483 = tpu.memref_slice %arg3[%mul3A_461] : memref<967680xi32, #tpu.memory_space<hbm>> -> memref<144xi32, #tpu.memory_space<hbm>>
        tpu.wait_dma2 semaphore(%arg21 : memref<!tpu.dma_semaphore, #tpu.memory_space<semaphore_mem>>) src(%dma_wait3A_483 : memref<144xi32, #tpu.memory_space<hbm>>) dst(%dma_wait3A_482 : memref<144xi32, #tpu.memory_space<vmem>>)
      } else {
      }
      %add3A_262 = arith.constant 1 : i32
      %add3A_263 = arith.addi %scan3A_253, %add3A_262 : i32
      %lt3A_264 = arith.constant 210 : i32
      %lt3A_265 = arith.cmpi slt, %add3A_263, %lt3A_264 : i32
      %convert_element_type3A_266 = arith.extui %lt3A_265 : i1 to i32
      %cond3A_267 = arith.constant 0 : i32
      %cond3A_268 = arith.cmpi ne, %convert_element_type3A_266, %cond3A_267 : i32
      scf.if %cond3A_268 {
        %add3A_457 = arith.constant 1 : i32
        %add3A_458 = arith.addi %scan3A_253, %add3A_457 : i32
        %jit3A_459 = arith.constant 2 : i32
        %eq3A_460 = arith.constant 0 : i32
        %eq3A_461 = arith.cmpi eq, %jit3A_459, %eq3A_460 : i32
        %jit3A_462 = arith.constant 1 : i32
        %select_n3A_463 = arith.select %eq3A_461, %jit3A_462, %jit3A_459 : i32
        %rem3A_464 = arith.remsi %add3A_458, %select_n3A_463 : i32
        %ne3A_465 = arith.constant 0 : i32
        %ne3A_466 = arith.cmpi ne, %rem3A_464, %ne3A_465 : i32
        %lt3A_467 = arith.constant 0 : i32
        %lt3A_468 = arith.cmpi slt, %rem3A_464, %lt3A_467 : i32
        %lt3A_469 = arith.constant 0 : i32
        %lt3A_470 = arith.cmpi slt, %select_n3A_463, %lt3A_469 : i32
        %ne3A_471 = arith.xori %lt3A_468, %lt3A_470 : i1
        %and3A_472 = arith.andi %ne3A_471, %ne3A_466 : i1
        %add3A_473 = arith.addi %rem3A_464, %select_n3A_463 : i32
        %select_n3A_474 = arith.select %and3A_472, %add3A_473, %rem3A_464 : i32
        %jit3A_475 = arith.constant 3 : i32
        %eq3A_476 = arith.constant 0 : i32
        %eq3A_477 = arith.cmpi eq, %jit3A_475, %eq3A_476 : i32
        %jit3A_478 = arith.constant 1 : i32
        %select_n3A_479 = arith.select %eq3A_477, %jit3A_478, %jit3A_475 : i32
        %rem3A_480 = arith.remsi %add3A_458, %select_n3A_479 : i32
        %ne3A_481 = arith.constant 0 : i32
        %ne3A_482 = arith.cmpi ne, %rem3A_480, %ne3A_481 : i32
        %lt3A_483 = arith.constant 0 : i32
        %lt3A_484 = arith.cmpi slt, %rem3A_480, %lt3A_483 : i32
        %lt3A_485 = arith.constant 0 : i32
        %lt3A_486 = arith.cmpi slt, %select_n3A_479, %lt3A_485 : i32
        %ne3A_487 = arith.xori %lt3A_484, %lt3A_486 : i1
        %and3A_488 = arith.andi %ne3A_487, %ne3A_482 : i1
        %add3A_489 = arith.addi %rem3A_480, %select_n3A_479 : i32
        %select_n3A_490 = arith.select %and3A_488, %add3A_489, %rem3A_480 : i32
        %mul3A_491 = arith.constant 144 : i32
        %mul3A_492 = arith.muli %select_n3A_474, %mul3A_491 : i32
        %add3A_493 = arith.constant 0 : i32
        %add3A_494 = arith.addi %mul3A_492, %add3A_493 : i32
        %get3A_495 = arith.index_cast %add3A_494 : i32 to index
        %get3A_496 = tpu.vector_load %arg10[%get3A_495] {strides = array<i32>} : memref<288xi32, #tpu.memory_space<vmem>>, vector<16xi32>,
        %get3A_497 = vector.shape_cast %get3A_496 : vector<16xi32> to vector<16xi32>
        %swap3A_498 = arith.index_cast %select_n3A_474 : i32 to index
        %swap3A_499 = arith.constant 0 : index
        %swap3A_500 = tpu.vector_load %arg11[%swap3A_498, %swap3A_499] {strides = array<i32>} : memref<2x96xi32, #tpu.memory_space<vmem>>, vector<1x16xi32>,
        %swap3A_501 = vector.shape_cast %swap3A_500 : vector<1x16xi32> to vector<16xi32>
        %swap3A_502 = vector.shape_cast %get3A_497 : vector<16xi32> to vector<1x16xi32>
        tpu.vector_store %arg11[%swap3A_498, %swap3A_499], %swap3A_502 {strides = array<i32>} : memref<2x96xi32, #tpu.memory_space<vmem>>, vector<1x16xi32>,
        %add3A_503 = arith.constant 48 : i32
        %add3A_504 = arith.addi %mul3A_492, %add3A_503 : i32
        %add3A_505 = arith.constant 0 : i32
        %add3A_506 = arith.addi %add3A_504, %add3A_505 : i32
        %get3A_507 = arith.index_cast %add3A_506 : i32 to index
        %get3A_508 = tpu.vector_load %arg10[%get3A_507] {strides = array<i32>} : memref<288xi32, #tpu.memory_space<vmem>>, vector<16xi32>,
        %get3A_509 = vector.shape_cast %get3A_508 : vector<16xi32> to vector<16xi32>
        %swap3A_510 = arith.index_cast %select_n3A_474 : i32 to index
        %swap3A_511 = arith.constant 48 : index
        %swap3A_512 = tpu.vector_load %arg11[%swap3A_510, %swap3A_511] {strides = array<i32>} : memref<2x96xi32, #tpu.memory_space<vmem>>, vector<1x16xi32>,
        %swap3A_513 = vector.shape_cast %swap3A_512 : vector<1x16xi32> to vector<16xi32>
        %swap3A_514 = vector.shape_cast %get3A_509 : vector<16xi32> to vector<1x16xi32>
        tpu.vector_store %arg11[%swap3A_510, %swap3A_511], %swap3A_514 {strides = array<i32>} : memref<2x96xi32, #tpu.memory_space<vmem>>, vector<1x16xi32>,
        %add3A_515 = arith.constant 96 : i32
        %add3A_516 = arith.addi %mul3A_492, %add3A_515 : i32
        %add3A_517 = arith.constant 0 : i32
        %add3A_518 = arith.addi %add3A_516, %add3A_517 : i32
        %get3A_519 = arith.index_cast %add3A_518 : i32 to index
        %get3A_520 = tpu.vector_load %arg10[%get3A_519] {strides = array<i32>} : memref<288xi32, #tpu.memory_space<vmem>>, vector<16xi32>,
        %get3A_521 = vector.shape_cast %get3A_520 : vector<16xi32> to vector<16xi32>
        %swap3A_522 = arith.index_cast %select_n3A_490 : i32 to index
        %swap3A_523 = arith.constant 0 : index
        %swap3A_524 = tpu.vector_load %arg12[%swap3A_522, %swap3A_523] {strides = array<i32>} : memref<3x48xi32, #tpu.memory_space<vmem>>, vector<1x16xi32>,
        %swap3A_525 = vector.shape_cast %swap3A_524 : vector<1x16xi32> to vector<16xi32>
        %swap3A_526 = vector.shape_cast %get3A_521 : vector<16xi32> to vector<1x16xi32>
        tpu.vector_store %arg12[%swap3A_522, %swap3A_523], %swap3A_526 {strides = array<i32>} : memref<3x48xi32, #tpu.memory_space<vmem>>, vector<1x16xi32>,
        %add3A_527 = arith.constant 16 : i32
        %add3A_528 = arith.addi %mul3A_492, %add3A_527 : i32
        %get3A_529 = arith.index_cast %add3A_528 : i32 to index
        %get3A_530 = tpu.vector_load %arg10[%get3A_529] {strides = array<i32>} : memref<288xi32, #tpu.memory_space<vmem>>, vector<16xi32>,
        %get3A_531 = vector.shape_cast %get3A_530 : vector<16xi32> to vector<16xi32>
        %swap3A_532 = arith.index_cast %select_n3A_474 : i32 to index
        %swap3A_533 = arith.constant 16 : index
        %swap3A_534 = tpu.vector_load %arg11[%swap3A_532, %swap3A_533] {strides = array<i32>} : memref<2x96xi32, #tpu.memory_space<vmem>>, vector<1x16xi32>,
        %swap3A_535 = vector.shape_cast %swap3A_534 : vector<1x16xi32> to vector<16xi32>
        %swap3A_536 = vector.shape_cast %get3A_531 : vector<16xi32> to vector<1x16xi32>
        tpu.vector_store %arg11[%swap3A_532, %swap3A_533], %swap3A_536 {strides = array<i32>} : memref<2x96xi32, #tpu.memory_space<vmem>>, vector<1x16xi32>,
        %add3A_537 = arith.constant 48 : i32
        %add3A_538 = arith.addi %mul3A_492, %add3A_537 : i32
        %add3A_539 = arith.constant 16 : i32
        %add3A_540 = arith.addi %add3A_538, %add3A_539 : i32
        %get3A_541 = arith.index_cast %add3A_540 : i32 to index
        %get3A_542 = tpu.vector_load %arg10[%get3A_541] {strides = array<i32>} : memref<288xi32, #tpu.memory_space<vmem>>, vector<16xi32>,
        %get3A_543 = vector.shape_cast %get3A_542 : vector<16xi32> to vector<16xi32>
        %swap3A_544 = arith.index_cast %select_n3A_474 : i32 to index
        %swap3A_545 = arith.constant 64 : index
        %swap3A_546 = tpu.vector_load %arg11[%swap3A_544, %swap3A_545] {strides = array<i32>} : memref<2x96xi32, #tpu.memory_space<vmem>>, vector<1x16xi32>,
        %swap3A_547 = vector.shape_cast %swap3A_546 : vector<1x16xi32> to vector<16xi32>
        %swap3A_548 = vector.shape_cast %get3A_543 : vector<16xi32> to vector<1x16xi32>
        tpu.vector_store %arg11[%swap3A_544, %swap3A_545], %swap3A_548 {strides = array<i32>} : memref<2x96xi32, #tpu.memory_space<vmem>>, vector<1x16xi32>,
        %add3A_549 = arith.constant 96 : i32
        %add3A_550 = arith.addi %mul3A_492, %add3A_549 : i32
        %add3A_551 = arith.constant 16 : i32
        %add3A_552 = arith.addi %add3A_550, %add3A_551 : i32
        %get3A_553 = arith.index_cast %add3A_552 : i32 to index
        %get3A_554 = tpu.vector_load %arg10[%get3A_553] {strides = array<i32>} : memref<288xi32, #tpu.memory_space<vmem>>, vector<16xi32>,
        %get3A_555 = vector.shape_cast %get3A_554 : vector<16xi32> to vector<16xi32>
        %swap3A_556 = arith.index_cast %select_n3A_490 : i32 to index
        %swap3A_557 = arith.constant 16 : index
        %swap3A_558 = tpu.vector_load %arg12[%swap3A_556, %swap3A_557] {strides = array<i32>} : memref<3x48xi32, #tpu.memory_space<vmem>>, vector<1x16xi32>,
        %swap3A_559 = vector.shape_cast %swap3A_558 : vector<1x16xi32> to vector<16xi32>
        %swap3A_560 = vector.shape_cast %get3A_555 : vector<16xi32> to vector<1x16xi32>
        tpu.vector_store %arg12[%swap3A_556, %swap3A_557], %swap3A_560 {strides = array<i32>} : memref<3x48xi32, #tpu.memory_space<vmem>>, vector<1x16xi32>,
        %add3A_561 = arith.constant 32 : i32
        %add3A_562 = arith.addi %mul3A_492, %add3A_561 : i32
        %get3A_563 = arith.index_cast %add3A_562 : i32 to index
        %get3A_564 = tpu.vector_load %arg10[%get3A_563] {strides = array<i32>} : memref<288xi32, #tpu.memory_space<vmem>>, vector<16xi32>,
        %get3A_565 = vector.shape_cast %get3A_564 : vector<16xi32> to vector<16xi32>
        %swap3A_566 = arith.index_cast %select_n3A_474 : i32 to index
        %swap3A_567 = arith.constant 32 : index
        %swap3A_568 = tpu.vector_load %arg11[%swap3A_566, %swap3A_567] {strides = array<i32>} : memref<2x96xi32, #tpu.memory_space<vmem>>, vector<1x16xi32>,
        %swap3A_569 = vector.shape_cast %swap3A_568 : vector<1x16xi32> to vector<16xi32>
        %swap3A_570 = vector.shape_cast %get3A_565 : vector<16xi32> to vector<1x16xi32>
        tpu.vector_store %arg11[%swap3A_566, %swap3A_567], %swap3A_570 {strides = array<i32>} : memref<2x96xi32, #tpu.memory_space<vmem>>, vector<1x16xi32>,
        %add3A_571 = arith.constant 48 : i32
        %add3A_572 = arith.addi %mul3A_492, %add3A_571 : i32
        %add3A_573 = arith.constant 32 : i32
        %add3A_574 = arith.addi %add3A_572, %add3A_573 : i32
        %get3A_575 = arith.index_cast %add3A_574 : i32 to index
        %get3A_576 = tpu.vector_load %arg10[%get3A_575] {strides = array<i32>} : memref<288xi32, #tpu.memory_space<vmem>>, vector<16xi32>,
        %get3A_577 = vector.shape_cast %get3A_576 : vector<16xi32> to vector<16xi32>
        %swap3A_578 = arith.index_cast %select_n3A_474 : i32 to index
        %swap3A_579 = arith.constant 80 : index
        %swap3A_580 = tpu.vector_load %arg11[%swap3A_578, %swap3A_579] {strides = array<i32>} : memref<2x96xi32, #tpu.memory_space<vmem>>, vector<1x16xi32>,
        %swap3A_581 = vector.shape_cast %swap3A_580 : vector<1x16xi32> to vector<16xi32>
        %swap3A_582 = vector.shape_cast %get3A_577 : vector<16xi32> to vector<1x16xi32>
        tpu.vector_store %arg11[%swap3A_578, %swap3A_579], %swap3A_582 {strides = array<i32>} : memref<2x96xi32, #tpu.memory_space<vmem>>, vector<1x16xi32>,
        %add3A_583 = arith.constant 96 : i32
        %add3A_584 = arith.addi %mul3A_492, %add3A_583 : i32
        %add3A_585 = arith.constant 32 : i32
        %add3A_586 = arith.addi %add3A_584, %add3A_585 : i32
        %get3A_587 = arith.index_cast %add3A_586 : i32 to index
        %get3A_588 = tpu.vector_load %arg10[%get3A_587] {strides = array<i32>} : memref<288xi32, #tpu.memory_space<vmem>>, vector<16xi32>,
        %get3A_589 = vector.shape_cast %get3A_588 : vector<16xi32> to vector<16xi32>
        %swap3A_590 = arith.index_cast %select_n3A_490 : i32 to index
        %swap3A_591 = arith.constant 32 : index
        %swap3A_592 = tpu.vector_load %arg12[%swap3A_590, %swap3A_591] {strides = array<i32>} : memref<3x48xi32, #tpu.memory_space<vmem>>, vector<1x16xi32>,
        %swap3A_593 = vector.shape_cast %swap3A_592 : vector<1x16xi32> to vector<16xi32>
        %swap3A_594 = vector.shape_cast %get3A_589 : vector<16xi32> to vector<1x16xi32>
        tpu.vector_store %arg12[%swap3A_590, %swap3A_591], %swap3A_594 {strides = array<i32>} : memref<3x48xi32, #tpu.memory_space<vmem>>, vector<1x16xi32>,
      } else {
      }
      %add3A_269 = arith.constant 2 : i32
      %add3A_270 = arith.addi %scan3A_253, %add3A_269 : i32
      %lt3A_271 = arith.constant 210 : i32
      %lt3A_272 = arith.cmpi slt, %add3A_270, %lt3A_271 : i32
      %convert_element_type3A_273 = arith.extui %lt3A_272 : i1 to i32
      %cond3A_274 = arith.constant 0 : i32
      %cond3A_275 = arith.cmpi ne, %convert_element_type3A_273, %cond3A_274 : i32
      scf.if %cond3A_275 {
        %add3A_457 = arith.constant 2 : i32
        %add3A_458 = arith.addi %scan3A_253, %add3A_457 : i32
        %add3A_459 = arith.addi %mul3A_2, %add3A_458 : i32
        %mul3A_460 = arith.constant 144 : i32
        %mul3A_461 = arith.muli %add3A_459, %mul3A_460 : i32
        %jit3A_462 = arith.constant 2 : i32
        %eq3A_463 = arith.constant 0 : i32
        %eq3A_464 = arith.cmpi eq, %jit3A_462, %eq3A_463 : i32
        %jit3A_465 = arith.constant 1 : i32
        %select_n3A_466 = arith.select %eq3A_464, %jit3A_465, %jit3A_462 : i32
        %rem3A_467 = arith.remsi %add3A_458, %select_n3A_466 : i32
        %ne3A_468 = arith.constant 0 : i32
        %ne3A_469 = arith.cmpi ne, %rem3A_467, %ne3A_468 : i32
        %lt3A_470 = arith.constant 0 : i32
        %lt3A_471 = arith.cmpi slt, %rem3A_467, %lt3A_470 : i32
        %lt3A_472 = arith.constant 0 : i32
        %lt3A_473 = arith.cmpi slt, %select_n3A_466, %lt3A_472 : i32
        %ne3A_474 = arith.xori %lt3A_471, %lt3A_473 : i1
        %and3A_475 = arith.andi %ne3A_474, %ne3A_469 : i1
        %add3A_476 = arith.addi %rem3A_467, %select_n3A_466 : i32
        %select_n3A_477 = arith.select %and3A_475, %add3A_476, %rem3A_467 : i32
        %mul3A_478 = arith.constant 144 : i32
        %mul3A_479 = arith.muli %select_n3A_477, %mul3A_478 : i32
        %dma_start3A_480 = tpu.memref_slice %arg10[%mul3A_479] : memref<288xi32, #tpu.memory_space<vmem>> -> memref<144xi32, #tpu.memory_space<vmem>>
        %dma_start3A_481 = tpu.memref_slice %arg3[%mul3A_461] : memref<967680xi32, #tpu.memory_space<hbm>> -> memref<144xi32, #tpu.memory_space<hbm>>
        %dma_start3A_482 = tpu.memref_slice %arg10[%mul3A_479] : memref<288xi32, #tpu.memory_space<vmem>> -> memref<144xi32, #tpu.memory_space<vmem>>
        %dma_start3A_483 = tpu.memref_slice %arg3[%mul3A_461] : memref<967680xi32, #tpu.memory_space<hbm>> -> memref<144xi32, #tpu.memory_space<hbm>>
        tpu.enqueue_dma source(%dma_start3A_483 : memref<144xi32, #tpu.memory_space<hbm>>) target(%dma_start3A_482 : memref<144xi32, #tpu.memory_space<vmem>>) target_semaphore(%arg21 : memref<!tpu.dma_semaphore, #tpu.memory_space<semaphore_mem>>)
      } else {
      }
      %jit3A = arith.constant 2 : i32
      %eq3A = arith.constant 0 : i32
      %eq3A_276 = arith.cmpi eq, %jit3A, %eq3A : i32
      %jit3A_277 = arith.constant 1 : i32
      %select_n3A = arith.select %eq3A_276, %jit3A_277, %jit3A : i32
      %rem3A = arith.remsi %scan3A_253, %select_n3A : i32
      %ne3A = arith.constant 0 : i32
      %ne3A_278 = arith.cmpi ne, %rem3A, %ne3A : i32
      %lt3A_279 = arith.constant 0 : i32
      %lt3A_280 = arith.cmpi slt, %rem3A, %lt3A_279 : i32
      %lt3A_281 = arith.constant 0 : i32
      %lt3A_282 = arith.cmpi slt, %select_n3A, %lt3A_281 : i32
      %ne3A_283 = arith.xori %lt3A_280, %lt3A_282 : i1
      %and3A = arith.andi %ne3A_283, %ne3A_278 : i1
      %add3A_284 = arith.addi %rem3A, %select_n3A : i32
      %select_n3A_285 = arith.select %and3A, %add3A_284, %rem3A : i32
      %jit3A_286 = arith.constant 2 : i32
      %eq3A_287 = arith.constant 0 : i32
      %eq3A_288 = arith.cmpi eq, %jit3A_286, %eq3A_287 : i32
      %jit3A_289 = arith.constant 1 : i32
      %select_n3A_290 = arith.select %eq3A_288, %jit3A_289, %jit3A_286 : i32
      %rem3A_291 = arith.remsi %scan3A_253, %select_n3A_290 : i32
      %ne3A_292 = arith.constant 0 : i32
      %ne3A_293 = arith.cmpi ne, %rem3A_291, %ne3A_292 : i32
      %lt3A_294 = arith.constant 0 : i32
      %lt3A_295 = arith.cmpi slt, %rem3A_291, %lt3A_294 : i32
      %lt3A_296 = arith.constant 0 : i32
      %lt3A_297 = arith.cmpi slt, %select_n3A_290, %lt3A_296 : i32
      %ne3A_298 = arith.xori %lt3A_295, %lt3A_297 : i1
      %and3A_299 = arith.andi %ne3A_298, %ne3A_293 : i1
      %add3A_300 = arith.addi %rem3A_291, %select_n3A_290 : i32
      %select_n3A_301 = arith.select %and3A_299, %add3A_300, %rem3A_291 : i32
      %mul3A_302 = arith.constant 2 : i32
      %mul3A_303 = arith.muli %select_n3A_301, %mul3A_302 : i32
      %mul3A_304 = arith.constant 48 : i32
      %mul3A_305 = arith.muli %mul3A_303, %mul3A_304 : i32
      %dma_wait3A_306 = arith.constant 0 : i32
      %dma_wait3A_307 = tpu.memref_slice %arg14[%mul3A_305, %dma_wait3A_306] : memref<192x128xf32, #tpu.memory_space<vmem>> -> memref<96x128xf32, #tpu.memory_space<vmem>>
      %dma_wait3A_308 = arith.constant 0 : i32
      %dma_wait3A_309 = tpu.memref_slice %arg11[%select_n3A_285, %dma_wait3A_308] : memref<2x96xi32, #tpu.memory_space<vmem>> -> memref<1x96xi32, #tpu.memory_space<vmem>>
      %dma_wait3A_310 = tpu.memref_squeeze %dma_wait3A_309 : memref<1x96xi32, #tpu.memory_space<vmem>> -> memref<96xi32, #tpu.memory_space<vmem>>
      %dma_wait3A_311 = arith.constant 0 : i32
      %dma_wait3A_312 = arith.constant 0 : i32
      %dma_wait3A_313 = tpu.memref_slice %arg2[%dma_wait3A_311, %dma_wait3A_312] : memref<20000x128xf32, #tpu.memory_space<hbm>> -> memref<20000x128xf32, #tpu.memory_space<hbm>>
      tpu.wait_indirect_dma semaphore(%arg23 : memref<!tpu.dma_semaphore, #tpu.memory_space<semaphore_mem>>) src(%dma_wait3A_313 : memref<20000x128xf32, #tpu.memory_space<hbm>>) dst(%dma_wait3A_307 : memref<96x128xf32, #tpu.memory_space<vmem>>)
      %add3A_314 = arith.constant 1 : i32
      %add3A_315 = arith.addi %scan3A_253, %add3A_314 : i32
      %lt3A_316 = arith.constant 210 : i32
      %lt3A_317 = arith.cmpi slt, %add3A_315, %lt3A_316 : i32
      %convert_element_type3A_318 = arith.extui %lt3A_317 : i1 to i32
      %cond3A_319 = arith.constant 0 : i32
      %cond3A_320 = arith.cmpi ne, %convert_element_type3A_318, %cond3A_319 : i32
      scf.if %cond3A_320 {
        %add3A_457 = arith.constant 1 : i32
        %add3A_458 = arith.addi %scan3A_253, %add3A_457 : i32
        %jit3A_459 = arith.constant 2 : i32
        %eq3A_460 = arith.constant 0 : i32
        %eq3A_461 = arith.cmpi eq, %jit3A_459, %eq3A_460 : i32
        %jit3A_462 = arith.constant 1 : i32
        %select_n3A_463 = arith.select %eq3A_461, %jit3A_462, %jit3A_459 : i32
        %rem3A_464 = arith.remsi %add3A_458, %select_n3A_463 : i32
        %ne3A_465 = arith.constant 0 : i32
        %ne3A_466 = arith.cmpi ne, %rem3A_464, %ne3A_465 : i32
        %lt3A_467 = arith.constant 0 : i32
        %lt3A_468 = arith.cmpi slt, %rem3A_464, %lt3A_467 : i32
        %lt3A_469 = arith.constant 0 : i32
        %lt3A_470 = arith.cmpi slt, %select_n3A_463, %lt3A_469 : i32
        %ne3A_471 = arith.xori %lt3A_468, %lt3A_470 : i1
        %and3A_472 = arith.andi %ne3A_471, %ne3A_466 : i1
        %add3A_473 = arith.addi %rem3A_464, %select_n3A_463 : i32
        %select_n3A_474 = arith.select %and3A_472, %add3A_473, %rem3A_464 : i32
        %jit3A_475 = arith.constant 2 : i32
        %eq3A_476 = arith.constant 0 : i32
        %eq3A_477 = arith.cmpi eq, %jit3A_475, %eq3A_476 : i32
        %jit3A_478 = arith.constant 1 : i32
        %select_n3A_479 = arith.select %eq3A_477, %jit3A_478, %jit3A_475 : i32
        %rem3A_480 = arith.remsi %add3A_458, %select_n3A_479 : i32
        %ne3A_481 = arith.constant 0 : i32
        %ne3A_482 = arith.cmpi ne, %rem3A_480, %ne3A_481 : i32
        %lt3A_483 = arith.constant 0 : i32
        %lt3A_484 = arith.cmpi slt, %rem3A_480, %lt3A_483 : i32
        %lt3A_485 = arith.constant 0 : i32
        %lt3A_486 = arith.cmpi slt, %select_n3A_479, %lt3A_485 : i32
        %ne3A_487 = arith.xori %lt3A_484, %lt3A_486 : i1
        %and3A_488 = arith.andi %ne3A_487, %ne3A_482 : i1
        %add3A_489 = arith.addi %rem3A_480, %select_n3A_479 : i32
        %select_n3A_490 = arith.select %and3A_488, %add3A_489, %rem3A_480 : i32
        %mul3A_491 = arith.constant 2 : i32
        %mul3A_492 = arith.muli %select_n3A_490, %mul3A_491 : i32
        %mul3A_493 = arith.constant 48 : i32
        %mul3A_494 = arith.muli %mul3A_492, %mul3A_493 : i32
        %dma_start3A_495 = arith.constant 0 : i32
        %dma_start3A_496 = tpu.memref_slice %arg14[%mul3A_494, %dma_start3A_495] : memref<192x128xf32, #tpu.memory_space<vmem>> -> memref<96x128xf32, #tpu.memory_space<vmem>>
        %dma_start3A_497 = arith.constant 0 : i32
        %dma_start3A_498 = tpu.memref_slice %arg11[%select_n3A_474, %dma_start3A_497] : memref<2x96xi32, #tpu.memory_space<vmem>> -> memref<1x96xi32, #tpu.memory_space<vmem>>
        %dma_start3A_499 = tpu.memref_squeeze %dma_start3A_498 : memref<1x96xi32, #tpu.memory_space<vmem>> -> memref<96xi32, #tpu.memory_space<vmem>>
        %dma_start3A_500 = arith.constant 0 : i32
        %dma_start3A_501 = arith.constant 0 : i32
        %dma_start3A_502 = tpu.memref_slice %arg2[%dma_start3A_500, %dma_start3A_501] : memref<20000x128xf32, #tpu.memory_space<hbm>> -> memref<20000x128xf32, #tpu.memory_space<hbm>>
        tpu.enqueue_indirect_dma source(%dma_start3A_502 : memref<20000x128xf32, #tpu.memory_space<hbm>>) target(%dma_start3A_496 : memref<96x128xf32, #tpu.memory_space<vmem>>) offsets(%dma_start3A_499 : memref<96xi32, #tpu.memory_space<vmem>>) semaphore(%arg23 : memref<!tpu.dma_semaphore, #tpu.memory_space<semaphore_mem>>)
      } else {
      }
      %add3A_321 = arith.addi %mul3A_2, %scan3A_253 : i32
      %mul3A_322 = arith.constant 48 : i32
      %mul3A_323 = arith.muli %add3A_321, %mul3A_322 : i32
      %jit3A_324 = arith.constant 2 : i32
      %eq3A_325 = arith.constant 0 : i32
      %eq3A_326 = arith.cmpi eq, %jit3A_324, %eq3A_325 : i32
      %jit3A_327 = arith.constant 1 : i32
      %select_n3A_328 = arith.select %eq3A_326, %jit3A_327, %jit3A_324 : i32
      %rem3A_329 = arith.remsi %scan3A_253, %select_n3A_328 : i32
      %ne3A_330 = arith.constant 0 : i32
      %ne3A_331 = arith.cmpi ne, %rem3A_329, %ne3A_330 : i32
      %lt3A_332 = arith.constant 0 : i32
      %lt3A_333 = arith.cmpi slt, %rem3A_329, %lt3A_332 : i32
      %lt3A_334 = arith.constant 0 : i32
      %lt3A_335 = arith.cmpi slt, %select_n3A_328, %lt3A_334 : i32
      %ne3A_336 = arith.xori %lt3A_333, %lt3A_335 : i1
      %and3A_337 = arith.andi %ne3A_336, %ne3A_331 : i1
      %add3A_338 = arith.addi %rem3A_329, %select_n3A_328 : i32
      %select_n3A_339 = arith.select %and3A_337, %add3A_338, %rem3A_329 : i32
      %mul3A_340 = arith.constant 48 : i32
      %mul3A_341 = arith.muli %select_n3A_339, %mul3A_340 : i32
      %dma_wait3A_342 = tpu.memref_slice %arg13[%mul3A_341] : memref<1536xf32, #tpu.memory_space<vmem>> -> memref<48xf32, #tpu.memory_space<vmem>>
      %dma_wait3A_343 = tpu.memref_slice %arg4[%mul3A_323] : memref<322560xf32, #tpu.memory_space<hbm>> -> memref<48xf32, #tpu.memory_space<hbm>>
      %dma_wait3A_344 = tpu.memref_slice %arg13[%mul3A_341] : memref<1536xf32, #tpu.memory_space<vmem>> -> memref<48xf32, #tpu.memory_space<vmem>>
      %dma_wait3A_345 = tpu.memref_slice %arg4[%mul3A_323] : memref<322560xf32, #tpu.memory_space<hbm>> -> memref<48xf32, #tpu.memory_space<hbm>>
      tpu.wait_dma2 semaphore(%arg22 : memref<!tpu.dma_semaphore, #tpu.memory_space<semaphore_mem>>) src(%dma_wait3A_345 : memref<48xf32, #tpu.memory_space<hbm>>) dst(%dma_wait3A_344 : memref<48xf32, #tpu.memory_space<vmem>>)
      %jit3A_346 = arith.constant 2 : i32
      %eq3A_347 = arith.constant 0 : i32
      %eq3A_348 = arith.cmpi eq, %jit3A_346, %eq3A_347 : i32
      %jit3A_349 = arith.constant 1 : i32
      %select_n3A_350 = arith.select %eq3A_348, %jit3A_349, %jit3A_346 : i32
      %rem3A_351 = arith.remsi %scan3A_253, %select_n3A_350 : i32
      %ne3A_352 = arith.constant 0 : i32
      %ne3A_353 = arith.cmpi ne, %rem3A_351, %ne3A_352 : i32
      %lt3A_354 = arith.constant 0 : i32
      %lt3A_355 = arith.cmpi slt, %rem3A_351, %lt3A_354 : i32
      %lt3A_356 = arith.constant 0 : i32
      %lt3A_357 = arith.cmpi slt, %select_n3A_350, %lt3A_356 : i32
      %ne3A_358 = arith.xori %lt3A_355, %lt3A_357 : i1
      %and3A_359 = arith.andi %ne3A_358, %ne3A_353 : i1
      %add3A_360 = arith.addi %rem3A_351, %select_n3A_350 : i32
      %select_n3A_361 = arith.select %and3A_359, %add3A_360, %rem3A_351 : i32
      %mul3A_362 = arith.constant 2 : i32
      %mul3A_363 = arith.muli %select_n3A_361, %mul3A_362 : i32
      %mul3A_364 = arith.constant 48 : i32
      %mul3A_365 = arith.muli %mul3A_363, %mul3A_364 : i32
      %jit3A_366 = arith.constant 2 : i32
      %eq3A_367 = arith.constant 0 : i32
      %eq3A_368 = arith.cmpi eq, %jit3A_366, %eq3A_367 : i32
      %jit3A_369 = arith.constant 1 : i32
      %select_n3A_370 = arith.select %eq3A_368, %jit3A_369, %jit3A_366 : i32
      %rem3A_371 = arith.remsi %scan3A_253, %select_n3A_370 : i32
      %ne3A_372 = arith.constant 0 : i32
      %ne3A_373 = arith.cmpi ne, %rem3A_371, %ne3A_372 : i32
      %lt3A_374 = arith.constant 0 : i32
      %lt3A_375 = arith.cmpi slt, %rem3A_371, %lt3A_374 : i32
      %lt3A_376 = arith.constant 0 : i32
      %lt3A_377 = arith.cmpi slt, %select_n3A_370, %lt3A_376 : i32
      %ne3A_378 = arith.xori %lt3A_375, %lt3A_377 : i1
      %and3A_379 = arith.andi %ne3A_378, %ne3A_373 : i1
      %add3A_380 = arith.addi %rem3A_371, %select_n3A_370 : i32
      %select_n3A_381 = arith.select %and3A_379, %add3A_380, %rem3A_371 : i32
      %mul3A_382 = arith.constant 48 : i32
      %mul3A_383 = arith.muli %select_n3A_381, %mul3A_382 : i32
      %jit3A_384 = arith.constant 2 : i32
      %eq3A_385 = arith.constant 0 : i32
      %eq3A_386 = arith.cmpi eq, %jit3A_384, %eq3A_385 : i32
      %jit3A_387 = arith.constant 1 : i32
      %select_n3A_388 = arith.select %eq3A_386, %jit3A_387, %jit3A_384 : i32
      %rem3A_389 = arith.remsi %scan3A_253, %select_n3A_388 : i32
      %ne3A_390 = arith.constant 0 : i32
      %ne3A_391 = arith.cmpi ne, %rem3A_389, %ne3A_390 : i32
      %lt3A_392 = arith.constant 0 : i32
      %lt3A_393 = arith.cmpi slt, %rem3A_389, %lt3A_392 : i32
      %lt3A_394 = arith.constant 0 : i32
      %lt3A_395 = arith.cmpi slt, %select_n3A_388, %lt3A_394 : i32
      %ne3A_396 = arith.xori %lt3A_393, %lt3A_395 : i1
      %and3A_397 = arith.andi %ne3A_396, %ne3A_391 : i1
      %add3A_398 = arith.addi %rem3A_389, %select_n3A_388 : i32
      %select_n3A_399 = arith.select %and3A_397, %add3A_398, %rem3A_389 : i32
      %mul3A_400 = arith.constant 48 : i32
      %mul3A_401 = arith.muli %select_n3A_399, %mul3A_400 : i32
      %scan3A_402 = arith.constant 0 : i32
      %scan3A_403 = arith.constant 0 : i32
      %scan3A_404 = arith.constant 48 : i32
      %scan3A_405 = arith.addi %scan3A_403, %scan3A_404 : i32
      %scan3A_406 = arith.constant 1 : i32
      scf.for %scan3A_457 = %scan3A_403 to %scan3A_405 step %scan3A_406  : i32 {
        %jit3A_458 = arith.constant 16 : i32
        %div3A = arith.divsi %scan3A_457, %jit3A_458 : i32
        %sign3A = arith.constant 0 : i32
        %sign3A_459 = arith.cmpi sgt, %scan3A_457, %sign3A : i32
        %sign3A_460 = arith.extui %sign3A_459 : i1 to i32
        %sign3A_461 = arith.constant 0 : i32
        %sign3A_462 = arith.cmpi slt, %scan3A_457, %sign3A_461 : i32
        %sign3A_463 = arith.extui %sign3A_462 : i1 to i32
        %sign3A_464 = arith.subi %sign3A_460, %sign3A_463 : i32
        %sign3A_465 = arith.constant 0 : i32
        %sign3A_466 = arith.cmpi sgt, %jit3A_458, %sign3A_465 : i32
        %sign3A_467 = arith.extui %sign3A_466 : i1 to i32
        %sign3A_468 = arith.constant 0 : i32
        %sign3A_469 = arith.cmpi slt, %jit3A_458, %sign3A_468 : i32
        %sign3A_470 = arith.extui %sign3A_469 : i1 to i32
        %sign3A_471 = arith.subi %sign3A_467, %sign3A_470 : i32
        %ne3A_472 = arith.cmpi ne, %sign3A_464, %sign3A_471 : i32
        %rem3A_473 = arith.remsi %scan3A_457, %jit3A_458 : i32
        %ne3A_474 = arith.constant 0 : i32
        %ne3A_475 = arith.cmpi ne, %rem3A_473, %ne3A_474 : i32
        %and3A_476 = arith.andi %ne3A_472, %ne3A_475 : i1
        %sub3A_477 = arith.constant 1 : i32
        %sub3A_478 = arith.subi %div3A, %sub3A_477 : i32
        %select_n3A_479 = arith.select %and3A_476, %sub3A_478, %div3A : i32
        %mul3A_480 = arith.constant 16 : i32
        %mul3A_481 = arith.muli %select_n3A_479, %mul3A_480 : i32
        %add3A_482 = arith.addi %mul3A_401, %mul3A_481 : i32
        %get3A_483 = arith.index_cast %add3A_482 : i32 to index
        %get3A_484 = tpu.vector_load %arg13[%get3A_483] {strides = array<i32>} : memref<1536xf32, #tpu.memory_space<vmem>>, vector<16xf32>,
        %get3A_485 = vector.shape_cast %get3A_484 : vector<16xf32> to vector<16xf32>
        %jit3A_486 = arith.constant 16 : i32
        %eq3A_487 = arith.constant 0 : i32
        %eq3A_488 = arith.cmpi eq, %jit3A_486, %eq3A_487 : i32
        %jit3A_489 = arith.constant 1 : i32
        %select_n3A_490 = arith.select %eq3A_488, %jit3A_489, %jit3A_486 : i32
        %rem3A_491 = arith.remsi %scan3A_457, %select_n3A_490 : i32
        %ne3A_492 = arith.constant 0 : i32
        %ne3A_493 = arith.cmpi ne, %rem3A_491, %ne3A_492 : i32
        %lt3A_494 = arith.constant 0 : i32
        %lt3A_495 = arith.cmpi slt, %rem3A_491, %lt3A_494 : i32
        %lt3A_496 = arith.constant 0 : i32
        %lt3A_497 = arith.cmpi slt, %select_n3A_490, %lt3A_496 : i32
        %ne3A_498 = arith.xori %lt3A_495, %lt3A_497 : i1
        %and3A_499 = arith.andi %ne3A_498, %ne3A_493 : i1
        %add3A_500 = arith.addi %rem3A_491, %select_n3A_490 : i32
        %select_n3A_501 = arith.select %and3A_499, %add3A_500, %rem3A_491 : i32
        %broadcast_in_dim3A_502 = vector.broadcast %select_n3A_501 : i32 to vector<16xi32>
        %broadcast_in_dim3A_503 = vector.shape_cast %broadcast_in_dim3A_502 : vector<16xi32> to vector<16x1xi32>
        %gather3A = vector.shape_cast %broadcast_in_dim3A_503 : vector<16x1xi32> to vector<16xi32>
        %gather3A_504 = tpu.dynamic_gather %get3A_485[%gather3A] in [0] : vector<16xf32>, vector<16xi32> -> vector<16xf32>
        %broadcast_in_dim3A_505 = arith.constant 0.000000e+00 : f32
        %broadcast_in_dim3A_506 = vector.broadcast %broadcast_in_dim3A_505 : f32 to vector<16xf32>
        %add3A_507 = arith.addi %mul3A_365, %scan3A_457 : i32
        %get3A_508 = arith.index_cast %add3A_507 : i32 to index
        %get3A_509 = arith.constant 0 : index
        %get3A_510 = tpu.vector_load %arg14[%get3A_508, %get3A_509] {strides = array<i32>} : memref<192x128xf32, #tpu.memory_space<vmem>>, vector<1x16xf32>,
        %get3A_511 = vector.shape_cast %get3A_510 : vector<1x16xf32> to vector<16xf32>
        %add3A_512 = arith.constant 48 : i32
        %add3A_513 = arith.addi %mul3A_365, %add3A_512 : i32
        %add3A_514 = arith.addi %add3A_513, %scan3A_457 : i32
        %get3A_515 = arith.index_cast %add3A_514 : i32 to index
        %get3A_516 = arith.constant 0 : index
        %get3A_517 = tpu.vector_load %arg14[%get3A_515, %get3A_516] {strides = array<i32>} : memref<192x128xf32, #tpu.memory_space<vmem>>, vector<1x16xf32>,
        %get3A_518 = vector.shape_cast %get3A_517 : vector<1x16xf32> to vector<16xf32>
        %add3A_519 = arith.addf %get3A_511, %get3A_518 : vector<16xf32>
        %mul3A_520 = arith.mulf %gather3A_504, %get3A_27 : vector<16xf32>
        %add3A_521 = arith.addf %add3A_519, %mul3A_520 : vector<16xf32>
        %gt3A = arith.constant 0.000000e+00 : f32
        %gt3A_522 = vector.broadcast %gt3A : f32 to vector<16xf32>
        %gt3A_523 = arith.cmpf ogt, %add3A_521, %gt3A_522 : vector<16xf32>
        %mul3A_524 = arith.constant 2.000000e-01 : f32
        %mul3A_525 = vector.broadcast %mul3A_524 : f32 to vector<16xf32>
        %mul3A_526 = arith.mulf %mul3A_525, %add3A_521 : vector<16xf32>
        %select_n3A_527 = arith.select %gt3A_523, %add3A_521, %mul3A_526 : vector<16xi1>, vector<16xf32>
        %mul3A_528 = arith.mulf %select_n3A_527, %get3A_51 : vector<16xf32>
        %add3A_529 = arith.addf %broadcast_in_dim3A_506, %mul3A_528 : vector<16xf32>
        %add3A_530 = arith.addi %mul3A_365, %scan3A_457 : i32
        %get3A_531 = arith.index_cast %add3A_530 : i32 to index
        %get3A_532 = arith.constant 16 : index
        %get3A_533 = tpu.vector_load %arg14[%get3A_531, %get3A_532] {strides = array<i32>} : memref<192x128xf32, #tpu.memory_space<vmem>>, vector<1x16xf32>,
        %get3A_534 = vector.shape_cast %get3A_533 : vector<1x16xf32> to vector<16xf32>
        %add3A_535 = arith.constant 48 : i32
        %add3A_536 = arith.addi %mul3A_365, %add3A_535 : i32
        %add3A_537 = arith.addi %add3A_536, %scan3A_457 : i32
        %get3A_538 = arith.index_cast %add3A_537 : i32 to index
        %get3A_539 = arith.constant 16 : index
        %get3A_540 = tpu.vector_load %arg14[%get3A_538, %get3A_539] {strides = array<i32>} : memref<192x128xf32, #tpu.memory_space<vmem>>, vector<1x16xf32>,
        %get3A_541 = vector.shape_cast %get3A_540 : vector<1x16xf32> to vector<16xf32>
        %add3A_542 = arith.addf %get3A_534, %get3A_541 : vector<16xf32>
        %mul3A_543 = arith.mulf %gather3A_504, %get3A_30 : vector<16xf32>
        %add3A_544 = arith.addf %add3A_542, %mul3A_543 : vector<16xf32>
        %gt3A_545 = arith.constant 0.000000e+00 : f32
        %gt3A_546 = vector.broadcast %gt3A_545 : f32 to vector<16xf32>
        %gt3A_547 = arith.cmpf ogt, %add3A_544, %gt3A_546 : vector<16xf32>
        %mul3A_548 = arith.constant 2.000000e-01 : f32
        %mul3A_549 = vector.broadcast %mul3A_548 : f32 to vector<16xf32>
        %mul3A_550 = arith.mulf %mul3A_549, %add3A_544 : vector<16xf32>
        %select_n3A_551 = arith.select %gt3A_547, %add3A_544, %mul3A_550 : vector<16xi1>, vector<16xf32>
        %mul3A_552 = arith.mulf %select_n3A_551, %get3A_54 : vector<16xf32>
        %add3A_553 = arith.addf %add3A_529, %mul3A_552 : vector<16xf32>
        %add3A_554 = arith.addi %mul3A_365, %scan3A_457 : i32
        %get3A_555 = arith.index_cast %add3A_554 : i32 to index
        %get3A_556 = arith.constant 32 : index
        %get3A_557 = tpu.vector_load %arg14[%get3A_555, %get3A_556] {strides = array<i32>} : memref<192x128xf32, #tpu.memory_space<vmem>>, vector<1x16xf32>,
        %get3A_558 = vector.shape_cast %get3A_557 : vector<1x16xf32> to vector<16xf32>
        %add3A_559 = arith.constant 48 : i32
        %add3A_560 = arith.addi %mul3A_365, %add3A_559 : i32
        %add3A_561 = arith.addi %add3A_560, %scan3A_457 : i32
        %get3A_562 = arith.index_cast %add3A_561 : i32 to index
        %get3A_563 = arith.constant 32 : index
        %get3A_564 = tpu.vector_load %arg14[%get3A_562, %get3A_563] {strides = array<i32>} : memref<192x128xf32, #tpu.memory_space<vmem>>, vector<1x16xf32>,
        %get3A_565 = vector.shape_cast %get3A_564 : vector<1x16xf32> to vector<16xf32>
        %add3A_566 = arith.addf %get3A_558, %get3A_565 : vector<16xf32>
        %mul3A_567 = arith.mulf %gather3A_504, %get3A_33 : vector<16xf32>
        %add3A_568 = arith.addf %add3A_566, %mul3A_567 : vector<16xf32>
        %gt3A_569 = arith.constant 0.000000e+00 : f32
        %gt3A_570 = vector.broadcast %gt3A_569 : f32 to vector<16xf32>
        %gt3A_571 = arith.cmpf ogt, %add3A_568, %gt3A_570 : vector<16xf32>
        %mul3A_572 = arith.constant 2.000000e-01 : f32
        %mul3A_573 = vector.broadcast %mul3A_572 : f32 to vector<16xf32>
        %mul3A_574 = arith.mulf %mul3A_573, %add3A_568 : vector<16xf32>
        %select_n3A_575 = arith.select %gt3A_571, %add3A_568, %mul3A_574 : vector<16xi1>, vector<16xf32>
        %mul3A_576 = arith.mulf %select_n3A_575, %get3A_57 : vector<16xf32>
        %add3A_577 = arith.addf %add3A_553, %mul3A_576 : vector<16xf32>
        %add3A_578 = arith.addi %mul3A_365, %scan3A_457 : i32
        %get3A_579 = arith.index_cast %add3A_578 : i32 to index
        %get3A_580 = arith.constant 48 : index
        %get3A_581 = tpu.vector_load %arg14[%get3A_579, %get3A_580] {strides = array<i32>} : memref<192x128xf32, #tpu.memory_space<vmem>>, vector<1x16xf32>,
        %get3A_582 = vector.shape_cast %get3A_581 : vector<1x16xf32> to vector<16xf32>
        %add3A_583 = arith.constant 48 : i32
        %add3A_584 = arith.addi %mul3A_365, %add3A_583 : i32
        %add3A_585 = arith.addi %add3A_584, %scan3A_457 : i32
        %get3A_586 = arith.index_cast %add3A_585 : i32 to index
        %get3A_587 = arith.constant 48 : index
        %get3A_588 = tpu.vector_load %arg14[%get3A_586, %get3A_587] {strides = array<i32>} : memref<192x128xf32, #tpu.memory_space<vmem>>, vector<1x16xf32>,
        %get3A_589 = vector.shape_cast %get3A_588 : vector<1x16xf32> to vector<16xf32>
        %add3A_590 = arith.addf %get3A_582, %get3A_589 : vector<16xf32>
        %mul3A_591 = arith.mulf %gather3A_504, %get3A_36 : vector<16xf32>
        %add3A_592 = arith.addf %add3A_590, %mul3A_591 : vector<16xf32>
        %gt3A_593 = arith.constant 0.000000e+00 : f32
        %gt3A_594 = vector.broadcast %gt3A_593 : f32 to vector<16xf32>
        %gt3A_595 = arith.cmpf ogt, %add3A_592, %gt3A_594 : vector<16xf32>
        %mul3A_596 = arith.constant 2.000000e-01 : f32
        %mul3A_597 = vector.broadcast %mul3A_596 : f32 to vector<16xf32>
        %mul3A_598 = arith.mulf %mul3A_597, %add3A_592 : vector<16xf32>
        %select_n3A_599 = arith.select %gt3A_595, %add3A_592, %mul3A_598 : vector<16xi1>, vector<16xf32>
        %mul3A_600 = arith.mulf %select_n3A_599, %get3A_60 : vector<16xf32>
        %add3A_601 = arith.addf %add3A_577, %mul3A_600 : vector<16xf32>
        %add3A_602 = arith.addi %mul3A_365, %scan3A_457 : i32
        %get3A_603 = arith.index_cast %add3A_602 : i32 to index
        %get3A_604 = arith.constant 64 : index
        %get3A_605 = tpu.vector_load %arg14[%get3A_603, %get3A_604] {strides = array<i32>} : memref<192x128xf32, #tpu.memory_space<vmem>>, vector<1x16xf32>,
        %get3A_606 = vector.shape_cast %get3A_605 : vector<1x16xf32> to vector<16xf32>
        %add3A_607 = arith.constant 48 : i32
        %add3A_608 = arith.addi %mul3A_365, %add3A_607 : i32
        %add3A_609 = arith.addi %add3A_608, %scan3A_457 : i32
        %get3A_610 = arith.index_cast %add3A_609 : i32 to index
        %get3A_611 = arith.constant 64 : index
        %get3A_612 = tpu.vector_load %arg14[%get3A_610, %get3A_611] {strides = array<i32>} : memref<192x128xf32, #tpu.memory_space<vmem>>, vector<1x16xf32>,
        %get3A_613 = vector.shape_cast %get3A_612 : vector<1x16xf32> to vector<16xf32>
        %add3A_614 = arith.addf %get3A_606, %get3A_613 : vector<16xf32>
        %mul3A_615 = arith.mulf %gather3A_504, %get3A_39 : vector<16xf32>
        %add3A_616 = arith.addf %add3A_614, %mul3A_615 : vector<16xf32>
        %gt3A_617 = arith.constant 0.000000e+00 : f32
        %gt3A_618 = vector.broadcast %gt3A_617 : f32 to vector<16xf32>
        %gt3A_619 = arith.cmpf ogt, %add3A_616, %gt3A_618 : vector<16xf32>
        %mul3A_620 = arith.constant 2.000000e-01 : f32
        %mul3A_621 = vector.broadcast %mul3A_620 : f32 to vector<16xf32>
        %mul3A_622 = arith.mulf %mul3A_621, %add3A_616 : vector<16xf32>
        %select_n3A_623 = arith.select %gt3A_619, %add3A_616, %mul3A_622 : vector<16xi1>, vector<16xf32>
        %mul3A_624 = arith.mulf %select_n3A_623, %get3A_63 : vector<16xf32>
        %add3A_625 = arith.addf %add3A_601, %mul3A_624 : vector<16xf32>
        %add3A_626 = arith.addi %mul3A_365, %scan3A_457 : i32
        %get3A_627 = arith.index_cast %add3A_626 : i32 to index
        %get3A_628 = arith.constant 80 : index
        %get3A_629 = tpu.vector_load %arg14[%get3A_627, %get3A_628] {strides = array<i32>} : memref<192x128xf32, #tpu.memory_space<vmem>>, vector<1x16xf32>,
        %get3A_630 = vector.shape_cast %get3A_629 : vector<1x16xf32> to vector<16xf32>
        %add3A_631 = arith.constant 48 : i32
        %add3A_632 = arith.addi %mul3A_365, %add3A_631 : i32
        %add3A_633 = arith.addi %add3A_632, %scan3A_457 : i32
        %get3A_634 = arith.index_cast %add3A_633 : i32 to index
        %get3A_635 = arith.constant 80 : index
        %get3A_636 = tpu.vector_load %arg14[%get3A_634, %get3A_635] {strides = array<i32>} : memref<192x128xf32, #tpu.memory_space<vmem>>, vector<1x16xf32>,
        %get3A_637 = vector.shape_cast %get3A_636 : vector<1x16xf32> to vector<16xf32>
        %add3A_638 = arith.addf %get3A_630, %get3A_637 : vector<16xf32>
        %mul3A_639 = arith.mulf %gather3A_504, %get3A_42 : vector<16xf32>
        %add3A_640 = arith.addf %add3A_638, %mul3A_639 : vector<16xf32>
        %gt3A_641 = arith.constant 0.000000e+00 : f32
        %gt3A_642 = vector.broadcast %gt3A_641 : f32 to vector<16xf32>
        %gt3A_643 = arith.cmpf ogt, %add3A_640, %gt3A_642 : vector<16xf32>
        %mul3A_644 = arith.constant 2.000000e-01 : f32
        %mul3A_645 = vector.broadcast %mul3A_644 : f32 to vector<16xf32>
        %mul3A_646 = arith.mulf %mul3A_645, %add3A_640 : vector<16xf32>
        %select_n3A_647 = arith.select %gt3A_643, %add3A_640, %mul3A_646 : vector<16xi1>, vector<16xf32>
        %mul3A_648 = arith.mulf %select_n3A_647, %get3A_66 : vector<16xf32>
        %add3A_649 = arith.addf %add3A_625, %mul3A_648 : vector<16xf32>
        %add3A_650 = arith.addi %mul3A_365, %scan3A_457 : i32
        %get3A_651 = arith.index_cast %add3A_650 : i32 to index
        %get3A_652 = arith.constant 96 : index
        %get3A_653 = tpu.vector_load %arg14[%get3A_651, %get3A_652] {strides = array<i32>} : memref<192x128xf32, #tpu.memory_space<vmem>>, vector<1x16xf32>,
        %get3A_654 = vector.shape_cast %get3A_653 : vector<1x16xf32> to vector<16xf32>
        %add3A_655 = arith.constant 48 : i32
        %add3A_656 = arith.addi %mul3A_365, %add3A_655 : i32
        %add3A_657 = arith.addi %add3A_656, %scan3A_457 : i32
        %get3A_658 = arith.index_cast %add3A_657 : i32 to index
        %get3A_659 = arith.constant 96 : index
        %get3A_660 = tpu.vector_load %arg14[%get3A_658, %get3A_659] {strides = array<i32>} : memref<192x128xf32, #tpu.memory_space<vmem>>, vector<1x16xf32>,
        %get3A_661 = vector.shape_cast %get3A_660 : vector<1x16xf32> to vector<16xf32>
        %add3A_662 = arith.addf %get3A_654, %get3A_661 : vector<16xf32>
        %mul3A_663 = arith.mulf %gather3A_504, %get3A_45 : vector<16xf32>
        %add3A_664 = arith.addf %add3A_662, %mul3A_663 : vector<16xf32>
        %gt3A_665 = arith.constant 0.000000e+00 : f32
        %gt3A_666 = vector.broadcast %gt3A_665 : f32 to vector<16xf32>
        %gt3A_667 = arith.cmpf ogt, %add3A_664, %gt3A_666 : vector<16xf32>
        %mul3A_668 = arith.constant 2.000000e-01 : f32
        %mul3A_669 = vector.broadcast %mul3A_668 : f32 to vector<16xf32>
        %mul3A_670 = arith.mulf %mul3A_669, %add3A_664 : vector<16xf32>
        %select_n3A_671 = arith.select %gt3A_667, %add3A_664, %mul3A_670 : vector<16xi1>, vector<16xf32>
        %mul3A_672 = arith.mulf %select_n3A_671, %get3A_69 : vector<16xf32>
        %add3A_673 = arith.addf %add3A_649, %mul3A_672 : vector<16xf32>
        %add3A_674 = arith.addi %mul3A_365, %scan3A_457 : i32
        %get3A_675 = arith.index_cast %add3A_674 : i32 to index
        %get3A_676 = arith.constant 112 : index
        %get3A_677 = tpu.vector_load %arg14[%get3A_675, %get3A_676] {strides = array<i32>} : memref<192x128xf32, #tpu.memory_space<vmem>>, vector<1x16xf32>,
        %get3A_678 = vector.shape_cast %get3A_677 : vector<1x16xf32> to vector<16xf32>
        %add3A_679 = arith.constant 48 : i32
        %add3A_680 = arith.addi %mul3A_365, %add3A_679 : i32
        %add3A_681 = arith.addi %add3A_680, %scan3A_457 : i32
        %get3A_682 = arith.index_cast %add3A_681 : i32 to index
        %get3A_683 = arith.constant 112 : index
        %get3A_684 = tpu.vector_load %arg14[%get3A_682, %get3A_683] {strides = array<i32>} : memref<192x128xf32, #tpu.memory_space<vmem>>, vector<1x16xf32>,
        %get3A_685 = vector.shape_cast %get3A_684 : vector<1x16xf32> to vector<16xf32>
        %add3A_686 = arith.addf %get3A_678, %get3A_685 : vector<16xf32>
        %mul3A_687 = arith.mulf %gather3A_504, %get3A_48 : vector<16xf32>
        %add3A_688 = arith.addf %add3A_686, %mul3A_687 : vector<16xf32>
        %gt3A_689 = arith.constant 0.000000e+00 : f32
        %gt3A_690 = vector.broadcast %gt3A_689 : f32 to vector<16xf32>
        %gt3A_691 = arith.cmpf ogt, %add3A_688, %gt3A_690 : vector<16xf32>
        %mul3A_692 = arith.constant 2.000000e-01 : f32
        %mul3A_693 = vector.broadcast %mul3A_692 : f32 to vector<16xf32>
        %mul3A_694 = arith.mulf %mul3A_693, %add3A_688 : vector<16xf32>
        %select_n3A_695 = arith.select %gt3A_691, %add3A_688, %mul3A_694 : vector<16xi1>, vector<16xf32>
        %mul3A_696 = arith.mulf %select_n3A_695, %get3A_72 : vector<16xf32>
        %add3A_697 = arith.addf %add3A_673, %mul3A_696 : vector<16xf32>
        %broadcast_in_dim3A_698 = vector.shape_cast %get3A_75 : vector<16xi32> to vector<16x1xi32>
        %gather3A_699 = vector.shape_cast %broadcast_in_dim3A_698 : vector<16x1xi32> to vector<16xi32>
        %gather3A_700 = tpu.dynamic_gather %add3A_697[%gather3A_699] in [0] : vector<16xf32>, vector<16xi32> -> vector<16xf32>
        %add3A_701 = arith.addf %add3A_697, %gather3A_700 : vector<16xf32>
        %broadcast_in_dim3A_702 = vector.shape_cast %get3A_78 : vector<16xi32> to vector<16x1xi32>
        %gather3A_703 = vector.shape_cast %broadcast_in_dim3A_702 : vector<16x1xi32> to vector<16xi32>
        %gather3A_704 = tpu.dynamic_gather %add3A_701[%gather3A_703] in [0] : vector<16xf32>, vector<16xi32> -> vector<16xf32>
        %add3A_705 = arith.addf %add3A_701, %gather3A_704 : vector<16xf32>
        %broadcast_in_dim3A_706 = vector.shape_cast %get3A_81 : vector<16xi32> to vector<16x1xi32>
        %gather3A_707 = vector.shape_cast %broadcast_in_dim3A_706 : vector<16x1xi32> to vector<16xi32>
        %gather3A_708 = tpu.dynamic_gather %add3A_705[%gather3A_707] in [0] : vector<16xf32>, vector<16xi32> -> vector<16xf32>
        %add3A_709 = arith.addf %add3A_705, %gather3A_708 : vector<16xf32>
        %broadcast_in_dim3A_710 = vector.shape_cast %get3A_84 : vector<16xi32> to vector<16x1xi32>
        %gather3A_711 = vector.shape_cast %broadcast_in_dim3A_710 : vector<16x1xi32> to vector<16xi32>
        %gather3A_712 = tpu.dynamic_gather %add3A_709[%gather3A_711] in [0] : vector<16xf32>, vector<16xi32> -> vector<16xf32>
        %add3A_713 = arith.addf %add3A_709, %gather3A_712 : vector<16xf32>
        %exp3A = math.exp %add3A_713 : vector<16xf32>
        %mul3A_714 = arith.mulf %exp3A, %get3A_511 : vector<16xf32>
        %add3A_715 = arith.addi %mul3A_383, %scan3A_457 : i32
        %swap3A_716 = arith.index_cast %add3A_715 : i32 to index
        %swap3A_717 = arith.constant 0 : index
        %swap3A_718 = tpu.vector_load %arg15[%swap3A_716, %swap3A_717] {strides = array<i32>} : memref<96x144xf32, #tpu.memory_space<vmem>>, vector<1x16xf32>,
        %swap3A_719 = vector.shape_cast %swap3A_718 : vector<1x16xf32> to vector<16xf32>
        %swap3A_720 = vector.shape_cast %mul3A_714 : vector<16xf32> to vector<1x16xf32>
        tpu.vector_store %arg15[%swap3A_716, %swap3A_717], %swap3A_720 {strides = array<i32>} : memref<96x144xf32, #tpu.memory_space<vmem>>, vector<1x16xf32>,
        %mul3A_721 = arith.mulf %exp3A, %get3A_534 : vector<16xf32>
        %add3A_722 = arith.addi %mul3A_383, %scan3A_457 : i32
        %swap3A_723 = arith.index_cast %add3A_722 : i32 to index
        %swap3A_724 = arith.constant 16 : index
        %swap3A_725 = tpu.vector_load %arg15[%swap3A_723, %swap3A_724] {strides = array<i32>} : memref<96x144xf32, #tpu.memory_space<vmem>>, vector<1x16xf32>,
        %swap3A_726 = vector.shape_cast %swap3A_725 : vector<1x16xf32> to vector<16xf32>
        %swap3A_727 = vector.shape_cast %mul3A_721 : vector<16xf32> to vector<1x16xf32>
        tpu.vector_store %arg15[%swap3A_723, %swap3A_724], %swap3A_727 {strides = array<i32>} : memref<96x144xf32, #tpu.memory_space<vmem>>, vector<1x16xf32>,
        %mul3A_728 = arith.mulf %exp3A, %get3A_558 : vector<16xf32>
        %add3A_729 = arith.addi %mul3A_383, %scan3A_457 : i32
        %swap3A_730 = arith.index_cast %add3A_729 : i32 to index
        %swap3A_731 = arith.constant 32 : index
        %swap3A_732 = tpu.vector_load %arg15[%swap3A_730, %swap3A_731] {strides = array<i32>} : memref<96x144xf32, #tpu.memory_space<vmem>>, vector<1x16xf32>,
        %swap3A_733 = vector.shape_cast %swap3A_732 : vector<1x16xf32> to vector<16xf32>
        %swap3A_734 = vector.shape_cast %mul3A_728 : vector<16xf32> to vector<1x16xf32>
        tpu.vector_store %arg15[%swap3A_730, %swap3A_731], %swap3A_734 {strides = array<i32>} : memref<96x144xf32, #tpu.memory_space<vmem>>, vector<1x16xf32>,
        %mul3A_735 = arith.mulf %exp3A, %get3A_582 : vector<16xf32>
        %add3A_736 = arith.addi %mul3A_383, %scan3A_457 : i32
        %swap3A_737 = arith.index_cast %add3A_736 : i32 to index
        %swap3A_738 = arith.constant 48 : index
        %swap3A_739 = tpu.vector_load %arg15[%swap3A_737, %swap3A_738] {strides = array<i32>} : memref<96x144xf32, #tpu.memory_space<vmem>>, vector<1x16xf32>,
        %swap3A_740 = vector.shape_cast %swap3A_739 : vector<1x16xf32> to vector<16xf32>
        %swap3A_741 = vector.shape_cast %mul3A_735 : vector<16xf32> to vector<1x16xf32>
        tpu.vector_store %arg15[%swap3A_737, %swap3A_738], %swap3A_741 {strides = array<i32>} : memref<96x144xf32, #tpu.memory_space<vmem>>, vector<1x16xf32>,
        %mul3A_742 = arith.mulf %exp3A, %get3A_606 : vector<16xf32>
        %add3A_743 = arith.addi %mul3A_383, %scan3A_457 : i32
        %swap3A_744 = arith.index_cast %add3A_743 : i32 to index
        %swap3A_745 = arith.constant 64 : index
        %swap3A_746 = tpu.vector_load %arg15[%swap3A_744, %swap3A_745] {strides = array<i32>} : memref<96x144xf32, #tpu.memory_space<vmem>>, vector<1x16xf32>,
        %swap3A_747 = vector.shape_cast %swap3A_746 : vector<1x16xf32> to vector<16xf32>
        %swap3A_748 = vector.shape_cast %mul3A_742 : vector<16xf32> to vector<1x16xf32>
        tpu.vector_store %arg15[%swap3A_744, %swap3A_745], %swap3A_748 {strides = array<i32>} : memref<96x144xf32, #tpu.memory_space<vmem>>, vector<1x16xf32>,
        %mul3A_749 = arith.mulf %exp3A, %get3A_630 : vector<16xf32>
        %add3A_750 = arith.addi %mul3A_383, %scan3A_457 : i32
        %swap3A_751 = arith.index_cast %add3A_750 : i32 to index
        %swap3A_752 = arith.constant 80 : index
        %swap3A_753 = tpu.vector_load %arg15[%swap3A_751, %swap3A_752] {strides = array<i32>} : memref<96x144xf32, #tpu.memory_space<vmem>>, vector<1x16xf32>,
        %swap3A_754 = vector.shape_cast %swap3A_753 : vector<1x16xf32> to vector<16xf32>
        %swap3A_755 = vector.shape_cast %mul3A_749 : vector<16xf32> to vector<1x16xf32>
        tpu.vector_store %arg15[%swap3A_751, %swap3A_752], %swap3A_755 {strides = array<i32>} : memref<96x144xf32, #tpu.memory_space<vmem>>, vector<1x16xf32>,
        %mul3A_756 = arith.mulf %exp3A, %get3A_654 : vector<16xf32>
        %add3A_757 = arith.addi %mul3A_383, %scan3A_457 : i32
        %swap3A_758 = arith.index_cast %add3A_757 : i32 to index
        %swap3A_759 = arith.constant 96 : index
        %swap3A_760 = tpu.vector_load %arg15[%swap3A_758, %swap3A_759] {strides = array<i32>} : memref<96x144xf32, #tpu.memory_space<vmem>>, vector<1x16xf32>,
        %swap3A_761 = vector.shape_cast %swap3A_760 : vector<1x16xf32> to vector<16xf32>
        %swap3A_762 = vector.shape_cast %mul3A_756 : vector<16xf32> to vector<1x16xf32>
        tpu.vector_store %arg15[%swap3A_758, %swap3A_759], %swap3A_762 {strides = array<i32>} : memref<96x144xf32, #tpu.memory_space<vmem>>, vector<1x16xf32>,
        %mul3A_763 = arith.mulf %exp3A, %get3A_678 : vector<16xf32>
        %add3A_764 = arith.addi %mul3A_383, %scan3A_457 : i32
        %swap3A_765 = arith.index_cast %add3A_764 : i32 to index
        %swap3A_766 = arith.constant 112 : index
        %swap3A_767 = tpu.vector_load %arg15[%swap3A_765, %swap3A_766] {strides = array<i32>} : memref<96x144xf32, #tpu.memory_space<vmem>>, vector<1x16xf32>,
        %swap3A_768 = vector.shape_cast %swap3A_767 : vector<1x16xf32> to vector<16xf32>
        %swap3A_769 = vector.shape_cast %mul3A_763 : vector<16xf32> to vector<1x16xf32>
        tpu.vector_store %arg15[%swap3A_765, %swap3A_766], %swap3A_769 {strides = array<i32>} : memref<96x144xf32, #tpu.memory_space<vmem>>, vector<1x16xf32>,
        %mul3A_770 = arith.mulf %exp3A, %get3A_87 : vector<16xf32>
        %add3A_771 = arith.addi %mul3A_383, %scan3A_457 : i32
        %swap3A_772 = arith.index_cast %add3A_771 : i32 to index
        %swap3A_773 = arith.constant 128 : index
        %swap3A_774 = tpu.vector_load %arg15[%swap3A_772, %swap3A_773] {strides = array<i32>} : memref<96x144xf32, #tpu.memory_space<vmem>>, vector<1x16xf32>,
        %swap3A_775 = vector.shape_cast %swap3A_774 : vector<1x16xf32> to vector<16xf32>
        %swap3A_776 = vector.shape_cast %mul3A_770 : vector<16xf32> to vector<1x16xf32>
        tpu.vector_store %arg15[%swap3A_772, %swap3A_773], %swap3A_776 {strides = array<i32>} : memref<96x144xf32, #tpu.memory_space<vmem>>, vector<1x16xf32>,
      }
      %scan3A_407 = arith.constant 48 : i32
      %add3A_408 = arith.constant 2 : i32
      %add3A_409 = arith.addi %scan3A_253, %add3A_408 : i32
      %lt3A_410 = arith.constant 210 : i32
      %lt3A_411 = arith.cmpi slt, %add3A_409, %lt3A_410 : i32
      %convert_element_type3A_412 = arith.extui %lt3A_411 : i1 to i32
      %cond3A_413 = arith.constant 0 : i32
      %cond3A_414 = arith.cmpi ne, %convert_element_type3A_412, %cond3A_413 : i32
      scf.if %cond3A_414 {
        %add3A_457 = arith.constant 2 : i32
        %add3A_458 = arith.addi %scan3A_253, %add3A_457 : i32
        %add3A_459 = arith.addi %mul3A_2, %add3A_458 : i32
        %mul3A_460 = arith.constant 48 : i32
        %mul3A_461 = arith.muli %add3A_459, %mul3A_460 : i32
        %jit3A_462 = arith.constant 2 : i32
        %eq3A_463 = arith.constant 0 : i32
        %eq3A_464 = arith.cmpi eq, %jit3A_462, %eq3A_463 : i32
        %jit3A_465 = arith.constant 1 : i32
        %select_n3A_466 = arith.select %eq3A_464, %jit3A_465, %jit3A_462 : i32
        %rem3A_467 = arith.remsi %add3A_458, %select_n3A_466 : i32
        %ne3A_468 = arith.constant 0 : i32
        %ne3A_469 = arith.cmpi ne, %rem3A_467, %ne3A_468 : i32
        %lt3A_470 = arith.constant 0 : i32
        %lt3A_471 = arith.cmpi slt, %rem3A_467, %lt3A_470 : i32
        %lt3A_472 = arith.constant 0 : i32
        %lt3A_473 = arith.cmpi slt, %select_n3A_466, %lt3A_472 : i32
        %ne3A_474 = arith.xori %lt3A_471, %lt3A_473 : i1
        %and3A_475 = arith.andi %ne3A_474, %ne3A_469 : i1
        %add3A_476 = arith.addi %rem3A_467, %select_n3A_466 : i32
        %select_n3A_477 = arith.select %and3A_475, %add3A_476, %rem3A_467 : i32
        %mul3A_478 = arith.constant 48 : i32
        %mul3A_479 = arith.muli %select_n3A_477, %mul3A_478 : i32
        %dma_start3A_480 = tpu.memref_slice %arg13[%mul3A_479] : memref<1536xf32, #tpu.memory_space<vmem>> -> memref<48xf32, #tpu.memory_space<vmem>>
        %dma_start3A_481 = tpu.memref_slice %arg4[%mul3A_461] : memref<322560xf32, #tpu.memory_space<hbm>> -> memref<48xf32, #tpu.memory_space<hbm>>
        %dma_start3A_482 = tpu.memref_slice %arg13[%mul3A_479] : memref<1536xf32, #tpu.memory_space<vmem>> -> memref<48xf32, #tpu.memory_space<vmem>>
        %dma_start3A_483 = tpu.memref_slice %arg4[%mul3A_461] : memref<322560xf32, #tpu.memory_space<hbm>> -> memref<48xf32, #tpu.memory_space<hbm>>
        tpu.enqueue_dma source(%dma_start3A_483 : memref<48xf32, #tpu.memory_space<hbm>>) target(%dma_start3A_482 : memref<48xf32, #tpu.memory_space<vmem>>) target_semaphore(%arg22 : memref<!tpu.dma_semaphore, #tpu.memory_space<semaphore_mem>>)
      } else {
      }
      %jit3A_415 = arith.constant 2 : i32
      %eq3A_416 = arith.constant 0 : i32
      %eq3A_417 = arith.cmpi eq, %jit3A_415, %eq3A_416 : i32
      %jit3A_418 = arith.constant 1 : i32
      %select_n3A_419 = arith.select %eq3A_417, %jit3A_418, %jit3A_415 : i32
      %rem3A_420 = arith.remsi %scan3A_253, %select_n3A_419 : i32
      %ne3A_421 = arith.constant 0 : i32
      %ne3A_422 = arith.cmpi ne, %rem3A_420, %ne3A_421 : i32
      %lt3A_423 = arith.constant 0 : i32
      %lt3A_424 = arith.cmpi slt, %rem3A_420, %lt3A_423 : i32
      %lt3A_425 = arith.constant 0 : i32
      %lt3A_426 = arith.cmpi slt, %select_n3A_419, %lt3A_425 : i32
      %ne3A_427 = arith.xori %lt3A_424, %lt3A_426 : i1
      %and3A_428 = arith.andi %ne3A_427, %ne3A_422 : i1
      %add3A_429 = arith.addi %rem3A_420, %select_n3A_419 : i32
      %select_n3A_430 = arith.select %and3A_428, %add3A_429, %rem3A_420 : i32
      %mul3A_431 = arith.constant 48 : i32
      %mul3A_432 = arith.muli %select_n3A_430, %mul3A_431 : i32
      %jit3A_433 = arith.constant 3 : i32
      %eq3A_434 = arith.constant 0 : i32
      %eq3A_435 = arith.cmpi eq, %jit3A_433, %eq3A_434 : i32
      %jit3A_436 = arith.constant 1 : i32
      %select_n3A_437 = arith.select %eq3A_435, %jit3A_436, %jit3A_433 : i32
      %rem3A_438 = arith.remsi %scan3A_253, %select_n3A_437 : i32
      %ne3A_439 = arith.constant 0 : i32
      %ne3A_440 = arith.cmpi ne, %rem3A_438, %ne3A_439 : i32
      %lt3A_441 = arith.constant 0 : i32
      %lt3A_442 = arith.cmpi slt, %rem3A_438, %lt3A_441 : i32
      %lt3A_443 = arith.constant 0 : i32
      %lt3A_444 = arith.cmpi slt, %select_n3A_437, %lt3A_443 : i32
      %ne3A_445 = arith.xori %lt3A_442, %lt3A_444 : i1
      %and3A_446 = arith.andi %ne3A_445, %ne3A_440 : i1
      %add3A_447 = arith.addi %rem3A_438, %select_n3A_437 : i32
      %select_n3A_448 = arith.select %and3A_446, %add3A_447, %rem3A_438 : i32
      %dma_start3A_449 = arith.constant 0 : i32
      %dma_start3A_450 = tpu.memref_slice %arg15[%mul3A_432, %dma_start3A_449] : memref<96x144xf32, #tpu.memory_space<vmem>> -> memref<48x144xf32, #tpu.memory_space<vmem>>
      %dma_start3A_451 = arith.constant 0 : i32
      %dma_start3A_452 = tpu.memref_slice %arg12[%select_n3A_448, %dma_start3A_451] : memref<3x48xi32, #tpu.memory_space<vmem>> -> memref<1x48xi32, #tpu.memory_space<vmem>>
      %dma_start3A_453 = tpu.memref_squeeze %dma_start3A_452 : memref<1x48xi32, #tpu.memory_space<vmem>> -> memref<48xi32, #tpu.memory_space<vmem>>
      %dma_start3A_454 = arith.constant 0 : i32
      %dma_start3A_455 = arith.constant 0 : i32
      %dma_start3A_456 = tpu.memref_slice %arg20[%dma_start3A_454, %dma_start3A_455] : memref<10016x144xf32, #tpu.memory_space<vmem_shared>> -> memref<10016x144xf32, #tpu.memory_space<vmem_shared>>
      tpu.enqueue_indirect_dma source(%dma_start3A_450 : memref<48x144xf32, #tpu.memory_space<vmem>>) target(%dma_start3A_456 : memref<10016x144xf32, #tpu.memory_space<vmem_shared>>) offsets(%dma_start3A_453 : memref<48xi32, #tpu.memory_space<vmem>>) semaphore(%arg24 : memref<!tpu.dma_semaphore, #tpu.memory_space<semaphore_mem>>) {add = true}
    }
    %scan3A_231 = arith.constant 210 : i32
    %dma_wait3A_232 = arith.constant 1 : i32
    %dma_wait3A_233 = arith.constant 0 : i32
    %dma_wait3A_234 = arith.constant 0 : i32
    %dma_wait3A_235 = tpu.memref_slice %arg15[%dma_wait3A_233, %dma_wait3A_234] : memref<96x144xf32, #tpu.memory_space<vmem>> -> memref<48x144xf32, #tpu.memory_space<vmem>>
    %dma_wait3A_236 = arith.constant 0 : i32
    %dma_wait3A_237 = tpu.memref_slice %arg12[%dma_wait3A_232, %dma_wait3A_236] : memref<3x48xi32, #tpu.memory_space<vmem>> -> memref<1x48xi32, #tpu.memory_space<vmem>>
    %dma_wait3A_238 = tpu.memref_squeeze %dma_wait3A_237 : memref<1x48xi32, #tpu.memory_space<vmem>> -> memref<48xi32, #tpu.memory_space<vmem>>
    %dma_wait3A_239 = arith.constant 0 : i32
    %dma_wait3A_240 = arith.constant 0 : i32
    %dma_wait3A_241 = tpu.memref_slice %arg20[%dma_wait3A_239, %dma_wait3A_240] : memref<10016x144xf32, #tpu.memory_space<vmem_shared>> -> memref<10016x144xf32, #tpu.memory_space<vmem_shared>>
    tpu.wait_indirect_dma semaphore(%arg24 : memref<!tpu.dma_semaphore, #tpu.memory_space<semaphore_mem>>) src(%dma_wait3A_235 : memref<48x144xf32, #tpu.memory_space<vmem>>) dst(%dma_wait3A_241 : memref<10016x144xf32, #tpu.memory_space<vmem_shared>>)
    %dma_wait3A_242 = arith.constant 2 : i32
    %dma_wait3A_243 = arith.constant 48 : i32
    %dma_wait3A_244 = arith.constant 0 : i32
    %dma_wait3A_245 = tpu.memref_slice %arg15[%dma_wait3A_243, %dma_wait3A_244] : memref<96x144xf32, #tpu.memory_space<vmem>> -> memref<48x144xf32, #tpu.memory_space<vmem>>
    %dma_wait3A_246 = arith.constant 0 : i32
    %dma_wait3A_247 = tpu.memref_slice %arg12[%dma_wait3A_242, %dma_wait3A_246] : memref<3x48xi32, #tpu.memory_space<vmem>> -> memref<1x48xi32, #tpu.memory_space<vmem>>
    %dma_wait3A_248 = tpu.memref_squeeze %dma_wait3A_247 : memref<1x48xi32, #tpu.memory_space<vmem>> -> memref<48xi32, #tpu.memory_space<vmem>>
    %dma_wait3A_249 = arith.constant 0 : i32
    %dma_wait3A_250 = arith.constant 0 : i32
    %dma_wait3A_251 = tpu.memref_slice %arg20[%dma_wait3A_249, %dma_wait3A_250] : memref<10016x144xf32, #tpu.memory_space<vmem_shared>> -> memref<10016x144xf32, #tpu.memory_space<vmem_shared>>
    tpu.wait_indirect_dma semaphore(%arg24 : memref<!tpu.dma_semaphore, #tpu.memory_space<semaphore_mem>>) src(%dma_wait3A_245 : memref<48x144xf32, #tpu.memory_space<vmem>>) dst(%dma_wait3A_251 : memref<10016x144xf32, #tpu.memory_space<vmem_shared>>)
    %barrier3A_252 = arith.constant 0 : index
    tpu.barrier barrier_id(%barrier3A_252)
    "tpu.region"() ({
      %run_scoped3A = tpu.sem_alloc : memref<!tpu.dma_semaphore, #tpu.memory_space<semaphore_mem>>
      %dma_start3A_253 = arith.constant 0 : i32
      %dma_start3A_254 = tpu.memref_slice %arg9[%arg0, %mul3A_10, %dma_start3A_253] : memref<2x10016x144xf32, #tpu.memory_space<hbm>> -> memref<1x626x144xf32, #tpu.memory_space<hbm>>
      %dma_start3A_255 = tpu.memref_squeeze %dma_start3A_254 : memref<1x626x144xf32, #tpu.memory_space<hbm>> -> memref<626x144xf32, #tpu.memory_space<hbm>>
      %dma_start3A_256 = arith.constant 0 : i32
      %dma_start3A_257 = tpu.memref_slice %arg20[%mul3A_10, %dma_start3A_256] : memref<10016x144xf32, #tpu.memory_space<vmem_shared>> -> memref<626x144xf32, #tpu.memory_space<vmem_shared>>
      tpu.enqueue_dma source(%dma_start3A_257 : memref<626x144xf32, #tpu.memory_space<vmem_shared>>) target(%dma_start3A_255 : memref<626x144xf32, #tpu.memory_space<hbm>>) target_semaphore(%run_scoped3A : memref<!tpu.dma_semaphore, #tpu.memory_space<semaphore_mem>>)
      %dma_wait3A_258 = arith.constant 0 : i32
      %dma_wait3A_259 = tpu.memref_slice %arg9[%arg0, %mul3A_10, %dma_wait3A_258] : memref<2x10016x144xf32, #tpu.memory_space<hbm>> -> memref<1x626x144xf32, #tpu.memory_space<hbm>>
      %dma_wait3A_260 = tpu.memref_squeeze %dma_wait3A_259 : memref<1x626x144xf32, #tpu.memory_space<hbm>> -> memref<626x144xf32, #tpu.memory_space<hbm>>
      %dma_wait3A_261 = arith.constant 0 : i32
      %dma_wait3A_262 = tpu.memref_slice %arg20[%mul3A_10, %dma_wait3A_261] : memref<10016x144xf32, #tpu.memory_space<vmem_shared>> -> memref<626x144xf32, #tpu.memory_space<vmem_shared>>
      tpu.wait_dma2 semaphore(%run_scoped3A : memref<!tpu.dma_semaphore, #tpu.memory_space<semaphore_mem>>) src(%dma_wait3A_262 : memref<626x144xf32, #tpu.memory_space<vmem_shared>>) dst(%dma_wait3A_260 : memref<626x144xf32, #tpu.memory_space<hbm>>)
      tpu.yield
    }) : () -> ()
    return
  }
}

#map = affine_map<(d0, d1) -> (0, 0)>
#map1 = affine_map<(d0, d1) -> (0)>
#map2 = affine_map<(d0, d1) -> (0, 0, 0)>
module attributes {stable_mosaic.version = 14 : i64} {
  func.func @_edge_body(%arg0: i32, %arg1: i32, %arg2: memref<20000x128xf32, #tpu.memory_space<hbm>>, %arg3: memref<967680xi32, #tpu.memory_space<hbm>>, %arg4: memref<322560xf32, #tpu.memory_space<hbm>>, %arg5: memref<64xi32, #tpu.memory_space<hbm>>, %arg6: memref<16xf32, #tpu.memory_space<hbm>>, %arg7: memref<128xf32, #tpu.memory_space<hbm>>, %arg8: memref<128xf32, #tpu.memory_space<hbm>>, %arg9: memref<2x10016x144xf32, #tpu.memory_space<hbm>>, %arg10: memref<288xi32, #tpu.memory_space<vmem>>, %arg11: memref<2x96xi32, #tpu.memory_space<vmem>>, %arg12: memref<3x48xi32, #tpu.memory_space<vmem>>, %arg13: memref<1536xf32, #tpu.memory_space<vmem>>, %arg14: memref<192x128xf32, #tpu.memory_space<vmem>>, %arg15: memref<96x144xf32, #tpu.memory_space<vmem>>, %arg16: memref<64xi32, #tpu.memory_space<vmem>>, %arg17: memref<16xf32, #tpu.memory_space<vmem>>, %arg18: memref<128xf32, #tpu.memory_space<vmem>>, %arg19: memref<128xf32, #tpu.memory_space<vmem>>, %arg20: memref<10016x144xf32, #tpu.memory_space<vmem_shared>>, %arg21: memref<!tpu.dma_semaphore, #tpu.memory_space<semaphore_mem>>, %arg22: memref<!tpu.dma_semaphore, #tpu.memory_space<semaphore_mem>>, %arg23: memref<!tpu.dma_semaphore, #tpu.memory_space<semaphore_mem>>, %arg24: memref<!tpu.dma_semaphore, #tpu.memory_space<semaphore_mem>>) attributes {dimension_semantics = [#tpu.dimension_semantics<core_parallel>, #tpu.dimension_semantics<subcore_parallel>], iteration_bounds = array<i64: 2, 16>, scalar_prefetch = 0 : i64, scratch_operands = 15 : i64, tpu.core_type = #tpu.core_type<sc_vector_subcore>, window_params = [{transform_indices = #map}, {transform_indices = #map1}, {transform_indices = #map1}, {transform_indices = #map1}, {transform_indices = #map1}, {transform_indices = #map1}, {transform_indices = #map1}, {transform_indices = #map2}]} {
    %mul3A = arith.constant 16 : i32
    %mul3A_0 = arith.muli %arg0, %mul3A : i32
    %add3A = arith.addi %mul3A_0, %arg1 : i32
    %mul3A_1 = arith.constant 210 : i32
    %mul3A_2 = arith.muli %add3A, %mul3A_1 : i32
    "tpu.region"() ({
      %run_scoped3A = tpu.sem_alloc : memref<!tpu.dma_semaphore, #tpu.memory_space<semaphore_mem>>
      tpu.enqueue_dma source(%arg7 : memref<128xf32, #tpu.memory_space<hbm>>) target(%arg18 : memref<128xf32, #tpu.memory_space<vmem>>) target_semaphore(%run_scoped3A : memref<!tpu.dma_semaphore, #tpu.memory_space<semaphore_mem>>)
      tpu.wait_dma2 semaphore(%run_scoped3A : memref<!tpu.dma_semaphore, #tpu.memory_space<semaphore_mem>>) src(%arg7 : memref<128xf32, #tpu.memory_space<hbm>>) dst(%arg18 : memref<128xf32, #tpu.memory_space<vmem>>)
      tpu.yield
    }) : () -> ()
    "tpu.region"() ({
      %run_scoped3A = tpu.sem_alloc : memref<!tpu.dma_semaphore, #tpu.memory_space<semaphore_mem>>
      tpu.enqueue_dma source(%arg8 : memref<128xf32, #tpu.memory_space<hbm>>) target(%arg19 : memref<128xf32, #tpu.memory_space<vmem>>) target_semaphore(%run_scoped3A : memref<!tpu.dma_semaphore, #tpu.memory_space<semaphore_mem>>)
      tpu.wait_dma2 semaphore(%run_scoped3A : memref<!tpu.dma_semaphore, #tpu.memory_space<semaphore_mem>>) src(%arg8 : memref<128xf32, #tpu.memory_space<hbm>>) dst(%arg19 : memref<128xf32, #tpu.memory_space<vmem>>)
      tpu.yield
    }) : () -> ()
    "tpu.region"() ({
      %run_scoped3A = tpu.sem_alloc : memref<!tpu.dma_semaphore, #tpu.memory_space<semaphore_mem>>
      tpu.enqueue_dma source(%arg5 : memref<64xi32, #tpu.memory_space<hbm>>) target(%arg16 : memref<64xi32, #tpu.memory_space<vmem>>) target_semaphore(%run_scoped3A : memref<!tpu.dma_semaphore, #tpu.memory_space<semaphore_mem>>)
      tpu.wait_dma2 semaphore(%run_scoped3A : memref<!tpu.dma_semaphore, #tpu.memory_space<semaphore_mem>>) src(%arg5 : memref<64xi32, #tpu.memory_space<hbm>>) dst(%arg16 : memref<64xi32, #tpu.memory_space<vmem>>)
      tpu.yield
    }) : () -> ()
    "tpu.region"() ({
      %run_scoped3A = tpu.sem_alloc : memref<!tpu.dma_semaphore, #tpu.memory_space<semaphore_mem>>
      tpu.enqueue_dma source(%arg6 : memref<16xf32, #tpu.memory_space<hbm>>) target(%arg17 : memref<16xf32, #tpu.memory_space<vmem>>) target_semaphore(%run_scoped3A : memref<!tpu.dma_semaphore, #tpu.memory_space<semaphore_mem>>)
      tpu.wait_dma2 semaphore(%run_scoped3A : memref<!tpu.dma_semaphore, #tpu.memory_space<semaphore_mem>>) src(%arg6 : memref<16xf32, #tpu.memory_space<hbm>>) dst(%arg17 : memref<16xf32, #tpu.memory_space<vmem>>)
      tpu.yield
    }) : () -> ()
    %broadcast_in_dim3A = arith.constant 0.000000e+00 : f32
    %broadcast_in_dim3A_3 = vector.broadcast %broadcast_in_dim3A : f32 to vector<16xf32>
    %scan3A = arith.constant 0 : i32
    %scan3A_4 = arith.constant 0 : i32
    %scan3A_5 = arith.constant 96 : i32
    %scan3A_6 = arith.addi %scan3A_4, %scan3A_5 : i32
    %scan3A_7 = arith.constant 1 : i32
    scf.for %scan3A_253 = %scan3A_4 to %scan3A_6 step %scan3A_7  : i32 {
      %swap3A_254 = arith.index_cast %scan3A_253 : i32 to index
      %swap3A_255 = arith.constant 0 : index
      %swap3A_256 = tpu.vector_load %arg15[%swap3A_254, %swap3A_255] {strides = array<i32>} : memref<96x144xf32, #tpu.memory_space<vmem>>, vector<1x16xf32>,
      %swap3A_257 = vector.shape_cast %swap3A_256 : vector<1x16xf32> to vector<16xf32>
      %swap3A_258 = vector.shape_cast %broadcast_in_dim3A_3 : vector<16xf32> to vector<1x16xf32>
      tpu.vector_store %arg15[%swap3A_254, %swap3A_255], %swap3A_258 {strides = array<i32>} : memref<96x144xf32, #tpu.memory_space<vmem>>, vector<1x16xf32>,
      %swap3A_259 = arith.index_cast %scan3A_253 : i32 to index
      %swap3A_260 = arith.constant 16 : index
      %swap3A_261 = tpu.vector_load %arg15[%swap3A_259, %swap3A_260] {strides = array<i32>} : memref<96x144xf32, #tpu.memory_space<vmem>>, vector<1x16xf32>,
      %swap3A_262 = vector.shape_cast %swap3A_261 : vector<1x16xf32> to vector<16xf32>
      %swap3A_263 = vector.shape_cast %broadcast_in_dim3A_3 : vector<16xf32> to vector<1x16xf32>
      tpu.vector_store %arg15[%swap3A_259, %swap3A_260], %swap3A_263 {strides = array<i32>} : memref<96x144xf32, #tpu.memory_space<vmem>>, vector<1x16xf32>,
      %swap3A_264 = arith.index_cast %scan3A_253 : i32 to index
      %swap3A_265 = arith.constant 32 : index
      %swap3A_266 = tpu.vector_load %arg15[%swap3A_264, %swap3A_265] {strides = array<i32>} : memref<96x144xf32, #tpu.memory_space<vmem>>, vector<1x16xf32>,
      %swap3A_267 = vector.shape_cast %swap3A_266 : vector<1x16xf32> to vector<16xf32>
      %swap3A_268 = vector.shape_cast %broadcast_in_dim3A_3 : vector<16xf32> to vector<1x16xf32>
      tpu.vector_store %arg15[%swap3A_264, %swap3A_265], %swap3A_268 {strides = array<i32>} : memref<96x144xf32, #tpu.memory_space<vmem>>, vector<1x16xf32>,
      %swap3A_269 = arith.index_cast %scan3A_253 : i32 to index
      %swap3A_270 = arith.constant 48 : index
      %swap3A_271 = tpu.vector_load %arg15[%swap3A_269, %swap3A_270] {strides = array<i32>} : memref<96x144xf32, #tpu.memory_space<vmem>>, vector<1x16xf32>,
      %swap3A_272 = vector.shape_cast %swap3A_271 : vector<1x16xf32> to vector<16xf32>
      %swap3A_273 = vector.shape_cast %broadcast_in_dim3A_3 : vector<16xf32> to vector<1x16xf32>
      tpu.vector_store %arg15[%swap3A_269, %swap3A_270], %swap3A_273 {strides = array<i32>} : memref<96x144xf32, #tpu.memory_space<vmem>>, vector<1x16xf32>,
      %swap3A_274 = arith.index_cast %scan3A_253 : i32 to index
      %swap3A_275 = arith.constant 64 : index
      %swap3A_276 = tpu.vector_load %arg15[%swap3A_274, %swap3A_275] {strides = array<i32>} : memref<96x144xf32, #tpu.memory_space<vmem>>, vector<1x16xf32>,
      %swap3A_277 = vector.shape_cast %swap3A_276 : vector<1x16xf32> to vector<16xf32>
      %swap3A_278 = vector.shape_cast %broadcast_in_dim3A_3 : vector<16xf32> to vector<1x16xf32>
      tpu.vector_store %arg15[%swap3A_274, %swap3A_275], %swap3A_278 {strides = array<i32>} : memref<96x144xf32, #tpu.memory_space<vmem>>, vector<1x16xf32>,
      %swap3A_279 = arith.index_cast %scan3A_253 : i32 to index
      %swap3A_280 = arith.constant 80 : index
      %swap3A_281 = tpu.vector_load %arg15[%swap3A_279, %swap3A_280] {strides = array<i32>} : memref<96x144xf32, #tpu.memory_space<vmem>>, vector<1x16xf32>,
      %swap3A_282 = vector.shape_cast %swap3A_281 : vector<1x16xf32> to vector<16xf32>
      %swap3A_283 = vector.shape_cast %broadcast_in_dim3A_3 : vector<16xf32> to vector<1x16xf32>
      tpu.vector_store %arg15[%swap3A_279, %swap3A_280], %swap3A_283 {strides = array<i32>} : memref<96x144xf32, #tpu.memory_space<vmem>>, vector<1x16xf32>,
      %swap3A_284 = arith.index_cast %scan3A_253 : i32 to index
      %swap3A_285 = arith.constant 96 : index
      %swap3A_286 = tpu.vector_load %arg15[%swap3A_284, %swap3A_285] {strides = array<i32>} : memref<96x144xf32, #tpu.memory_space<vmem>>, vector<1x16xf32>,
      %swap3A_287 = vector.shape_cast %swap3A_286 : vector<1x16xf32> to vector<16xf32>
      %swap3A_288 = vector.shape_cast %broadcast_in_dim3A_3 : vector<16xf32> to vector<1x16xf32>
      tpu.vector_store %arg15[%swap3A_284, %swap3A_285], %swap3A_288 {strides = array<i32>} : memref<96x144xf32, #tpu.memory_space<vmem>>, vector<1x16xf32>,
      %swap3A_289 = arith.index_cast %scan3A_253 : i32 to index
      %swap3A_290 = arith.constant 112 : index
      %swap3A_291 = tpu.vector_load %arg15[%swap3A_289, %swap3A_290] {strides = array<i32>} : memref<96x144xf32, #tpu.memory_space<vmem>>, vector<1x16xf32>,
      %swap3A_292 = vector.shape_cast %swap3A_291 : vector<1x16xf32> to vector<16xf32>
      %swap3A_293 = vector.shape_cast %broadcast_in_dim3A_3 : vector<16xf32> to vector<1x16xf32>
      tpu.vector_store %arg15[%swap3A_289, %swap3A_290], %swap3A_293 {strides = array<i32>} : memref<96x144xf32, #tpu.memory_space<vmem>>, vector<1x16xf32>,
      %swap3A_294 = arith.index_cast %scan3A_253 : i32 to index
      %swap3A_295 = arith.constant 128 : index
      %swap3A_296 = tpu.vector_load %arg15[%swap3A_294, %swap3A_295] {strides = array<i32>} : memref<96x144xf32, #tpu.memory_space<vmem>>, vector<1x16xf32>,
      %swap3A_297 = vector.shape_cast %swap3A_296 : vector<1x16xf32> to vector<16xf32>
      %swap3A_298 = vector.shape_cast %broadcast_in_dim3A_3 : vector<16xf32> to vector<1x16xf32>
      tpu.vector_store %arg15[%swap3A_294, %swap3A_295], %swap3A_298 {strides = array<i32>} : memref<96x144xf32, #tpu.memory_space<vmem>>, vector<1x16xf32>,
    }
    %scan3A_8 = arith.constant 96 : i32
    %mul3A_9 = arith.constant 626 : i32
    %mul3A_10 = arith.muli %arg1, %mul3A_9 : i32
    %add3A_11 = arith.constant 0 : i32
    %add3A_12 = arith.addi %mul3A_10, %add3A_11 : i32
    "tpu.region"() ({
      %run_scoped3A = tpu.sem_alloc : memref<!tpu.dma_semaphore, #tpu.memory_space<semaphore_mem>>
      %dma_start3A_253 = arith.constant 0 : i32
      %dma_start3A_254 = tpu.memref_slice %arg20[%add3A_12, %dma_start3A_253] : memref<10016x144xf32, #tpu.memory_space<vmem_shared>> -> memref<96x144xf32, #tpu.memory_space<vmem_shared>>
      %dma_start3A_255 = arith.constant 0 : i32
      %dma_start3A_256 = tpu.memref_slice %arg20[%add3A_12, %dma_start3A_255] : memref<10016x144xf32, #tpu.memory_space<vmem_shared>> -> memref<96x144xf32, #tpu.memory_space<vmem_shared>>
      tpu.enqueue_dma source(%arg15 : memref<96x144xf32, #tpu.memory_space<vmem>>) target(%dma_start3A_256 : memref<96x144xf32, #tpu.memory_space<vmem_shared>>) target_semaphore(%run_scoped3A : memref<!tpu.dma_semaphore, #tpu.memory_space<semaphore_mem>>)
      %dma_wait3A_257 = arith.constant 0 : i32
      %dma_wait3A_258 = tpu.memref_slice %arg20[%add3A_12, %dma_wait3A_257] : memref<10016x144xf32, #tpu.memory_space<vmem_shared>> -> memref<96x144xf32, #tpu.memory_space<vmem_shared>>
      %dma_wait3A_259 = arith.constant 0 : i32
      %dma_wait3A_260 = tpu.memref_slice %arg20[%add3A_12, %dma_wait3A_259] : memref<10016x144xf32, #tpu.memory_space<vmem_shared>> -> memref<96x144xf32, #tpu.memory_space<vmem_shared>>
      tpu.wait_dma2 semaphore(%run_scoped3A : memref<!tpu.dma_semaphore, #tpu.memory_space<semaphore_mem>>) src(%arg15 : memref<96x144xf32, #tpu.memory_space<vmem>>) dst(%dma_wait3A_260 : memref<96x144xf32, #tpu.memory_space<vmem_shared>>)
      tpu.yield
    }) : () -> ()
    %add3A_13 = arith.constant 96 : i32
    %add3A_14 = arith.addi %mul3A_10, %add3A_13 : i32
    "tpu.region"() ({
      %run_scoped3A = tpu.sem_alloc : memref<!tpu.dma_semaphore, #tpu.memory_space<semaphore_mem>>
      %dma_start3A_253 = arith.constant 0 : i32
      %dma_start3A_254 = tpu.memref_slice %arg20[%add3A_14, %dma_start3A_253] : memref<10016x144xf32, #tpu.memory_space<vmem_shared>> -> memref<96x144xf32, #tpu.memory_space<vmem_shared>>
      %dma_start3A_255 = arith.constant 0 : i32
      %dma_start3A_256 = tpu.memref_slice %arg20[%add3A_14, %dma_start3A_255] : memref<10016x144xf32, #tpu.memory_space<vmem_shared>> -> memref<96x144xf32, #tpu.memory_space<vmem_shared>>
      tpu.enqueue_dma source(%arg15 : memref<96x144xf32, #tpu.memory_space<vmem>>) target(%dma_start3A_256 : memref<96x144xf32, #tpu.memory_space<vmem_shared>>) target_semaphore(%run_scoped3A : memref<!tpu.dma_semaphore, #tpu.memory_space<semaphore_mem>>)
      %dma_wait3A_257 = arith.constant 0 : i32
      %dma_wait3A_258 = tpu.memref_slice %arg20[%add3A_14, %dma_wait3A_257] : memref<10016x144xf32, #tpu.memory_space<vmem_shared>> -> memref<96x144xf32, #tpu.memory_space<vmem_shared>>
      %dma_wait3A_259 = arith.constant 0 : i32
      %dma_wait3A_260 = tpu.memref_slice %arg20[%add3A_14, %dma_wait3A_259] : memref<10016x144xf32, #tpu.memory_space<vmem_shared>> -> memref<96x144xf32, #tpu.memory_space<vmem_shared>>
      tpu.wait_dma2 semaphore(%run_scoped3A : memref<!tpu.dma_semaphore, #tpu.memory_space<semaphore_mem>>) src(%arg15 : memref<96x144xf32, #tpu.memory_space<vmem>>) dst(%dma_wait3A_260 : memref<96x144xf32, #tpu.memory_space<vmem_shared>>)
      tpu.yield
    }) : () -> ()
    %add3A_15 = arith.constant 192 : i32
    %add3A_16 = arith.addi %mul3A_10, %add3A_15 : i32
    "tpu.region"() ({
      %run_scoped3A = tpu.sem_alloc : memref<!tpu.dma_semaphore, #tpu.memory_space<semaphore_mem>>
      %dma_start3A_253 = arith.constant 0 : i32
      %dma_start3A_254 = tpu.memref_slice %arg20[%add3A_16, %dma_start3A_253] : memref<10016x144xf32, #tpu.memory_space<vmem_shared>> -> memref<96x144xf32, #tpu.memory_space<vmem_shared>>
      %dma_start3A_255 = arith.constant 0 : i32
      %dma_start3A_256 = tpu.memref_slice %arg20[%add3A_16, %dma_start3A_255] : memref<10016x144xf32, #tpu.memory_space<vmem_shared>> -> memref<96x144xf32, #tpu.memory_space<vmem_shared>>
      tpu.enqueue_dma source(%arg15 : memref<96x144xf32, #tpu.memory_space<vmem>>) target(%dma_start3A_256 : memref<96x144xf32, #tpu.memory_space<vmem_shared>>) target_semaphore(%run_scoped3A : memref<!tpu.dma_semaphore, #tpu.memory_space<semaphore_mem>>)
      %dma_wait3A_257 = arith.constant 0 : i32
      %dma_wait3A_258 = tpu.memref_slice %arg20[%add3A_16, %dma_wait3A_257] : memref<10016x144xf32, #tpu.memory_space<vmem_shared>> -> memref<96x144xf32, #tpu.memory_space<vmem_shared>>
      %dma_wait3A_259 = arith.constant 0 : i32
      %dma_wait3A_260 = tpu.memref_slice %arg20[%add3A_16, %dma_wait3A_259] : memref<10016x144xf32, #tpu.memory_space<vmem_shared>> -> memref<96x144xf32, #tpu.memory_space<vmem_shared>>
      tpu.wait_dma2 semaphore(%run_scoped3A : memref<!tpu.dma_semaphore, #tpu.memory_space<semaphore_mem>>) src(%arg15 : memref<96x144xf32, #tpu.memory_space<vmem>>) dst(%dma_wait3A_260 : memref<96x144xf32, #tpu.memory_space<vmem_shared>>)
      tpu.yield
    }) : () -> ()
    %add3A_17 = arith.constant 288 : i32
    %add3A_18 = arith.addi %mul3A_10, %add3A_17 : i32
    "tpu.region"() ({
      %run_scoped3A = tpu.sem_alloc : memref<!tpu.dma_semaphore, #tpu.memory_space<semaphore_mem>>
      %dma_start3A_253 = arith.constant 0 : i32
      %dma_start3A_254 = tpu.memref_slice %arg20[%add3A_18, %dma_start3A_253] : memref<10016x144xf32, #tpu.memory_space<vmem_shared>> -> memref<96x144xf32, #tpu.memory_space<vmem_shared>>
      %dma_start3A_255 = arith.constant 0 : i32
      %dma_start3A_256 = tpu.memref_slice %arg20[%add3A_18, %dma_start3A_255] : memref<10016x144xf32, #tpu.memory_space<vmem_shared>> -> memref<96x144xf32, #tpu.memory_space<vmem_shared>>
      tpu.enqueue_dma source(%arg15 : memref<96x144xf32, #tpu.memory_space<vmem>>) target(%dma_start3A_256 : memref<96x144xf32, #tpu.memory_space<vmem_shared>>) target_semaphore(%run_scoped3A : memref<!tpu.dma_semaphore, #tpu.memory_space<semaphore_mem>>)
      %dma_wait3A_257 = arith.constant 0 : i32
      %dma_wait3A_258 = tpu.memref_slice %arg20[%add3A_18, %dma_wait3A_257] : memref<10016x144xf32, #tpu.memory_space<vmem_shared>> -> memref<96x144xf32, #tpu.memory_space<vmem_shared>>
      %dma_wait3A_259 = arith.constant 0 : i32
      %dma_wait3A_260 = tpu.memref_slice %arg20[%add3A_18, %dma_wait3A_259] : memref<10016x144xf32, #tpu.memory_space<vmem_shared>> -> memref<96x144xf32, #tpu.memory_space<vmem_shared>>
      tpu.wait_dma2 semaphore(%run_scoped3A : memref<!tpu.dma_semaphore, #tpu.memory_space<semaphore_mem>>) src(%arg15 : memref<96x144xf32, #tpu.memory_space<vmem>>) dst(%dma_wait3A_260 : memref<96x144xf32, #tpu.memory_space<vmem_shared>>)
      tpu.yield
    }) : () -> ()
    %add3A_19 = arith.constant 384 : i32
    %add3A_20 = arith.addi %mul3A_10, %add3A_19 : i32
    "tpu.region"() ({
      %run_scoped3A = tpu.sem_alloc : memref<!tpu.dma_semaphore, #tpu.memory_space<semaphore_mem>>
      %dma_start3A_253 = arith.constant 0 : i32
      %dma_start3A_254 = tpu.memref_slice %arg20[%add3A_20, %dma_start3A_253] : memref<10016x144xf32, #tpu.memory_space<vmem_shared>> -> memref<96x144xf32, #tpu.memory_space<vmem_shared>>
      %dma_start3A_255 = arith.constant 0 : i32
      %dma_start3A_256 = tpu.memref_slice %arg20[%add3A_20, %dma_start3A_255] : memref<10016x144xf32, #tpu.memory_space<vmem_shared>> -> memref<96x144xf32, #tpu.memory_space<vmem_shared>>
      tpu.enqueue_dma source(%arg15 : memref<96x144xf32, #tpu.memory_space<vmem>>) target(%dma_start3A_256 : memref<96x144xf32, #tpu.memory_space<vmem_shared>>) target_semaphore(%run_scoped3A : memref<!tpu.dma_semaphore, #tpu.memory_space<semaphore_mem>>)
      %dma_wait3A_257 = arith.constant 0 : i32
      %dma_wait3A_258 = tpu.memref_slice %arg20[%add3A_20, %dma_wait3A_257] : memref<10016x144xf32, #tpu.memory_space<vmem_shared>> -> memref<96x144xf32, #tpu.memory_space<vmem_shared>>
      %dma_wait3A_259 = arith.constant 0 : i32
      %dma_wait3A_260 = tpu.memref_slice %arg20[%add3A_20, %dma_wait3A_259] : memref<10016x144xf32, #tpu.memory_space<vmem_shared>> -> memref<96x144xf32, #tpu.memory_space<vmem_shared>>
      tpu.wait_dma2 semaphore(%run_scoped3A : memref<!tpu.dma_semaphore, #tpu.memory_space<semaphore_mem>>) src(%arg15 : memref<96x144xf32, #tpu.memory_space<vmem>>) dst(%dma_wait3A_260 : memref<96x144xf32, #tpu.memory_space<vmem_shared>>)
      tpu.yield
    }) : () -> ()
    %add3A_21 = arith.constant 480 : i32
    %add3A_22 = arith.addi %mul3A_10, %add3A_21 : i32
    "tpu.region"() ({
      %run_scoped3A = tpu.sem_alloc : memref<!tpu.dma_semaphore, #tpu.memory_space<semaphore_mem>>
      %dma_start3A_253 = arith.constant 0 : i32
      %dma_start3A_254 = tpu.memref_slice %arg20[%add3A_22, %dma_start3A_253] : memref<10016x144xf32, #tpu.memory_space<vmem_shared>> -> memref<96x144xf32, #tpu.memory_space<vmem_shared>>
      %dma_start3A_255 = arith.constant 0 : i32
      %dma_start3A_256 = tpu.memref_slice %arg20[%add3A_22, %dma_start3A_255] : memref<10016x144xf32, #tpu.memory_space<vmem_shared>> -> memref<96x144xf32, #tpu.memory_space<vmem_shared>>
      tpu.enqueue_dma source(%arg15 : memref<96x144xf32, #tpu.memory_space<vmem>>) target(%dma_start3A_256 : memref<96x144xf32, #tpu.memory_space<vmem_shared>>) target_semaphore(%run_scoped3A : memref<!tpu.dma_semaphore, #tpu.memory_space<semaphore_mem>>)
      %dma_wait3A_257 = arith.constant 0 : i32
      %dma_wait3A_258 = tpu.memref_slice %arg20[%add3A_22, %dma_wait3A_257] : memref<10016x144xf32, #tpu.memory_space<vmem_shared>> -> memref<96x144xf32, #tpu.memory_space<vmem_shared>>
      %dma_wait3A_259 = arith.constant 0 : i32
      %dma_wait3A_260 = tpu.memref_slice %arg20[%add3A_22, %dma_wait3A_259] : memref<10016x144xf32, #tpu.memory_space<vmem_shared>> -> memref<96x144xf32, #tpu.memory_space<vmem_shared>>
      tpu.wait_dma2 semaphore(%run_scoped3A : memref<!tpu.dma_semaphore, #tpu.memory_space<semaphore_mem>>) src(%arg15 : memref<96x144xf32, #tpu.memory_space<vmem>>) dst(%dma_wait3A_260 : memref<96x144xf32, #tpu.memory_space<vmem_shared>>)
      tpu.yield
    }) : () -> ()
    %add3A_23 = arith.constant 626 : i32
    %add3A_24 = arith.addi %mul3A_10, %add3A_23 : i32
    %sub3A = arith.constant 50 : i32
    %sub3A_25 = arith.subi %add3A_24, %sub3A : i32
    "tpu.region"() ({
      %run_scoped3A = tpu.sem_alloc : memref<!tpu.dma_semaphore, #tpu.memory_space<semaphore_mem>>
      %dma_start3A_253 = arith.constant 0 : i32
      %dma_start3A_254 = arith.constant 0 : i32
      %dma_start3A_255 = tpu.memref_slice %arg15[%dma_start3A_253, %dma_start3A_254] : memref<96x144xf32, #tpu.memory_space<vmem>> -> memref<50x144xf32, #tpu.memory_space<vmem>>
      %dma_start3A_256 = arith.constant 0 : i32
      %dma_start3A_257 = tpu.memref_slice %arg20[%sub3A_25, %dma_start3A_256] : memref<10016x144xf32, #tpu.memory_space<vmem_shared>> -> memref<50x144xf32, #tpu.memory_space<vmem_shared>>
      %dma_start3A_258 = arith.constant 0 : i32
      %dma_start3A_259 = tpu.memref_slice %arg20[%sub3A_25, %dma_start3A_258] : memref<10016x144xf32, #tpu.memory_space<vmem_shared>> -> memref<50x144xf32, #tpu.memory_space<vmem_shared>>
      %dma_start3A_260 = arith.constant 0 : i32
      %dma_start3A_261 = arith.constant 0 : i32
      %dma_start3A_262 = tpu.memref_slice %arg15[%dma_start3A_260, %dma_start3A_261] : memref<96x144xf32, #tpu.memory_space<vmem>> -> memref<50x144xf32, #tpu.memory_space<vmem>>
      tpu.enqueue_dma source(%dma_start3A_262 : memref<50x144xf32, #tpu.memory_space<vmem>>) target(%dma_start3A_259 : memref<50x144xf32, #tpu.memory_space<vmem_shared>>) target_semaphore(%run_scoped3A : memref<!tpu.dma_semaphore, #tpu.memory_space<semaphore_mem>>)
      %dma_wait3A_263 = arith.constant 0 : i32
      %dma_wait3A_264 = arith.constant 0 : i32
      %dma_wait3A_265 = tpu.memref_slice %arg15[%dma_wait3A_263, %dma_wait3A_264] : memref<96x144xf32, #tpu.memory_space<vmem>> -> memref<50x144xf32, #tpu.memory_space<vmem>>
      %dma_wait3A_266 = arith.constant 0 : i32
      %dma_wait3A_267 = tpu.memref_slice %arg20[%sub3A_25, %dma_wait3A_266] : memref<10016x144xf32, #tpu.memory_space<vmem_shared>> -> memref<50x144xf32, #tpu.memory_space<vmem_shared>>
      %dma_wait3A_268 = arith.constant 0 : i32
      %dma_wait3A_269 = tpu.memref_slice %arg20[%sub3A_25, %dma_wait3A_268] : memref<10016x144xf32, #tpu.memory_space<vmem_shared>> -> memref<50x144xf32, #tpu.memory_space<vmem_shared>>
      %dma_wait3A_270 = arith.constant 0 : i32
      %dma_wait3A_271 = arith.constant 0 : i32
      %dma_wait3A_272 = tpu.memref_slice %arg15[%dma_wait3A_270, %dma_wait3A_271] : memref<96x144xf32, #tpu.memory_space<vmem>> -> memref<50x144xf32, #tpu.memory_space<vmem>>
      tpu.wait_dma2 semaphore(%run_scoped3A : memref<!tpu.dma_semaphore, #tpu.memory_space<semaphore_mem>>) src(%dma_wait3A_272 : memref<50x144xf32, #tpu.memory_space<vmem>>) dst(%dma_wait3A_269 : memref<50x144xf32, #tpu.memory_space<vmem_shared>>)
      tpu.yield
    }) : () -> ()
    %barrier3A = arith.constant 0 : index
    tpu.barrier barrier_id(%barrier3A)
    %get3A = arith.constant 0 : index
    %get3A_26 = tpu.vector_load %arg18[%get3A] {strides = array<i32>} : memref<128xf32, #tpu.memory_space<vmem>>, vector<16xf32>,
    %get3A_27 = vector.shape_cast %get3A_26 : vector<16xf32> to vector<16xf32>
    %get3A_28 = arith.constant 16 : index
    %get3A_29 = tpu.vector_load %arg18[%get3A_28] {strides = array<i32>} : memref<128xf32, #tpu.memory_space<vmem>>, vector<16xf32>,
    %get3A_30 = vector.shape_cast %get3A_29 : vector<16xf32> to vector<16xf32>
    %get3A_31 = arith.constant 32 : index
    %get3A_32 = tpu.vector_load %arg18[%get3A_31] {strides = array<i32>} : memref<128xf32, #tpu.memory_space<vmem>>, vector<16xf32>,
    %get3A_33 = vector.shape_cast %get3A_32 : vector<16xf32> to vector<16xf32>
    %get3A_34 = arith.constant 48 : index
    %get3A_35 = tpu.vector_load %arg18[%get3A_34] {strides = array<i32>} : memref<128xf32, #tpu.memory_space<vmem>>, vector<16xf32>,
    %get3A_36 = vector.shape_cast %get3A_35 : vector<16xf32> to vector<16xf32>
    %get3A_37 = arith.constant 64 : index
    %get3A_38 = tpu.vector_load %arg18[%get3A_37] {strides = array<i32>} : memref<128xf32, #tpu.memory_space<vmem>>, vector<16xf32>,
    %get3A_39 = vector.shape_cast %get3A_38 : vector<16xf32> to vector<16xf32>
    %get3A_40 = arith.constant 80 : index
    %get3A_41 = tpu.vector_load %arg18[%get3A_40] {strides = array<i32>} : memref<128xf32, #tpu.memory_space<vmem>>, vector<16xf32>,
    %get3A_42 = vector.shape_cast %get3A_41 : vector<16xf32> to vector<16xf32>
    %get3A_43 = arith.constant 96 : index
    %get3A_44 = tpu.vector_load %arg18[%get3A_43] {strides = array<i32>} : memref<128xf32, #tpu.memory_space<vmem>>, vector<16xf32>,
    %get3A_45 = vector.shape_cast %get3A_44 : vector<16xf32> to vector<16xf32>
    %get3A_46 = arith.constant 112 : index
    %get3A_47 = tpu.vector_load %arg18[%get3A_46] {strides = array<i32>} : memref<128xf32, #tpu.memory_space<vmem>>, vector<16xf32>,
    %get3A_48 = vector.shape_cast %get3A_47 : vector<16xf32> to vector<16xf32>
    %get3A_49 = arith.constant 0 : index
    %get3A_50 = tpu.vector_load %arg19[%get3A_49] {strides = array<i32>} : memref<128xf32, #tpu.memory_space<vmem>>, vector<16xf32>,
    %get3A_51 = vector.shape_cast %get3A_50 : vector<16xf32> to vector<16xf32>
    %get3A_52 = arith.constant 16 : index
    %get3A_53 = tpu.vector_load %arg19[%get3A_52] {strides = array<i32>} : memref<128xf32, #tpu.memory_space<vmem>>, vector<16xf32>,
    %get3A_54 = vector.shape_cast %get3A_53 : vector<16xf32> to vector<16xf32>
    %get3A_55 = arith.constant 32 : index
    %get3A_56 = tpu.vector_load %arg19[%get3A_55] {strides = array<i32>} : memref<128xf32, #tpu.memory_space<vmem>>, vector<16xf32>,
    %get3A_57 = vector.shape_cast %get3A_56 : vector<16xf32> to vector<16xf32>
    %get3A_58 = arith.constant 48 : index
    %get3A_59 = tpu.vector_load %arg19[%get3A_58] {strides = array<i32>} : memref<128xf32, #tpu.memory_space<vmem>>, vector<16xf32>,
    %get3A_60 = vector.shape_cast %get3A_59 : vector<16xf32> to vector<16xf32>
    %get3A_61 = arith.constant 64 : index
    %get3A_62 = tpu.vector_load %arg19[%get3A_61] {strides = array<i32>} : memref<128xf32, #tpu.memory_space<vmem>>, vector<16xf32>,
    %get3A_63 = vector.shape_cast %get3A_62 : vector<16xf32> to vector<16xf32>
    %get3A_64 = arith.constant 80 : index
    %get3A_65 = tpu.vector_load %arg19[%get3A_64] {strides = array<i32>} : memref<128xf32, #tpu.memory_space<vmem>>, vector<16xf32>,
    %get3A_66 = vector.shape_cast %get3A_65 : vector<16xf32> to vector<16xf32>
    %get3A_67 = arith.constant 96 : index
    %get3A_68 = tpu.vector_load %arg19[%get3A_67] {strides = array<i32>} : memref<128xf32, #tpu.memory_space<vmem>>, vector<16xf32>,
    %get3A_69 = vector.shape_cast %get3A_68 : vector<16xf32> to vector<16xf32>
    %get3A_70 = arith.constant 112 : index
    %get3A_71 = tpu.vector_load %arg19[%get3A_70] {strides = array<i32>} : memref<128xf32, #tpu.memory_space<vmem>>, vector<16xf32>,
    %get3A_72 = vector.shape_cast %get3A_71 : vector<16xf32> to vector<16xf32>
    %get3A_73 = arith.constant 0 : index
    %get3A_74 = tpu.vector_load %arg16[%get3A_73] {strides = array<i32>} : memref<64xi32, #tpu.memory_space<vmem>>, vector<16xi32>,
    %get3A_75 = vector.shape_cast %get3A_74 : vector<16xi32> to vector<16xi32>
    %get3A_76 = arith.constant 16 : index
    %get3A_77 = tpu.vector_load %arg16[%get3A_76] {strides = array<i32>} : memref<64xi32, #tpu.memory_space<vmem>>, vector<16xi32>,
    %get3A_78 = vector.shape_cast %get3A_77 : vector<16xi32> to vector<16xi32>
    %get3A_79 = arith.constant 32 : index
    %get3A_80 = tpu.vector_load %arg16[%get3A_79] {strides = array<i32>} : memref<64xi32, #tpu.memory_space<vmem>>, vector<16xi32>,
    %get3A_81 = vector.shape_cast %get3A_80 : vector<16xi32> to vector<16xi32>
    %get3A_82 = arith.constant 48 : index
    %get3A_83 = tpu.vector_load %arg16[%get3A_82] {strides = array<i32>} : memref<64xi32, #tpu.memory_space<vmem>>, vector<16xi32>,
    %get3A_84 = vector.shape_cast %get3A_83 : vector<16xi32> to vector<16xi32>
    %get3A_85 = arith.constant 0 : index
    %get3A_86 = tpu.vector_load %arg17[%get3A_85] {strides = array<i32>} : memref<16xf32, #tpu.memory_space<vmem>>, vector<16xf32>,
    %get3A_87 = vector.shape_cast %get3A_86 : vector<16xf32> to vector<16xf32>
    %add3A_88 = arith.constant 0 : i32
    %add3A_89 = arith.addi %mul3A_2, %add3A_88 : i32
    %mul3A_90 = arith.constant 144 : i32
    %mul3A_91 = arith.muli %add3A_89, %mul3A_90 : i32
    %dma_start3A = arith.constant 0 : i32
    %dma_start3A_92 = tpu.memref_slice %arg10[%dma_start3A] : memref<288xi32, #tpu.memory_space<vmem>> -> memref<144xi32, #tpu.memory_space<vmem>>
    %dma_start3A_93 = tpu.memref_slice %arg3[%mul3A_91] : memref<967680xi32, #tpu.memory_space<hbm>> -> memref<144xi32, #tpu.memory_space<hbm>>
    %dma_start3A_94 = arith.constant 0 : i32
    %dma_start3A_95 = tpu.memref_slice %arg10[%dma_start3A_94] : memref<288xi32, #tpu.memory_space<vmem>> -> memref<144xi32, #tpu.memory_space<vmem>>
    %dma_start3A_96 = tpu.memref_slice %arg3[%mul3A_91] : memref<967680xi32, #tpu.memory_space<hbm>> -> memref<144xi32, #tpu.memory_space<hbm>>
    tpu.enqueue_dma source(%dma_start3A_96 : memref<144xi32, #tpu.memory_space<hbm>>) target(%dma_start3A_95 : memref<144xi32, #tpu.memory_space<vmem>>) target_semaphore(%arg21 : memref<!tpu.dma_semaphore, #tpu.memory_space<semaphore_mem>>)
    %add3A_97 = arith.constant 0 : i32
    %add3A_98 = arith.addi %mul3A_2, %add3A_97 : i32
    %mul3A_99 = arith.constant 48 : i32
    %mul3A_100 = arith.muli %add3A_98, %mul3A_99 : i32
    %dma_start3A_101 = arith.constant 0 : i32
    %dma_start3A_102 = tpu.memref_slice %arg13[%dma_start3A_101] : memref<1536xf32, #tpu.memory_space<vmem>> -> memref<48xf32, #tpu.memory_space<vmem>>
    %dma_start3A_103 = tpu.memref_slice %arg4[%mul3A_100] : memref<322560xf32, #tpu.memory_space<hbm>> -> memref<48xf32, #tpu.memory_space<hbm>>
    %dma_start3A_104 = arith.constant 0 : i32
    %dma_start3A_105 = tpu.memref_slice %arg13[%dma_start3A_104] : memref<1536xf32, #tpu.memory_space<vmem>> -> memref<48xf32, #tpu.memory_space<vmem>>
    %dma_start3A_106 = tpu.memref_slice %arg4[%mul3A_100] : memref<322560xf32, #tpu.memory_space<hbm>> -> memref<48xf32, #tpu.memory_space<hbm>>
    tpu.enqueue_dma source(%dma_start3A_106 : memref<48xf32, #tpu.memory_space<hbm>>) target(%dma_start3A_105 : memref<48xf32, #tpu.memory_space<vmem>>) target_semaphore(%arg22 : memref<!tpu.dma_semaphore, #tpu.memory_space<semaphore_mem>>)
    %add3A_107 = arith.constant 0 : i32
    %add3A_108 = arith.addi %mul3A_2, %add3A_107 : i32
    %mul3A_109 = arith.constant 144 : i32
    %mul3A_110 = arith.muli %add3A_108, %mul3A_109 : i32
    %dma_wait3A = arith.constant 0 : i32
    %dma_wait3A_111 = tpu.memref_slice %arg10[%dma_wait3A] : memref<288xi32, #tpu.memory_space<vmem>> -> memref<144xi32, #tpu.memory_space<vmem>>
    %dma_wait3A_112 = tpu.memref_slice %arg3[%mul3A_110] : memref<967680xi32, #tpu.memory_space<hbm>> -> memref<144xi32, #tpu.memory_space<hbm>>
    %dma_wait3A_113 = arith.constant 0 : i32
    %dma_wait3A_114 = tpu.memref_slice %arg10[%dma_wait3A_113] : memref<288xi32, #tpu.memory_space<vmem>> -> memref<144xi32, #tpu.memory_space<vmem>>
    %dma_wait3A_115 = tpu.memref_slice %arg3[%mul3A_110] : memref<967680xi32, #tpu.memory_space<hbm>> -> memref<144xi32, #tpu.memory_space<hbm>>
    tpu.wait_dma2 semaphore(%arg21 : memref<!tpu.dma_semaphore, #tpu.memory_space<semaphore_mem>>) src(%dma_wait3A_115 : memref<144xi32, #tpu.memory_space<hbm>>) dst(%dma_wait3A_114 : memref<144xi32, #tpu.memory_space<vmem>>)
    %get3A_116 = arith.constant 0 : index
    %get3A_117 = tpu.vector_load %arg10[%get3A_116] {strides = array<i32>} : memref<288xi32, #tpu.memory_space<vmem>>, vector<16xi32>,
    %get3A_118 = vector.shape_cast %get3A_117 : vector<16xi32> to vector<16xi32>
    %swap3A = arith.constant 0 : i32
    %swap3A_119 = arith.index_cast %swap3A : i32 to index
    %swap3A_120 = arith.constant 0 : index
    %swap3A_121 = tpu.vector_load %arg11[%swap3A_119, %swap3A_120] {strides = array<i32>} : memref<2x96xi32, #tpu.memory_space<vmem>>, vector<1x16xi32>,
    %swap3A_122 = vector.shape_cast %swap3A_121 : vector<1x16xi32> to vector<16xi32>
    %swap3A_123 = vector.shape_cast %get3A_118 : vector<16xi32> to vector<1x16xi32>
    tpu.vector_store %arg11[%swap3A_119, %swap3A_120], %swap3A_123 {strides = array<i32>} : memref<2x96xi32, #tpu.memory_space<vmem>>, vector<1x16xi32>,
    %get3A_124 = arith.constant 48 : index
    %get3A_125 = tpu.vector_load %arg10[%get3A_124] {strides = array<i32>} : memref<288xi32, #tpu.memory_space<vmem>>, vector<16xi32>,
    %get3A_126 = vector.shape_cast %get3A_125 : vector<16xi32> to vector<16xi32>
    %swap3A_127 = arith.constant 0 : i32
    %swap3A_128 = arith.index_cast %swap3A_127 : i32 to index
    %swap3A_129 = arith.constant 48 : index
    %swap3A_130 = tpu.vector_load %arg11[%swap3A_128, %swap3A_129] {strides = array<i32>} : memref<2x96xi32, #tpu.memory_space<vmem>>, vector<1x16xi32>,
    %swap3A_131 = vector.shape_cast %swap3A_130 : vector<1x16xi32> to vector<16xi32>
    %swap3A_132 = vector.shape_cast %get3A_126 : vector<16xi32> to vector<1x16xi32>
    tpu.vector_store %arg11[%swap3A_128, %swap3A_129], %swap3A_132 {strides = array<i32>} : memref<2x96xi32, #tpu.memory_space<vmem>>, vector<1x16xi32>,
    %get3A_133 = arith.constant 96 : index
    %get3A_134 = tpu.vector_load %arg10[%get3A_133] {strides = array<i32>} : memref<288xi32, #tpu.memory_space<vmem>>, vector<16xi32>,
    %get3A_135 = vector.shape_cast %get3A_134 : vector<16xi32> to vector<16xi32>
    %swap3A_136 = arith.constant 0 : i32
    %swap3A_137 = arith.index_cast %swap3A_136 : i32 to index
    %swap3A_138 = arith.constant 0 : index
    %swap3A_139 = tpu.vector_load %arg12[%swap3A_137, %swap3A_138] {strides = array<i32>} : memref<3x48xi32, #tpu.memory_space<vmem>>, vector<1x16xi32>,
    %swap3A_140 = vector.shape_cast %swap3A_139 : vector<1x16xi32> to vector<16xi32>
    %swap3A_141 = vector.shape_cast %get3A_135 : vector<16xi32> to vector<1x16xi32>
    tpu.vector_store %arg12[%swap3A_137, %swap3A_138], %swap3A_141 {strides = array<i32>} : memref<3x48xi32, #tpu.memory_space<vmem>>, vector<1x16xi32>,
    %get3A_142 = arith.constant 16 : index
    %get3A_143 = tpu.vector_load %arg10[%get3A_142] {strides = array<i32>} : memref<288xi32, #tpu.memory_space<vmem>>, vector<16xi32>,
    %get3A_144 = vector.shape_cast %get3A_143 : vector<16xi32> to vector<16xi32>
    %swap3A_145 = arith.constant 0 : i32
    %swap3A_146 = arith.index_cast %swap3A_145 : i32 to index
    %swap3A_147 = arith.constant 16 : index
    %swap3A_148 = tpu.vector_load %arg11[%swap3A_146, %swap3A_147] {strides = array<i32>} : memref<2x96xi32, #tpu.memory_space<vmem>>, vector<1x16xi32>,
    %swap3A_149 = vector.shape_cast %swap3A_148 : vector<1x16xi32> to vector<16xi32>
    %swap3A_150 = vector.shape_cast %get3A_144 : vector<16xi32> to vector<1x16xi32>
    tpu.vector_store %arg11[%swap3A_146, %swap3A_147], %swap3A_150 {strides = array<i32>} : memref<2x96xi32, #tpu.memory_space<vmem>>, vector<1x16xi32>,
    %get3A_151 = arith.constant 64 : index
    %get3A_152 = tpu.vector_load %arg10[%get3A_151] {strides = array<i32>} : memref<288xi32, #tpu.memory_space<vmem>>, vector<16xi32>,
    %get3A_153 = vector.shape_cast %get3A_152 : vector<16xi32> to vector<16xi32>
    %swap3A_154 = arith.constant 0 : i32
    %swap3A_155 = arith.index_cast %swap3A_154 : i32 to index
    %swap3A_156 = arith.constant 64 : index
    %swap3A_157 = tpu.vector_load %arg11[%swap3A_155, %swap3A_156] {strides = array<i32>} : memref<2x96xi32, #tpu.memory_space<vmem>>, vector<1x16xi32>,
    %swap3A_158 = vector.shape_cast %swap3A_157 : vector<1x16xi32> to vector<16xi32>
    %swap3A_159 = vector.shape_cast %get3A_153 : vector<16xi32> to vector<1x16xi32>
    tpu.vector_store %arg11[%swap3A_155, %swap3A_156], %swap3A_159 {strides = array<i32>} : memref<2x96xi32, #tpu.memory_space<vmem>>, vector<1x16xi32>,
    %get3A_160 = arith.constant 112 : index
    %get3A_161 = tpu.vector_load %arg10[%get3A_160] {strides = array<i32>} : memref<288xi32, #tpu.memory_space<vmem>>, vector<16xi32>,
    %get3A_162 = vector.shape_cast %get3A_161 : vector<16xi32> to vector<16xi32>
    %swap3A_163 = arith.constant 0 : i32
    %swap3A_164 = arith.index_cast %swap3A_163 : i32 to index
    %swap3A_165 = arith.constant 16 : index
    %swap3A_166 = tpu.vector_load %arg12[%swap3A_164, %swap3A_165] {strides = array<i32>} : memref<3x48xi32, #tpu.memory_space<vmem>>, vector<1x16xi32>,
    %swap3A_167 = vector.shape_cast %swap3A_166 : vector<1x16xi32> to vector<16xi32>
    %swap3A_168 = vector.shape_cast %get3A_162 : vector<16xi32> to vector<1x16xi32>
    tpu.vector_store %arg12[%swap3A_164, %swap3A_165], %swap3A_168 {strides = array<i32>} : memref<3x48xi32, #tpu.memory_space<vmem>>, vector<1x16xi32>,
    %get3A_169 = arith.constant 32 : index
    %get3A_170 = tpu.vector_load %arg10[%get3A_169] {strides = array<i32>} : memref<288xi32, #tpu.memory_space<vmem>>, vector<16xi32>,
    %get3A_171 = vector.shape_cast %get3A_170 : vector<16xi32> to vector<16xi32>
    %swap3A_172 = arith.constant 0 : i32
    %swap3A_173 = arith.index_cast %swap3A_172 : i32 to index
    %swap3A_174 = arith.constant 32 : index
    %swap3A_175 = tpu.vector_load %arg11[%swap3A_173, %swap3A_174] {strides = array<i32>} : memref<2x96xi32, #tpu.memory_space<vmem>>, vector<1x16xi32>,
    %swap3A_176 = vector.shape_cast %swap3A_175 : vector<1x16xi32> to vector<16xi32>
    %swap3A_177 = vector.shape_cast %get3A_171 : vector<16xi32> to vector<1x16xi32>
    tpu.vector_store %arg11[%swap3A_173, %swap3A_174], %swap3A_177 {strides = array<i32>} : memref<2x96xi32, #tpu.memory_space<vmem>>, vector<1x16xi32>,
    %get3A_178 = arith.constant 80 : index
    %get3A_179 = tpu.vector_load %arg10[%get3A_178] {strides = array<i32>} : memref<288xi32, #tpu.memory_space<vmem>>, vector<16xi32>,
    %get3A_180 = vector.shape_cast %get3A_179 : vector<16xi32> to vector<16xi32>
    %swap3A_181 = arith.constant 0 : i32
    %swap3A_182 = arith.index_cast %swap3A_181 : i32 to index
    %swap3A_183 = arith.constant 80 : index
    %swap3A_184 = tpu.vector_load %arg11[%swap3A_182, %swap3A_183] {strides = array<i32>} : memref<2x96xi32, #tpu.memory_space<vmem>>, vector<1x16xi32>,
    %swap3A_185 = vector.shape_cast %swap3A_184 : vector<1x16xi32> to vector<16xi32>
    %swap3A_186 = vector.shape_cast %get3A_180 : vector<16xi32> to vector<1x16xi32>
    tpu.vector_store %arg11[%swap3A_182, %swap3A_183], %swap3A_186 {strides = array<i32>} : memref<2x96xi32, #tpu.memory_space<vmem>>, vector<1x16xi32>,
    %get3A_187 = arith.constant 128 : index
    %get3A_188 = tpu.vector_load %arg10[%get3A_187] {strides = array<i32>} : memref<288xi32, #tpu.memory_space<vmem>>, vector<16xi32>,
    %get3A_189 = vector.shape_cast %get3A_188 : vector<16xi32> to vector<16xi32>
    %swap3A_190 = arith.constant 0 : i32
    %swap3A_191 = arith.index_cast %swap3A_190 : i32 to index
    %swap3A_192 = arith.constant 32 : index
    %swap3A_193 = tpu.vector_load %arg12[%swap3A_191, %swap3A_192] {strides = array<i32>} : memref<3x48xi32, #tpu.memory_space<vmem>>, vector<1x16xi32>,
    %swap3A_194 = vector.shape_cast %swap3A_193 : vector<1x16xi32> to vector<16xi32>
    %swap3A_195 = vector.shape_cast %get3A_189 : vector<16xi32> to vector<1x16xi32>
    tpu.vector_store %arg12[%swap3A_191, %swap3A_192], %swap3A_195 {strides = array<i32>} : memref<3x48xi32, #tpu.memory_space<vmem>>, vector<1x16xi32>,
    %add3A_196 = arith.constant 1 : i32
    %add3A_197 = arith.addi %mul3A_2, %add3A_196 : i32
    %mul3A_198 = arith.constant 144 : i32
    %mul3A_199 = arith.muli %add3A_197, %mul3A_198 : i32
    %dma_start3A_200 = arith.constant 144 : i32
    %dma_start3A_201 = tpu.memref_slice %arg10[%dma_start3A_200] : memref<288xi32, #tpu.memory_space<vmem>> -> memref<144xi32, #tpu.memory_space<vmem>>
    %dma_start3A_202 = tpu.memref_slice %arg3[%mul3A_199] : memref<967680xi32, #tpu.memory_space<hbm>> -> memref<144xi32, #tpu.memory_space<hbm>>
    %dma_start3A_203 = arith.constant 144 : i32
    %dma_start3A_204 = tpu.memref_slice %arg10[%dma_start3A_203] : memref<288xi32, #tpu.memory_space<vmem>> -> memref<144xi32, #tpu.memory_space<vmem>>
    %dma_start3A_205 = tpu.memref_slice %arg3[%mul3A_199] : memref<967680xi32, #tpu.memory_space<hbm>> -> memref<144xi32, #tpu.memory_space<hbm>>
    tpu.enqueue_dma source(%dma_start3A_205 : memref<144xi32, #tpu.memory_space<hbm>>) target(%dma_start3A_204 : memref<144xi32, #tpu.memory_space<vmem>>) target_semaphore(%arg21 : memref<!tpu.dma_semaphore, #tpu.memory_space<semaphore_mem>>)
    %add3A_206 = arith.constant 1 : i32
    %add3A_207 = arith.addi %mul3A_2, %add3A_206 : i32
    %mul3A_208 = arith.constant 48 : i32
    %mul3A_209 = arith.muli %add3A_207, %mul3A_208 : i32
    %dma_start3A_210 = arith.constant 48 : i32
    %dma_start3A_211 = tpu.memref_slice %arg13[%dma_start3A_210] : memref<1536xf32, #tpu.memory_space<vmem>> -> memref<48xf32, #tpu.memory_space<vmem>>
    %dma_start3A_212 = tpu.memref_slice %arg4[%mul3A_209] : memref<322560xf32, #tpu.memory_space<hbm>> -> memref<48xf32, #tpu.memory_space<hbm>>
    %dma_start3A_213 = arith.constant 48 : i32
    %dma_start3A_214 = tpu.memref_slice %arg13[%dma_start3A_213] : memref<1536xf32, #tpu.memory_space<vmem>> -> memref<48xf32, #tpu.memory_space<vmem>>
    %dma_start3A_215 = tpu.memref_slice %arg4[%mul3A_209] : memref<322560xf32, #tpu.memory_space<hbm>> -> memref<48xf32, #tpu.memory_space<hbm>>
    tpu.enqueue_dma source(%dma_start3A_215 : memref<48xf32, #tpu.memory_space<hbm>>) target(%dma_start3A_214 : memref<48xf32, #tpu.memory_space<vmem>>) target_semaphore(%arg22 : memref<!tpu.dma_semaphore, #tpu.memory_space<semaphore_mem>>)
    %dma_start3A_216 = arith.constant 0 : i32
    %dma_start3A_217 = arith.constant 0 : i32
    %dma_start3A_218 = arith.constant 0 : i32
    %dma_start3A_219 = tpu.memref_slice %arg14[%dma_start3A_217, %dma_start3A_218] : memref<192x128xf32, #tpu.memory_space<vmem>> -> memref<96x128xf32, #tpu.memory_space<vmem>>
    %dma_start3A_220 = arith.constant 0 : i32
    %dma_start3A_221 = tpu.memref_slice %arg11[%dma_start3A_216, %dma_start3A_220] : memref<2x96xi32, #tpu.memory_space<vmem>> -> memref<1x96xi32, #tpu.memory_space<vmem>>
    %dma_start3A_222 = tpu.memref_squeeze %dma_start3A_221 : memref<1x96xi32, #tpu.memory_space<vmem>> -> memref<96xi32, #tpu.memory_space<vmem>>
    %dma_start3A_223 = arith.constant 0 : i32
    %dma_start3A_224 = arith.constant 0 : i32
    %dma_start3A_225 = tpu.memref_slice %arg2[%dma_start3A_223, %dma_start3A_224] : memref<20000x128xf32, #tpu.memory_space<hbm>> -> memref<20000x128xf32, #tpu.memory_space<hbm>>
    tpu.enqueue_indirect_dma source(%dma_start3A_225 : memref<20000x128xf32, #tpu.memory_space<hbm>>) target(%dma_start3A_219 : memref<96x128xf32, #tpu.memory_space<vmem>>) offsets(%dma_start3A_222 : memref<96xi32, #tpu.memory_space<vmem>>) semaphore(%arg23 : memref<!tpu.dma_semaphore, #tpu.memory_space<semaphore_mem>>)
    %scan3A_226 = arith.constant 0 : i32
    %scan3A_227 = arith.constant 0 : i32
    %scan3A_228 = arith.constant 210 : i32
    %scan3A_229 = arith.addi %scan3A_227, %scan3A_228 : i32
    %scan3A_230 = arith.constant 1 : i32
    scf.for %scan3A_253 = %scan3A_227 to %scan3A_229 step %scan3A_230  : i32 {
      %ge3A = arith.constant 2 : i32
      %ge3A_254 = arith.cmpi sge, %scan3A_253, %ge3A : i32
      %convert_element_type3A = arith.extui %ge3A_254 : i1 to i32
      %cond3A = arith.constant 0 : i32
      %cond3A_255 = arith.cmpi ne, %convert_element_type3A, %cond3A : i32
      scf.if %cond3A_255 {
        %sub3A_457 = arith.constant 2 : i32
        %sub3A_458 = arith.subi %scan3A_253, %sub3A_457 : i32
        %jit3A_459 = arith.constant 2 : i32
        %eq3A_460 = arith.constant 0 : i32
        %eq3A_461 = arith.cmpi eq, %jit3A_459, %eq3A_460 : i32
        %jit3A_462 = arith.constant 1 : i32
        %select_n3A_463 = arith.select %eq3A_461, %jit3A_462, %jit3A_459 : i32
        %rem3A_464 = arith.remsi %sub3A_458, %select_n3A_463 : i32
        %ne3A_465 = arith.constant 0 : i32
        %ne3A_466 = arith.cmpi ne, %rem3A_464, %ne3A_465 : i32
        %lt3A_467 = arith.constant 0 : i32
        %lt3A_468 = arith.cmpi slt, %rem3A_464, %lt3A_467 : i32
        %lt3A_469 = arith.constant 0 : i32
        %lt3A_470 = arith.cmpi slt, %select_n3A_463, %lt3A_469 : i32
        %ne3A_471 = arith.xori %lt3A_468, %lt3A_470 : i1
        %and3A_472 = arith.andi %ne3A_471, %ne3A_466 : i1
        %add3A_473 = arith.addi %rem3A_464, %select_n3A_463 : i32
        %select_n3A_474 = arith.select %and3A_472, %add3A_473, %rem3A_464 : i32
        %mul3A_475 = arith.constant 48 : i32
        %mul3A_476 = arith.muli %select_n3A_474, %mul3A_475 : i32
        %jit3A_477 = arith.constant 3 : i32
        %eq3A_478 = arith.constant 0 : i32
        %eq3A_479 = arith.cmpi eq, %jit3A_477, %eq3A_478 : i32
        %jit3A_480 = arith.constant 1 : i32
        %select_n3A_481 = arith.select %eq3A_479, %jit3A_480, %jit3A_477 : i32
        %rem3A_482 = arith.remsi %sub3A_458, %select_n3A_481 : i32
        %ne3A_483 = arith.constant 0 : i32
        %ne3A_484 = arith.cmpi ne, %rem3A_482, %ne3A_483 : i32
        %lt3A_485 = arith.constant 0 : i32
        %lt3A_486 = arith.cmpi slt, %rem3A_482, %lt3A_485 : i32
        %lt3A_487 = arith.constant 0 : i32
        %lt3A_488 = arith.cmpi slt, %select_n3A_481, %lt3A_487 : i32
        %ne3A_489 = arith.xori %lt3A_486, %lt3A_488 : i1
        %and3A_490 = arith.andi %ne3A_489, %ne3A_484 : i1
        %add3A_491 = arith.addi %rem3A_482, %select_n3A_481 : i32
        %select_n3A_492 = arith.select %and3A_490, %add3A_491, %rem3A_482 : i32
        %dma_wait3A_493 = arith.constant 0 : i32
        %dma_wait3A_494 = tpu.memref_slice %arg15[%mul3A_476, %dma_wait3A_493] : memref<96x144xf32, #tpu.memory_space<vmem>> -> memref<48x144xf32, #tpu.memory_space<vmem>>
        %dma_wait3A_495 = arith.constant 0 : i32
        %dma_wait3A_496 = tpu.memref_slice %arg12[%select_n3A_492, %dma_wait3A_495] : memref<3x48xi32, #tpu.memory_space<vmem>> -> memref<1x48xi32, #tpu.memory_space<vmem>>
        %dma_wait3A_497 = tpu.memref_squeeze %dma_wait3A_496 : memref<1x48xi32, #tpu.memory_space<vmem>> -> memref<48xi32, #tpu.memory_space<vmem>>
        %dma_wait3A_498 = arith.constant 0 : i32
        %dma_wait3A_499 = arith.constant 0 : i32
        %dma_wait3A_500 = tpu.memref_slice %arg20[%dma_wait3A_498, %dma_wait3A_499] : memref<10016x144xf32, #tpu.memory_space<vmem_shared>> -> memref<10016x144xf32, #tpu.memory_space<vmem_shared>>
        tpu.wait_indirect_dma semaphore(%arg24 : memref<!tpu.dma_semaphore, #tpu.memory_space<semaphore_mem>>) src(%dma_wait3A_494 : memref<48x144xf32, #tpu.memory_space<vmem>>) dst(%dma_wait3A_500 : memref<10016x144xf32, #tpu.memory_space<vmem_shared>>)
      } else {
      }
      %add3A_256 = arith.constant 1 : i32
      %add3A_257 = arith.addi %scan3A_253, %add3A_256 : i32
      %lt3A = arith.constant 210 : i32
      %lt3A_258 = arith.cmpi slt, %add3A_257, %lt3A : i32
      %convert_element_type3A_259 = arith.extui %lt3A_258 : i1 to i32
      %cond3A_260 = arith.constant 0 : i32
      %cond3A_261 = arith.cmpi ne, %convert_element_type3A_259, %cond3A_260 : i32
      scf.if %cond3A_261 {
        %add3A_457 = arith.constant 1 : i32
        %add3A_458 = arith.addi %scan3A_253, %add3A_457 : i32
        %add3A_459 = arith.addi %mul3A_2, %add3A_458 : i32
        %mul3A_460 = arith.constant 144 : i32
        %mul3A_461 = arith.muli %add3A_459, %mul3A_460 : i32
        %jit3A_462 = arith.constant 2 : i32
        %eq3A_463 = arith.constant 0 : i32
        %eq3A_464 = arith.cmpi eq, %jit3A_462, %eq3A_463 : i32
        %jit3A_465 = arith.constant 1 : i32
        %select_n3A_466 = arith.select %eq3A_464, %jit3A_465, %jit3A_462 : i32
        %rem3A_467 = arith.remsi %add3A_458, %select_n3A_466 : i32
        %ne3A_468 = arith.constant 0 : i32
        %ne3A_469 = arith.cmpi ne, %rem3A_467, %ne3A_468 : i32
        %lt3A_470 = arith.constant 0 : i32
        %lt3A_471 = arith.cmpi slt, %rem3A_467, %lt3A_470 : i32
        %lt3A_472 = arith.constant 0 : i32
        %lt3A_473 = arith.cmpi slt, %select_n3A_466, %lt3A_472 : i32
        %ne3A_474 = arith.xori %lt3A_471, %lt3A_473 : i1
        %and3A_475 = arith.andi %ne3A_474, %ne3A_469 : i1
        %add3A_476 = arith.addi %rem3A_467, %select_n3A_466 : i32
        %select_n3A_477 = arith.select %and3A_475, %add3A_476, %rem3A_467 : i32
        %mul3A_478 = arith.constant 144 : i32
        %mul3A_479 = arith.muli %select_n3A_477, %mul3A_478 : i32
        %dma_wait3A_480 = tpu.memref_slice %arg10[%mul3A_479] : memref<288xi32, #tpu.memory_space<vmem>> -> memref<144xi32, #tpu.memory_space<vmem>>
        %dma_wait3A_481 = tpu.memref_slice %arg3[%mul3A_461] : memref<967680xi32, #tpu.memory_space<hbm>> -> memref<144xi32, #tpu.memory_space<hbm>>
        %dma_wait3A_482 = tpu.memref_slice %arg10[%mul3A_479] : memref<288xi32, #tpu.memory_space<vmem>> -> memref<144xi32, #tpu.memory_space<vmem>>
        %dma_wait3A_483 = tpu.memref_slice %arg3[%mul3A_461] : memref<967680xi32, #tpu.memory_space<hbm>> -> memref<144xi32, #tpu.memory_space<hbm>>
        tpu.wait_dma2 semaphore(%arg21 : memref<!tpu.dma_semaphore, #tpu.memory_space<semaphore_mem>>) src(%dma_wait3A_483 : memref<144xi32, #tpu.memory_space<hbm>>) dst(%dma_wait3A_482 : memref<144xi32, #tpu.memory_space<vmem>>)
      } else {
      }
      %add3A_262 = arith.constant 1 : i32
      %add3A_263 = arith.addi %scan3A_253, %add3A_262 : i32
      %lt3A_264 = arith.constant 210 : i32
      %lt3A_265 = arith.cmpi slt, %add3A_263, %lt3A_264 : i32
      %convert_element_type3A_266 = arith.extui %lt3A_265 : i1 to i32
      %cond3A_267 = arith.constant 0 : i32
      %cond3A_268 = arith.cmpi ne, %convert_element_type3A_266, %cond3A_267 : i32
      scf.if %cond3A_268 {
        %add3A_457 = arith.constant 1 : i32
        %add3A_458 = arith.addi %scan3A_253, %add3A_457 : i32
        %jit3A_459 = arith.constant 2 : i32
        %eq3A_460 = arith.constant 0 : i32
        %eq3A_461 = arith.cmpi eq, %jit3A_459, %eq3A_460 : i32
        %jit3A_462 = arith.constant 1 : i32
        %select_n3A_463 = arith.select %eq3A_461, %jit3A_462, %jit3A_459 : i32
        %rem3A_464 = arith.remsi %add3A_458, %select_n3A_463 : i32
        %ne3A_465 = arith.constant 0 : i32
        %ne3A_466 = arith.cmpi ne, %rem3A_464, %ne3A_465 : i32
        %lt3A_467 = arith.constant 0 : i32
        %lt3A_468 = arith.cmpi slt, %rem3A_464, %lt3A_467 : i32
        %lt3A_469 = arith.constant 0 : i32
        %lt3A_470 = arith.cmpi slt, %select_n3A_463, %lt3A_469 : i32
        %ne3A_471 = arith.xori %lt3A_468, %lt3A_470 : i1
        %and3A_472 = arith.andi %ne3A_471, %ne3A_466 : i1
        %add3A_473 = arith.addi %rem3A_464, %select_n3A_463 : i32
        %select_n3A_474 = arith.select %and3A_472, %add3A_473, %rem3A_464 : i32
        %jit3A_475 = arith.constant 3 : i32
        %eq3A_476 = arith.constant 0 : i32
        %eq3A_477 = arith.cmpi eq, %jit3A_475, %eq3A_476 : i32
        %jit3A_478 = arith.constant 1 : i32
        %select_n3A_479 = arith.select %eq3A_477, %jit3A_478, %jit3A_475 : i32
        %rem3A_480 = arith.remsi %add3A_458, %select_n3A_479 : i32
        %ne3A_481 = arith.constant 0 : i32
        %ne3A_482 = arith.cmpi ne, %rem3A_480, %ne3A_481 : i32
        %lt3A_483 = arith.constant 0 : i32
        %lt3A_484 = arith.cmpi slt, %rem3A_480, %lt3A_483 : i32
        %lt3A_485 = arith.constant 0 : i32
        %lt3A_486 = arith.cmpi slt, %select_n3A_479, %lt3A_485 : i32
        %ne3A_487 = arith.xori %lt3A_484, %lt3A_486 : i1
        %and3A_488 = arith.andi %ne3A_487, %ne3A_482 : i1
        %add3A_489 = arith.addi %rem3A_480, %select_n3A_479 : i32
        %select_n3A_490 = arith.select %and3A_488, %add3A_489, %rem3A_480 : i32
        %mul3A_491 = arith.constant 144 : i32
        %mul3A_492 = arith.muli %select_n3A_474, %mul3A_491 : i32
        %add3A_493 = arith.constant 0 : i32
        %add3A_494 = arith.addi %mul3A_492, %add3A_493 : i32
        %get3A_495 = arith.index_cast %add3A_494 : i32 to index
        %get3A_496 = tpu.vector_load %arg10[%get3A_495] {strides = array<i32>} : memref<288xi32, #tpu.memory_space<vmem>>, vector<16xi32>,
        %get3A_497 = vector.shape_cast %get3A_496 : vector<16xi32> to vector<16xi32>
        %swap3A_498 = arith.index_cast %select_n3A_474 : i32 to index
        %swap3A_499 = arith.constant 0 : index
        %swap3A_500 = tpu.vector_load %arg11[%swap3A_498, %swap3A_499] {strides = array<i32>} : memref<2x96xi32, #tpu.memory_space<vmem>>, vector<1x16xi32>,
        %swap3A_501 = vector.shape_cast %swap3A_500 : vector<1x16xi32> to vector<16xi32>
        %swap3A_502 = vector.shape_cast %get3A_497 : vector<16xi32> to vector<1x16xi32>
        tpu.vector_store %arg11[%swap3A_498, %swap3A_499], %swap3A_502 {strides = array<i32>} : memref<2x96xi32, #tpu.memory_space<vmem>>, vector<1x16xi32>,
        %add3A_503 = arith.constant 48 : i32
        %add3A_504 = arith.addi %mul3A_492, %add3A_503 : i32
        %add3A_505 = arith.constant 0 : i32
        %add3A_506 = arith.addi %add3A_504, %add3A_505 : i32
        %get3A_507 = arith.index_cast %add3A_506 : i32 to index
        %get3A_508 = tpu.vector_load %arg10[%get3A_507] {strides = array<i32>} : memref<288xi32, #tpu.memory_space<vmem>>, vector<16xi32>,
        %get3A_509 = vector.shape_cast %get3A_508 : vector<16xi32> to vector<16xi32>
        %swap3A_510 = arith.index_cast %select_n3A_474 : i32 to index
        %swap3A_511 = arith.constant 48 : index
        %swap3A_512 = tpu.vector_load %arg11[%swap3A_510, %swap3A_511] {strides = array<i32>} : memref<2x96xi32, #tpu.memory_space<vmem>>, vector<1x16xi32>,
        %swap3A_513 = vector.shape_cast %swap3A_512 : vector<1x16xi32> to vector<16xi32>
        %swap3A_514 = vector.shape_cast %get3A_509 : vector<16xi32> to vector<1x16xi32>
        tpu.vector_store %arg11[%swap3A_510, %swap3A_511], %swap3A_514 {strides = array<i32>} : memref<2x96xi32, #tpu.memory_space<vmem>>, vector<1x16xi32>,
        %add3A_515 = arith.constant 96 : i32
        %add3A_516 = arith.addi %mul3A_492, %add3A_515 : i32
        %add3A_517 = arith.constant 0 : i32
        %add3A_518 = arith.addi %add3A_516, %add3A_517 : i32
        %get3A_519 = arith.index_cast %add3A_518 : i32 to index
        %get3A_520 = tpu.vector_load %arg10[%get3A_519] {strides = array<i32>} : memref<288xi32, #tpu.memory_space<vmem>>, vector<16xi32>,
        %get3A_521 = vector.shape_cast %get3A_520 : vector<16xi32> to vector<16xi32>
        %swap3A_522 = arith.index_cast %select_n3A_490 : i32 to index
        %swap3A_523 = arith.constant 0 : index
        %swap3A_524 = tpu.vector_load %arg12[%swap3A_522, %swap3A_523] {strides = array<i32>} : memref<3x48xi32, #tpu.memory_space<vmem>>, vector<1x16xi32>,
        %swap3A_525 = vector.shape_cast %swap3A_524 : vector<1x16xi32> to vector<16xi32>
        %swap3A_526 = vector.shape_cast %get3A_521 : vector<16xi32> to vector<1x16xi32>
        tpu.vector_store %arg12[%swap3A_522, %swap3A_523], %swap3A_526 {strides = array<i32>} : memref<3x48xi32, #tpu.memory_space<vmem>>, vector<1x16xi32>,
        %add3A_527 = arith.constant 16 : i32
        %add3A_528 = arith.addi %mul3A_492, %add3A_527 : i32
        %get3A_529 = arith.index_cast %add3A_528 : i32 to index
        %get3A_530 = tpu.vector_load %arg10[%get3A_529] {strides = array<i32>} : memref<288xi32, #tpu.memory_space<vmem>>, vector<16xi32>,
        %get3A_531 = vector.shape_cast %get3A_530 : vector<16xi32> to vector<16xi32>
        %swap3A_532 = arith.index_cast %select_n3A_474 : i32 to index
        %swap3A_533 = arith.constant 16 : index
        %swap3A_534 = tpu.vector_load %arg11[%swap3A_532, %swap3A_533] {strides = array<i32>} : memref<2x96xi32, #tpu.memory_space<vmem>>, vector<1x16xi32>,
        %swap3A_535 = vector.shape_cast %swap3A_534 : vector<1x16xi32> to vector<16xi32>
        %swap3A_536 = vector.shape_cast %get3A_531 : vector<16xi32> to vector<1x16xi32>
        tpu.vector_store %arg11[%swap3A_532, %swap3A_533], %swap3A_536 {strides = array<i32>} : memref<2x96xi32, #tpu.memory_space<vmem>>, vector<1x16xi32>,
        %add3A_537 = arith.constant 48 : i32
        %add3A_538 = arith.addi %mul3A_492, %add3A_537 : i32
        %add3A_539 = arith.constant 16 : i32
        %add3A_540 = arith.addi %add3A_538, %add3A_539 : i32
        %get3A_541 = arith.index_cast %add3A_540 : i32 to index
        %get3A_542 = tpu.vector_load %arg10[%get3A_541] {strides = array<i32>} : memref<288xi32, #tpu.memory_space<vmem>>, vector<16xi32>,
        %get3A_543 = vector.shape_cast %get3A_542 : vector<16xi32> to vector<16xi32>
        %swap3A_544 = arith.index_cast %select_n3A_474 : i32 to index
        %swap3A_545 = arith.constant 64 : index
        %swap3A_546 = tpu.vector_load %arg11[%swap3A_544, %swap3A_545] {strides = array<i32>} : memref<2x96xi32, #tpu.memory_space<vmem>>, vector<1x16xi32>,
        %swap3A_547 = vector.shape_cast %swap3A_546 : vector<1x16xi32> to vector<16xi32>
        %swap3A_548 = vector.shape_cast %get3A_543 : vector<16xi32> to vector<1x16xi32>
        tpu.vector_store %arg11[%swap3A_544, %swap3A_545], %swap3A_548 {strides = array<i32>} : memref<2x96xi32, #tpu.memory_space<vmem>>, vector<1x16xi32>,
        %add3A_549 = arith.constant 96 : i32
        %add3A_550 = arith.addi %mul3A_492, %add3A_549 : i32
        %add3A_551 = arith.constant 16 : i32
        %add3A_552 = arith.addi %add3A_550, %add3A_551 : i32
        %get3A_553 = arith.index_cast %add3A_552 : i32 to index
        %get3A_554 = tpu.vector_load %arg10[%get3A_553] {strides = array<i32>} : memref<288xi32, #tpu.memory_space<vmem>>, vector<16xi32>,
        %get3A_555 = vector.shape_cast %get3A_554 : vector<16xi32> to vector<16xi32>
        %swap3A_556 = arith.index_cast %select_n3A_490 : i32 to index
        %swap3A_557 = arith.constant 16 : index
        %swap3A_558 = tpu.vector_load %arg12[%swap3A_556, %swap3A_557] {strides = array<i32>} : memref<3x48xi32, #tpu.memory_space<vmem>>, vector<1x16xi32>,
        %swap3A_559 = vector.shape_cast %swap3A_558 : vector<1x16xi32> to vector<16xi32>
        %swap3A_560 = vector.shape_cast %get3A_555 : vector<16xi32> to vector<1x16xi32>
        tpu.vector_store %arg12[%swap3A_556, %swap3A_557], %swap3A_560 {strides = array<i32>} : memref<3x48xi32, #tpu.memory_space<vmem>>, vector<1x16xi32>,
        %add3A_561 = arith.constant 32 : i32
        %add3A_562 = arith.addi %mul3A_492, %add3A_561 : i32
        %get3A_563 = arith.index_cast %add3A_562 : i32 to index
        %get3A_564 = tpu.vector_load %arg10[%get3A_563] {strides = array<i32>} : memref<288xi32, #tpu.memory_space<vmem>>, vector<16xi32>,
        %get3A_565 = vector.shape_cast %get3A_564 : vector<16xi32> to vector<16xi32>
        %swap3A_566 = arith.index_cast %select_n3A_474 : i32 to index
        %swap3A_567 = arith.constant 32 : index
        %swap3A_568 = tpu.vector_load %arg11[%swap3A_566, %swap3A_567] {strides = array<i32>} : memref<2x96xi32, #tpu.memory_space<vmem>>, vector<1x16xi32>,
        %swap3A_569 = vector.shape_cast %swap3A_568 : vector<1x16xi32> to vector<16xi32>
        %swap3A_570 = vector.shape_cast %get3A_565 : vector<16xi32> to vector<1x16xi32>
        tpu.vector_store %arg11[%swap3A_566, %swap3A_567], %swap3A_570 {strides = array<i32>} : memref<2x96xi32, #tpu.memory_space<vmem>>, vector<1x16xi32>,
        %add3A_571 = arith.constant 48 : i32
        %add3A_572 = arith.addi %mul3A_492, %add3A_571 : i32
        %add3A_573 = arith.constant 32 : i32
        %add3A_574 = arith.addi %add3A_572, %add3A_573 : i32
        %get3A_575 = arith.index_cast %add3A_574 : i32 to index
        %get3A_576 = tpu.vector_load %arg10[%get3A_575] {strides = array<i32>} : memref<288xi32, #tpu.memory_space<vmem>>, vector<16xi32>,
        %get3A_577 = vector.shape_cast %get3A_576 : vector<16xi32> to vector<16xi32>
        %swap3A_578 = arith.index_cast %select_n3A_474 : i32 to index
        %swap3A_579 = arith.constant 80 : index
        %swap3A_580 = tpu.vector_load %arg11[%swap3A_578, %swap3A_579] {strides = array<i32>} : memref<2x96xi32, #tpu.memory_space<vmem>>, vector<1x16xi32>,
        %swap3A_581 = vector.shape_cast %swap3A_580 : vector<1x16xi32> to vector<16xi32>
        %swap3A_582 = vector.shape_cast %get3A_577 : vector<16xi32> to vector<1x16xi32>
        tpu.vector_store %arg11[%swap3A_578, %swap3A_579], %swap3A_582 {strides = array<i32>} : memref<2x96xi32, #tpu.memory_space<vmem>>, vector<1x16xi32>,
        %add3A_583 = arith.constant 96 : i32
        %add3A_584 = arith.addi %mul3A_492, %add3A_583 : i32
        %add3A_585 = arith.constant 32 : i32
        %add3A_586 = arith.addi %add3A_584, %add3A_585 : i32
        %get3A_587 = arith.index_cast %add3A_586 : i32 to index
        %get3A_588 = tpu.vector_load %arg10[%get3A_587] {strides = array<i32>} : memref<288xi32, #tpu.memory_space<vmem>>, vector<16xi32>,
        %get3A_589 = vector.shape_cast %get3A_588 : vector<16xi32> to vector<16xi32>
        %swap3A_590 = arith.index_cast %select_n3A_490 : i32 to index
        %swap3A_591 = arith.constant 32 : index
        %swap3A_592 = tpu.vector_load %arg12[%swap3A_590, %swap3A_591] {strides = array<i32>} : memref<3x48xi32, #tpu.memory_space<vmem>>, vector<1x16xi32>,
        %swap3A_593 = vector.shape_cast %swap3A_592 : vector<1x16xi32> to vector<16xi32>
        %swap3A_594 = vector.shape_cast %get3A_589 : vector<16xi32> to vector<1x16xi32>
        tpu.vector_store %arg12[%swap3A_590, %swap3A_591], %swap3A_594 {strides = array<i32>} : memref<3x48xi32, #tpu.memory_space<vmem>>, vector<1x16xi32>,
      } else {
      }
      %add3A_269 = arith.constant 2 : i32
      %add3A_270 = arith.addi %scan3A_253, %add3A_269 : i32
      %lt3A_271 = arith.constant 210 : i32
      %lt3A_272 = arith.cmpi slt, %add3A_270, %lt3A_271 : i32
      %convert_element_type3A_273 = arith.extui %lt3A_272 : i1 to i32
      %cond3A_274 = arith.constant 0 : i32
      %cond3A_275 = arith.cmpi ne, %convert_element_type3A_273, %cond3A_274 : i32
      scf.if %cond3A_275 {
        %add3A_457 = arith.constant 2 : i32
        %add3A_458 = arith.addi %scan3A_253, %add3A_457 : i32
        %add3A_459 = arith.addi %mul3A_2, %add3A_458 : i32
        %mul3A_460 = arith.constant 144 : i32
        %mul3A_461 = arith.muli %add3A_459, %mul3A_460 : i32
        %jit3A_462 = arith.constant 2 : i32
        %eq3A_463 = arith.constant 0 : i32
        %eq3A_464 = arith.cmpi eq, %jit3A_462, %eq3A_463 : i32
        %jit3A_465 = arith.constant 1 : i32
        %select_n3A_466 = arith.select %eq3A_464, %jit3A_465, %jit3A_462 : i32
        %rem3A_467 = arith.remsi %add3A_458, %select_n3A_466 : i32
        %ne3A_468 = arith.constant 0 : i32
        %ne3A_469 = arith.cmpi ne, %rem3A_467, %ne3A_468 : i32
        %lt3A_470 = arith.constant 0 : i32
        %lt3A_471 = arith.cmpi slt, %rem3A_467, %lt3A_470 : i32
        %lt3A_472 = arith.constant 0 : i32
        %lt3A_473 = arith.cmpi slt, %select_n3A_466, %lt3A_472 : i32
        %ne3A_474 = arith.xori %lt3A_471, %lt3A_473 : i1
        %and3A_475 = arith.andi %ne3A_474, %ne3A_469 : i1
        %add3A_476 = arith.addi %rem3A_467, %select_n3A_466 : i32
        %select_n3A_477 = arith.select %and3A_475, %add3A_476, %rem3A_467 : i32
        %mul3A_478 = arith.constant 144 : i32
        %mul3A_479 = arith.muli %select_n3A_477, %mul3A_478 : i32
        %dma_start3A_480 = tpu.memref_slice %arg10[%mul3A_479] : memref<288xi32, #tpu.memory_space<vmem>> -> memref<144xi32, #tpu.memory_space<vmem>>
        %dma_start3A_481 = tpu.memref_slice %arg3[%mul3A_461] : memref<967680xi32, #tpu.memory_space<hbm>> -> memref<144xi32, #tpu.memory_space<hbm>>
        %dma_start3A_482 = tpu.memref_slice %arg10[%mul3A_479] : memref<288xi32, #tpu.memory_space<vmem>> -> memref<144xi32, #tpu.memory_space<vmem>>
        %dma_start3A_483 = tpu.memref_slice %arg3[%mul3A_461] : memref<967680xi32, #tpu.memory_space<hbm>> -> memref<144xi32, #tpu.memory_space<hbm>>
        tpu.enqueue_dma source(%dma_start3A_483 : memref<144xi32, #tpu.memory_space<hbm>>) target(%dma_start3A_482 : memref<144xi32, #tpu.memory_space<vmem>>) target_semaphore(%arg21 : memref<!tpu.dma_semaphore, #tpu.memory_space<semaphore_mem>>)
      } else {
      }
      %jit3A = arith.constant 2 : i32
      %eq3A = arith.constant 0 : i32
      %eq3A_276 = arith.cmpi eq, %jit3A, %eq3A : i32
      %jit3A_277 = arith.constant 1 : i32
      %select_n3A = arith.select %eq3A_276, %jit3A_277, %jit3A : i32
      %rem3A = arith.remsi %scan3A_253, %select_n3A : i32
      %ne3A = arith.constant 0 : i32
      %ne3A_278 = arith.cmpi ne, %rem3A, %ne3A : i32
      %lt3A_279 = arith.constant 0 : i32
      %lt3A_280 = arith.cmpi slt, %rem3A, %lt3A_279 : i32
      %lt3A_281 = arith.constant 0 : i32
      %lt3A_282 = arith.cmpi slt, %select_n3A, %lt3A_281 : i32
      %ne3A_283 = arith.xori %lt3A_280, %lt3A_282 : i1
      %and3A = arith.andi %ne3A_283, %ne3A_278 : i1
      %add3A_284 = arith.addi %rem3A, %select_n3A : i32
      %select_n3A_285 = arith.select %and3A, %add3A_284, %rem3A : i32
      %jit3A_286 = arith.constant 2 : i32
      %eq3A_287 = arith.constant 0 : i32
      %eq3A_288 = arith.cmpi eq, %jit3A_286, %eq3A_287 : i32
      %jit3A_289 = arith.constant 1 : i32
      %select_n3A_290 = arith.select %eq3A_288, %jit3A_289, %jit3A_286 : i32
      %rem3A_291 = arith.remsi %scan3A_253, %select_n3A_290 : i32
      %ne3A_292 = arith.constant 0 : i32
      %ne3A_293 = arith.cmpi ne, %rem3A_291, %ne3A_292 : i32
      %lt3A_294 = arith.constant 0 : i32
      %lt3A_295 = arith.cmpi slt, %rem3A_291, %lt3A_294 : i32
      %lt3A_296 = arith.constant 0 : i32
      %lt3A_297 = arith.cmpi slt, %select_n3A_290, %lt3A_296 : i32
      %ne3A_298 = arith.xori %lt3A_295, %lt3A_297 : i1
      %and3A_299 = arith.andi %ne3A_298, %ne3A_293 : i1
      %add3A_300 = arith.addi %rem3A_291, %select_n3A_290 : i32
      %select_n3A_301 = arith.select %and3A_299, %add3A_300, %rem3A_291 : i32
      %mul3A_302 = arith.constant 2 : i32
      %mul3A_303 = arith.muli %select_n3A_301, %mul3A_302 : i32
      %mul3A_304 = arith.constant 48 : i32
      %mul3A_305 = arith.muli %mul3A_303, %mul3A_304 : i32
      %dma_wait3A_306 = arith.constant 0 : i32
      %dma_wait3A_307 = tpu.memref_slice %arg14[%mul3A_305, %dma_wait3A_306] : memref<192x128xf32, #tpu.memory_space<vmem>> -> memref<96x128xf32, #tpu.memory_space<vmem>>
      %dma_wait3A_308 = arith.constant 0 : i32
      %dma_wait3A_309 = tpu.memref_slice %arg11[%select_n3A_285, %dma_wait3A_308] : memref<2x96xi32, #tpu.memory_space<vmem>> -> memref<1x96xi32, #tpu.memory_space<vmem>>
      %dma_wait3A_310 = tpu.memref_squeeze %dma_wait3A_309 : memref<1x96xi32, #tpu.memory_space<vmem>> -> memref<96xi32, #tpu.memory_space<vmem>>
      %dma_wait3A_311 = arith.constant 0 : i32
      %dma_wait3A_312 = arith.constant 0 : i32
      %dma_wait3A_313 = tpu.memref_slice %arg2[%dma_wait3A_311, %dma_wait3A_312] : memref<20000x128xf32, #tpu.memory_space<hbm>> -> memref<20000x128xf32, #tpu.memory_space<hbm>>
      tpu.wait_indirect_dma semaphore(%arg23 : memref<!tpu.dma_semaphore, #tpu.memory_space<semaphore_mem>>) src(%dma_wait3A_313 : memref<20000x128xf32, #tpu.memory_space<hbm>>) dst(%dma_wait3A_307 : memref<96x128xf32, #tpu.memory_space<vmem>>)
      %add3A_314 = arith.constant 1 : i32
      %add3A_315 = arith.addi %scan3A_253, %add3A_314 : i32
      %lt3A_316 = arith.constant 210 : i32
      %lt3A_317 = arith.cmpi slt, %add3A_315, %lt3A_316 : i32
      %convert_element_type3A_318 = arith.extui %lt3A_317 : i1 to i32
      %cond3A_319 = arith.constant 0 : i32
      %cond3A_320 = arith.cmpi ne, %convert_element_type3A_318, %cond3A_319 : i32
      scf.if %cond3A_320 {
        %add3A_457 = arith.constant 1 : i32
        %add3A_458 = arith.addi %scan3A_253, %add3A_457 : i32
        %jit3A_459 = arith.constant 2 : i32
        %eq3A_460 = arith.constant 0 : i32
        %eq3A_461 = arith.cmpi eq, %jit3A_459, %eq3A_460 : i32
        %jit3A_462 = arith.constant 1 : i32
        %select_n3A_463 = arith.select %eq3A_461, %jit3A_462, %jit3A_459 : i32
        %rem3A_464 = arith.remsi %add3A_458, %select_n3A_463 : i32
        %ne3A_465 = arith.constant 0 : i32
        %ne3A_466 = arith.cmpi ne, %rem3A_464, %ne3A_465 : i32
        %lt3A_467 = arith.constant 0 : i32
        %lt3A_468 = arith.cmpi slt, %rem3A_464, %lt3A_467 : i32
        %lt3A_469 = arith.constant 0 : i32
        %lt3A_470 = arith.cmpi slt, %select_n3A_463, %lt3A_469 : i32
        %ne3A_471 = arith.xori %lt3A_468, %lt3A_470 : i1
        %and3A_472 = arith.andi %ne3A_471, %ne3A_466 : i1
        %add3A_473 = arith.addi %rem3A_464, %select_n3A_463 : i32
        %select_n3A_474 = arith.select %and3A_472, %add3A_473, %rem3A_464 : i32
        %jit3A_475 = arith.constant 2 : i32
        %eq3A_476 = arith.constant 0 : i32
        %eq3A_477 = arith.cmpi eq, %jit3A_475, %eq3A_476 : i32
        %jit3A_478 = arith.constant 1 : i32
        %select_n3A_479 = arith.select %eq3A_477, %jit3A_478, %jit3A_475 : i32
        %rem3A_480 = arith.remsi %add3A_458, %select_n3A_479 : i32
        %ne3A_481 = arith.constant 0 : i32
        %ne3A_482 = arith.cmpi ne, %rem3A_480, %ne3A_481 : i32
        %lt3A_483 = arith.constant 0 : i32
        %lt3A_484 = arith.cmpi slt, %rem3A_480, %lt3A_483 : i32
        %lt3A_485 = arith.constant 0 : i32
        %lt3A_486 = arith.cmpi slt, %select_n3A_479, %lt3A_485 : i32
        %ne3A_487 = arith.xori %lt3A_484, %lt3A_486 : i1
        %and3A_488 = arith.andi %ne3A_487, %ne3A_482 : i1
        %add3A_489 = arith.addi %rem3A_480, %select_n3A_479 : i32
        %select_n3A_490 = arith.select %and3A_488, %add3A_489, %rem3A_480 : i32
        %mul3A_491 = arith.constant 2 : i32
        %mul3A_492 = arith.muli %select_n3A_490, %mul3A_491 : i32
        %mul3A_493 = arith.constant 48 : i32
        %mul3A_494 = arith.muli %mul3A_492, %mul3A_493 : i32
        %dma_start3A_495 = arith.constant 0 : i32
        %dma_start3A_496 = tpu.memref_slice %arg14[%mul3A_494, %dma_start3A_495] : memref<192x128xf32, #tpu.memory_space<vmem>> -> memref<96x128xf32, #tpu.memory_space<vmem>>
        %dma_start3A_497 = arith.constant 0 : i32
        %dma_start3A_498 = tpu.memref_slice %arg11[%select_n3A_474, %dma_start3A_497] : memref<2x96xi32, #tpu.memory_space<vmem>> -> memref<1x96xi32, #tpu.memory_space<vmem>>
        %dma_start3A_499 = tpu.memref_squeeze %dma_start3A_498 : memref<1x96xi32, #tpu.memory_space<vmem>> -> memref<96xi32, #tpu.memory_space<vmem>>
        %dma_start3A_500 = arith.constant 0 : i32
        %dma_start3A_501 = arith.constant 0 : i32
        %dma_start3A_502 = tpu.memref_slice %arg2[%dma_start3A_500, %dma_start3A_501] : memref<20000x128xf32, #tpu.memory_space<hbm>> -> memref<20000x128xf32, #tpu.memory_space<hbm>>
        tpu.enqueue_indirect_dma source(%dma_start3A_502 : memref<20000x128xf32, #tpu.memory_space<hbm>>) target(%dma_start3A_496 : memref<96x128xf32, #tpu.memory_space<vmem>>) offsets(%dma_start3A_499 : memref<96xi32, #tpu.memory_space<vmem>>) semaphore(%arg23 : memref<!tpu.dma_semaphore, #tpu.memory_space<semaphore_mem>>)
      } else {
      }
      %add3A_321 = arith.addi %mul3A_2, %scan3A_253 : i32
      %mul3A_322 = arith.constant 48 : i32
      %mul3A_323 = arith.muli %add3A_321, %mul3A_322 : i32
      %jit3A_324 = arith.constant 2 : i32
      %eq3A_325 = arith.constant 0 : i32
      %eq3A_326 = arith.cmpi eq, %jit3A_324, %eq3A_325 : i32
      %jit3A_327 = arith.constant 1 : i32
      %select_n3A_328 = arith.select %eq3A_326, %jit3A_327, %jit3A_324 : i32
      %rem3A_329 = arith.remsi %scan3A_253, %select_n3A_328 : i32
      %ne3A_330 = arith.constant 0 : i32
      %ne3A_331 = arith.cmpi ne, %rem3A_329, %ne3A_330 : i32
      %lt3A_332 = arith.constant 0 : i32
      %lt3A_333 = arith.cmpi slt, %rem3A_329, %lt3A_332 : i32
      %lt3A_334 = arith.constant 0 : i32
      %lt3A_335 = arith.cmpi slt, %select_n3A_328, %lt3A_334 : i32
      %ne3A_336 = arith.xori %lt3A_333, %lt3A_335 : i1
      %and3A_337 = arith.andi %ne3A_336, %ne3A_331 : i1
      %add3A_338 = arith.addi %rem3A_329, %select_n3A_328 : i32
      %select_n3A_339 = arith.select %and3A_337, %add3A_338, %rem3A_329 : i32
      %mul3A_340 = arith.constant 48 : i32
      %mul3A_341 = arith.muli %select_n3A_339, %mul3A_340 : i32
      %dma_wait3A_342 = tpu.memref_slice %arg13[%mul3A_341] : memref<1536xf32, #tpu.memory_space<vmem>> -> memref<48xf32, #tpu.memory_space<vmem>>
      %dma_wait3A_343 = tpu.memref_slice %arg4[%mul3A_323] : memref<322560xf32, #tpu.memory_space<hbm>> -> memref<48xf32, #tpu.memory_space<hbm>>
      %dma_wait3A_344 = tpu.memref_slice %arg13[%mul3A_341] : memref<1536xf32, #tpu.memory_space<vmem>> -> memref<48xf32, #tpu.memory_space<vmem>>
      %dma_wait3A_345 = tpu.memref_slice %arg4[%mul3A_323] : memref<322560xf32, #tpu.memory_space<hbm>> -> memref<48xf32, #tpu.memory_space<hbm>>
      tpu.wait_dma2 semaphore(%arg22 : memref<!tpu.dma_semaphore, #tpu.memory_space<semaphore_mem>>) src(%dma_wait3A_345 : memref<48xf32, #tpu.memory_space<hbm>>) dst(%dma_wait3A_344 : memref<48xf32, #tpu.memory_space<vmem>>)
      %jit3A_346 = arith.constant 2 : i32
      %eq3A_347 = arith.constant 0 : i32
      %eq3A_348 = arith.cmpi eq, %jit3A_346, %eq3A_347 : i32
      %jit3A_349 = arith.constant 1 : i32
      %select_n3A_350 = arith.select %eq3A_348, %jit3A_349, %jit3A_346 : i32
      %rem3A_351 = arith.remsi %scan3A_253, %select_n3A_350 : i32
      %ne3A_352 = arith.constant 0 : i32
      %ne3A_353 = arith.cmpi ne, %rem3A_351, %ne3A_352 : i32
      %lt3A_354 = arith.constant 0 : i32
      %lt3A_355 = arith.cmpi slt, %rem3A_351, %lt3A_354 : i32
      %lt3A_356 = arith.constant 0 : i32
      %lt3A_357 = arith.cmpi slt, %select_n3A_350, %lt3A_356 : i32
      %ne3A_358 = arith.xori %lt3A_355, %lt3A_357 : i1
      %and3A_359 = arith.andi %ne3A_358, %ne3A_353 : i1
      %add3A_360 = arith.addi %rem3A_351, %select_n3A_350 : i32
      %select_n3A_361 = arith.select %and3A_359, %add3A_360, %rem3A_351 : i32
      %mul3A_362 = arith.constant 2 : i32
      %mul3A_363 = arith.muli %select_n3A_361, %mul3A_362 : i32
      %mul3A_364 = arith.constant 48 : i32
      %mul3A_365 = arith.muli %mul3A_363, %mul3A_364 : i32
      %jit3A_366 = arith.constant 2 : i32
      %eq3A_367 = arith.constant 0 : i32
      %eq3A_368 = arith.cmpi eq, %jit3A_366, %eq3A_367 : i32
      %jit3A_369 = arith.constant 1 : i32
      %select_n3A_370 = arith.select %eq3A_368, %jit3A_369, %jit3A_366 : i32
      %rem3A_371 = arith.remsi %scan3A_253, %select_n3A_370 : i32
      %ne3A_372 = arith.constant 0 : i32
      %ne3A_373 = arith.cmpi ne, %rem3A_371, %ne3A_372 : i32
      %lt3A_374 = arith.constant 0 : i32
      %lt3A_375 = arith.cmpi slt, %rem3A_371, %lt3A_374 : i32
      %lt3A_376 = arith.constant 0 : i32
      %lt3A_377 = arith.cmpi slt, %select_n3A_370, %lt3A_376 : i32
      %ne3A_378 = arith.xori %lt3A_375, %lt3A_377 : i1
      %and3A_379 = arith.andi %ne3A_378, %ne3A_373 : i1
      %add3A_380 = arith.addi %rem3A_371, %select_n3A_370 : i32
      %select_n3A_381 = arith.select %and3A_379, %add3A_380, %rem3A_371 : i32
      %mul3A_382 = arith.constant 48 : i32
      %mul3A_383 = arith.muli %select_n3A_381, %mul3A_382 : i32
      %jit3A_384 = arith.constant 2 : i32
      %eq3A_385 = arith.constant 0 : i32
      %eq3A_386 = arith.cmpi eq, %jit3A_384, %eq3A_385 : i32
      %jit3A_387 = arith.constant 1 : i32
      %select_n3A_388 = arith.select %eq3A_386, %jit3A_387, %jit3A_384 : i32
      %rem3A_389 = arith.remsi %scan3A_253, %select_n3A_388 : i32
      %ne3A_390 = arith.constant 0 : i32
      %ne3A_391 = arith.cmpi ne, %rem3A_389, %ne3A_390 : i32
      %lt3A_392 = arith.constant 0 : i32
      %lt3A_393 = arith.cmpi slt, %rem3A_389, %lt3A_392 : i32
      %lt3A_394 = arith.constant 0 : i32
      %lt3A_395 = arith.cmpi slt, %select_n3A_388, %lt3A_394 : i32
      %ne3A_396 = arith.xori %lt3A_393, %lt3A_395 : i1
      %and3A_397 = arith.andi %ne3A_396, %ne3A_391 : i1
      %add3A_398 = arith.addi %rem3A_389, %select_n3A_388 : i32
      %select_n3A_399 = arith.select %and3A_397, %add3A_398, %rem3A_389 : i32
      %mul3A_400 = arith.constant 48 : i32
      %mul3A_401 = arith.muli %select_n3A_399, %mul3A_400 : i32
      %scan3A_402 = arith.constant 0 : i32
      %scan3A_403 = arith.constant 0 : i32
      %scan3A_404 = arith.constant 48 : i32
      %scan3A_405 = arith.addi %scan3A_403, %scan3A_404 : i32
      %scan3A_406 = arith.constant 1 : i32
      scf.for %scan3A_457 = %scan3A_403 to %scan3A_405 step %scan3A_406  : i32 {
        %jit3A_458 = arith.constant 16 : i32
        %div3A = arith.divsi %scan3A_457, %jit3A_458 : i32
        %sign3A = arith.constant 0 : i32
        %sign3A_459 = arith.cmpi sgt, %scan3A_457, %sign3A : i32
        %sign3A_460 = arith.extui %sign3A_459 : i1 to i32
        %sign3A_461 = arith.constant 0 : i32
        %sign3A_462 = arith.cmpi slt, %scan3A_457, %sign3A_461 : i32
        %sign3A_463 = arith.extui %sign3A_462 : i1 to i32
        %sign3A_464 = arith.subi %sign3A_460, %sign3A_463 : i32
        %sign3A_465 = arith.constant 0 : i32
        %sign3A_466 = arith.cmpi sgt, %jit3A_458, %sign3A_465 : i32
        %sign3A_467 = arith.extui %sign3A_466 : i1 to i32
        %sign3A_468 = arith.constant 0 : i32
        %sign3A_469 = arith.cmpi slt, %jit3A_458, %sign3A_468 : i32
        %sign3A_470 = arith.extui %sign3A_469 : i1 to i32
        %sign3A_471 = arith.subi %sign3A_467, %sign3A_470 : i32
        %ne3A_472 = arith.cmpi ne, %sign3A_464, %sign3A_471 : i32
        %rem3A_473 = arith.remsi %scan3A_457, %jit3A_458 : i32
        %ne3A_474 = arith.constant 0 : i32
        %ne3A_475 = arith.cmpi ne, %rem3A_473, %ne3A_474 : i32
        %and3A_476 = arith.andi %ne3A_472, %ne3A_475 : i1
        %sub3A_477 = arith.constant 1 : i32
        %sub3A_478 = arith.subi %div3A, %sub3A_477 : i32
        %select_n3A_479 = arith.select %and3A_476, %sub3A_478, %div3A : i32
        %mul3A_480 = arith.constant 16 : i32
        %mul3A_481 = arith.muli %select_n3A_479, %mul3A_480 : i32
        %add3A_482 = arith.addi %mul3A_401, %mul3A_481 : i32
        %get3A_483 = arith.index_cast %add3A_482 : i32 to index
        %get3A_484 = tpu.vector_load %arg13[%get3A_483] {strides = array<i32>} : memref<1536xf32, #tpu.memory_space<vmem>>, vector<16xf32>,
        %get3A_485 = vector.shape_cast %get3A_484 : vector<16xf32> to vector<16xf32>
        %jit3A_486 = arith.constant 16 : i32
        %eq3A_487 = arith.constant 0 : i32
        %eq3A_488 = arith.cmpi eq, %jit3A_486, %eq3A_487 : i32
        %jit3A_489 = arith.constant 1 : i32
        %select_n3A_490 = arith.select %eq3A_488, %jit3A_489, %jit3A_486 : i32
        %rem3A_491 = arith.remsi %scan3A_457, %select_n3A_490 : i32
        %ne3A_492 = arith.constant 0 : i32
        %ne3A_493 = arith.cmpi ne, %rem3A_491, %ne3A_492 : i32
        %lt3A_494 = arith.constant 0 : i32
        %lt3A_495 = arith.cmpi slt, %rem3A_491, %lt3A_494 : i32
        %lt3A_496 = arith.constant 0 : i32
        %lt3A_497 = arith.cmpi slt, %select_n3A_490, %lt3A_496 : i32
        %ne3A_498 = arith.xori %lt3A_495, %lt3A_497 : i1
        %and3A_499 = arith.andi %ne3A_498, %ne3A_493 : i1
        %add3A_500 = arith.addi %rem3A_491, %select_n3A_490 : i32
        %select_n3A_501 = arith.select %and3A_499, %add3A_500, %rem3A_491 : i32
        %broadcast_in_dim3A_502 = vector.broadcast %select_n3A_501 : i32 to vector<16xi32>
        %broadcast_in_dim3A_503 = vector.shape_cast %broadcast_in_dim3A_502 : vector<16xi32> to vector<16x1xi32>
        %gather3A = vector.shape_cast %broadcast_in_dim3A_503 : vector<16x1xi32> to vector<16xi32>
        %gather3A_504 = tpu.dynamic_gather %get3A_485[%gather3A] in [0] : vector<16xf32>, vector<16xi32> -> vector<16xf32>
        %broadcast_in_dim3A_505 = arith.constant 0.000000e+00 : f32
        %broadcast_in_dim3A_506 = vector.broadcast %broadcast_in_dim3A_505 : f32 to vector<16xf32>
        %add3A_507 = arith.addi %mul3A_365, %scan3A_457 : i32
        %get3A_508 = arith.index_cast %add3A_507 : i32 to index
        %get3A_509 = arith.constant 0 : index
        %get3A_510 = tpu.vector_load %arg14[%get3A_508, %get3A_509] {strides = array<i32>} : memref<192x128xf32, #tpu.memory_space<vmem>>, vector<1x16xf32>,
        %get3A_511 = vector.shape_cast %get3A_510 : vector<1x16xf32> to vector<16xf32>
        %add3A_512 = arith.constant 48 : i32
        %add3A_513 = arith.addi %mul3A_365, %add3A_512 : i32
        %add3A_514 = arith.addi %add3A_513, %scan3A_457 : i32
        %get3A_515 = arith.index_cast %add3A_514 : i32 to index
        %get3A_516 = arith.constant 0 : index
        %get3A_517 = tpu.vector_load %arg14[%get3A_515, %get3A_516] {strides = array<i32>} : memref<192x128xf32, #tpu.memory_space<vmem>>, vector<1x16xf32>,
        %get3A_518 = vector.shape_cast %get3A_517 : vector<1x16xf32> to vector<16xf32>
        %add3A_519 = arith.addf %get3A_511, %get3A_518 : vector<16xf32>
        %mul3A_520 = arith.mulf %gather3A_504, %get3A_27 : vector<16xf32>
        %add3A_521 = arith.addf %add3A_519, %mul3A_520 : vector<16xf32>
        %gt3A = arith.constant 0.000000e+00 : f32
        %gt3A_522 = vector.broadcast %gt3A : f32 to vector<16xf32>
        %gt3A_523 = arith.cmpf ogt, %add3A_521, %gt3A_522 : vector<16xf32>
        %mul3A_524 = arith.constant 2.000000e-01 : f32
        %mul3A_525 = vector.broadcast %mul3A_524 : f32 to vector<16xf32>
        %mul3A_526 = arith.mulf %mul3A_525, %add3A_521 : vector<16xf32>
        %select_n3A_527 = arith.select %gt3A_523, %add3A_521, %mul3A_526 : vector<16xi1>, vector<16xf32>
        %mul3A_528 = arith.mulf %select_n3A_527, %get3A_51 : vector<16xf32>
        %add3A_529 = arith.addf %broadcast_in_dim3A_506, %mul3A_528 : vector<16xf32>
        %add3A_530 = arith.addi %mul3A_365, %scan3A_457 : i32
        %get3A_531 = arith.index_cast %add3A_530 : i32 to index
        %get3A_532 = arith.constant 16 : index
        %get3A_533 = tpu.vector_load %arg14[%get3A_531, %get3A_532] {strides = array<i32>} : memref<192x128xf32, #tpu.memory_space<vmem>>, vector<1x16xf32>,
        %get3A_534 = vector.shape_cast %get3A_533 : vector<1x16xf32> to vector<16xf32>
        %add3A_535 = arith.constant 48 : i32
        %add3A_536 = arith.addi %mul3A_365, %add3A_535 : i32
        %add3A_537 = arith.addi %add3A_536, %scan3A_457 : i32
        %get3A_538 = arith.index_cast %add3A_537 : i32 to index
        %get3A_539 = arith.constant 16 : index
        %get3A_540 = tpu.vector_load %arg14[%get3A_538, %get3A_539] {strides = array<i32>} : memref<192x128xf32, #tpu.memory_space<vmem>>, vector<1x16xf32>,
        %get3A_541 = vector.shape_cast %get3A_540 : vector<1x16xf32> to vector<16xf32>
        %add3A_542 = arith.addf %get3A_534, %get3A_541 : vector<16xf32>
        %mul3A_543 = arith.mulf %gather3A_504, %get3A_30 : vector<16xf32>
        %add3A_544 = arith.addf %add3A_542, %mul3A_543 : vector<16xf32>
        %gt3A_545 = arith.constant 0.000000e+00 : f32
        %gt3A_546 = vector.broadcast %gt3A_545 : f32 to vector<16xf32>
        %gt3A_547 = arith.cmpf ogt, %add3A_544, %gt3A_546 : vector<16xf32>
        %mul3A_548 = arith.constant 2.000000e-01 : f32
        %mul3A_549 = vector.broadcast %mul3A_548 : f32 to vector<16xf32>
        %mul3A_550 = arith.mulf %mul3A_549, %add3A_544 : vector<16xf32>
        %select_n3A_551 = arith.select %gt3A_547, %add3A_544, %mul3A_550 : vector<16xi1>, vector<16xf32>
        %mul3A_552 = arith.mulf %select_n3A_551, %get3A_54 : vector<16xf32>
        %add3A_553 = arith.addf %add3A_529, %mul3A_552 : vector<16xf32>
        %add3A_554 = arith.addi %mul3A_365, %scan3A_457 : i32
        %get3A_555 = arith.index_cast %add3A_554 : i32 to index
        %get3A_556 = arith.constant 32 : index
        %get3A_557 = tpu.vector_load %arg14[%get3A_555, %get3A_556] {strides = array<i32>} : memref<192x128xf32, #tpu.memory_space<vmem>>, vector<1x16xf32>,
        %get3A_558 = vector.shape_cast %get3A_557 : vector<1x16xf32> to vector<16xf32>
        %add3A_559 = arith.constant 48 : i32
        %add3A_560 = arith.addi %mul3A_365, %add3A_559 : i32
        %add3A_561 = arith.addi %add3A_560, %scan3A_457 : i32
        %get3A_562 = arith.index_cast %add3A_561 : i32 to index
        %get3A_563 = arith.constant 32 : index
        %get3A_564 = tpu.vector_load %arg14[%get3A_562, %get3A_563] {strides = array<i32>} : memref<192x128xf32, #tpu.memory_space<vmem>>, vector<1x16xf32>,
        %get3A_565 = vector.shape_cast %get3A_564 : vector<1x16xf32> to vector<16xf32>
        %add3A_566 = arith.addf %get3A_558, %get3A_565 : vector<16xf32>
        %mul3A_567 = arith.mulf %gather3A_504, %get3A_33 : vector<16xf32>
        %add3A_568 = arith.addf %add3A_566, %mul3A_567 : vector<16xf32>
        %gt3A_569 = arith.constant 0.000000e+00 : f32
        %gt3A_570 = vector.broadcast %gt3A_569 : f32 to vector<16xf32>
        %gt3A_571 = arith.cmpf ogt, %add3A_568, %gt3A_570 : vector<16xf32>
        %mul3A_572 = arith.constant 2.000000e-01 : f32
        %mul3A_573 = vector.broadcast %mul3A_572 : f32 to vector<16xf32>
        %mul3A_574 = arith.mulf %mul3A_573, %add3A_568 : vector<16xf32>
        %select_n3A_575 = arith.select %gt3A_571, %add3A_568, %mul3A_574 : vector<16xi1>, vector<16xf32>
        %mul3A_576 = arith.mulf %select_n3A_575, %get3A_57 : vector<16xf32>
        %add3A_577 = arith.addf %add3A_553, %mul3A_576 : vector<16xf32>
        %add3A_578 = arith.addi %mul3A_365, %scan3A_457 : i32
        %get3A_579 = arith.index_cast %add3A_578 : i32 to index
        %get3A_580 = arith.constant 48 : index
        %get3A_581 = tpu.vector_load %arg14[%get3A_579, %get3A_580] {strides = array<i32>} : memref<192x128xf32, #tpu.memory_space<vmem>>, vector<1x16xf32>,
        %get3A_582 = vector.shape_cast %get3A_581 : vector<1x16xf32> to vector<16xf32>
        %add3A_583 = arith.constant 48 : i32
        %add3A_584 = arith.addi %mul3A_365, %add3A_583 : i32
        %add3A_585 = arith.addi %add3A_584, %scan3A_457 : i32
        %get3A_586 = arith.index_cast %add3A_585 : i32 to index
        %get3A_587 = arith.constant 48 : index
        %get3A_588 = tpu.vector_load %arg14[%get3A_586, %get3A_587] {strides = array<i32>} : memref<192x128xf32, #tpu.memory_space<vmem>>, vector<1x16xf32>,
        %get3A_589 = vector.shape_cast %get3A_588 : vector<1x16xf32> to vector<16xf32>
        %add3A_590 = arith.addf %get3A_582, %get3A_589 : vector<16xf32>
        %mul3A_591 = arith.mulf %gather3A_504, %get3A_36 : vector<16xf32>
        %add3A_592 = arith.addf %add3A_590, %mul3A_591 : vector<16xf32>
        %gt3A_593 = arith.constant 0.000000e+00 : f32
        %gt3A_594 = vector.broadcast %gt3A_593 : f32 to vector<16xf32>
        %gt3A_595 = arith.cmpf ogt, %add3A_592, %gt3A_594 : vector<16xf32>
        %mul3A_596 = arith.constant 2.000000e-01 : f32
        %mul3A_597 = vector.broadcast %mul3A_596 : f32 to vector<16xf32>
        %mul3A_598 = arith.mulf %mul3A_597, %add3A_592 : vector<16xf32>
        %select_n3A_599 = arith.select %gt3A_595, %add3A_592, %mul3A_598 : vector<16xi1>, vector<16xf32>
        %mul3A_600 = arith.mulf %select_n3A_599, %get3A_60 : vector<16xf32>
        %add3A_601 = arith.addf %add3A_577, %mul3A_600 : vector<16xf32>
        %add3A_602 = arith.addi %mul3A_365, %scan3A_457 : i32
        %get3A_603 = arith.index_cast %add3A_602 : i32 to index
        %get3A_604 = arith.constant 64 : index
        %get3A_605 = tpu.vector_load %arg14[%get3A_603, %get3A_604] {strides = array<i32>} : memref<192x128xf32, #tpu.memory_space<vmem>>, vector<1x16xf32>,
        %get3A_606 = vector.shape_cast %get3A_605 : vector<1x16xf32> to vector<16xf32>
        %add3A_607 = arith.constant 48 : i32
        %add3A_608 = arith.addi %mul3A_365, %add3A_607 : i32
        %add3A_609 = arith.addi %add3A_608, %scan3A_457 : i32
        %get3A_610 = arith.index_cast %add3A_609 : i32 to index
        %get3A_611 = arith.constant 64 : index
        %get3A_612 = tpu.vector_load %arg14[%get3A_610, %get3A_611] {strides = array<i32>} : memref<192x128xf32, #tpu.memory_space<vmem>>, vector<1x16xf32>,
        %get3A_613 = vector.shape_cast %get3A_612 : vector<1x16xf32> to vector<16xf32>
        %add3A_614 = arith.addf %get3A_606, %get3A_613 : vector<16xf32>
        %mul3A_615 = arith.mulf %gather3A_504, %get3A_39 : vector<16xf32>
        %add3A_616 = arith.addf %add3A_614, %mul3A_615 : vector<16xf32>
        %gt3A_617 = arith.constant 0.000000e+00 : f32
        %gt3A_618 = vector.broadcast %gt3A_617 : f32 to vector<16xf32>
        %gt3A_619 = arith.cmpf ogt, %add3A_616, %gt3A_618 : vector<16xf32>
        %mul3A_620 = arith.constant 2.000000e-01 : f32
        %mul3A_621 = vector.broadcast %mul3A_620 : f32 to vector<16xf32>
        %mul3A_622 = arith.mulf %mul3A_621, %add3A_616 : vector<16xf32>
        %select_n3A_623 = arith.select %gt3A_619, %add3A_616, %mul3A_622 : vector<16xi1>, vector<16xf32>
        %mul3A_624 = arith.mulf %select_n3A_623, %get3A_63 : vector<16xf32>
        %add3A_625 = arith.addf %add3A_601, %mul3A_624 : vector<16xf32>
        %add3A_626 = arith.addi %mul3A_365, %scan3A_457 : i32
        %get3A_627 = arith.index_cast %add3A_626 : i32 to index
        %get3A_628 = arith.constant 80 : index
        %get3A_629 = tpu.vector_load %arg14[%get3A_627, %get3A_628] {strides = array<i32>} : memref<192x128xf32, #tpu.memory_space<vmem>>, vector<1x16xf32>,
        %get3A_630 = vector.shape_cast %get3A_629 : vector<1x16xf32> to vector<16xf32>
        %add3A_631 = arith.constant 48 : i32
        %add3A_632 = arith.addi %mul3A_365, %add3A_631 : i32
        %add3A_633 = arith.addi %add3A_632, %scan3A_457 : i32
        %get3A_634 = arith.index_cast %add3A_633 : i32 to index
        %get3A_635 = arith.constant 80 : index
        %get3A_636 = tpu.vector_load %arg14[%get3A_634, %get3A_635] {strides = array<i32>} : memref<192x128xf32, #tpu.memory_space<vmem>>, vector<1x16xf32>,
        %get3A_637 = vector.shape_cast %get3A_636 : vector<1x16xf32> to vector<16xf32>
        %add3A_638 = arith.addf %get3A_630, %get3A_637 : vector<16xf32>
        %mul3A_639 = arith.mulf %gather3A_504, %get3A_42 : vector<16xf32>
        %add3A_640 = arith.addf %add3A_638, %mul3A_639 : vector<16xf32>
        %gt3A_641 = arith.constant 0.000000e+00 : f32
        %gt3A_642 = vector.broadcast %gt3A_641 : f32 to vector<16xf32>
        %gt3A_643 = arith.cmpf ogt, %add3A_640, %gt3A_642 : vector<16xf32>
        %mul3A_644 = arith.constant 2.000000e-01 : f32
        %mul3A_645 = vector.broadcast %mul3A_644 : f32 to vector<16xf32>
        %mul3A_646 = arith.mulf %mul3A_645, %add3A_640 : vector<16xf32>
        %select_n3A_647 = arith.select %gt3A_643, %add3A_640, %mul3A_646 : vector<16xi1>, vector<16xf32>
        %mul3A_648 = arith.mulf %select_n3A_647, %get3A_66 : vector<16xf32>
        %add3A_649 = arith.addf %add3A_625, %mul3A_648 : vector<16xf32>
        %add3A_650 = arith.addi %mul3A_365, %scan3A_457 : i32
        %get3A_651 = arith.index_cast %add3A_650 : i32 to index
        %get3A_652 = arith.constant 96 : index
        %get3A_653 = tpu.vector_load %arg14[%get3A_651, %get3A_652] {strides = array<i32>} : memref<192x128xf32, #tpu.memory_space<vmem>>, vector<1x16xf32>,
        %get3A_654 = vector.shape_cast %get3A_653 : vector<1x16xf32> to vector<16xf32>
        %add3A_655 = arith.constant 48 : i32
        %add3A_656 = arith.addi %mul3A_365, %add3A_655 : i32
        %add3A_657 = arith.addi %add3A_656, %scan3A_457 : i32
        %get3A_658 = arith.index_cast %add3A_657 : i32 to index
        %get3A_659 = arith.constant 96 : index
        %get3A_660 = tpu.vector_load %arg14[%get3A_658, %get3A_659] {strides = array<i32>} : memref<192x128xf32, #tpu.memory_space<vmem>>, vector<1x16xf32>,
        %get3A_661 = vector.shape_cast %get3A_660 : vector<1x16xf32> to vector<16xf32>
        %add3A_662 = arith.addf %get3A_654, %get3A_661 : vector<16xf32>
        %mul3A_663 = arith.mulf %gather3A_504, %get3A_45 : vector<16xf32>
        %add3A_664 = arith.addf %add3A_662, %mul3A_663 : vector<16xf32>
        %gt3A_665 = arith.constant 0.000000e+00 : f32
        %gt3A_666 = vector.broadcast %gt3A_665 : f32 to vector<16xf32>
        %gt3A_667 = arith.cmpf ogt, %add3A_664, %gt3A_666 : vector<16xf32>
        %mul3A_668 = arith.constant 2.000000e-01 : f32
        %mul3A_669 = vector.broadcast %mul3A_668 : f32 to vector<16xf32>
        %mul3A_670 = arith.mulf %mul3A_669, %add3A_664 : vector<16xf32>
        %select_n3A_671 = arith.select %gt3A_667, %add3A_664, %mul3A_670 : vector<16xi1>, vector<16xf32>
        %mul3A_672 = arith.mulf %select_n3A_671, %get3A_69 : vector<16xf32>
        %add3A_673 = arith.addf %add3A_649, %mul3A_672 : vector<16xf32>
        %add3A_674 = arith.addi %mul3A_365, %scan3A_457 : i32
        %get3A_675 = arith.index_cast %add3A_674 : i32 to index
        %get3A_676 = arith.constant 112 : index
        %get3A_677 = tpu.vector_load %arg14[%get3A_675, %get3A_676] {strides = array<i32>} : memref<192x128xf32, #tpu.memory_space<vmem>>, vector<1x16xf32>,
        %get3A_678 = vector.shape_cast %get3A_677 : vector<1x16xf32> to vector<16xf32>
        %add3A_679 = arith.constant 48 : i32
        %add3A_680 = arith.addi %mul3A_365, %add3A_679 : i32
        %add3A_681 = arith.addi %add3A_680, %scan3A_457 : i32
        %get3A_682 = arith.index_cast %add3A_681 : i32 to index
        %get3A_683 = arith.constant 112 : index
        %get3A_684 = tpu.vector_load %arg14[%get3A_682, %get3A_683] {strides = array<i32>} : memref<192x128xf32, #tpu.memory_space<vmem>>, vector<1x16xf32>,
        %get3A_685 = vector.shape_cast %get3A_684 : vector<1x16xf32> to vector<16xf32>
        %add3A_686 = arith.addf %get3A_678, %get3A_685 : vector<16xf32>
        %mul3A_687 = arith.mulf %gather3A_504, %get3A_48 : vector<16xf32>
        %add3A_688 = arith.addf %add3A_686, %mul3A_687 : vector<16xf32>
        %gt3A_689 = arith.constant 0.000000e+00 : f32
        %gt3A_690 = vector.broadcast %gt3A_689 : f32 to vector<16xf32>
        %gt3A_691 = arith.cmpf ogt, %add3A_688, %gt3A_690 : vector<16xf32>
        %mul3A_692 = arith.constant 2.000000e-01 : f32
        %mul3A_693 = vector.broadcast %mul3A_692 : f32 to vector<16xf32>
        %mul3A_694 = arith.mulf %mul3A_693, %add3A_688 : vector<16xf32>
        %select_n3A_695 = arith.select %gt3A_691, %add3A_688, %mul3A_694 : vector<16xi1>, vector<16xf32>
        %mul3A_696 = arith.mulf %select_n3A_695, %get3A_72 : vector<16xf32>
        %add3A_697 = arith.addf %add3A_673, %mul3A_696 : vector<16xf32>
        %broadcast_in_dim3A_698 = vector.shape_cast %get3A_75 : vector<16xi32> to vector<16x1xi32>
        %gather3A_699 = vector.shape_cast %broadcast_in_dim3A_698 : vector<16x1xi32> to vector<16xi32>
        %gather3A_700 = tpu.dynamic_gather %add3A_697[%gather3A_699] in [0] : vector<16xf32>, vector<16xi32> -> vector<16xf32>
        %add3A_701 = arith.addf %add3A_697, %gather3A_700 : vector<16xf32>
        %broadcast_in_dim3A_702 = vector.shape_cast %get3A_78 : vector<16xi32> to vector<16x1xi32>
        %gather3A_703 = vector.shape_cast %broadcast_in_dim3A_702 : vector<16x1xi32> to vector<16xi32>
        %gather3A_704 = tpu.dynamic_gather %add3A_701[%gather3A_703] in [0] : vector<16xf32>, vector<16xi32> -> vector<16xf32>
        %add3A_705 = arith.addf %add3A_701, %gather3A_704 : vector<16xf32>
        %broadcast_in_dim3A_706 = vector.shape_cast %get3A_81 : vector<16xi32> to vector<16x1xi32>
        %gather3A_707 = vector.shape_cast %broadcast_in_dim3A_706 : vector<16x1xi32> to vector<16xi32>
        %gather3A_708 = tpu.dynamic_gather %add3A_705[%gather3A_707] in [0] : vector<16xf32>, vector<16xi32> -> vector<16xf32>
        %add3A_709 = arith.addf %add3A_705, %gather3A_708 : vector<16xf32>
        %broadcast_in_dim3A_710 = vector.shape_cast %get3A_84 : vector<16xi32> to vector<16x1xi32>
        %gather3A_711 = vector.shape_cast %broadcast_in_dim3A_710 : vector<16x1xi32> to vector<16xi32>
        %gather3A_712 = tpu.dynamic_gather %add3A_709[%gather3A_711] in [0] : vector<16xf32>, vector<16xi32> -> vector<16xf32>
        %add3A_713 = arith.addf %add3A_709, %gather3A_712 : vector<16xf32>
        %exp3A = math.exp %add3A_713 : vector<16xf32>
        %mul3A_714 = arith.mulf %exp3A, %get3A_511 : vector<16xf32>
        %add3A_715 = arith.addi %mul3A_383, %scan3A_457 : i32
        %swap3A_716 = arith.index_cast %add3A_715 : i32 to index
        %swap3A_717 = arith.constant 0 : index
        %swap3A_718 = tpu.vector_load %arg15[%swap3A_716, %swap3A_717] {strides = array<i32>} : memref<96x144xf32, #tpu.memory_space<vmem>>, vector<1x16xf32>,
        %swap3A_719 = vector.shape_cast %swap3A_718 : vector<1x16xf32> to vector<16xf32>
        %swap3A_720 = vector.shape_cast %mul3A_714 : vector<16xf32> to vector<1x16xf32>
        tpu.vector_store %arg15[%swap3A_716, %swap3A_717], %swap3A_720 {strides = array<i32>} : memref<96x144xf32, #tpu.memory_space<vmem>>, vector<1x16xf32>,
        %mul3A_721 = arith.mulf %exp3A, %get3A_534 : vector<16xf32>
        %add3A_722 = arith.addi %mul3A_383, %scan3A_457 : i32
        %swap3A_723 = arith.index_cast %add3A_722 : i32 to index
        %swap3A_724 = arith.constant 16 : index
        %swap3A_725 = tpu.vector_load %arg15[%swap3A_723, %swap3A_724] {strides = array<i32>} : memref<96x144xf32, #tpu.memory_space<vmem>>, vector<1x16xf32>,
        %swap3A_726 = vector.shape_cast %swap3A_725 : vector<1x16xf32> to vector<16xf32>
        %swap3A_727 = vector.shape_cast %mul3A_721 : vector<16xf32> to vector<1x16xf32>
        tpu.vector_store %arg15[%swap3A_723, %swap3A_724], %swap3A_727 {strides = array<i32>} : memref<96x144xf32, #tpu.memory_space<vmem>>, vector<1x16xf32>,
        %mul3A_728 = arith.mulf %exp3A, %get3A_558 : vector<16xf32>
        %add3A_729 = arith.addi %mul3A_383, %scan3A_457 : i32
        %swap3A_730 = arith.index_cast %add3A_729 : i32 to index
        %swap3A_731 = arith.constant 32 : index
        %swap3A_732 = tpu.vector_load %arg15[%swap3A_730, %swap3A_731] {strides = array<i32>} : memref<96x144xf32, #tpu.memory_space<vmem>>, vector<1x16xf32>,
        %swap3A_733 = vector.shape_cast %swap3A_732 : vector<1x16xf32> to vector<16xf32>
        %swap3A_734 = vector.shape_cast %mul3A_728 : vector<16xf32> to vector<1x16xf32>
        tpu.vector_store %arg15[%swap3A_730, %swap3A_731], %swap3A_734 {strides = array<i32>} : memref<96x144xf32, #tpu.memory_space<vmem>>, vector<1x16xf32>,
        %mul3A_735 = arith.mulf %exp3A, %get3A_582 : vector<16xf32>
        %add3A_736 = arith.addi %mul3A_383, %scan3A_457 : i32
        %swap3A_737 = arith.index_cast %add3A_736 : i32 to index
        %swap3A_738 = arith.constant 48 : index
        %swap3A_739 = tpu.vector_load %arg15[%swap3A_737, %swap3A_738] {strides = array<i32>} : memref<96x144xf32, #tpu.memory_space<vmem>>, vector<1x16xf32>,
        %swap3A_740 = vector.shape_cast %swap3A_739 : vector<1x16xf32> to vector<16xf32>
        %swap3A_741 = vector.shape_cast %mul3A_735 : vector<16xf32> to vector<1x16xf32>
        tpu.vector_store %arg15[%swap3A_737, %swap3A_738], %swap3A_741 {strides = array<i32>} : memref<96x144xf32, #tpu.memory_space<vmem>>, vector<1x16xf32>,
        %mul3A_742 = arith.mulf %exp3A, %get3A_606 : vector<16xf32>
        %add3A_743 = arith.addi %mul3A_383, %scan3A_457 : i32
        %swap3A_744 = arith.index_cast %add3A_743 : i32 to index
        %swap3A_745 = arith.constant 64 : index
        %swap3A_746 = tpu.vector_load %arg15[%swap3A_744, %swap3A_745] {strides = array<i32>} : memref<96x144xf32, #tpu.memory_space<vmem>>, vector<1x16xf32>,
        %swap3A_747 = vector.shape_cast %swap3A_746 : vector<1x16xf32> to vector<16xf32>
        %swap3A_748 = vector.shape_cast %mul3A_742 : vector<16xf32> to vector<1x16xf32>
        tpu.vector_store %arg15[%swap3A_744, %swap3A_745], %swap3A_748 {strides = array<i32>} : memref<96x144xf32, #tpu.memory_space<vmem>>, vector<1x16xf32>,
        %mul3A_749 = arith.mulf %exp3A, %get3A_630 : vector<16xf32>
        %add3A_750 = arith.addi %mul3A_383, %scan3A_457 : i32
        %swap3A_751 = arith.index_cast %add3A_750 : i32 to index
        %swap3A_752 = arith.constant 80 : index
        %swap3A_753 = tpu.vector_load %arg15[%swap3A_751, %swap3A_752] {strides = array<i32>} : memref<96x144xf32, #tpu.memory_space<vmem>>, vector<1x16xf32>,
        %swap3A_754 = vector.shape_cast %swap3A_753 : vector<1x16xf32> to vector<16xf32>
        %swap3A_755 = vector.shape_cast %mul3A_749 : vector<16xf32> to vector<1x16xf32>
        tpu.vector_store %arg15[%swap3A_751, %swap3A_752], %swap3A_755 {strides = array<i32>} : memref<96x144xf32, #tpu.memory_space<vmem>>, vector<1x16xf32>,
        %mul3A_756 = arith.mulf %exp3A, %get3A_654 : vector<16xf32>
        %add3A_757 = arith.addi %mul3A_383, %scan3A_457 : i32
        %swap3A_758 = arith.index_cast %add3A_757 : i32 to index
        %swap3A_759 = arith.constant 96 : index
        %swap3A_760 = tpu.vector_load %arg15[%swap3A_758, %swap3A_759] {strides = array<i32>} : memref<96x144xf32, #tpu.memory_space<vmem>>, vector<1x16xf32>,
        %swap3A_761 = vector.shape_cast %swap3A_760 : vector<1x16xf32> to vector<16xf32>
        %swap3A_762 = vector.shape_cast %mul3A_756 : vector<16xf32> to vector<1x16xf32>
        tpu.vector_store %arg15[%swap3A_758, %swap3A_759], %swap3A_762 {strides = array<i32>} : memref<96x144xf32, #tpu.memory_space<vmem>>, vector<1x16xf32>,
        %mul3A_763 = arith.mulf %exp3A, %get3A_678 : vector<16xf32>
        %add3A_764 = arith.addi %mul3A_383, %scan3A_457 : i32
        %swap3A_765 = arith.index_cast %add3A_764 : i32 to index
        %swap3A_766 = arith.constant 112 : index
        %swap3A_767 = tpu.vector_load %arg15[%swap3A_765, %swap3A_766] {strides = array<i32>} : memref<96x144xf32, #tpu.memory_space<vmem>>, vector<1x16xf32>,
        %swap3A_768 = vector.shape_cast %swap3A_767 : vector<1x16xf32> to vector<16xf32>
        %swap3A_769 = vector.shape_cast %mul3A_763 : vector<16xf32> to vector<1x16xf32>
        tpu.vector_store %arg15[%swap3A_765, %swap3A_766], %swap3A_769 {strides = array<i32>} : memref<96x144xf32, #tpu.memory_space<vmem>>, vector<1x16xf32>,
        %mul3A_770 = arith.mulf %exp3A, %get3A_87 : vector<16xf32>
        %add3A_771 = arith.addi %mul3A_383, %scan3A_457 : i32
        %swap3A_772 = arith.index_cast %add3A_771 : i32 to index
        %swap3A_773 = arith.constant 128 : index
        %swap3A_774 = tpu.vector_load %arg15[%swap3A_772, %swap3A_773] {strides = array<i32>} : memref<96x144xf32, #tpu.memory_space<vmem>>, vector<1x16xf32>,
        %swap3A_775 = vector.shape_cast %swap3A_774 : vector<1x16xf32> to vector<16xf32>
        %swap3A_776 = vector.shape_cast %mul3A_770 : vector<16xf32> to vector<1x16xf32>
        tpu.vector_store %arg15[%swap3A_772, %swap3A_773], %swap3A_776 {strides = array<i32>} : memref<96x144xf32, #tpu.memory_space<vmem>>, vector<1x16xf32>,
      }
      %scan3A_407 = arith.constant 48 : i32
      %add3A_408 = arith.constant 2 : i32
      %add3A_409 = arith.addi %scan3A_253, %add3A_408 : i32
      %lt3A_410 = arith.constant 210 : i32
      %lt3A_411 = arith.cmpi slt, %add3A_409, %lt3A_410 : i32
      %convert_element_type3A_412 = arith.extui %lt3A_411 : i1 to i32
      %cond3A_413 = arith.constant 0 : i32
      %cond3A_414 = arith.cmpi ne, %convert_element_type3A_412, %cond3A_413 : i32
      scf.if %cond3A_414 {
        %add3A_457 = arith.constant 2 : i32
        %add3A_458 = arith.addi %scan3A_253, %add3A_457 : i32
        %add3A_459 = arith.addi %mul3A_2, %add3A_458 : i32
        %mul3A_460 = arith.constant 48 : i32
        %mul3A_461 = arith.muli %add3A_459, %mul3A_460 : i32
        %jit3A_462 = arith.constant 2 : i32
        %eq3A_463 = arith.constant 0 : i32
        %eq3A_464 = arith.cmpi eq, %jit3A_462, %eq3A_463 : i32
        %jit3A_465 = arith.constant 1 : i32
        %select_n3A_466 = arith.select %eq3A_464, %jit3A_465, %jit3A_462 : i32
        %rem3A_467 = arith.remsi %add3A_458, %select_n3A_466 : i32
        %ne3A_468 = arith.constant 0 : i32
        %ne3A_469 = arith.cmpi ne, %rem3A_467, %ne3A_468 : i32
        %lt3A_470 = arith.constant 0 : i32
        %lt3A_471 = arith.cmpi slt, %rem3A_467, %lt3A_470 : i32
        %lt3A_472 = arith.constant 0 : i32
        %lt3A_473 = arith.cmpi slt, %select_n3A_466, %lt3A_472 : i32
        %ne3A_474 = arith.xori %lt3A_471, %lt3A_473 : i1
        %and3A_475 = arith.andi %ne3A_474, %ne3A_469 : i1
        %add3A_476 = arith.addi %rem3A_467, %select_n3A_466 : i32
        %select_n3A_477 = arith.select %and3A_475, %add3A_476, %rem3A_467 : i32
        %mul3A_478 = arith.constant 48 : i32
        %mul3A_479 = arith.muli %select_n3A_477, %mul3A_478 : i32
        %dma_start3A_480 = tpu.memref_slice %arg13[%mul3A_479] : memref<1536xf32, #tpu.memory_space<vmem>> -> memref<48xf32, #tpu.memory_space<vmem>>
        %dma_start3A_481 = tpu.memref_slice %arg4[%mul3A_461] : memref<322560xf32, #tpu.memory_space<hbm>> -> memref<48xf32, #tpu.memory_space<hbm>>
        %dma_start3A_482 = tpu.memref_slice %arg13[%mul3A_479] : memref<1536xf32, #tpu.memory_space<vmem>> -> memref<48xf32, #tpu.memory_space<vmem>>
        %dma_start3A_483 = tpu.memref_slice %arg4[%mul3A_461] : memref<322560xf32, #tpu.memory_space<hbm>> -> memref<48xf32, #tpu.memory_space<hbm>>
        tpu.enqueue_dma source(%dma_start3A_483 : memref<48xf32, #tpu.memory_space<hbm>>) target(%dma_start3A_482 : memref<48xf32, #tpu.memory_space<vmem>>) target_semaphore(%arg22 : memref<!tpu.dma_semaphore, #tpu.memory_space<semaphore_mem>>)
      } else {
      }
      %jit3A_415 = arith.constant 2 : i32
      %eq3A_416 = arith.constant 0 : i32
      %eq3A_417 = arith.cmpi eq, %jit3A_415, %eq3A_416 : i32
      %jit3A_418 = arith.constant 1 : i32
      %select_n3A_419 = arith.select %eq3A_417, %jit3A_418, %jit3A_415 : i32
      %rem3A_420 = arith.remsi %scan3A_253, %select_n3A_419 : i32
      %ne3A_421 = arith.constant 0 : i32
      %ne3A_422 = arith.cmpi ne, %rem3A_420, %ne3A_421 : i32
      %lt3A_423 = arith.constant 0 : i32
      %lt3A_424 = arith.cmpi slt, %rem3A_420, %lt3A_423 : i32
      %lt3A_425 = arith.constant 0 : i32
      %lt3A_426 = arith.cmpi slt, %select_n3A_419, %lt3A_425 : i32
      %ne3A_427 = arith.xori %lt3A_424, %lt3A_426 : i1
      %and3A_428 = arith.andi %ne3A_427, %ne3A_422 : i1
      %add3A_429 = arith.addi %rem3A_420, %select_n3A_419 : i32
      %select_n3A_430 = arith.select %and3A_428, %add3A_429, %rem3A_420 : i32
      %mul3A_431 = arith.constant 48 : i32
      %mul3A_432 = arith.muli %select_n3A_430, %mul3A_431 : i32
      %jit3A_433 = arith.constant 3 : i32
      %eq3A_434 = arith.constant 0 : i32
      %eq3A_435 = arith.cmpi eq, %jit3A_433, %eq3A_434 : i32
      %jit3A_436 = arith.constant 1 : i32
      %select_n3A_437 = arith.select %eq3A_435, %jit3A_436, %jit3A_433 : i32
      %rem3A_438 = arith.remsi %scan3A_253, %select_n3A_437 : i32
      %ne3A_439 = arith.constant 0 : i32
      %ne3A_440 = arith.cmpi ne, %rem3A_438, %ne3A_439 : i32
      %lt3A_441 = arith.constant 0 : i32
      %lt3A_442 = arith.cmpi slt, %rem3A_438, %lt3A_441 : i32
      %lt3A_443 = arith.constant 0 : i32
      %lt3A_444 = arith.cmpi slt, %select_n3A_437, %lt3A_443 : i32
      %ne3A_445 = arith.xori %lt3A_442, %lt3A_444 : i1
      %and3A_446 = arith.andi %ne3A_445, %ne3A_440 : i1
      %add3A_447 = arith.addi %rem3A_438, %select_n3A_437 : i32
      %select_n3A_448 = arith.select %and3A_446, %add3A_447, %rem3A_438 : i32
      %dma_start3A_449 = arith.constant 0 : i32
      %dma_start3A_450 = tpu.memref_slice %arg15[%mul3A_432, %dma_start3A_449] : memref<96x144xf32, #tpu.memory_space<vmem>> -> memref<48x144xf32, #tpu.memory_space<vmem>>
      %dma_start3A_451 = arith.constant 0 : i32
      %dma_start3A_452 = tpu.memref_slice %arg12[%select_n3A_448, %dma_start3A_451] : memref<3x48xi32, #tpu.memory_space<vmem>> -> memref<1x48xi32, #tpu.memory_space<vmem>>
      %dma_start3A_453 = tpu.memref_squeeze %dma_start3A_452 : memref<1x48xi32, #tpu.memory_space<vmem>> -> memref<48xi32, #tpu.memory_space<vmem>>
      %dma_start3A_454 = arith.constant 0 : i32
      %dma_start3A_455 = arith.constant 0 : i32
      %dma_start3A_456 = tpu.memref_slice %arg20[%dma_start3A_454, %dma_start3A_455] : memref<10016x144xf32, #tpu.memory_space<vmem_shared>> -> memref<10016x144xf32, #tpu.memory_space<vmem_shared>>
      tpu.enqueue_indirect_dma source(%dma_start3A_450 : memref<48x144xf32, #tpu.memory_space<vmem>>) target(%dma_start3A_456 : memref<10016x144xf32, #tpu.memory_space<vmem_shared>>) offsets(%dma_start3A_453 : memref<48xi32, #tpu.memory_space<vmem>>) semaphore(%arg24 : memref<!tpu.dma_semaphore, #tpu.memory_space<semaphore_mem>>) {add = true}
    }
    %scan3A_231 = arith.constant 210 : i32
    %dma_wait3A_232 = arith.constant 1 : i32
    %dma_wait3A_233 = arith.constant 0 : i32
    %dma_wait3A_234 = arith.constant 0 : i32
    %dma_wait3A_235 = tpu.memref_slice %arg15[%dma_wait3A_233, %dma_wait3A_234] : memref<96x144xf32, #tpu.memory_space<vmem>> -> memref<48x144xf32, #tpu.memory_space<vmem>>
    %dma_wait3A_236 = arith.constant 0 : i32
    %dma_wait3A_237 = tpu.memref_slice %arg12[%dma_wait3A_232, %dma_wait3A_236] : memref<3x48xi32, #tpu.memory_space<vmem>> -> memref<1x48xi32, #tpu.memory_space<vmem>>
    %dma_wait3A_238 = tpu.memref_squeeze %dma_wait3A_237 : memref<1x48xi32, #tpu.memory_space<vmem>> -> memref<48xi32, #tpu.memory_space<vmem>>
    %dma_wait3A_239 = arith.constant 0 : i32
    %dma_wait3A_240 = arith.constant 0 : i32
    %dma_wait3A_241 = tpu.memref_slice %arg20[%dma_wait3A_239, %dma_wait3A_240] : memref<10016x144xf32, #tpu.memory_space<vmem_shared>> -> memref<10016x144xf32, #tpu.memory_space<vmem_shared>>
    tpu.wait_indirect_dma semaphore(%arg24 : memref<!tpu.dma_semaphore, #tpu.memory_space<semaphore_mem>>) src(%dma_wait3A_235 : memref<48x144xf32, #tpu.memory_space<vmem>>) dst(%dma_wait3A_241 : memref<10016x144xf32, #tpu.memory_space<vmem_shared>>)
    %dma_wait3A_242 = arith.constant 2 : i32
    %dma_wait3A_243 = arith.constant 48 : i32
    %dma_wait3A_244 = arith.constant 0 : i32
    %dma_wait3A_245 = tpu.memref_slice %arg15[%dma_wait3A_243, %dma_wait3A_244] : memref<96x144xf32, #tpu.memory_space<vmem>> -> memref<48x144xf32, #tpu.memory_space<vmem>>
    %dma_wait3A_246 = arith.constant 0 : i32
    %dma_wait3A_247 = tpu.memref_slice %arg12[%dma_wait3A_242, %dma_wait3A_246] : memref<3x48xi32, #tpu.memory_space<vmem>> -> memref<1x48xi32, #tpu.memory_space<vmem>>
    %dma_wait3A_248 = tpu.memref_squeeze %dma_wait3A_247 : memref<1x48xi32, #tpu.memory_space<vmem>> -> memref<48xi32, #tpu.memory_space<vmem>>
    %dma_wait3A_249 = arith.constant 0 : i32
    %dma_wait3A_250 = arith.constant 0 : i32
    %dma_wait3A_251 = tpu.memref_slice %arg20[%dma_wait3A_249, %dma_wait3A_250] : memref<10016x144xf32, #tpu.memory_space<vmem_shared>> -> memref<10016x144xf32, #tpu.memory_space<vmem_shared>>
    tpu.wait_indirect_dma semaphore(%arg24 : memref<!tpu.dma_semaphore, #tpu.memory_space<semaphore_mem>>) src(%dma_wait3A_245 : memref<48x144xf32, #tpu.memory_space<vmem>>) dst(%dma_wait3A_251 : memref<10016x144xf32, #tpu.memory_space<vmem_shared>>)
    %barrier3A_252 = arith.constant 0 : index
    tpu.barrier barrier_id(%barrier3A_252)
    "tpu.region"() ({
      %run_scoped3A = tpu.sem_alloc : memref<!tpu.dma_semaphore, #tpu.memory_space<semaphore_mem>>
      %dma_start3A_253 = arith.constant 0 : i32
      %dma_start3A_254 = tpu.memref_slice %arg9[%arg0, %mul3A_10, %dma_start3A_253] : memref<2x10016x144xf32, #tpu.memory_space<hbm>> -> memref<1x626x144xf32, #tpu.memory_space<hbm>>
      %dma_start3A_255 = tpu.memref_squeeze %dma_start3A_254 : memref<1x626x144xf32, #tpu.memory_space<hbm>> -> memref<626x144xf32, #tpu.memory_space<hbm>>
      %dma_start3A_256 = arith.constant 0 : i32
      %dma_start3A_257 = tpu.memref_slice %arg20[%mul3A_10, %dma_start3A_256] : memref<10016x144xf32, #tpu.memory_space<vmem_shared>> -> memref<626x144xf32, #tpu.memory_space<vmem_shared>>
      tpu.enqueue_dma source(%dma_start3A_257 : memref<626x144xf32, #tpu.memory_space<vmem_shared>>) target(%dma_start3A_255 : memref<626x144xf32, #tpu.memory_space<hbm>>) target_semaphore(%run_scoped3A : memref<!tpu.dma_semaphore, #tpu.memory_space<semaphore_mem>>)
      %dma_wait3A_258 = arith.constant 0 : i32
      %dma_wait3A_259 = tpu.memref_slice %arg9[%arg0, %mul3A_10, %dma_wait3A_258] : memref<2x10016x144xf32, #tpu.memory_space<hbm>> -> memref<1x626x144xf32, #tpu.memory_space<hbm>>
      %dma_wait3A_260 = tpu.memref_squeeze %dma_wait3A_259 : memref<1x626x144xf32, #tpu.memory_space<hbm>> -> memref<626x144xf32, #tpu.memory_space<hbm>>
      %dma_wait3A_261 = arith.constant 0 : i32
      %dma_wait3A_262 = tpu.memref_slice %arg20[%mul3A_10, %dma_wait3A_261] : memref<10016x144xf32, #tpu.memory_space<vmem_shared>> -> memref<626x144xf32, #tpu.memory_space<vmem_shared>>
      tpu.wait_dma2 semaphore(%run_scoped3A : memref<!tpu.dma_semaphore, #tpu.memory_space<semaphore_mem>>) src(%dma_wait3A_262 : memref<626x144xf32, #tpu.memory_space<vmem_shared>>) dst(%dma_wait3A_260 : memref<626x144xf32, #tpu.memory_space<hbm>>)
      tpu.yield
    }) : () -> ()
    return
  }
}

module attributes {stable_mosaic.version = 14 : i64} {
  func.func @body(%arg0: i32, %arg1: memref<1000x128xf32, #tpu.memory_space<vmem>>, %arg2: memref<128x128xf32, #tpu.memory_space<vmem>>, %arg3: memref<1x128xf32, #tpu.memory_space<vmem>>, %arg4: memref<128x128xf32, #tpu.memory_space<vmem>>, %arg5: memref<1x128xf32, #tpu.memory_space<vmem>>, %arg6: memref<2x1000x128xf32, #tpu.memory_space<vmem>>) attributes {dimension_semantics = [#tpu.dimension_semantics<arbitrary>], iteration_bounds = array<i64: 10>, scalar_prefetch = 0 : i64, scratch_operands = 0 : i64, tpu.core_type = #tpu.core_type<tc>, window_params = [{transform_indices = @transform_0, window_bounds = array<i64: 1000, 128>}, {pipeline_mode = #tpu.pipeline_mode<synchronous>, transform_indices = @transform_1, window_bounds = array<i64: 128, 128>}, {pipeline_mode = #tpu.pipeline_mode<synchronous>, transform_indices = @transform_2, window_bounds = array<i64: 1, 128>}, {pipeline_mode = #tpu.pipeline_mode<synchronous>, transform_indices = @transform_3, window_bounds = array<i64: 128, 128>}, {pipeline_mode = #tpu.pipeline_mode<synchronous>, transform_indices = @transform_4, window_bounds = array<i64: 1, 128>}, {transform_indices = @transform_5, window_bounds = array<i64: 2, 1000, 128>}]} {
    %get3A = arith.constant 0 : index
    %get3A_0 = arith.constant 0 : index
    %get3A_1 = vector.load %arg1[%get3A, %get3A_0] : memref<1000x128xf32, #tpu.memory_space<vmem>>, vector<1000x128xf32>
    %get3A_2 = arith.constant 0 : index
    %get3A_3 = arith.constant 0 : index
    %get3A_4 = vector.load %arg2[%get3A_2, %get3A_3] : memref<128x128xf32, #tpu.memory_space<vmem>>, vector<128x128xf32>
    %dot_general3A = arith.constant dense<0.000000e+00> : vector<1000x128xf32>
    %dot_general3A_5 = tpu.matmul %get3A_1, %get3A_4, %dot_general3A {dimension_numbers = #tpu.dot_dimension_numbers<[1], [0], [0], [1], [0, 0, 1, 1], [], []>, transpose_lhs_hint = false} : vector<1000x128xf32>, vector<128x128xf32>, vector<1000x128xf32> -> vector<1000x128xf32>
    %get3A_6 = arith.constant 0 : index
    %get3A_7 = arith.constant 0 : index
    %get3A_8 = vector.load %arg3[%get3A_6, %get3A_7] : memref<1x128xf32, #tpu.memory_space<vmem>>, vector<1x128xf32>
    %add3A = vector.broadcast %get3A_8 : vector<1x128xf32> to vector<1000x128xf32>
    %add3A_9 = arith.addf %dot_general3A_5, %add3A : vector<1000x128xf32>
    %swap3A = arith.constant 0 : index
    %swap3A_10 = arith.constant 0 : index
    %swap3A_11 = arith.constant 0 : index
    %swap3A_12 = vector.load %arg6[%swap3A, %swap3A_10, %swap3A_11] : memref<2x1000x128xf32, #tpu.memory_space<vmem>>, vector<1x1000x128xf32>
    %swap3A_13 = vector.shape_cast %swap3A_12 : vector<1x1000x128xf32> to vector<1000x128xf32>
    %swap3A_14 = vector.shape_cast %add3A_9 : vector<1000x128xf32> to vector<1x1000x128xf32>
    tpu.vector_store %arg6[%swap3A, %swap3A_10, %swap3A_11], %swap3A_14 {strides = array<i32>} : memref<2x1000x128xf32, #tpu.memory_space<vmem>>, vector<1x1000x128xf32>,
    %get3A_15 = arith.constant 0 : index
    %get3A_16 = arith.constant 0 : index
    %get3A_17 = vector.load %arg4[%get3A_15, %get3A_16] : memref<128x128xf32, #tpu.memory_space<vmem>>, vector<128x128xf32>
    %dot_general3A_18 = arith.constant dense<0.000000e+00> : vector<1000x128xf32>
    %dot_general3A_19 = tpu.matmul %get3A_1, %get3A_17, %dot_general3A_18 {dimension_numbers = #tpu.dot_dimension_numbers<[1], [0], [0], [1], [0, 0, 1, 1], [], []>, transpose_lhs_hint = false} : vector<1000x128xf32>, vector<128x128xf32>, vector<1000x128xf32> -> vector<1000x128xf32>
    %get3A_20 = arith.constant 0 : index
    %get3A_21 = arith.constant 0 : index
    %get3A_22 = vector.load %arg5[%get3A_20, %get3A_21] : memref<1x128xf32, #tpu.memory_space<vmem>>, vector<1x128xf32>
    %add3A_23 = vector.broadcast %get3A_22 : vector<1x128xf32> to vector<1000x128xf32>
    %add3A_24 = arith.addf %dot_general3A_19, %add3A_23 : vector<1000x128xf32>
    %swap3A_25 = arith.constant 1 : index
    %swap3A_26 = arith.constant 0 : index
    %swap3A_27 = arith.constant 0 : index
    %swap3A_28 = vector.load %arg6[%swap3A_25, %swap3A_26, %swap3A_27] : memref<2x1000x128xf32, #tpu.memory_space<vmem>>, vector<1x1000x128xf32>
    %swap3A_29 = vector.shape_cast %swap3A_28 : vector<1x1000x128xf32> to vector<1000x128xf32>
    %swap3A_30 = vector.shape_cast %add3A_24 : vector<1000x128xf32> to vector<1x1000x128xf32>
    tpu.vector_store %arg6[%swap3A_25, %swap3A_26, %swap3A_27], %swap3A_30 {strides = array<i32>} : memref<2x1000x128xf32, #tpu.memory_space<vmem>>, vector<1x1000x128xf32>,
    return
  }
  func.func @transform_0(%arg0: i32) -> (i32, i32) {
    %c0_i32 = arith.constant 0 : i32
    %c0_i32_0 = arith.constant 0 : i32
    return %arg0, %c0_i32 : i32, i32
  }
  func.func @transform_1(%arg0: i32) -> (i32, i32) {
    %c0_i32 = arith.constant 0 : i32
    %c0_i32_0 = arith.constant 0 : i32
    %c0_i32_1 = arith.constant 0 : i32
    return %c0_i32, %c0_i32_0 : i32, i32
  }
  func.func @transform_2(%arg0: i32) -> (i32, i32) {
    %c0_i32 = arith.constant 0 : i32
    %c0_i32_0 = arith.constant 0 : i32
    %c0_i32_1 = arith.constant 0 : i32
    return %c0_i32, %c0_i32_0 : i32, i32
  }
  func.func @transform_3(%arg0: i32) -> (i32, i32) {
    %c0_i32 = arith.constant 0 : i32
    %c0_i32_0 = arith.constant 0 : i32
    %c0_i32_1 = arith.constant 0 : i32
    return %c0_i32, %c0_i32_0 : i32, i32
  }
  func.func @transform_4(%arg0: i32) -> (i32, i32) {
    %c0_i32 = arith.constant 0 : i32
    %c0_i32_0 = arith.constant 0 : i32
    %c0_i32_1 = arith.constant 0 : i32
    return %c0_i32, %c0_i32_0 : i32, i32
  }
  func.func @transform_5(%arg0: i32) -> (i32, i32, i32) {
    %c0_i32 = arith.constant 0 : i32
    %c0_i32_0 = arith.constant 0 : i32
    %c0_i32_1 = arith.constant 0 : i32
    return %c0_i32, %arg0, %c0_i32_0 : i32, i32, i32
  }
}

module attributes {stable_mosaic.version = 14 : i64} {
  func.func @body(%arg0: i32, %arg1: memref<2x1000x144xf32, #tpu.memory_space<vmem>>, %arg2: memref<1x128xf32, #tpu.memory_space<vmem>>, %arg3: memref<128x128xf32, #tpu.memory_space<vmem>>, %arg4: memref<1x128xf32, #tpu.memory_space<vmem>>, %arg5: memref<128x128xf32, #tpu.memory_space<vmem>>, %arg6: memref<1x128xf32, #tpu.memory_space<vmem>>, %arg7: memref<2x1000x128xf32, #tpu.memory_space<vmem>>) attributes {dimension_semantics = [#tpu.dimension_semantics<arbitrary>], iteration_bounds = array<i64: 10>, scalar_prefetch = 0 : i64, scratch_operands = 0 : i64, tpu.core_type = #tpu.core_type<tc>, window_params = [{transform_indices = @transform_0, window_bounds = array<i64: 2, 1000, 144>}, {pipeline_mode = #tpu.pipeline_mode<synchronous>, transform_indices = @transform_1, window_bounds = array<i64: 1, 128>}, {pipeline_mode = #tpu.pipeline_mode<synchronous>, transform_indices = @transform_2, window_bounds = array<i64: 128, 128>}, {pipeline_mode = #tpu.pipeline_mode<synchronous>, transform_indices = @transform_3, window_bounds = array<i64: 1, 128>}, {pipeline_mode = #tpu.pipeline_mode<synchronous>, transform_indices = @transform_4, window_bounds = array<i64: 128, 128>}, {pipeline_mode = #tpu.pipeline_mode<synchronous>, transform_indices = @transform_5, window_bounds = array<i64: 1, 128>}, {transform_indices = @transform_6, window_bounds = array<i64: 2, 1000, 128>}]} {
    %get3A = arith.constant 0 : index
    %get3A_0 = arith.constant 0 : index
    %get3A_1 = arith.constant 0 : index
    %get3A_2 = vector.load %arg1[%get3A, %get3A_0, %get3A_1] : memref<2x1000x144xf32, #tpu.memory_space<vmem>>, vector<1x1000x128xf32>
    %get3A_3 = vector.shape_cast %get3A_2 : vector<1x1000x128xf32> to vector<1000x128xf32>
    %get3A_4 = arith.constant 1 : index
    %get3A_5 = arith.constant 0 : index
    %get3A_6 = arith.constant 0 : index
    %get3A_7 = vector.load %arg1[%get3A_4, %get3A_5, %get3A_6] : memref<2x1000x144xf32, #tpu.memory_space<vmem>>, vector<1x1000x128xf32>
    %get3A_8 = vector.shape_cast %get3A_7 : vector<1x1000x128xf32> to vector<1000x128xf32>
    %add3A = arith.addf %get3A_3, %get3A_8 : vector<1000x128xf32>
    %get3A_9 = arith.constant 0 : index
    %get3A_10 = arith.constant 0 : index
    %get3A_11 = arith.constant 128 : index
    %get3A_12 = vector.load %arg1[%get3A_9, %get3A_10, %get3A_11] : memref<2x1000x144xf32, #tpu.memory_space<vmem>>, vector<1x1000x1xf32>
    %get3A_13 = vector.shape_cast %get3A_12 : vector<1x1000x1xf32> to vector<1000x1xf32>
    %get3A_14 = arith.constant 1 : index
    %get3A_15 = arith.constant 0 : index
    %get3A_16 = arith.constant 128 : index
    %get3A_17 = vector.load %arg1[%get3A_14, %get3A_15, %get3A_16] : memref<2x1000x144xf32, #tpu.memory_space<vmem>>, vector<1x1000x1xf32>
    %get3A_18 = vector.shape_cast %get3A_17 : vector<1x1000x1xf32> to vector<1000x1xf32>
    %add3A_19 = arith.addf %get3A_13, %get3A_18 : vector<1000x1xf32>
    %add3A_20 = arith.constant 1.000000e-16 : f32
    %add3A_21 = vector.broadcast %add3A_20 : f32 to vector<1000x1xf32>
    %add3A_22 = arith.addf %add3A_19, %add3A_21 : vector<1000x1xf32>
    %div3A = vector.broadcast %add3A_22 : vector<1000x1xf32> to vector<1000x128xf32>
    %div3A_23 = arith.divf %add3A, %div3A : vector<1000x128xf32>
    %get3A_24 = arith.constant 0 : index
    %get3A_25 = arith.constant 0 : index
    %get3A_26 = vector.load %arg2[%get3A_24, %get3A_25] : memref<1x128xf32, #tpu.memory_space<vmem>>, vector<1x128xf32>
    %add3A_27 = vector.broadcast %get3A_26 : vector<1x128xf32> to vector<1000x128xf32>
    %add3A_28 = arith.addf %div3A_23, %add3A_27 : vector<1000x128xf32>
    %max3A = arith.constant 0.000000e+00 : f32
    %max3A_29 = vector.broadcast %max3A : f32 to vector<1000x128xf32>
    %max3A_30 = arith.maximumf %add3A_28, %max3A_29 : vector<1000x128xf32>
    %get3A_31 = arith.constant 0 : index
    %get3A_32 = arith.constant 0 : index
    %get3A_33 = vector.load %arg3[%get3A_31, %get3A_32] : memref<128x128xf32, #tpu.memory_space<vmem>>, vector<128x128xf32>
    %dot_general3A = arith.constant dense<0.000000e+00> : vector<1000x128xf32>
    %dot_general3A_34 = tpu.matmul %max3A_30, %get3A_33, %dot_general3A {dimension_numbers = #tpu.dot_dimension_numbers<[1], [0], [0], [1], [0, 0, 1, 1], [], []>, transpose_lhs_hint = false} : vector<1000x128xf32>, vector<128x128xf32>, vector<1000x128xf32> -> vector<1000x128xf32>
    %get3A_35 = arith.constant 0 : index
    %get3A_36 = arith.constant 0 : index
    %get3A_37 = vector.load %arg4[%get3A_35, %get3A_36] : memref<1x128xf32, #tpu.memory_space<vmem>>, vector<1x128xf32>
    %add3A_38 = vector.broadcast %get3A_37 : vector<1x128xf32> to vector<1000x128xf32>
    %add3A_39 = arith.addf %dot_general3A_34, %add3A_38 : vector<1000x128xf32>
    %swap3A = arith.constant 0 : index
    %swap3A_40 = arith.constant 0 : index
    %swap3A_41 = arith.constant 0 : index
    %swap3A_42 = vector.load %arg7[%swap3A, %swap3A_40, %swap3A_41] : memref<2x1000x128xf32, #tpu.memory_space<vmem>>, vector<1x1000x128xf32>
    %swap3A_43 = vector.shape_cast %swap3A_42 : vector<1x1000x128xf32> to vector<1000x128xf32>
    %swap3A_44 = vector.shape_cast %add3A_39 : vector<1000x128xf32> to vector<1x1000x128xf32>
    tpu.vector_store %arg7[%swap3A, %swap3A_40, %swap3A_41], %swap3A_44 {strides = array<i32>} : memref<2x1000x128xf32, #tpu.memory_space<vmem>>, vector<1x1000x128xf32>,
    %get3A_45 = arith.constant 0 : index
    %get3A_46 = arith.constant 0 : index
    %get3A_47 = vector.load %arg5[%get3A_45, %get3A_46] : memref<128x128xf32, #tpu.memory_space<vmem>>, vector<128x128xf32>
    %dot_general3A_48 = arith.constant dense<0.000000e+00> : vector<1000x128xf32>
    %dot_general3A_49 = tpu.matmul %max3A_30, %get3A_47, %dot_general3A_48 {dimension_numbers = #tpu.dot_dimension_numbers<[1], [0], [0], [1], [0, 0, 1, 1], [], []>, transpose_lhs_hint = false} : vector<1000x128xf32>, vector<128x128xf32>, vector<1000x128xf32> -> vector<1000x128xf32>
    %get3A_50 = arith.constant 0 : index
    %get3A_51 = arith.constant 0 : index
    %get3A_52 = vector.load %arg6[%get3A_50, %get3A_51] : memref<1x128xf32, #tpu.memory_space<vmem>>, vector<1x128xf32>
    %add3A_53 = vector.broadcast %get3A_52 : vector<1x128xf32> to vector<1000x128xf32>
    %add3A_54 = arith.addf %dot_general3A_49, %add3A_53 : vector<1000x128xf32>
    %swap3A_55 = arith.constant 1 : index
    %swap3A_56 = arith.constant 0 : index
    %swap3A_57 = arith.constant 0 : index
    %swap3A_58 = vector.load %arg7[%swap3A_55, %swap3A_56, %swap3A_57] : memref<2x1000x128xf32, #tpu.memory_space<vmem>>, vector<1x1000x128xf32>
    %swap3A_59 = vector.shape_cast %swap3A_58 : vector<1x1000x128xf32> to vector<1000x128xf32>
    %swap3A_60 = vector.shape_cast %add3A_54 : vector<1000x128xf32> to vector<1x1000x128xf32>
    tpu.vector_store %arg7[%swap3A_55, %swap3A_56, %swap3A_57], %swap3A_60 {strides = array<i32>} : memref<2x1000x128xf32, #tpu.memory_space<vmem>>, vector<1x1000x128xf32>,
    return
  }
  func.func @transform_0(%arg0: i32) -> (i32, i32, i32) {
    %c0_i32 = arith.constant 0 : i32
    %c0_i32_0 = arith.constant 0 : i32
    %c0_i32_1 = arith.constant 0 : i32
    return %c0_i32, %arg0, %c0_i32_0 : i32, i32, i32
  }
  func.func @transform_1(%arg0: i32) -> (i32, i32) {
    %c0_i32 = arith.constant 0 : i32
    %c0_i32_0 = arith.constant 0 : i32
    %c0_i32_1 = arith.constant 0 : i32
    return %c0_i32, %c0_i32_0 : i32, i32
  }
  func.func @transform_2(%arg0: i32) -> (i32, i32) {
    %c0_i32 = arith.constant 0 : i32
    %c0_i32_0 = arith.constant 0 : i32
    %c0_i32_1 = arith.constant 0 : i32
    return %c0_i32, %c0_i32_0 : i32, i32
  }
  func.func @transform_3(%arg0: i32) -> (i32, i32) {
    %c0_i32 = arith.constant 0 : i32
    %c0_i32_0 = arith.constant 0 : i32
    %c0_i32_1 = arith.constant 0 : i32
    return %c0_i32, %c0_i32_0 : i32, i32
  }
  func.func @transform_4(%arg0: i32) -> (i32, i32) {
    %c0_i32 = arith.constant 0 : i32
    %c0_i32_0 = arith.constant 0 : i32
    %c0_i32_1 = arith.constant 0 : i32
    return %c0_i32, %c0_i32_0 : i32, i32
  }
  func.func @transform_5(%arg0: i32) -> (i32, i32) {
    %c0_i32 = arith.constant 0 : i32
    %c0_i32_0 = arith.constant 0 : i32
    %c0_i32_1 = arith.constant 0 : i32
    return %c0_i32, %c0_i32_0 : i32, i32
  }
  func.func @transform_6(%arg0: i32) -> (i32, i32, i32) {
    %c0_i32 = arith.constant 0 : i32
    %c0_i32_0 = arith.constant 0 : i32
    %c0_i32_1 = arith.constant 0 : i32
    return %c0_i32, %arg0, %c0_i32_0 : i32, i32, i32
  }
}

module attributes {stable_mosaic.version = 14 : i64} {
  func.func @body(%arg0: i32, %arg1: memref<2x1000x144xf32, #tpu.memory_space<vmem>>, %arg2: memref<1x128xf32, #tpu.memory_space<vmem>>, %arg3: memref<1000x128xf32, #tpu.memory_space<vmem>>) attributes {dimension_semantics = [#tpu.dimension_semantics<arbitrary>], iteration_bounds = array<i64: 10>, scalar_prefetch = 0 : i64, scratch_operands = 0 : i64, tpu.core_type = #tpu.core_type<tc>, window_params = [{transform_indices = @transform_0, window_bounds = array<i64: 2, 1000, 144>}, {pipeline_mode = #tpu.pipeline_mode<synchronous>, transform_indices = @transform_1, window_bounds = array<i64: 1, 128>}, {transform_indices = @transform_2, window_bounds = array<i64: 1000, 128>}]} {
    %get3A = arith.constant 0 : index
    %get3A_0 = arith.constant 0 : index
    %get3A_1 = arith.constant 0 : index
    %get3A_2 = vector.load %arg1[%get3A, %get3A_0, %get3A_1] : memref<2x1000x144xf32, #tpu.memory_space<vmem>>, vector<1x1000x128xf32>
    %get3A_3 = vector.shape_cast %get3A_2 : vector<1x1000x128xf32> to vector<1000x128xf32>
    %get3A_4 = arith.constant 1 : index
    %get3A_5 = arith.constant 0 : index
    %get3A_6 = arith.constant 0 : index
    %get3A_7 = vector.load %arg1[%get3A_4, %get3A_5, %get3A_6] : memref<2x1000x144xf32, #tpu.memory_space<vmem>>, vector<1x1000x128xf32>
    %get3A_8 = vector.shape_cast %get3A_7 : vector<1x1000x128xf32> to vector<1000x128xf32>
    %add3A = arith.addf %get3A_3, %get3A_8 : vector<1000x128xf32>
    %get3A_9 = arith.constant 0 : index
    %get3A_10 = arith.constant 0 : index
    %get3A_11 = arith.constant 128 : index
    %get3A_12 = vector.load %arg1[%get3A_9, %get3A_10, %get3A_11] : memref<2x1000x144xf32, #tpu.memory_space<vmem>>, vector<1x1000x1xf32>
    %get3A_13 = vector.shape_cast %get3A_12 : vector<1x1000x1xf32> to vector<1000x1xf32>
    %get3A_14 = arith.constant 1 : index
    %get3A_15 = arith.constant 0 : index
    %get3A_16 = arith.constant 128 : index
    %get3A_17 = vector.load %arg1[%get3A_14, %get3A_15, %get3A_16] : memref<2x1000x144xf32, #tpu.memory_space<vmem>>, vector<1x1000x1xf32>
    %get3A_18 = vector.shape_cast %get3A_17 : vector<1x1000x1xf32> to vector<1000x1xf32>
    %add3A_19 = arith.addf %get3A_13, %get3A_18 : vector<1000x1xf32>
    %add3A_20 = arith.constant 1.000000e-16 : f32
    %add3A_21 = vector.broadcast %add3A_20 : f32 to vector<1000x1xf32>
    %add3A_22 = arith.addf %add3A_19, %add3A_21 : vector<1000x1xf32>
    %div3A = vector.broadcast %add3A_22 : vector<1000x1xf32> to vector<1000x128xf32>
    %div3A_23 = arith.divf %add3A, %div3A : vector<1000x128xf32>
    %get3A_24 = arith.constant 0 : index
    %get3A_25 = arith.constant 0 : index
    %get3A_26 = vector.load %arg2[%get3A_24, %get3A_25] : memref<1x128xf32, #tpu.memory_space<vmem>>, vector<1x128xf32>
    %add3A_27 = vector.broadcast %get3A_26 : vector<1x128xf32> to vector<1000x128xf32>
    %add3A_28 = arith.addf %div3A_23, %add3A_27 : vector<1000x128xf32>
    %gt3A = arith.constant 0.000000e+00 : f32
    %gt3A_29 = vector.broadcast %gt3A : f32 to vector<1000x128xf32>
    %gt3A_30 = arith.cmpf ogt, %add3A_28, %gt3A_29 : vector<1000x128xf32>
    %mul3A = arith.constant 0.00999999977 : f32
    %mul3A_31 = vector.broadcast %mul3A : f32 to vector<1000x128xf32>
    %mul3A_32 = arith.mulf %mul3A_31, %add3A_28 : vector<1000x128xf32>
    %select_n3A = arith.select %gt3A_30, %add3A_28, %mul3A_32 : vector<1000x128xi1>, vector<1000x128xf32>
    %swap3A = arith.constant 0 : index
    %swap3A_33 = arith.constant 0 : index
    %swap3A_34 = vector.load %arg3[%swap3A, %swap3A_33] : memref<1000x128xf32, #tpu.memory_space<vmem>>, vector<1000x128xf32>
    tpu.vector_store %arg3[%swap3A, %swap3A_33], %select_n3A {strides = array<i32>} : memref<1000x128xf32, #tpu.memory_space<vmem>>, vector<1000x128xf32>,
    return
  }
  func.func @transform_0(%arg0: i32) -> (i32, i32, i32) {
    %c0_i32 = arith.constant 0 : i32
    %c0_i32_0 = arith.constant 0 : i32
    %c0_i32_1 = arith.constant 0 : i32
    return %c0_i32, %arg0, %c0_i32_0 : i32, i32, i32
  }
  func.func @transform_1(%arg0: i32) -> (i32, i32) {
    %c0_i32 = arith.constant 0 : i32
    %c0_i32_0 = arith.constant 0 : i32
    %c0_i32_1 = arith.constant 0 : i32
    return %c0_i32, %c0_i32_0 : i32, i32
  }
  func.func @transform_2(%arg0: i32) -> (i32, i32) {
    %c0_i32 = arith.constant 0 : i32
    %c0_i32_0 = arith.constant 0 : i32
    return %arg0, %c0_i32 : i32, i32
  }
}

</mosaic_0001>

<sc_bundles>
// kernel: kernel.12.cloned.1.call-start
scs
__scs_entry_jumppad:
0x0: {  	(pc) =	sbr.rel $0x88, $3  }
0x1: {  	(tag) =	ssettag $0x0;
	lr =	simm.s32 $0x1  }
0x2: {  	[smem:$0x3F89] =	sst lr;
	_ =	strace $0xD0000000  }
0x3: {  	_ = 	snop  }
0x4: {  	_ = 	snop  }
0x5: {  	_ = 	snop  }
0x6: {  	_ = 	snop  }
0x7: {  	_ = 	snop  }
__scs_overlays_trampoline_lowered:
0x8: {  	[smem:$0x3F98] =	sst s0  }
0x9: {  	[smem:$0x3F99] =	sst s1  }
0xa: {  	[smem:$0x3F9A] =	sst s2  }
0xb: {  	[smem:$0x3F9B] =	sst s3  }
0xc: {  	[smem:$0x3F9C] =	sst s4  }
0xd: {  	[smem:$0x3F9D] =	sst s5  }
0xe: {  	[smem:$0x3F9E] =	sst s6  }
0xf: {  	[smem:$0x3F9F] =	sst s7  }
0x10: {  	[smem:$0x3FA0] =	sst s8  }
0x11: {  	[smem:$0x3FA1] =	sst s9;
	s0 =	simm.s32 @!p0 $0x0  }
0x12: {  	s1 =	sld [smem:$0x3F87];
	s0 =	simm.s32 @p0 $0x1  }
0x13: {  	[smem:$0x3FA2] =	sst s0;
	s0 =	simm.s32 @!p1 $0x0  }
0x14: {  	s2 =	sld [smem:$0x3F86];
	s0 =	simm.s32 @p1 $0x1  }
0x15: {  	[smem:$0x3FA3] =	sst s0;
	s0 =	simm.s32 @!p2 $0x0  }
0x16: {  	s3 =	sld [smem:$0x3FDB];
	s0 =	simm.s32 @p2 $0x1  }
0x17: {  	s4 =	simm.s32 $0x1BF5;
	[smem:$0x3FA5] =	sst s0  }
0x18: {  	s0 =	sld [smem:$0x3F88];
	_ =	swait.ge [sflag:s4], $0x0  }
0x19: {  	s7 =	sld [smem:$0x3F89]  }
0x1a: {  	s8 =	sadd.s32 $0xFFFFE003, lr  }
0x1b: {  	s9 =	sadd.s32 $0xFFFFFEF7, lr;
	s5 =	simm.s32 $0xFFFFFFFF;
	p2 =	slt.u32 s8, $0xFFFFF086  }
0x1c: {  	p1 =	slt.u32 s9, $0xF7A;
	s5 =	simm.s32 @!p2 $0x0  }
0x1d: {  	s5 =	simm.s32 @p1 $0x1;
	p0 =	seq.s32 s7, s2  }
0x1e: {  	s7 =	smul.u32 @!p0 $0xF7A, s2;
	p2 =	seq.s32 @!p0 s5, $0x0  }
0x1f: {  	s9 =	smul.u32 $0xF7A, s1;
	s8 =	simm.s32 @!p0 $0x1BF5;
	p2 =	por !p2, p0  }
0x20: {  	[sflag:s8] =	ssyncset.s32 @!p0 $0xFFFFF086;
	s6 =	sadd.s32 @!p0 s3, s7;
	s7 =	simm.s32 @!p0 $0x108  }
0x21: {  	s3 =	sadd.s32 s3, s9;
	s6 =	sadd.s32 @!p0 $0x88, s6;
	s7 =	simm.s32 @p2 $0x1082  }
0x22: {  	[simem:s7], [sflag:s8] =	dma.local @!p0 [hbm:s6], $0xF7A  }
0x23: {  	s9 =	sor.u32 $0xD0000000, s2;
	s6 =	simm.s32 $0x108;
	_ =	swait.ge @!p0 [sflag:s8], $0x0  }
0x24: {  	s3 =	sadd.s32 $0x88, s3;
	s6 =	simm.s32 @!p1 $0x1082;
	[sflag:s4] =	ssyncset.s32 $0xFFFFF086  }
0x25: {  	[simem:s6], [sflag:s4] =	dma.local [hbm:s3], $0xF7A  }
0x26: {  	[smem:$0x3F89] =	sst s1;
	(tag) =	ssettag s2;
	_ =	strace s9  }
0x27: {  	s1 =	sld [smem:$0x3F99]  }
0x28: {  	s2 =	sld [smem:$0x3F9A]  }
0x29: {  	s4 =	sld [smem:$0x3F9C]  }
0x2a: {  	p0 =	seq.s32 s5, $0x0;
	s5 =	sld [smem:$0x3F9D]  }
0x2b: {  	s6 =	sld [smem:$0x3F9E]  }
0x2c: {  	s7 =	sld [smem:$0x3F9F]  }
0x2d: {  	s3 =	simm.s32 $0x108;
	s8 =	sld [smem:$0x3FA0]  }
0x2e: {  	s3 =	simm.s32 @!p0 $0x1082;
	s9 =	sld [smem:$0x3FA1]  }
0x2f: {  	lr =	sadd.s32 s0, s3;
	s0 =	sld [smem:$0x3F98]  }
0x30: {  	s3 =	sld [smem:$0x3F9B]  }
0x31: {  	[smem:$0x3FA4] =	sst s10  }
0x32: {  	s10 =	sld [smem:$0x3FA2];
	_ =	sdelay $0x3  }
0x33: {  	p0 =	seq.s32 s10, $0x1;
	s10 =	sld [smem:$0x3FA4];
	_ =	sdelay $0x3  }
0x34: {  	[smem:$0x3FA4] =	sst s10  }
0x35: {  	s10 =	sld [smem:$0x3FA3];
	_ =	sdelay $0x3  }
0x36: {  	p1 =	seq.s32 s10, $0x1;
	s10 =	sld [smem:$0x3FA4];
	_ =	sdelay $0x3  }
0x37: {  	[smem:$0x3FA4] =	sst s10  }
0x38: {  	s10 =	sld [smem:$0x3FA5]  }
0x39: {  	_ = 	snop;
	(pc) =	sbr.ind lr, $3  }
0x3a: {  	_ = 	snop  }
0x3b: {  	_ = 	snop  }
0x3c: {  	p2 =	seq.s32 s10, $0x1;
	s10 =	sld [smem:$0x3FA4]  }
0x3d: {  	_ =	shalt  }
0x3e: {  	_ =	shalt  }
0x3f: {  	_ =	shalt  }
0x40: {  	_ =	shalt  }
0x41: {  	_ =	shalt  }
0x42: {  	_ =	shalt  }
0x43: {  	_ =	shalt  }
0x44: {  	_ =	shalt  }
0x45: {  	_ =	shalt  }
0x46: {  	_ =	shalt  }
0x47: {  	_ =	shalt  }
0x48: {  	_ =	shalt  }
0x49: {  	_ =	shalt  }
0x4a: {  	_ =	shalt  }
0x4b: {  	_ =	shalt  }
0x4c: {  	_ =	shalt  }
0x4d: {  	_ =	shalt  }
0x4e: {  	_ =	shalt  }
0x4f: {  	_ =	shalt  }
0x50: {  	_ =	shalt  }
0x51: {  	_ =	shalt  }
0x52: {  	_ =	shalt  }
0x53: {  	_ =	shalt  }
0x54: {  	_ =	shalt  }
0x55: {  	_ =	shalt  }
0x56: {  	_ =	shalt  }
0x57: {  	_ =	shalt  }
0x58: {  	_ =	shalt  }
0x59: {  	_ =	shalt  }
0x5a: {  	_ =	shalt  }
0x5b: {  	_ =	shalt  }
0x5c: {  	_ =	shalt  }
0x5d: {  	_ =	shalt  }
0x5e: {  	_ =	shalt  }
0x5f: {  	_ =	shalt  }
0x60: {  	_ =	shalt  }
0x61: {  	_ =	shalt  }
0x62: {  	_ =	shalt  }
0x63: {  	_ =	shalt  }
0x64: {  	_ =	shalt  }
0x65: {  	_ =	shalt  }
0x66: {  	_ =	shalt  }
0x67: {  	_ =	shalt  }
0x68: {  	_ =	shalt  }
0x69: {  	_ =	shalt  }
0x6a: {  	_ =	shalt  }
0x6b: {  	_ =	shalt  }
0x6c: {  	_ =	shalt  }
0x6d: {  	_ =	shalt  }
0x6e: {  	_ =	shalt  }
0x6f: {  	_ =	shalt  }
0x70: {  	_ =	shalt  }
0x71: {  	_ =	shalt  }
0x72: {  	_ =	shalt  }
0x73: {  	_ =	shalt  }
0x74: {  	_ =	shalt  }
0x75: {  	_ =	shalt  }
0x76: {  	_ =	shalt  }
0x77: {  	_ =	shalt  }
0x78: {  	_ =	shalt  }
0x79: {  	_ =	shalt  }
0x7a: {  	_ =	shalt  }
0x7b: {  	_ =	shalt  }
0x7c: {  	_ =	shalt  }
0x7d: {  	_ =	shalt  }
0x7e: {  	_ =	shalt  }
0x7f: {  	_ =	shalt  }
0x80: {  	_ =	shalt  }
0x81: {  	_ =	shalt  }
0x82: {  	_ =	shalt  }
0x83: {  	_ =	shalt  }
0x84: {  	_ =	shalt  }
0x85: {  	_ =	shalt  }
0x86: {  	_ =	shalt  }
0x87: {  	_ =	shalt  }
.Lfunc_end0:
.L_simem_size_0:
called_computation.1_lowered:
.L_overlay_start_0:
0x88: {  	s2 =	sld [smem:$0x3FD9]  }
0x89: {  	s3 =	sld [smem:$0x3FFE];
	_ =	sdelay $0x1  }
0x8a: {  	s1 =	srdreg.scid  }
0x8b: {  	s0 =	sand.u32 $0x1, s1  }
0x8c: {  	s17 =	sshll.u32 s0, $0xA;
	s2 =	sadd.s32 s3, s2  }
0x8d: {  	s2 =	sadd.s32 s2, s17  }
0x8e: {  	[smem:$0x3FB0] =	sst s2  }
0x8f: {  	_ = 	snop  }
0x90: {  	s2 =	sld [smem:$0x3FBB]  }
0x91: {  	s18 =	sld [smem:$0x3FBA]  }
0x92: {  	s4 =	sld [smem:$0x3FD0];
	(tm) =	ssettm $0x1  }
0x93: {  	s5 =	sld [smem:$0x3FFB];
	_ =	sdelay $0x3  }
0x94: {  	_ =	strace s5  }
0x95: {  	s5 =	sld [smem:$0x3FFC];
	_ =	sdelay $0x3  }
0x96: {  	_ =	strace s5  }
0x97: {  	s5 =	sld [smem:$0x3FFD];
	_ =	sdelay $0x3  }
0x98: {  	_ =	strace s5  }
0x99: {  	_ =	strace $0x8FFFFFFF  }
0x9a: {  	s19 =	sld [smem:$0x3FDB];
	_ =	sdelay $0x1  }
0x9b: {  	s6 =	simm.s32 $_scs_section_size  }
0x9c: {  	s7 =	simm.s32 $_size__tile_overlayer_lowered;
	s8 =	simm.s32 $_tile_overlayer_lowered  }
0x9d: {  	s22 =	simm.s32 $0x1BFF;
	s21 =	sshll.u32 s8, $0x1;
	s5 =	sadd.s32 s6, s19  }
0x9e: {  	s9 =	simm.s32 $0x0;
	s20 =	sshll.u32 s7, $0x1;
	s7 =	sadd.s32 s21, s5  }
0x9f: {  	[timem:s9], [sflag:s22] =	dma.local [hbm:s7], s20  }
0xa0: {  	_ =	swait.ge [sflag:s22], s20  }
0xa1: {  	s6 =	ssub.s32 $0x0, s20;
	[sflag:s22] =	ssyncset.done $0x0  }
0xa2: {  	[sflag:s22] =	ssyncadd.s32 s6;
	_ =	sdelay $0x1  }
0xa3: {  	s23 =	simm.s32 $0x1B8B  }
0xa4: {  	_ =	swait.ge [sflag:s23], $0x1  }
0xa5: {  	[sflag:s23] =	ssyncset.done $0x0  }
0xa6: {  	s25 =	simm.s32 $0x1B8E;
	s24 =	sld [smem:$0x3FFE];
	[sflag:s23] =	ssyncadd.s32 $0xFFFFFFFF  }
0xa7: {  	s26 =	simm.s32 $execute0_lowered;
	[smem:$0x3FD2] =	sst s25  }
0xa8: {  	s7 =	sshll.u32 s26, $0x1;
	_ =	strace $0x80000049;
	[dreg:$0x1] =	wrdreg $0xFFFFFFFF  }
0xa9: {  	s28 =	simm.s32 $_size_execute0_lowered;
	s5 =	sadd.s32 s5, s7;
	[dreg:$0x0] =	wrdreg $0x0  }
0xaa: {  	s7 =	sshll.u32 s28, $0x1;
	[dreg:$0x2] =	wrdreg s5  }
0xab: {  	[dreg:$0x3] =	wrdreg s7  }
0xac: {  	[dreg:$0x4] =	wrdreg $0xC0  }
0xad: {  	_ =	task [dreg:s9], $0x5FFFF  }
0xae: {  	[dreg:$0x1] =	wrdreg $0xFFFFFFFF  }
0xaf: {  	[dreg:$0x0] =	wrdreg $0x60  }
0xb0: {  	[dreg:$0x2] =	wrdreg s24  }
0xb1: {  	[dreg:$0x3] =	wrdreg s4  }
0xb2: {  	[dreg:$0x4] =	wrdreg s2  }
0xb3: {  	[dreg:$0x5] =	wrdreg s18  }
0xb4: {  	[dreg:$0x6] =	wrdreg $0x9FC00  }
0xb5: {  	[dreg:$0x7] =	wrdreg $0x9  }
0xb6: {  	_ =	task.clear_ibuf [dreg:s9], $0x8FFFF;
	_ =	strace $0x90000049  }
0xb7: {  	s29 =	simm.s32 $0x9;
	_ =	strace $0x8000004B  }
0xb8: {  	_ =	swait.ge [sflag:s29], $0x1  }
0xb9: {  	[sflag:s29] =	ssyncadd.s32 $0xFFFFFFFF  }
0xba: {  	_ =	strace $0x9000004B  }
0xbb: {  	_ =	sfence  }
0xbc: {  	s30 =	sld [smem:$0x0];
	_ =	sdelay $0x2  }
0xbd: {  	s31 =	sshll.u32 s1, $0xD;
	s1 =	sshrl.u32 s1, $0x2  }
0xbe: {  	s3 =	sand.u32 $0x4000, s31;
	s1 =	sadd.s32 s1, s30  }
0xbf: {  	s0 =	sor.u32 s3, s0;
	s1 =	sshll.u32 s1, $0x11  }
0xc0: {  	s0 =	sor.u32 s1, s0  }
0xc1: {  	s0 =	sadd.s32 $0x8F2B, s0  }
0xc2: {  	[sflag:s0] =	ssyncadd.remote.s32 $0x1  }
0xc3: {  	_ =	sfence.sel $0xFFFF  }
0xc4: {  	[dreg:$0x0] =	wrdreg $0xFFFFFFFF;
	(pc) =	sbr.abs _section_cstart, $3  }
0xc5: {  	[dreg:$0x1] =	wrdreg $0xFFFFFFFF  }
0xc6: {  	_ =	task.clear_ibuf [dreg:s9], $0x2FFFF;
	_ =	strace $0x9FFFFFFF  }
0xc7: {  	(tm) =	ssettm $0x7FFFFFFF  }
tec
execute0_lowered:
.L_overlay_start_1:
0x0: {  	(tag) =	ssettag $0x1  }
0x1: {  	s0 =	rddreg [dreg:$0x0]  }
0x2: {  	s1 =	rddreg [dreg:$0x1]  }
0x3: {  	s5 =	rddreg [dreg:$0x4]  }
0x4: {  	s2 =	srdreg.scid;
	s11 =	stileid.u32  }
0x5: {  	s6 =	simm.s32 $0x0;
	s31 =	simm.s32 $0x6870;
	s28 =	simm.s32 $0x4  }
0x6: {  	s29 =	simm.s32 $0x0;
	s2 =	sand.u32 $0x1, s2;
	s3 =	smul.u32 $0x16020, s11  }
0x7: {  	[smem:$0x7FF] =	sst s6;
	s7 =	sadd.s32 $0xD400, s0;
	s8 =	sadd.s32 $0x3400, s0  }
0x8: {  	s9 =	sadd.s32 $0xD200, s0;
	s18 =	sadd.s32 $0x3200, s0;
	s19 =	smul.u32 $0x58080, s11  }
0x9: {  	s4 =	smul.u32 $0x160200, s2;
	_ =	strace $0x8000004A;
	[dreg:$0x6] =	wrdreg s9  }
0xa: {  	[dreg:$0x7] =	wrdreg s18;
	s20 =	ssub.s32 $0x2, s2;
	s2 =	sshll.u32 s2, $0x4  }
0xb: {  	s10 =	sshrl.u32 s20, $0x1;
	s2 =	sor.u32 s11, s2;
	s9 =	sshrl.u32 s19, $0x2  }
0xc: {  	s12 =	sadd.s32 s3, s5;
	s11 =	smul.u32 $0xD2, s2;
	s9 =	sadd.s32 s9, s5  }
0xd: {  	s4 =	sadd.s32 s3, s4;
	s22 =	smul.u32 $0xEC4, s2;
	s21 =	sadd.s32 $0x3600, s9  }
0xe: {  	s2 =	smul.u32 $0x4EC, s2;
	s23 =	sadd.s32 $0x6C00, s9;
	[dreg:$0x8] =	wrdreg s21  }
0xf: {  	s4 =	sshrl.u32 s4, $0x3;
	s13 =	sadd.s32 $0xA200, s9;
	[dreg:$0x9] =	wrdreg s23  }
0x10: {  	s25 =	sadd.s32 $0xD800, s9;
	s14 =	sadd.s32 $0x10E00, s9;
	[dreg:$0xa] =	wrdreg s13  }
0x11: {  	s9 =	sadd.s32 $0x14400, s9;
	s0 =	sadd.s32 s4, s0;
	[dreg:$0xb] =	wrdreg s25  }
0x12: {  	s4 =	ssub.s32 s20, s10;
	s24 =	sor.u32 $0x1, s11;
	[dreg:$0xc] =	wrdreg s14  }
0x13: {  	[dreg:$0xd] =	wrdreg s9;
	s3 =	sadd.s32 s1, s22;
	s20 =	sadd.s32 s8, s2  }
0x14: {  	s2 =	simm.s32 $0x1;
	s25 =	simm.s32 $0x30;
	s26 =	smul.u32 $0x12, s24  }
0x15: {  	s30 =	smul.u32 $0x6, s24;
	[dreg:$0xe] =	wrdreg s3;
	s23 =	sadd.s32 $0x5B600, s0  }
0x16: {  	s24 =	smax.u32 s4, $0x1;
	s0 =	simm.s32 $0x3;
	s4 =	simm.s32 $0x2  }
0x17: {  	v0 =	vimm.f32 $0.0e+00;
	s21 =	sadd.s32 s1, s26;
	s22 =	sadd.s32 s8, s30;
	s26 =	simm.s32 $0x5  }
.LBB2_1:
0x18: {  	s3 =	rddreg [dreg:$0x2];
	s9 =	simm.s32 $0x9EC0  }
0x19: {  	[tilespmem:s9], [sflag:$0x5] =	stream.linear.gather [hbm4b:s3+s6], $0x80, $0x38;
	v63 =	vld [tilespmem:$0x0]  }
0x1a: {  	_ =	swait.ge [sflag:s26], $0x80  }
0x1b: {  	[sflag:s26] =	ssyncset.done $0x0  }
0x1c: {  	[sflag:s26] =	ssyncadd.s32 $0xFFFFFF80  }
0x1d: {  	s16 =	simm.s32 $0x9F40;
	s15 =	rddreg [dreg:$0x3]  }
0x1e: {  	[tilespmem:s16], [sflag:$0x5] =	stream.linear.gather [hbm4b:s15+s6], $0x80, $0x38;
	v63 =	vld [tilespmem:$0x0]  }
0x1f: {  	_ =	swait.ge [sflag:s26], $0x80  }
0x20: {  	[sflag:s26] =	ssyncset.done $0x0  }
0x21: {  	s18 =	simm.s32 $0x9E70;
	s17 =	rddreg [dreg:$0x6];
	[sflag:s26] =	ssyncadd.s32 $0xFFFFFF80  }
0x22: {  	[tilespmem:s18], [sflag:$0x5] =	stream.linear.gather [hbm4b:s17+s6], $0x40, $0x38;
	v63 =	vld [tilespmem:$0x0]  }
0x23: {  	_ =	swait.ge [sflag:s26], $0x40  }
0x24: {  	[sflag:s26] =	ssyncset.done $0x0  }
0x25: {  	s30 =	simm.s32 $0x9EB0;
	s19 =	rddreg [dreg:$0x7];
	[sflag:s26] =	ssyncadd.s32 $0xFFFFFFC0  }
0x26: {  	[tilespmem:s30], [sflag:$0x5] =	stream.linear.gather [hbm4b:s19+s6], $0x10, $0x38;
	v63 =	vld [tilespmem:$0x0]  }
0x27: {  	_ =	swait.ge [sflag:s26], $0x10  }
0x28: {  	[sflag:s26] =	ssyncset.done $0x0  }
0x29: {  	s3 =	simm.s32 $0x0;
	s9 =	simm.s32 $0x240;
	[sflag:s26] =	ssyncadd.s32 $0xFFFFFFF0  }
.LBB2_2:
0x2a: {  	p0 =	sne.s32 s9, $0xD5C0;
	[tilespmem:s3+$0x68F0] =	vst v0  }
0x2b: {  	[tilespmem:s3+$0x6870] =	vst v0  }
0x2c: {  	[tilespmem:s3+$0x6880] =	vst v0  }
0x2d: {  	[tilespmem:s3+$0x6890] =	vst v0  }
.Ltmp0:
0x2e: {  	[tilespmem:s3+$0x68A0] =	vst v0;
	(pc) =	sbr.rel @p0 .LBB2_2-.Ltmp0, $4  }
0x2f: {  	[tilespmem:s3+$0x68B0] =	vst v0  }
0x30: {  	[tilespmem:s3+$0x68C0] =	vst v0  }
0x31: {  	[tilespmem:s3+$0x68D0] =	vst v0  }
0x32: {  	[tilespmem:s3+$0x68E0] =	vst v0;
	s3 =	sshra.s32 s9, $0x2;
	s9 =	sadd.s32 $0x240, s9  }
0x33: {  	[tilespmem:s3+$0x68F0] =	vst v0  }
0x34: {  	[tilespmem:s3+$0x6870] =	vst v0  }
0x35: {  	[tilespmem:s3+$0x6880] =	vst v0  }
0x36: {  	[tilespmem:s3+$0x6890] =	vst v0  }
0x37: {  	[tilespmem:s3+$0x68A0] =	vst v0  }
0x38: {  	[tilespmem:s3+$0x68B0] =	vst v0  }
0x39: {  	[tilespmem:s3+$0x68C0] =	vst v0  }
0x3a: {  	[tilespmem:s3+$0x68D0] =	vst v0  }
0x3b: {  	[tilespmem:s3+$0x68E0] =	vst v0  }
0x3c: {  	[spmem:s12] =	stream.linear.scatter [tilespmem:s31], [sflag:$0x5], $0x3600, $0x38;
	v63 =	vld [tilespmem:$0x0]  }
0x3d: {  	_ =	swait.ge [sflag:s26], $0x3600  }
0x3e: {  	[sflag:s26] =	ssyncset.done $0x0  }
0x3f: {  	s18 =	rddreg [dreg:$0x8];
	[sflag:s26] =	ssyncadd.s32 $0xFFFFCA00  }
0x40: {  	[spmem:s18] =	stream.linear.scatter [tilespmem:s31], [sflag:$0x5], $0x3600, $0x38;
	v63 =	vld [tilespmem:$0x0]  }
0x41: {  	_ =	swait.ge [sflag:s26], $0x3600  }
0x42: {  	[sflag:s26] =	ssyncset.done $0x0  }
0x43: {  	s19 =	rddreg [dreg:$0x9];
	[sflag:s26] =	ssyncadd.s32 $0xFFFFCA00  }
0x44: {  	[spmem:s19] =	stream.linear.scatter [tilespmem:s31], [sflag:$0x5], $0x3600, $0x38;
	v63 =	vld [tilespmem:$0x0]  }
0x45: {  	_ =	swait.ge [sflag:s26], $0x3600  }
0x46: {  	[sflag:s26] =	ssyncset.done $0x0  }
0x47: {  	s9 =	rddreg [dreg:$0xa];
	[sflag:s26] =	ssyncadd.s32 $0xFFFFCA00  }
0x48: {  	[spmem:s9] =	stream.linear.scatter [tilespmem:s31], [sflag:$0x5], $0x3600, $0x38;
	v63 =	vld [tilespmem:$0x0]  }
0x49: {  	_ =	swait.ge [sflag:s26], $0x3600  }
0x4a: {  	[sflag:s26] =	ssyncset.done $0x0  }
0x4b: {  	s10 =	rddreg [dreg:$0xb];
	[sflag:s26] =	ssyncadd.s32 $0xFFFFCA00  }
0x4c: {  	[spmem:s10] =	stream.linear.scatter [tilespmem:s31], [sflag:$0x5], $0x3600, $0x38;
	v63 =	vld [tilespmem:$0x0]  }
0x4d: {  	_ =	swait.ge [sflag:s26], $0x3600  }
0x4e: {  	[sflag:s26] =	ssyncset.done $0x0  }
0x4f: {  	s13 =	rddreg [dreg:$0xc];
	[sflag:s26] =	ssyncadd.s32 $0xFFFFCA00  }
0x50: {  	[spmem:s13] =	stream.linear.scatter [tilespmem:s31], [sflag:$0x5], $0x3600, $0x38;
	v63 =	vld [tilespmem:$0x0]  }
0x51: {  	_ =	swait.ge [sflag:s26], $0x3600  }
0x52: {  	[sflag:s26] =	ssyncset.done $0x0  }
0x53: {  	s14 =	rddreg [dreg:$0xd];
	[sflag:s26] =	ssyncadd.s32 $0xFFFFCA00  }
0x54: {  	[spmem:s14] =	stream.linear.scatter [tilespmem:s31], [sflag:$0x5], $0x1C20, $0x38;
	v63 =	vld [tilespmem:$0x0]  }
0x55: {  	_ =	swait.ge [sflag:s26], $0x1C20  }
0x56: {  	[sflag:s26] =	ssyncset.done $0x0  }
0x57: {  	[sflag:s26] =	ssyncadd.s32 $0xFFFFE3E0  }
0x58: {  	[bflag:$0x0] =	sbarrier.arrive $0xFFFF  }
0x59: {  	v1 =	vld [tilespmem:$0x9EC0]  }
0x5a: {  	v2 =	vld [tilespmem:$0x9ED0]  }
0x5b: {  	v3 =	vld [tilespmem:$0x9EE0]  }
0x5c: {  	v4 =	vld [tilespmem:$0x9EF0]  }
0x5d: {  	v5 =	vld [tilespmem:$0x9F00]  }
0x5e: {  	v6 =	vld [tilespmem:$0x9F10]  }
0x5f: {  	v7 =	vld [tilespmem:$0x9F20]  }
0x60: {  	v8 =	vld [tilespmem:$0x9F30]  }
0x61: {  	v9 =	vld [tilespmem:$0x9F40]  }
0x62: {  	v10 =	vld [tilespmem:$0x9F50]  }
0x63: {  	v11 =	vld [tilespmem:$0x9F60]  }
0x64: {  	v12 =	vld [tilespmem:$0x9F70]  }
0x65: {  	v13 =	vld [tilespmem:$0x9F80]  }
0x66: {  	v14 =	vld [tilespmem:$0x9F90]  }
0x67: {  	v15 =	vld [tilespmem:$0x9FA0]  }
0x68: {  	v16 =	vld [tilespmem:$0x9FB0]  }
0x69: {  	v18 =	vld [tilespmem:$0x9E70]  }
0x6a: {  	v19 =	vld [tilespmem:$0x9E80]  }
0x6b: {  	v20 =	vld [tilespmem:$0x9E90]  }
0x6c: {  	s30 =	simm.s32 $0x0;
	v21 =	vld [tilespmem:$0x9EA0];
	s15 =	rddreg [dreg:$0xe]  }
0x6d: {  	v17 =	vld [tilespmem:$0x9EB0];
	[tilespmem:s30], [sflag:$0x1] =	stream.linear.gather [hbm4b:s15+s30], $0x90, $0x38  }
0x6e: {  	s16 =	simm.s32 $0x270  }
0x6f: {  	[tilespmem:s16], [sflag:$0x2] =	stream.linear.gather [hbm4b:s20+s30], $0x30, $0x38;
	v63 =	vld [tilespmem:$0x0]  }
0x70: {  	_ =	swait.ge [sflag:s2], $0x90  }
0x71: {  	[sflag:s2] =	ssyncset.done $0x0  }
0x72: {  	[sflag:s2] =	ssyncadd.s32 $0xFFFFFF70  }
0x73: {  	v22 =	vld [tilespmem:$0x0]  }
0x74: {  	v23 =	vld [tilespmem:$0x30]  }
0x75: {  	v24 =	vld [tilespmem:$0x60]  }
0x76: {  	v25 =	vld [tilespmem:$0x10]  }
0x77: {  	v26 =	vld [tilespmem:$0x40]  }
0x78: {  	v61 =	vld [tilespmem:$0x50];
	[tilespmem:$0x120] =	vst v22  }
0x79: {  	v62 =	vld [tilespmem:$0x80];
	[tilespmem:$0x150] =	vst v23  }
0x7a: {  	v22 =	vld [tilespmem:$0x70];
	[tilespmem:$0x1E0] =	vst v24  }
0x7b: {  	v23 =	vld [tilespmem:$0x20];
	[tilespmem:$0x130] =	vst v25  }
0x7c: {  	[tilespmem:$0x160] =	vst v26  }
0x7d: {  	[tilespmem:$0x170] =	vst v61  }
0x7e: {  	[tilespmem:$0x200] =	vst v62  }
0x7f: {  	[tilespmem:$0x1F0] =	vst v22  }
0x80: {  	s17 =	simm.s32 $0x90;
	[tilespmem:$0x140] =	vst v23  }
0x81: {  	[tilespmem:s17], [sflag:$0x1] =	stream.linear.gather [hbm4b:s21+s30], $0x90, $0x38;
	v63 =	vld [tilespmem:$0x0]  }
0x82: {  	s18 =	simm.s32 $0x2A0  }
0x83: {  	[tilespmem:s18], [sflag:$0x2] =	stream.linear.gather [hbm4b:s22+s30], $0x30, $0x38;
	v63 =	vld [tilespmem:$0x0]  }
0x84: {  	s19 =	simm.s32 $0x60;
	s9 =	simm.s32 $0x120;
	s10 =	simm.s32 $0x870;
	v18 =	vand.u32 $0xF, v18  }
0x85: {  	v19 =	vand.u32 $0xF, v19;
	v20 =	vand.u32 $0xF, v20;
	v21 =	vand.u32 $0xF, v21;
	[tilespmem:s10], [sflag:$0x3] =	stream.indirect.gather [hbm4b:s7+s19], $0x80, s9, s19, $0xb8;
	v63 =	vld [tilespmem:$0x0]  }
.LBB2_4:
0x86: {  	p0 =	slt.u32 s30, $0x2  }
0x87: {  	p1 =	seq.s32 @!p0 s30, $0xD1  }
0x88: {  	p1 =	por p0, !p1  }
.Ltmp1:
0x89: {  	_ = 	snop;
	(pc) =	sbr.rel @p1 .LBB2_6-.Ltmp1, $4  }
0x8a: {  	s3 =	simm.s32 @!p0 $0x4  }
0x8b: {  	_ =	swait.ge @!p0 [sflag:s3], $0x1B00  }
0x8c: {  	[sflag:s3] =	ssyncset.done @!p0 $0x0  }
0x8d: {  	[sflag:s3] =	ssyncadd.s32 @!p0 $0xFFFFE500  }
.Ltmp2:
0x8e: {  	(pc) =	sbr.rel .LBB2_7-.Ltmp2, $3  }
0x8f: {  	_ =	sdelay $0x1  }
0x90: {  	p1 =	por @!p0 $0x1, $0x1  }
0x91: {  	s3 =	simm.s32 @!p0 $0xD2;
	s9 =	simm.s32 @!p0 $0xD3;
	p0 =	por @!p0 $0x0, $0x0  }
.LBB2_6:
0x92: {  	s3 =	sadd.s32 $0x1, s30  }
0x93: {  	s9 =	sand.u32 $0x1, s3  }
0x94: {  	_ =	swait.ge [sflag:s2], $0x90;
	s10 =	smul.u32 $0x240, s9  }
0x95: {  	[sflag:s2] =	ssyncset.done $0x0  }
0x96: {  	[sflag:s2] =	ssyncadd.s32 $0xFFFFFF70;
	s10 =	sshrl.u32 s10, $0x2  }
0x97: {  	v22 =	vld [tilespmem:s10+$0x0];
	_ =	sdelay $0x1  }
0x98: {  	s9 =	smul.u32 $0x180, s9;
	_ =	sdelay $0x1  }
0x99: {  	s9 =	sshrl.u32 s9, $0x2  }
0x9a: {  	[tilespmem:s9+$0x120] =	vst v22  }
0x9b: {  	v22 =	vld [tilespmem:s10+$0x30]  }
0x9c: {  	s13 =	smul.u32 $0xAB, s3;
	_ =	sdelay $0x1  }
0x9d: {  	s13 =	sshrl.u32 s13, $0x9  }
0x9e: {  	s13 =	sand.u32 $0x7F, s13  }
0x9f: {  	s13 =	smul.u32 $0x3, s13;
	[tilespmem:s9+$0x150] =	vst v22  }
0xa0: {  	v22 =	vld [tilespmem:s10+$0x60]  }
0xa1: {  	s13 =	ssub.s32 s3, s13  }
0xa2: {  	s13 =	smul.u32 $0x30, s13;
	_ =	sdelay $0x1  }
0xa3: {  	s13 =	sand.u32 $0xF0, s13  }
0xa4: {  	[tilespmem:s13+$0x1E0] =	vst v22  }
0xa5: {  	v22 =	vld [tilespmem:s10+$0x10];
	_ =	sdelay $0x4  }
0xa6: {  	[tilespmem:s9+$0x130] =	vst v22  }
0xa7: {  	v22 =	vld [tilespmem:s10+$0x40];
	_ =	sdelay $0x4  }
0xa8: {  	[tilespmem:s9+$0x160] =	vst v22  }
0xa9: {  	v22 =	vld [tilespmem:s10+$0x70];
	_ =	sdelay $0x4  }
0xaa: {  	[tilespmem:s13+$0x1F0] =	vst v22  }
0xab: {  	v22 =	vld [tilespmem:s10+$0x20];
	_ =	sdelay $0x4  }
0xac: {  	[tilespmem:s9+$0x140] =	vst v22  }
0xad: {  	v22 =	vld [tilespmem:s10+$0x50];
	_ =	sdelay $0x4  }
0xae: {  	p2 =	sgt.u32 s30, $0xCF;
	[tilespmem:s9+$0x170] =	vst v22  }
0xaf: {  	p3 =	por @!p2 $0x0, $0x0;
	s9 =	sadd.s32 @!p2 $0x2, s30;
	v22 =	vld [tilespmem:s10+$0x80];
	s10 =	sand.u32 @!p2 $0x1, s30  }
0xb0: {  	p1 =	por @!p2 $0x1, $0x1;
	s14 =	sadd.s32 @!p2 s11, s9;
	p0 =	seq.s32 @!p2 s10, $0x1  }
0xb1: {  	s10 =	smul.u32 @!p2 $0x12, s14;
	s14 =	simm.s32 @!p2 $0x90;
	p0 =	por !p0, p2  }
0xb2: {  	s3 =	simm.s32 @p2 $0xD1;
	s14 =	simm.s32 @p0 $0x0;
	p0 =	por $0x0, $0x0  }
0xb3: {  	s9 =	simm.s32 @p2 $0xD2;
	p0 =	por @!p2 p1, p1;
	p1 =	por $0x0, $0x0  }
0xb4: {  	s10 =	sadd.s32 @!p2 s1, s10;
	[tilespmem:s13+$0x200] =	vst v22;
	s13 =	simm.s32 @!p2 $0x0;
	p1 =	por @!p2 p3, p3  }
0xb5: {  	[tilespmem:s14], [sflag:$0x1] =	stream.linear.gather @!p2 [hbm4b:s10+s13], $0x90, $0x38;
	v63 =	vld [tilespmem:$0x0]  }
.LBB2_7:
0xb6: {  	s10 =	sand.u32 @!p1 $0x1, s3  }
0xb7: {  	_ =	swait.ge [sflag:s0], $0x3000;
	s14 =	sand.u32 $0x1, s30;
	p2 =	seq.s32 @!p1 s10, $0x1  }
0xb8: {  	s13 =	simm.s32 @!p1 $0x60;
	s10 =	simm.s32 @!p1 $0x60;
	p2 =	por !p2, p1  }
0xb9: {  	[sflag:s0] =	ssyncset.done $0x0;
	s16 =	smul.u32 $0x30, s14;
	s10 =	simm.s32 @p2 $0x0  }
0xba: {  	s17 =	smul.u32 $0xC000, s14;
	[sflag:s0] =	ssyncadd.s32 $0xFFFFD000;
	s15 =	sshll.u32 @!p1 s10, $0x7  }
0xbb: {  	s16 =	sadd.s32 $0x270, s16;
	s10 =	sadd.s32 @!p1 $0x120, s10;
	s15 =	sor.u32 @!p1 $0x870, s15  }
0xbc: {  	[tilespmem:s15], [sflag:$0x3] =	stream.indirect.gather @!p1 [hbm4b:s7+s13], $0x80, s10, s13, $0xb8;
	v63 =	vld [tilespmem:$0x0]  }
0xbd: {  	v22 =	vmov s16;
	_ =	swait.ge [sflag:s4], $0x30  }
0xbe: {  	s18 =	sshrl.u32 s17, $0x2;
	[sflag:s4] =	ssyncset.done $0x0  }
0xbf: {  	s10 =	sadd.s32 $0x20E0, s18;
	s13 =	simm.s32 $0x0;
	[sflag:s4] =	ssyncadd.s32 $0xFFFFFFD0  }
0xc0: {  	s19 =	sand.u32 $0xC0, s13;
	v23 =	vld [tilespmem:s10+$0xFFFFE7B0]  }
0xc1: {  	s15 =	sshrl.u32 s19, $0x2;
	v24 =	vld [tilespmem:s10+$0xFFFFE7A0]  }
0xc2: {  	v26 =	vld.idx.msk [tilespmem:v22+s15+$0x0 ss:$0x1], $0xffff  }
0xc3: {  	v29 =	vld [tilespmem:s10+$0xFFFFFFA0]  }
0xc4: {  	v28 =	vld [tilespmem:s10+$0xFFFFFF90]  }
0xc5: {  	v30 =	vld [tilespmem:s10+$0xFFFFFFB0]  }
0xc6: {  	v25 =	vld [tilespmem:s10+$0xFFFFE790]  }
0xc7: {  	v31 =	vld [tilespmem:s10+$0xFFFFFFD0]  }
0xc8: {  	v34 =	vld [tilespmem:s10+$0xFFFFFFE0]  }
0xc9: {  	v27 =	vmov s13;
	v37 =	vld [tilespmem:s10+$0xFFFFFFC0]  }
0xca: {  	v32 =	vperm.xlane v26, v27;
	v26 =	vld [tilespmem:s10+$0xFFFFE7D0]  }
0xcb: {  	v27 =	vld [tilespmem:s10+$0xFFFFE7E0];
	v30 =	vadd.f32 v30, v23  }
0xcc: {  	v35 =	vadd.f32 v28, v25;
	v28 =	vld [tilespmem:s10+$0xFFFFE7C0];
	v33 =	vmul.f32 v32, v3;
	v36 =	vmul.f32 v32, v1  }
0xcd: {  	v29 =	vadd.f32 v29, v24;
	v38 =	vmul.f32 v32, v7;
	v46 =	vmul.f32 v32, v2  }
0xce: {  	v39 =	vmul.f32 v32, v5;
	v47 =	vmul.f32 v32, v4;
	v35 =	vadd.f32 v35, v36  }
0xcf: {  	v40 =	vmul.f32 v32, v6;
	v30 =	vadd.f32 v30, v33;
	v33 =	vadd.f32 v29, v46  }
0xd0: {  	v31 =	vadd.f32 v31, v26;
	v34 =	vadd.f32 v34, v27;
	v42 =	vmul.f32 $2.000000030e-01, v35  }
0xd1: {  	v37 =	vadd.f32 v37, v28;
	v41 =	vmul.f32 $2.000000030e-01, v30;
	vm1 =	vgt.f32 v35, $0.0e+00  }
0xd2: {  	v49 =	vld [tilespmem:s10+$0xFFFFFFF0];
	vm0 =	vgt.f32 v30, $0.0e+00;
	v48 =	vmul.f32 $2.000000030e-01, v33;
	v29 =	vsel vm1, v35, v42  }
0xd3: {  	vm10 =	vgt.f32 v33, $0.0e+00;
	v41 =	vsel vm0, v30, v41;
	v30 =	vmul.f32 v29, v9;
	v29 =	vld [tilespmem:s10+$0xFFFFE7F0]  }
0xd4: {  	v51 =	vld [tilespmem:s10+$0x0];
	v31 =	vadd.f32 v31, v39;
	v50 =	vadd.f32 v37, v47;
	v33 =	vsel vm10, v33, v48  }
0xd5: {  	v32 =	vmul.f32 v32, v8;
	v33 =	vmul.f32 v33, v10;
	v52 =	vadd.f32 $0.0e+00, v30;
	v30 =	vld [tilespmem:s10+$0xFFFFE800]  }
0xd6: {  	v34 =	vadd.f32 v34, v40;
	vm11 =	vgt.f32 v31, $0.0e+00;
	v53 =	vmul.f32 $2.000000030e-01, v50  }
0xd7: {  	v54 =	vmul.f32 v41, v11;
	vm12 =	vgt.f32 v50, $0.0e+00;
	v33 =	vadd.f32 v33, v52  }
0xd8: {  	v39 =	vmul.f32 $2.000000030e-01, v31;
	v35 =	vsel vm12, v50, v53;
	v55 =	vadd.f32 v49, v29  }
0xd9: {  	v56 =	vmul.f32 $2.000000030e-01, v34;
	v35 =	vmul.f32 v35, v12;
	v33 =	vadd.f32 v54, v33  }
0xda: {  	v31 =	vsel vm11, v31, v39;
	v57 =	vadd.f32 v55, v38;
	v36 =	vadd.f32 v51, v30  }
0xdb: {  	vm13 =	vgt.f32 v34, $0.0e+00;
	v31 =	vmul.f32 v31, v13;
	v33 =	vadd.f32 v35, v33  }
0xdc: {  	v34 =	vsel vm13, v34, v56;
	v58 =	vmul.f32 $2.000000030e-01, v57;
	v32 =	vadd.f32 v36, v32  }
0xdd: {  	v59 =	vmul.f32 v34, v14;
	vm14 =	vgt.f32 v57, $0.0e+00;
	v31 =	vadd.f32 v31, v33  }
0xde: {  	v60 =	vsel vm14, v57, v58;
	v61 =	vmul.f32 $2.000000030e-01, v32  }
0xdf: {  	vm15 =	vgt.f32 v32, $0.0e+00;
	v31 =	vadd.f32 v59, v31;
	v62 =	vmul.f32 v60, v15  }
0xe0: {  	v32 =	vsel vm15, v32, v61  }
0xe1: {  	v31 =	vadd.f32 v62, v31;
	v32 =	vmul.f32 v32, v16;
	_ =	sdelay $0x1  }
0xe2: {  	v31 =	vadd.f32 v32, v31;
	_ =	sdelay $0x1  }
0xe3: {  	v32 =	vperm.xlane v31, v18;
	_ =	sdelay $0x1  }
0xe4: {  	v31 =	vadd.f32 v31, v32;
	_ =	sdelay $0x1  }
0xe5: {  	s14 =	smul.u32 $0x6C00, s14;
	v32 =	vperm.xlane v31, v19;
	_ =	sdelay $0x1  }
0xe6: {  	s14 =	sshrl.u32 s14, $0x2;
	v31 =	vadd.f32 v31, v32  }
0xe7: {  	s16 =	sadd.s32 $0x68B0, s14  }
0xe8: {  	s17 =	simm.s32 $0x1;
	s15 =	smov.u32 s16;
	v32 =	vperm.xlane v31, v20  }
.LBB2_8:
0xe9: {  	s13 =	sadd.s32 $0x4, s13;
	s10 =	sadd.s32 $0x80, s10;
	s16 =	sadd.s32 $0x90, s16  }
0xea: {  	p1 =	sne.s32 s17, $0x2F;
	s18 =	smov.u32 s17;
	s17 =	sadd.s32 $0x1, s17;
	v31 =	vadd.f32 v31, v32  }
0xeb: {  	_ = 	snop  }
0xec: {  	v32 =	vperm.xlane v31, v21;
	_ =	sdelay $0x1  }
0xed: {  	v31 =	vadd.f32 v31, v32;
	_ =	sdelay $0x1  }
0xee: {  	v31 =	vmul.f32 $1.442695020e+00, v31;
	_ =	sdelay $0x1  }
0xef: {  	(erf) = vpow2.f32 v31;
	_ =	sdelay $0x3  }
0xf0: {  	s19 =	sand.u32 $0xC0, s13  }
0xf1: {  	s19 =	sshrl.u32 s19, $0x2;
	_ =	sdelay $0x3  }
0xf2: {  	v31 =	vpop (erf)  }
0xf3: {  	v26 =	vmul.f32 v31, v26;
	v27 =	vmul.f32 v31, v27  }
0xf4: {  	v25 =	vmul.f32 v31, v25;
	v24 =	vmul.f32 v31, v24  }
0xf5: {  	v23 =	vmul.f32 v31, v23;
	v28 =	vmul.f32 v31, v28;
	[tilespmem:s15+$0x0] =	vst v26  }
0xf6: {  	v26 =	vmul.f32 v31, v29;
	[tilespmem:s15+$0x10] =	vst v27;
	v27 =	vmul.f32 v31, v30  }
0xf7: {  	[tilespmem:s15+$0xFFFFFFC0] =	vst v25  }
0xf8: {  	[tilespmem:s15+$0xFFFFFFD0] =	vst v24  }
0xf9: {  	[tilespmem:s15+$0xFFFFFFE0] =	vst v23  }
0xfa: {  	[tilespmem:s15+$0x30] =	vst v27  }
0xfb: {  	v23 =	vmul.f32 v31, v17;
	[tilespmem:s15+$0xFFFFFFF0] =	vst v28  }
0xfc: {  	[tilespmem:s15+$0x20] =	vst v26  }
0xfd: {  	[tilespmem:s15+$0x40] =	vst v23;
	s15 =	smov.u32 s16;
	_ =	sdelay $0x2  }
0xfe: {  	v23 =	vld [tilespmem:s10+$0xFFFFE7B0]  }
0xff: {  	v24 =	vld [tilespmem:s10+$0xFFFFE7A0]  }
0x100: {  	v26 =	vld.idx.msk [tilespmem:v22+s19+$0x0 ss:$0x1], $0xffff  }
0x101: {  	v29 =	vld [tilespmem:s10+$0xFFFFFFA0]  }
0x102: {  	v28 =	vld [tilespmem:s10+$0xFFFFFF90]  }
0x103: {  	v30 =	vld [tilespmem:s10+$0xFFFFFFB0]  }
0x104: {  	v25 =	vld [tilespmem:s10+$0xFFFFE790]  }
0x105: {  	v27 =	vmov s18;
	v31 =	vld [tilespmem:s10+$0xFFFFFFD0]  }
0x106: {  	v32 =	vperm.xlane v26, v27;
	v26 =	vld [tilespmem:s10+$0xFFFFE7D0]  }
0x107: {  	v27 =	vld [tilespmem:s10+$0xFFFFE7E0]  }
0x108: {  	v33 =	vmul.f32 v32, v3;
	v35 =	vmul.f32 v32, v7;
	v30 =	vadd.f32 v30, v23;
	v34 =	vld [tilespmem:s10+$0xFFFFFFE0]  }
0x109: {  	v37 =	vmul.f32 v32, v1;
	v39 =	vmul.f32 v32, v5;
	v36 =	vadd.f32 v28, v25;
	v38 =	vld [tilespmem:s10+$0xFFFFFFC0]  }
0x10a: {  	v40 =	vmul.f32 v32, v2;
	v30 =	vadd.f32 v30, v33;
	v28 =	vld [tilespmem:s10+$0xFFFFE7C0];
	v33 =	vmul.f32 v32, v4  }
0x10b: {  	v29 =	vadd.f32 v29, v24;
	v36 =	vadd.f32 v36, v37;
	v37 =	vmul.f32 v32, v6  }
0x10c: {  	v31 =	vadd.f32 v31, v26;
	vm0 =	vgt.f32 v30, $0.0e+00;
	v41 =	vmul.f32 $2.000000030e-01, v30  }
0x10d: {  	v29 =	vadd.f32 v29, v40;
	v42 =	vmul.f32 $2.000000030e-01, v36;
	v34 =	vadd.f32 v34, v27  }
0x10e: {  	vm1 =	vgt.f32 v36, $0.0e+00;
	v40 =	vsel vm0, v30, v41;
	v30 =	vadd.f32 v31, v39  }
0x10f: {  	v31 =	vsel vm1, v36, v42;
	v36 =	vmul.f32 $2.000000030e-01, v29;
	v34 =	vadd.f32 v34, v37  }
0x110: {  	vm0 =	vgt.f32 v29, $0.0e+00;
	v37 =	vadd.f32 v38, v28;
	v31 =	vmul.f32 v31, v9;
	v38 =	vld [tilespmem:s10+$0xFFFFFFF0]  }
0x111: {  	v39 =	vmul.f32 $2.000000030e-01, v30;
	v36 =	vsel vm0, v29, v36;
	vm0 =	vgt.f32 v30, $0.0e+00;
	v29 =	vld [tilespmem:s10+$0xFFFFE7F0]  }
0x112: {  	v33 =	vadd.f32 v37, v33;
	v31 =	vadd.f32 $0.0e+00, v31;
	v36 =	vmul.f32 v36, v10;
	v37 =	vld [tilespmem:s10+$0x0]  }
0x113: {  	v32 =	vmul.f32 v32, v8;
	v41 =	vmul.f32 $2.000000030e-01, v34;
	v39 =	vsel vm0, v30, v39;
	v30 =	vld [tilespmem:s10+$0xFFFFE800]  }
0x114: {  	vm0 =	vgt.f32 v34, $0.0e+00;
	v31 =	vadd.f32 v36, v31;
	v36 =	vmul.f32 $2.000000030e-01, v33  }
0x115: {  	v40 =	vmul.f32 v40, v11;
	vm1 =	vgt.f32 v33, $0.0e+00;
	v34 =	vsel vm0, v34, v41  }
0x116: {  	v33 =	vsel vm1, v33, v36;
	v36 =	vadd.f32 v38, v29  }
0x117: {  	v31 =	vadd.f32 v40, v31;
	v33 =	vmul.f32 v33, v12  }
0x118: {  	v35 =	vadd.f32 v36, v35;
	v36 =	vadd.f32 v37, v30  }
0x119: {  	v31 =	vadd.f32 v33, v31;
	v33 =	vmul.f32 v39, v13  }
0x11a: {  	v37 =	vmul.f32 $2.000000030e-01, v35;
	v32 =	vadd.f32 v36, v32  }
0x11b: {  	vm0 =	vgt.f32 v35, $0.0e+00;
	v31 =	vadd.f32 v33, v31;
	v33 =	vmul.f32 v34, v14  }
0x11c: {  	v34 =	vsel vm0, v35, v37;
	v35 =	vmul.f32 $2.000000030e-01, v32  }
0x11d: {  	vm0 =	vgt.f32 v32, $0.0e+00;
	v31 =	vadd.f32 v33, v31;
	v33 =	vmul.f32 v34, v15  }
0x11e: {  	v32 =	vsel vm0, v32, v35  }
0x11f: {  	v31 =	vadd.f32 v33, v31;
	v32 =	vmul.f32 v32, v16;
	_ =	sdelay $0x1  }
0x120: {  	v31 =	vadd.f32 v32, v31;
	_ =	sdelay $0x1  }
0x121: {  	v32 =	vperm.xlane v31, v18;
	_ =	sdelay $0x1  }
0x122: {  	v31 =	vadd.f32 v31, v32;
	_ =	sdelay $0x1  }
.Ltmp3:
0x123: {  	v32 =	vperm.xlane v31, v19;
	(pc) =	sbr.rel @p1 .LBB2_8-.Ltmp3, $3  }
0x124: {  	_ = 	snop  }
0x125: {  	v31 =	vadd.f32 v31, v32;
	_ =	sdelay $0x1  }
0x126: {  	v32 =	vperm.xlane v31, v20  }
0x127: {  	_ = 	snop  }
0x128: {  	v22 =	vadd.f32 v31, v32;
	_ =	sdelay $0x1  }
0x129: {  	v31 =	vperm.xlane v22, v21;
	_ =	sdelay $0x1  }
0x12a: {  	v22 =	vadd.f32 v22, v31;
	_ =	sdelay $0x1  }
0x12b: {  	v22 =	vmul.f32 $1.442695020e+00, v22;
	_ =	sdelay $0x1  }
0x12c: {  	(erf) = vpow2.f32 v22;
	_ =	sdelay $0x8  }
0x12d: {  	v22 =	vpop (erf)  }
0x12e: {  	v26 =	vmul.f32 v22, v26  }
0x12f: {  	v27 =	vmul.f32 v22, v27  }
0x130: {  	v25 =	vmul.f32 v22, v25;
	[tilespmem:s15+$0x0] =	vst v26  }
0x131: {  	s10 =	smul.u32 $0xAB, s30;
	v24 =	vmul.f32 v22, v24;
	[tilespmem:s15+$0x10] =	vst v27  }
0x132: {  	v23 =	vmul.f32 v22, v23;
	[tilespmem:s15+$0xFFFFFFC0] =	vst v25  }
0x133: {  	s10 =	sshrl.u32 s10, $0x9;
	v61 =	vmul.f32 v22, v30;
	[tilespmem:s15+$0xFFFFFFD0] =	vst v24  }
0x134: {  	s13 =	sand.u32 @p0 $0x1, s30;
	s10 =	sand.u32 $0x7F, s10;
	v62 =	vmul.f32 v22, v28;
	[tilespmem:s15+$0xFFFFFFE0] =	vst v23  }
0x135: {  	s9 =	sadd.s32 @p0 s11, s9;
	p1 =	seq.s32 @p0 s13, $0x1;
	s10 =	smul.u32 $0x3, s10;
	v23 =	vmul.f32 v22, v29;
	[tilespmem:s15+$0x30] =	vst v61  }
0x136: {  	s13 =	simm.s32 @p0 $0x2A0;
	s9 =	smul.u32 @p0 $0x6, s9;
	p1 =	por !p1, !p0;
	[tilespmem:s15+$0xFFFFFFF0] =	vst v62;
	v22 =	vmul.f32 v22, v17  }
0x137: {  	s13 =	simm.s32 @p1 $0x270;
	s10 =	ssub.s32 s30, s10;
	[tilespmem:s15+$0x20] =	vst v23  }
0x138: {  	s9 =	sadd.s32 @p0 s8, s9;
	s10 =	sand.u32 $0xFF, s10;
	[tilespmem:s15+$0x40] =	vst v22;
	s15 =	simm.s32 @p0 $0x0  }
0x139: {  	[tilespmem:s13], [sflag:$0x2] =	stream.linear.gather @p0 [hbm4b:s9+s15], $0x30, $0x38;
	v63 =	vld [tilespmem:$0x0]  }
0x13a: {  	s10 =	smul.u32 $0xC0, s10;
	p0 =	slt.u32 s3, $0xD2  }
.Ltmp4:
0x13b: {  	_ = 	snop;
	(pc) =	sbr.rel @p0 .LBB2_4-.Ltmp4, $4  }
0x13c: {  	_ = 	snop  }
0x13d: {  	s18 =	sshrl.u32 s10, $0x2  }
0x13e: {  	s19 =	sadd.s32 $0x6870, s14;
	s30 =	smov.u32 s3;
	s9 =	sadd.s32 $0x1E0, s18  }
0x13f: {  	[spmem:s5] =	stream.indirect.scatter.add.f32 [tilespmem:s19], [sflag:$0x4], $0x90, s9, s25, $0xb8;
	v63 =	vld [tilespmem:$0x0]  }
0x140: {  	_ =	swait.ge [sflag:s28], $0x1B00  }
0x141: {  	[sflag:s28] =	ssyncset.done $0x0  }
0x142: {  	[sflag:s28] =	ssyncadd.s32 $0xFFFFE500  }
0x143: {  	s3 =	stileid.u32;
	_ =	swait.ge [sflag:s28], $0x1B00  }
0x144: {  	s9 =	sshrl.u32 s12, $0x3;
	s29 =	sadd.s32 $0x1, s29;
	[sflag:s28] =	ssyncset.done $0x0  }
0x145: {  	s3 =	sshll.u32 s3, $0x6;
	p0 =	sne.s32 s29, s24;
	[sflag:s28] =	ssyncadd.s32 $0xFFFFE500  }
.Ltmp5:
0x146: {  	s3 =	sor.u32 $0x1C05, s3;
	[bflag:$0x0] =	sbarrier.arrive $0xFFFF;
	(pc) =	sbr.rel @p0 .LBB2_1-.Ltmp5, $4  }
0x147: {  	[hbm:s23], [sflag:s3] =	dma.local [spmem:s9], $0x2C04  }
0x148: {  	_ =	swait.ge [sflag:s26], $0x2C04  }
0x149: {  	[sflag:s26] =	ssyncset.done $0x0  }
0x14a: {  	[sflag:s26] =	ssyncadd.s32 $0xFFFFD3FC  }
0x14b: {  	_ =	sfence.sel $0x180000  }
0x14c: {  	[bflag:$0x0] =	sbarrier.arrive $0xFFFF  }
0x14d: {  	_ =	strace $0x9000004A  }
0x14e: {  	s0 =	stileid.u32;
	[bflag:$0x2] =	sbarrier.arrive $0xFFFF  }
0x14f: {  	p0 =	sne.s32 s0, $0x0;
	s0 =	rddreg [dreg:$0x5]  }
0x150: {  	s0 =	sadd.s32 @!p0 $0x100000, s0  }
0x151: {  	[sflag:s0] =	ssyncadd.tile.s32 @!p0 $0x1;
	_ =	shalt  }
.Lfunc_end2:
_tile_overlayer_lowered:
.L_overlay_start_2:
0x152: {  	(tag) =	ssettag $0x2  }
0x153: {  	s0 =	rddreg [dreg:$0x0];
	s2 =	stileid.u32  }
0x154: {  	s1 =	rddreg [dreg:$0x1];
	p0 =	sne.s32 s2, $0x0  }
0x155: {  	s3 =	rddreg [dreg:$0x2];
	[bflag:$0x3] =	sbarrier.arrive $0xFFFF;
	s2 =	simm.s32 @!p0 $0x1C05  }
0x156: {  	[timem:s3], [sflag:s2] =	dma.local @!p0 [hbm:s0], s1  }
0x157: {  	s0 =	simm.s32 @!p0 $0x5  }
0x158: {  	_ =	swait.ge @!p0 [sflag:s0], s1  }
0x159: {  	s1 =	ssub.s32 @!p0 $0x0, s1;
	[sflag:s0] =	ssyncset.done @!p0 $0x0  }
0x15a: {  	[sflag:s0] =	ssyncadd.s32 @!p0 s1  }
0x15b: {  	[bflag:$0x3] =	sbarrier.arrive $0xFFFF  }
0x15c: {  	_ =	shalt  }

// kernel: kernel.15.cloned.1.call-start
scs
__scs_entry_jumppad:
0x0: {  	(pc) =	sbr.rel $0x88, $3  }
0x1: {  	(tag) =	ssettag $0x0;
	lr =	simm.s32 $0x1  }
0x2: {  	[smem:$0x3F89] =	sst lr;
	_ =	strace $0xD0000000  }
0x3: {  	_ = 	snop  }
0x4: {  	_ = 	snop  }
0x5: {  	_ = 	snop  }
0x6: {  	_ = 	snop  }
0x7: {  	_ = 	snop  }
__scs_overlays_trampoline_lowered:
0x8: {  	[smem:$0x3F98] =	sst s0  }
0x9: {  	[smem:$0x3F99] =	sst s1  }
0xa: {  	[smem:$0x3F9A] =	sst s2  }
0xb: {  	[smem:$0x3F9B] =	sst s3  }
0xc: {  	[smem:$0x3F9C] =	sst s4  }
0xd: {  	[smem:$0x3F9D] =	sst s5  }
0xe: {  	[smem:$0x3F9E] =	sst s6  }
0xf: {  	[smem:$0x3F9F] =	sst s7  }
0x10: {  	[smem:$0x3FA0] =	sst s8  }
0x11: {  	[smem:$0x3FA1] =	sst s9;
	s0 =	simm.s32 @!p0 $0x0  }
0x12: {  	s1 =	sld [smem:$0x3F87];
	s0 =	simm.s32 @p0 $0x1  }
0x13: {  	[smem:$0x3FA2] =	sst s0;
	s0 =	simm.s32 @!p1 $0x0  }
0x14: {  	s2 =	sld [smem:$0x3F86];
	s0 =	simm.s32 @p1 $0x1  }
0x15: {  	[smem:$0x3FA3] =	sst s0;
	s0 =	simm.s32 @!p2 $0x0  }
0x16: {  	s3 =	sld [smem:$0x3FDB];
	s0 =	simm.s32 @p2 $0x1  }
0x17: {  	s4 =	simm.s32 $0x1BF5;
	[smem:$0x3FA5] =	sst s0  }
0x18: {  	s0 =	sld [smem:$0x3F88];
	_ =	swait.ge [sflag:s4], $0x0  }
0x19: {  	s7 =	sld [smem:$0x3F89]  }
0x1a: {  	s8 =	sadd.s32 $0xFFFFE003, lr  }
0x1b: {  	s9 =	sadd.s32 $0xFFFFFEF7, lr;
	s5 =	simm.s32 $0xFFFFFFFF;
	p2 =	slt.u32 s8, $0xFFFFF086  }
0x1c: {  	p1 =	slt.u32 s9, $0xF7A;
	s5 =	simm.s32 @!p2 $0x0  }
0x1d: {  	s5 =	simm.s32 @p1 $0x1;
	p0 =	seq.s32 s7, s2  }
0x1e: {  	s7 =	smul.u32 @!p0 $0xF7A, s2;
	p2 =	seq.s32 @!p0 s5, $0x0  }
0x1f: {  	s9 =	smul.u32 $0xF7A, s1;
	s8 =	simm.s32 @!p0 $0x1BF5;
	p2 =	por !p2, p0  }
0x20: {  	[sflag:s8] =	ssyncset.s32 @!p0 $0xFFFFF086;
	s6 =	sadd.s32 @!p0 s3, s7;
	s7 =	simm.s32 @!p0 $0x108  }
0x21: {  	s3 =	sadd.s32 s3, s9;
	s6 =	sadd.s32 @!p0 $0x88, s6;
	s7 =	simm.s32 @p2 $0x1082  }
0x22: {  	[simem:s7], [sflag:s8] =	dma.local @!p0 [hbm:s6], $0xF7A  }
0x23: {  	s9 =	sor.u32 $0xD0000000, s2;
	s6 =	simm.s32 $0x108;
	_ =	swait.ge @!p0 [sflag:s8], $0x0  }
0x24: {  	s3 =	sadd.s32 $0x88, s3;
	s6 =	simm.s32 @!p1 $0x1082;
	[sflag:s4] =	ssyncset.s32 $0xFFFFF086  }
0x25: {  	[simem:s6], [sflag:s4] =	dma.local [hbm:s3], $0xF7A  }
0x26: {  	[smem:$0x3F89] =	sst s1;
	(tag) =	ssettag s2;
	_ =	strace s9  }
0x27: {  	s1 =	sld [smem:$0x3F99]  }
0x28: {  	s2 =	sld [smem:$0x3F9A]  }
0x29: {  	s4 =	sld [smem:$0x3F9C]  }
0x2a: {  	p0 =	seq.s32 s5, $0x0;
	s5 =	sld [smem:$0x3F9D]  }
0x2b: {  	s6 =	sld [smem:$0x3F9E]  }
0x2c: {  	s7 =	sld [smem:$0x3F9F]  }
0x2d: {  	s3 =	simm.s32 $0x108;
	s8 =	sld [smem:$0x3FA0]  }
0x2e: {  	s3 =	simm.s32 @!p0 $0x1082;
	s9 =	sld [smem:$0x3FA1]  }
0x2f: {  	lr =	sadd.s32 s0, s3;
	s0 =	sld [smem:$0x3F98]  }
0x30: {  	s3 =	sld [smem:$0x3F9B]  }
0x31: {  	[smem:$0x3FA4] =	sst s10  }
0x32: {  	s10 =	sld [smem:$0x3FA2];
	_ =	sdelay $0x3  }
0x33: {  	p0 =	seq.s32 s10, $0x1;
	s10 =	sld [smem:$0x3FA4];
	_ =	sdelay $0x3  }
0x34: {  	[smem:$0x3FA4] =	sst s10  }
0x35: {  	s10 =	sld [smem:$0x3FA3];
	_ =	sdelay $0x3  }
0x36: {  	p1 =	seq.s32 s10, $0x1;
	s10 =	sld [smem:$0x3FA4];
	_ =	sdelay $0x3  }
0x37: {  	[smem:$0x3FA4] =	sst s10  }
0x38: {  	s10 =	sld [smem:$0x3FA5]  }
0x39: {  	_ = 	snop;
	(pc) =	sbr.ind lr, $3  }
0x3a: {  	_ = 	snop  }
0x3b: {  	_ = 	snop  }
0x3c: {  	p2 =	seq.s32 s10, $0x1;
	s10 =	sld [smem:$0x3FA4]  }
0x3d: {  	_ =	shalt  }
0x3e: {  	_ =	shalt  }
0x3f: {  	_ =	shalt  }
0x40: {  	_ =	shalt  }
0x41: {  	_ =	shalt  }
0x42: {  	_ =	shalt  }
0x43: {  	_ =	shalt  }
0x44: {  	_ =	shalt  }
0x45: {  	_ =	shalt  }
0x46: {  	_ =	shalt  }
0x47: {  	_ =	shalt  }
0x48: {  	_ =	shalt  }
0x49: {  	_ =	shalt  }
0x4a: {  	_ =	shalt  }
0x4b: {  	_ =	shalt  }
0x4c: {  	_ =	shalt  }
0x4d: {  	_ =	shalt  }
0x4e: {  	_ =	shalt  }
0x4f: {  	_ =	shalt  }
0x50: {  	_ =	shalt  }
0x51: {  	_ =	shalt  }
0x52: {  	_ =	shalt  }
0x53: {  	_ =	shalt  }
0x54: {  	_ =	shalt  }
0x55: {  	_ =	shalt  }
0x56: {  	_ =	shalt  }
0x57: {  	_ =	shalt  }
0x58: {  	_ =	shalt  }
0x59: {  	_ =	shalt  }
0x5a: {  	_ =	shalt  }
0x5b: {  	_ =	shalt  }
0x5c: {  	_ =	shalt  }
0x5d: {  	_ =	shalt  }
0x5e: {  	_ =	shalt  }
0x5f: {  	_ =	shalt  }
0x60: {  	_ =	shalt  }
0x61: {  	_ =	shalt  }
0x62: {  	_ =	shalt  }
0x63: {  	_ =	shalt  }
0x64: {  	_ =	shalt  }
0x65: {  	_ =	shalt  }
0x66: {  	_ =	shalt  }
0x67: {  	_ =	shalt  }
0x68: {  	_ =	shalt  }
0x69: {  	_ =	shalt  }
0x6a: {  	_ =	shalt  }
0x6b: {  	_ =	shalt  }
0x6c: {  	_ =	shalt  }
0x6d: {  	_ =	shalt  }
0x6e: {  	_ =	shalt  }
0x6f: {  	_ =	shalt  }
0x70: {  	_ =	shalt  }
0x71: {  	_ =	shalt  }
0x72: {  	_ =	shalt  }
0x73: {  	_ =	shalt  }
0x74: {  	_ =	shalt  }
0x75: {  	_ =	shalt  }
0x76: {  	_ =	shalt  }
0x77: {  	_ =	shalt  }
0x78: {  	_ =	shalt  }
0x79: {  	_ =	shalt  }
0x7a: {  	_ =	shalt  }
0x7b: {  	_ =	shalt  }
0x7c: {  	_ =	shalt  }
0x7d: {  	_ =	shalt  }
0x7e: {  	_ =	shalt  }
0x7f: {  	_ =	shalt  }
0x80: {  	_ =	shalt  }
0x81: {  	_ =	shalt  }
0x82: {  	_ =	shalt  }
0x83: {  	_ =	shalt  }
0x84: {  	_ =	shalt  }
0x85: {  	_ =	shalt  }
0x86: {  	_ =	shalt  }
0x87: {  	_ =	shalt  }
.Lfunc_end0:
.L_simem_size_0:
called_computation.2_lowered:
.L_overlay_start_0:
0x88: {  	s2 =	sld [smem:$0x3FD9]  }
0x89: {  	s3 =	sld [smem:$0x3FFE];
	_ =	sdelay $0x1  }
0x8a: {  	s1 =	srdreg.scid  }
0x8b: {  	s0 =	sand.u32 $0x1, s1  }
0x8c: {  	s17 =	sshll.u32 s0, $0xA;
	s2 =	sadd.s32 s3, s2  }
0x8d: {  	s2 =	sadd.s32 s2, s17  }
0x8e: {  	[smem:$0x3FB0] =	sst s2  }
0x8f: {  	_ = 	snop  }
0x90: {  	s2 =	sld [smem:$0x3FB4]  }
0x91: {  	s18 =	sld [smem:$0x3FB3]  }
0x92: {  	s4 =	sld [smem:$0x3FD0];
	(tm) =	ssettm $0x1  }
0x93: {  	s5 =	sld [smem:$0x3FFB];
	_ =	sdelay $0x3  }
0x94: {  	_ =	strace s5  }
0x95: {  	s5 =	sld [smem:$0x3FFC];
	_ =	sdelay $0x3  }
0x96: {  	_ =	strace s5  }
0x97: {  	s5 =	sld [smem:$0x3FFD];
	_ =	sdelay $0x3  }
0x98: {  	_ =	strace s5  }
0x99: {  	_ =	strace $0x8FFFFFFF  }
0x9a: {  	s19 =	sld [smem:$0x3FDB];
	_ =	sdelay $0x1  }
0x9b: {  	s6 =	simm.s32 $_scs_section_size  }
0x9c: {  	s7 =	simm.s32 $_size__tile_overlayer_lowered;
	s8 =	simm.s32 $_tile_overlayer_lowered  }
0x9d: {  	s22 =	simm.s32 $0x1BFF;
	s21 =	sshll.u32 s8, $0x1;
	s5 =	sadd.s32 s6, s19  }
0x9e: {  	s9 =	simm.s32 $0x0;
	s20 =	sshll.u32 s7, $0x1;
	s7 =	sadd.s32 s21, s5  }
0x9f: {  	[timem:s9], [sflag:s22] =	dma.local [hbm:s7], s20  }
0xa0: {  	_ =	swait.ge [sflag:s22], s20  }
0xa1: {  	s6 =	ssub.s32 $0x0, s20;
	[sflag:s22] =	ssyncset.done $0x0  }
0xa2: {  	[sflag:s22] =	ssyncadd.s32 s6;
	_ =	sdelay $0x1  }
0xa3: {  	s23 =	simm.s32 $0x1B8B  }
0xa4: {  	_ =	swait.ge [sflag:s23], $0x1  }
0xa5: {  	[sflag:s23] =	ssyncset.done $0x0  }
0xa6: {  	s25 =	simm.s32 $0x1B8E;
	s24 =	sld [smem:$0x3FFE];
	[sflag:s23] =	ssyncadd.s32 $0xFFFFFFFF  }
0xa7: {  	s26 =	simm.s32 $execute0_lowered;
	[smem:$0x3FD2] =	sst s25  }
0xa8: {  	s7 =	sshll.u32 s26, $0x1;
	_ =	strace $0x8000004C;
	[dreg:$0x1] =	wrdreg $0xFFFFFFFF  }
0xa9: {  	s28 =	simm.s32 $_size_execute0_lowered;
	s5 =	sadd.s32 s5, s7;
	[dreg:$0x0] =	wrdreg $0x0  }
0xaa: {  	s7 =	sshll.u32 s28, $0x1;
	[dreg:$0x2] =	wrdreg s5  }
0xab: {  	[dreg:$0x3] =	wrdreg s7  }
0xac: {  	[dreg:$0x4] =	wrdreg $0xC0  }
0xad: {  	_ =	task [dreg:s9], $0x5FFFF  }
0xae: {  	[dreg:$0x1] =	wrdreg $0xFFFFFFFF  }
0xaf: {  	[dreg:$0x0] =	wrdreg $0x60  }
0xb0: {  	[dreg:$0x2] =	wrdreg s24  }
0xb1: {  	[dreg:$0x3] =	wrdreg s4  }
0xb2: {  	[dreg:$0x4] =	wrdreg s2  }
0xb3: {  	[dreg:$0x5] =	wrdreg s18  }
0xb4: {  	[dreg:$0x6] =	wrdreg $0x9FC00  }
0xb5: {  	[dreg:$0x7] =	wrdreg $0x9  }
0xb6: {  	_ =	task.clear_ibuf [dreg:s9], $0x8FFFF;
	_ =	strace $0x9000004C  }
0xb7: {  	s29 =	simm.s32 $0x9;
	_ =	strace $0x8000004E  }
0xb8: {  	_ =	swait.ge [sflag:s29], $0x1  }
0xb9: {  	[sflag:s29] =	ssyncadd.s32 $0xFFFFFFFF  }
0xba: {  	_ =	strace $0x9000004E  }
0xbb: {  	_ =	sfence  }
0xbc: {  	s30 =	sld [smem:$0x0];
	_ =	sdelay $0x2  }
0xbd: {  	s31 =	sshll.u32 s1, $0xD;
	s1 =	sshrl.u32 s1, $0x2  }
0xbe: {  	s3 =	sand.u32 $0x4000, s31;
	s1 =	sadd.s32 s1, s30  }
0xbf: {  	s0 =	sor.u32 s3, s0;
	s1 =	sshll.u32 s1, $0x11  }
0xc0: {  	s0 =	sor.u32 s1, s0  }
0xc1: {  	s0 =	sadd.s32 $0x8F2B, s0  }
0xc2: {  	[sflag:s0] =	ssyncadd.remote.s32 $0x1  }
0xc3: {  	_ =	sfence.sel $0xFFFF  }
0xc4: {  	[dreg:$0x0] =	wrdreg $0xFFFFFFFF;
	(pc) =	sbr.abs _section_cstart, $3  }
0xc5: {  	[dreg:$0x1] =	wrdreg $0xFFFFFFFF  }
0xc6: {  	_ =	task.clear_ibuf [dreg:s9], $0x2FFFF;
	_ =	strace $0x9FFFFFFF  }
0xc7: {  	(tm) =	ssettm $0x7FFFFFFF  }
tec
execute0_lowered:
.L_overlay_start_1:
0x0: {  	(tag) =	ssettag $0x1  }
0x1: {  	s0 =	rddreg [dreg:$0x0]  }
0x2: {  	s1 =	rddreg [dreg:$0x1]  }
0x3: {  	s5 =	rddreg [dreg:$0x4]  }
0x4: {  	s2 =	srdreg.scid;
	s11 =	stileid.u32  }
0x5: {  	s6 =	simm.s32 $0x0;
	s31 =	simm.s32 $0x6870;
	s28 =	simm.s32 $0x4  }
0x6: {  	s29 =	simm.s32 $0x0;
	s2 =	sand.u32 $0x1, s2;
	s3 =	smul.u32 $0x16020, s11  }
0x7: {  	[smem:$0x7FF] =	sst s6;
	s7 =	sadd.s32 $0xD400, s0;
	s8 =	sadd.s32 $0x3400, s0  }
0x8: {  	s9 =	sadd.s32 $0xD200, s0;
	s18 =	sadd.s32 $0x3200, s0;
	s19 =	smul.u32 $0x58080, s11  }
0x9: {  	s4 =	smul.u32 $0x160200, s2;
	_ =	strace $0x8000004D;
	[dreg:$0x6] =	wrdreg s9  }
0xa: {  	[dreg:$0x7] =	wrdreg s18;
	s20 =	ssub.s32 $0x2, s2;
	s2 =	sshll.u32 s2, $0x4  }
0xb: {  	s10 =	sshrl.u32 s20, $0x1;
	s2 =	sor.u32 s11, s2;
	s9 =	sshrl.u32 s19, $0x2  }
0xc: {  	s12 =	sadd.s32 s3, s5;
	s11 =	smul.u32 $0xD2, s2;
	s9 =	sadd.s32 s9, s5  }
0xd: {  	s4 =	sadd.s32 s3, s4;
	s22 =	smul.u32 $0xEC4, s2;
	s21 =	sadd.s32 $0x3600, s9  }
0xe: {  	s2 =	smul.u32 $0x4EC, s2;
	s23 =	sadd.s32 $0x6C00, s9;
	[dreg:$0x8] =	wrdreg s21  }
0xf: {  	s4 =	sshrl.u32 s4, $0x3;
	s13 =	sadd.s32 $0xA200, s9;
	[dreg:$0x9] =	wrdreg s23  }
0x10: {  	s25 =	sadd.s32 $0xD800, s9;
	s14 =	sadd.s32 $0x10E00, s9;
	[dreg:$0xa] =	wrdreg s13  }
0x11: {  	s9 =	sadd.s32 $0x14400, s9;
	s0 =	sadd.s32 s4, s0;
	[dreg:$0xb] =	wrdreg s25  }
0x12: {  	s4 =	ssub.s32 s20, s10;
	s24 =	sor.u32 $0x1, s11;
	[dreg:$0xc] =	wrdreg s14  }
0x13: {  	[dreg:$0xd] =	wrdreg s9;
	s3 =	sadd.s32 s1, s22;
	s20 =	sadd.s32 s8, s2  }
0x14: {  	s2 =	simm.s32 $0x1;
	s25 =	simm.s32 $0x30;
	s26 =	smul.u32 $0x12, s24  }
0x15: {  	s30 =	smul.u32 $0x6, s24;
	[dreg:$0xe] =	wrdreg s3;
	s23 =	sadd.s32 $0x5B600, s0  }
0x16: {  	s24 =	smax.u32 s4, $0x1;
	s0 =	simm.s32 $0x3;
	s4 =	simm.s32 $0x2  }
0x17: {  	v0 =	vimm.f32 $0.0e+00;
	s21 =	sadd.s32 s1, s26;
	s22 =	sadd.s32 s8, s30;
	s26 =	simm.s32 $0x5  }
.LBB2_1:
0x18: {  	s3 =	rddreg [dreg:$0x2];
	s9 =	simm.s32 $0x9EC0  }
0x19: {  	[tilespmem:s9], [sflag:$0x5] =	stream.linear.gather [hbm4b:s3+s6], $0x80, $0x38;
	v63 =	vld [tilespmem:$0x0]  }
0x1a: {  	_ =	swait.ge [sflag:s26], $0x80  }
0x1b: {  	[sflag:s26] =	ssyncset.done $0x0  }
0x1c: {  	[sflag:s26] =	ssyncadd.s32 $0xFFFFFF80  }
0x1d: {  	s16 =	simm.s32 $0x9F40;
	s15 =	rddreg [dreg:$0x3]  }
0x1e: {  	[tilespmem:s16], [sflag:$0x5] =	stream.linear.gather [hbm4b:s15+s6], $0x80, $0x38;
	v63 =	vld [tilespmem:$0x0]  }
0x1f: {  	_ =	swait.ge [sflag:s26], $0x80  }
0x20: {  	[sflag:s26] =	ssyncset.done $0x0  }
0x21: {  	s18 =	simm.s32 $0x9E70;
	s17 =	rddreg [dreg:$0x6];
	[sflag:s26] =	ssyncadd.s32 $0xFFFFFF80  }
0x22: {  	[tilespmem:s18], [sflag:$0x5] =	stream.linear.gather [hbm4b:s17+s6], $0x40, $0x38;
	v63 =	vld [tilespmem:$0x0]  }
0x23: {  	_ =	swait.ge [sflag:s26], $0x40  }
0x24: {  	[sflag:s26] =	ssyncset.done $0x0  }
0x25: {  	s30 =	simm.s32 $0x9EB0;
	s19 =	rddreg [dreg:$0x7];
	[sflag:s26] =	ssyncadd.s32 $0xFFFFFFC0  }
0x26: {  	[tilespmem:s30], [sflag:$0x5] =	stream.linear.gather [hbm4b:s19+s6], $0x10, $0x38;
	v63 =	vld [tilespmem:$0x0]  }
0x27: {  	_ =	swait.ge [sflag:s26], $0x10  }
0x28: {  	[sflag:s26] =	ssyncset.done $0x0  }
0x29: {  	s3 =	simm.s32 $0x0;
	s9 =	simm.s32 $0x240;
	[sflag:s26] =	ssyncadd.s32 $0xFFFFFFF0  }
.LBB2_2:
0x2a: {  	p0 =	sne.s32 s9, $0xD5C0;
	[tilespmem:s3+$0x68F0] =	vst v0  }
0x2b: {  	[tilespmem:s3+$0x6870] =	vst v0  }
0x2c: {  	[tilespmem:s3+$0x6880] =	vst v0  }
0x2d: {  	[tilespmem:s3+$0x6890] =	vst v0  }
.Ltmp0:
0x2e: {  	[tilespmem:s3+$0x68A0] =	vst v0;
	(pc) =	sbr.rel @p0 .LBB2_2-.Ltmp0, $4  }
0x2f: {  	[tilespmem:s3+$0x68B0] =	vst v0  }
0x30: {  	[tilespmem:s3+$0x68C0] =	vst v0  }
0x31: {  	[tilespmem:s3+$0x68D0] =	vst v0  }
0x32: {  	[tilespmem:s3+$0x68E0] =	vst v0;
	s3 =	sshra.s32 s9, $0x2;
	s9 =	sadd.s32 $0x240, s9  }
0x33: {  	[tilespmem:s3+$0x68F0] =	vst v0  }
0x34: {  	[tilespmem:s3+$0x6870] =	vst v0  }
0x35: {  	[tilespmem:s3+$0x6880] =	vst v0  }
0x36: {  	[tilespmem:s3+$0x6890] =	vst v0  }
0x37: {  	[tilespmem:s3+$0x68A0] =	vst v0  }
0x38: {  	[tilespmem:s3+$0x68B0] =	vst v0  }
0x39: {  	[tilespmem:s3+$0x68C0] =	vst v0  }
0x3a: {  	[tilespmem:s3+$0x68D0] =	vst v0  }
0x3b: {  	[tilespmem:s3+$0x68E0] =	vst v0  }
0x3c: {  	[spmem:s12] =	stream.linear.scatter [tilespmem:s31], [sflag:$0x5], $0x3600, $0x38;
	v63 =	vld [tilespmem:$0x0]  }
0x3d: {  	_ =	swait.ge [sflag:s26], $0x3600  }
0x3e: {  	[sflag:s26] =	ssyncset.done $0x0  }
0x3f: {  	s18 =	rddreg [dreg:$0x8];
	[sflag:s26] =	ssyncadd.s32 $0xFFFFCA00  }
0x40: {  	[spmem:s18] =	stream.linear.scatter [tilespmem:s31], [sflag:$0x5], $0x3600, $0x38;
	v63 =	vld [tilespmem:$0x0]  }
0x41: {  	_ =	swait.ge [sflag:s26], $0x3600  }
0x42: {  	[sflag:s26] =	ssyncset.done $0x0  }
0x43: {  	s19 =	rddreg [dreg:$0x9];
	[sflag:s26] =	ssyncadd.s32 $0xFFFFCA00  }
0x44: {  	[spmem:s19] =	stream.linear.scatter [tilespmem:s31], [sflag:$0x5], $0x3600, $0x38;
	v63 =	vld [tilespmem:$0x0]  }
0x45: {  	_ =	swait.ge [sflag:s26], $0x3600  }
0x46: {  	[sflag:s26] =	ssyncset.done $0x0  }
0x47: {  	s9 =	rddreg [dreg:$0xa];
	[sflag:s26] =	ssyncadd.s32 $0xFFFFCA00  }
0x48: {  	[spmem:s9] =	stream.linear.scatter [tilespmem:s31], [sflag:$0x5], $0x3600, $0x38;
	v63 =	vld [tilespmem:$0x0]  }
0x49: {  	_ =	swait.ge [sflag:s26], $0x3600  }
0x4a: {  	[sflag:s26] =	ssyncset.done $0x0  }
0x4b: {  	s10 =	rddreg [dreg:$0xb];
	[sflag:s26] =	ssyncadd.s32 $0xFFFFCA00  }
0x4c: {  	[spmem:s10] =	stream.linear.scatter [tilespmem:s31], [sflag:$0x5], $0x3600, $0x38;
	v63 =	vld [tilespmem:$0x0]  }
0x4d: {  	_ =	swait.ge [sflag:s26], $0x3600  }
0x4e: {  	[sflag:s26] =	ssyncset.done $0x0  }
0x4f: {  	s13 =	rddreg [dreg:$0xc];
	[sflag:s26] =	ssyncadd.s32 $0xFFFFCA00  }
0x50: {  	[spmem:s13] =	stream.linear.scatter [tilespmem:s31], [sflag:$0x5], $0x3600, $0x38;
	v63 =	vld [tilespmem:$0x0]  }
0x51: {  	_ =	swait.ge [sflag:s26], $0x3600  }
0x52: {  	[sflag:s26] =	ssyncset.done $0x0  }
0x53: {  	s14 =	rddreg [dreg:$0xd];
	[sflag:s26] =	ssyncadd.s32 $0xFFFFCA00  }
0x54: {  	[spmem:s14] =	stream.linear.scatter [tilespmem:s31], [sflag:$0x5], $0x1C20, $0x38;
	v63 =	vld [tilespmem:$0x0]  }
0x55: {  	_ =	swait.ge [sflag:s26], $0x1C20  }
0x56: {  	[sflag:s26] =	ssyncset.done $0x0  }
0x57: {  	[sflag:s26] =	ssyncadd.s32 $0xFFFFE3E0  }
0x58: {  	[bflag:$0x0] =	sbarrier.arrive $0xFFFF  }
0x59: {  	v1 =	vld [tilespmem:$0x9EC0]  }
0x5a: {  	v2 =	vld [tilespmem:$0x9ED0]  }
0x5b: {  	v3 =	vld [tilespmem:$0x9EE0]  }
0x5c: {  	v4 =	vld [tilespmem:$0x9EF0]  }
0x5d: {  	v5 =	vld [tilespmem:$0x9F00]  }
0x5e: {  	v6 =	vld [tilespmem:$0x9F10]  }
0x5f: {  	v7 =	vld [tilespmem:$0x9F20]  }
0x60: {  	v8 =	vld [tilespmem:$0x9F30]  }
0x61: {  	v9 =	vld [tilespmem:$0x9F40]  }
0x62: {  	v10 =	vld [tilespmem:$0x9F50]  }
0x63: {  	v11 =	vld [tilespmem:$0x9F60]  }
0x64: {  	v12 =	vld [tilespmem:$0x9F70]  }
0x65: {  	v13 =	vld [tilespmem:$0x9F80]  }
0x66: {  	v14 =	vld [tilespmem:$0x9F90]  }
0x67: {  	v15 =	vld [tilespmem:$0x9FA0]  }
0x68: {  	v16 =	vld [tilespmem:$0x9FB0]  }
0x69: {  	v18 =	vld [tilespmem:$0x9E70]  }
0x6a: {  	v19 =	vld [tilespmem:$0x9E80]  }
0x6b: {  	v20 =	vld [tilespmem:$0x9E90]  }
0x6c: {  	s30 =	simm.s32 $0x0;
	v21 =	vld [tilespmem:$0x9EA0];
	s15 =	rddreg [dreg:$0xe]  }
0x6d: {  	v17 =	vld [tilespmem:$0x9EB0];
	[tilespmem:s30], [sflag:$0x1] =	stream.linear.gather [hbm4b:s15+s30], $0x90, $0x38  }
0x6e: {  	s16 =	simm.s32 $0x270  }
0x6f: {  	[tilespmem:s16], [sflag:$0x2] =	stream.linear.gather [hbm4b:s20+s30], $0x30, $0x38;
	v63 =	vld [tilespmem:$0x0]  }
0x70: {  	_ =	swait.ge [sflag:s2], $0x90  }
0x71: {  	[sflag:s2] =	ssyncset.done $0x0  }
0x72: {  	[sflag:s2] =	ssyncadd.s32 $0xFFFFFF70  }
0x73: {  	v22 =	vld [tilespmem:$0x0]  }
0x74: {  	v23 =	vld [tilespmem:$0x30]  }
0x75: {  	v24 =	vld [tilespmem:$0x60]  }
0x76: {  	v25 =	vld [tilespmem:$0x10]  }
0x77: {  	v26 =	vld [tilespmem:$0x40]  }
0x78: {  	v61 =	vld [tilespmem:$0x50];
	[tilespmem:$0x120] =	vst v22  }
0x79: {  	v62 =	vld [tilespmem:$0x80];
	[tilespmem:$0x150] =	vst v23  }
0x7a: {  	v22 =	vld [tilespmem:$0x70];
	[tilespmem:$0x1E0] =	vst v24  }
0x7b: {  	v23 =	vld [tilespmem:$0x20];
	[tilespmem:$0x130] =	vst v25  }
0x7c: {  	[tilespmem:$0x160] =	vst v26  }
0x7d: {  	[tilespmem:$0x170] =	vst v61  }
0x7e: {  	[tilespmem:$0x200] =	vst v62  }
0x7f: {  	[tilespmem:$0x1F0] =	vst v22  }
0x80: {  	s17 =	simm.s32 $0x90;
	[tilespmem:$0x140] =	vst v23  }
0x81: {  	[tilespmem:s17], [sflag:$0x1] =	stream.linear.gather [hbm4b:s21+s30], $0x90, $0x38;
	v63 =	vld [tilespmem:$0x0]  }
0x82: {  	s18 =	simm.s32 $0x2A0  }
0x83: {  	[tilespmem:s18], [sflag:$0x2] =	stream.linear.gather [hbm4b:s22+s30], $0x30, $0x38;
	v63 =	vld [tilespmem:$0x0]  }
0x84: {  	s19 =	simm.s32 $0x60;
	s9 =	simm.s32 $0x120;
	s10 =	simm.s32 $0x870;
	v18 =	vand.u32 $0xF, v18  }
0x85: {  	v19 =	vand.u32 $0xF, v19;
	v20 =	vand.u32 $0xF, v20;
	v21 =	vand.u32 $0xF, v21;
	[tilespmem:s10], [sflag:$0x3] =	stream.indirect.gather [hbm4b:s7+s19], $0x80, s9, s19, $0xb8;
	v63 =	vld [tilespmem:$0x0]  }
.LBB2_4:
0x86: {  	p0 =	slt.u32 s30, $0x2  }
0x87: {  	p1 =	seq.s32 @!p0 s30, $0xD1  }
0x88: {  	p1 =	por p0, !p1  }
.Ltmp1:
0x89: {  	_ = 	snop;
	(pc) =	sbr.rel @p1 .LBB2_6-.Ltmp1, $4  }
0x8a: {  	s3 =	simm.s32 @!p0 $0x4  }
0x8b: {  	_ =	swait.ge @!p0 [sflag:s3], $0x1B00  }
0x8c: {  	[sflag:s3] =	ssyncset.done @!p0 $0x0  }
0x8d: {  	[sflag:s3] =	ssyncadd.s32 @!p0 $0xFFFFE500  }
.Ltmp2:
0x8e: {  	(pc) =	sbr.rel .LBB2_7-.Ltmp2, $3  }
0x8f: {  	_ =	sdelay $0x1  }
0x90: {  	p1 =	por @!p0 $0x1, $0x1  }
0x91: {  	s3 =	simm.s32 @!p0 $0xD2;
	s9 =	simm.s32 @!p0 $0xD3;
	p0 =	por @!p0 $0x0, $0x0  }
.LBB2_6:
0x92: {  	s3 =	sadd.s32 $0x1, s30  }
0x93: {  	s9 =	sand.u32 $0x1, s3  }
0x94: {  	_ =	swait.ge [sflag:s2], $0x90;
	s10 =	smul.u32 $0x240, s9  }
0x95: {  	[sflag:s2] =	ssyncset.done $0x0  }
0x96: {  	[sflag:s2] =	ssyncadd.s32 $0xFFFFFF70;
	s10 =	sshrl.u32 s10, $0x2  }
0x97: {  	v22 =	vld [tilespmem:s10+$0x0];
	_ =	sdelay $0x1  }
0x98: {  	s9 =	smul.u32 $0x180, s9;
	_ =	sdelay $0x1  }
0x99: {  	s9 =	sshrl.u32 s9, $0x2  }
0x9a: {  	[tilespmem:s9+$0x120] =	vst v22  }
0x9b: {  	v22 =	vld [tilespmem:s10+$0x30]  }
0x9c: {  	s13 =	smul.u32 $0xAB, s3;
	_ =	sdelay $0x1  }
0x9d: {  	s13 =	sshrl.u32 s13, $0x9  }
0x9e: {  	s13 =	sand.u32 $0x7F, s13  }
0x9f: {  	s13 =	smul.u32 $0x3, s13;
	[tilespmem:s9+$0x150] =	vst v22  }
0xa0: {  	v22 =	vld [tilespmem:s10+$0x60]  }
0xa1: {  	s13 =	ssub.s32 s3, s13  }
0xa2: {  	s13 =	smul.u32 $0x30, s13;
	_ =	sdelay $0x1  }
0xa3: {  	s13 =	sand.u32 $0xF0, s13  }
0xa4: {  	[tilespmem:s13+$0x1E0] =	vst v22  }
0xa5: {  	v22 =	vld [tilespmem:s10+$0x10];
	_ =	sdelay $0x4  }
0xa6: {  	[tilespmem:s9+$0x130] =	vst v22  }
0xa7: {  	v22 =	vld [tilespmem:s10+$0x40];
	_ =	sdelay $0x4  }
0xa8: {  	[tilespmem:s9+$0x160] =	vst v22  }
0xa9: {  	v22 =	vld [tilespmem:s10+$0x70];
	_ =	sdelay $0x4  }
0xaa: {  	[tilespmem:s13+$0x1F0] =	vst v22  }
0xab: {  	v22 =	vld [tilespmem:s10+$0x20];
	_ =	sdelay $0x4  }
0xac: {  	[tilespmem:s9+$0x140] =	vst v22  }
0xad: {  	v22 =	vld [tilespmem:s10+$0x50];
	_ =	sdelay $0x4  }
0xae: {  	p2 =	sgt.u32 s30, $0xCF;
	[tilespmem:s9+$0x170] =	vst v22  }
0xaf: {  	p3 =	por @!p2 $0x0, $0x0;
	s9 =	sadd.s32 @!p2 $0x2, s30;
	v22 =	vld [tilespmem:s10+$0x80];
	s10 =	sand.u32 @!p2 $0x1, s30  }
0xb0: {  	p1 =	por @!p2 $0x1, $0x1;
	s14 =	sadd.s32 @!p2 s11, s9;
	p0 =	seq.s32 @!p2 s10, $0x1  }
0xb1: {  	s10 =	smul.u32 @!p2 $0x12, s14;
	s14 =	simm.s32 @!p2 $0x90;
	p0 =	por !p0, p2  }
0xb2: {  	s3 =	simm.s32 @p2 $0xD1;
	s14 =	simm.s32 @p0 $0x0;
	p0 =	por $0x0, $0x0  }
0xb3: {  	s9 =	simm.s32 @p2 $0xD2;
	p0 =	por @!p2 p1, p1;
	p1 =	por $0x0, $0x0  }
0xb4: {  	s10 =	sadd.s32 @!p2 s1, s10;
	[tilespmem:s13+$0x200] =	vst v22;
	s13 =	simm.s32 @!p2 $0x0;
	p1 =	por @!p2 p3, p3  }
0xb5: {  	[tilespmem:s14], [sflag:$0x1] =	stream.linear.gather @!p2 [hbm4b:s10+s13], $0x90, $0x38;
	v63 =	vld [tilespmem:$0x0]  }
.LBB2_7:
0xb6: {  	s10 =	sand.u32 @!p1 $0x1, s3  }
0xb7: {  	_ =	swait.ge [sflag:s0], $0x3000;
	s14 =	sand.u32 $0x1, s30;
	p2 =	seq.s32 @!p1 s10, $0x1  }
0xb8: {  	s13 =	simm.s32 @!p1 $0x60;
	s10 =	simm.s32 @!p1 $0x60;
	p2 =	por !p2, p1  }
0xb9: {  	[sflag:s0] =	ssyncset.done $0x0;
	s16 =	smul.u32 $0x30, s14;
	s10 =	simm.s32 @p2 $0x0  }
0xba: {  	s17 =	smul.u32 $0xC000, s14;
	[sflag:s0] =	ssyncadd.s32 $0xFFFFD000;
	s15 =	sshll.u32 @!p1 s10, $0x7  }
0xbb: {  	s16 =	sadd.s32 $0x270, s16;
	s10 =	sadd.s32 @!p1 $0x120, s10;
	s15 =	sor.u32 @!p1 $0x870, s15  }
0xbc: {  	[tilespmem:s15], [sflag:$0x3] =	stream.indirect.gather @!p1 [hbm4b:s7+s13], $0x80, s10, s13, $0xb8;
	v63 =	vld [tilespmem:$0x0]  }
0xbd: {  	v22 =	vmov s16;
	_ =	swait.ge [sflag:s4], $0x30  }
0xbe: {  	s18 =	sshrl.u32 s17, $0x2;
	[sflag:s4] =	ssyncset.done $0x0  }
0xbf: {  	s10 =	sadd.s32 $0x20E0, s18;
	s13 =	simm.s32 $0x0;
	[sflag:s4] =	ssyncadd.s32 $0xFFFFFFD0  }
0xc0: {  	s19 =	sand.u32 $0xC0, s13;
	v23 =	vld [tilespmem:s10+$0xFFFFE7B0]  }
0xc1: {  	s15 =	sshrl.u32 s19, $0x2;
	v24 =	vld [tilespmem:s10+$0xFFFFE7A0]  }
0xc2: {  	v26 =	vld.idx.msk [tilespmem:v22+s15+$0x0 ss:$0x1], $0xffff  }
0xc3: {  	v29 =	vld [tilespmem:s10+$0xFFFFFFA0]  }
0xc4: {  	v28 =	vld [tilespmem:s10+$0xFFFFFF90]  }
0xc5: {  	v30 =	vld [tilespmem:s10+$0xFFFFFFB0]  }
0xc6: {  	v25 =	vld [tilespmem:s10+$0xFFFFE790]  }
0xc7: {  	v31 =	vld [tilespmem:s10+$0xFFFFFFD0]  }
0xc8: {  	v34 =	vld [tilespmem:s10+$0xFFFFFFE0]  }
0xc9: {  	v27 =	vmov s13;
	v37 =	vld [tilespmem:s10+$0xFFFFFFC0]  }
0xca: {  	v32 =	vperm.xlane v26, v27;
	v26 =	vld [tilespmem:s10+$0xFFFFE7D0]  }
0xcb: {  	v27 =	vld [tilespmem:s10+$0xFFFFE7E0];
	v30 =	vadd.f32 v30, v23  }
0xcc: {  	v35 =	vadd.f32 v28, v25;
	v28 =	vld [tilespmem:s10+$0xFFFFE7C0];
	v33 =	vmul.f32 v32, v3;
	v36 =	vmul.f32 v32, v1  }
0xcd: {  	v29 =	vadd.f32 v29, v24;
	v38 =	vmul.f32 v32, v7;
	v46 =	vmul.f32 v32, v2  }
0xce: {  	v39 =	vmul.f32 v32, v5;
	v47 =	vmul.f32 v32, v4;
	v35 =	vadd.f32 v35, v36  }
0xcf: {  	v40 =	vmul.f32 v32, v6;
	v30 =	vadd.f32 v30, v33;
	v33 =	vadd.f32 v29, v46  }
0xd0: {  	v31 =	vadd.f32 v31, v26;
	v34 =	vadd.f32 v34, v27;
	v42 =	vmul.f32 $2.000000030e-01, v35  }
0xd1: {  	v37 =	vadd.f32 v37, v28;
	v41 =	vmul.f32 $2.000000030e-01, v30;
	vm1 =	vgt.f32 v35, $0.0e+00  }
0xd2: {  	v49 =	vld [tilespmem:s10+$0xFFFFFFF0];
	vm0 =	vgt.f32 v30, $0.0e+00;
	v48 =	vmul.f32 $2.000000030e-01, v33;
	v29 =	vsel vm1, v35, v42  }
0xd3: {  	vm10 =	vgt.f32 v33, $0.0e+00;
	v41 =	vsel vm0, v30, v41;
	v30 =	vmul.f32 v29, v9;
	v29 =	vld [tilespmem:s10+$0xFFFFE7F0]  }
0xd4: {  	v51 =	vld [tilespmem:s10+$0x0];
	v31 =	vadd.f32 v31, v39;
	v50 =	vadd.f32 v37, v47;
	v33 =	vsel vm10, v33, v48  }
0xd5: {  	v32 =	vmul.f32 v32, v8;
	v33 =	vmul.f32 v33, v10;
	v52 =	vadd.f32 $0.0e+00, v30;
	v30 =	vld [tilespmem:s10+$0xFFFFE800]  }
0xd6: {  	v34 =	vadd.f32 v34, v40;
	vm11 =	vgt.f32 v31, $0.0e+00;
	v53 =	vmul.f32 $2.000000030e-01, v50  }
0xd7: {  	v54 =	vmul.f32 v41, v11;
	vm12 =	vgt.f32 v50, $0.0e+00;
	v33 =	vadd.f32 v33, v52  }
0xd8: {  	v39 =	vmul.f32 $2.000000030e-01, v31;
	v35 =	vsel vm12, v50, v53;
	v55 =	vadd.f32 v49, v29  }
0xd9: {  	v56 =	vmul.f32 $2.000000030e-01, v34;
	v35 =	vmul.f32 v35, v12;
	v33 =	vadd.f32 v54, v33  }
0xda: {  	v31 =	vsel vm11, v31, v39;
	v57 =	vadd.f32 v55, v38;
	v36 =	vadd.f32 v51, v30  }
0xdb: {  	vm13 =	vgt.f32 v34, $0.0e+00;
	v31 =	vmul.f32 v31, v13;
	v33 =	vadd.f32 v35, v33  }
0xdc: {  	v34 =	vsel vm13, v34, v56;
	v58 =	vmul.f32 $2.000000030e-01, v57;
	v32 =	vadd.f32 v36, v32  }
0xdd: {  	v59 =	vmul.f32 v34, v14;
	vm14 =	vgt.f32 v57, $0.0e+00;
	v31 =	vadd.f32 v31, v33  }
0xde: {  	v60 =	vsel vm14, v57, v58;
	v61 =	vmul.f32 $2.000000030e-01, v32  }
0xdf: {  	vm15 =	vgt.f32 v32, $0.0e+00;
	v31 =	vadd.f32 v59, v31;
	v62 =	vmul.f32 v60, v15  }
0xe0: {  	v32 =	vsel vm15, v32, v61  }
0xe1: {  	v31 =	vadd.f32 v62, v31;
	v32 =	vmul.f32 v32, v16;
	_ =	sdelay $0x1  }
0xe2: {  	v31 =	vadd.f32 v32, v31;
	_ =	sdelay $0x1  }
0xe3: {  	v32 =	vperm.xlane v31, v18;
	_ =	sdelay $0x1  }
0xe4: {  	v31 =	vadd.f32 v31, v32;
	_ =	sdelay $0x1  }
0xe5: {  	s14 =	smul.u32 $0x6C00, s14;
	v32 =	vperm.xlane v31, v19;
	_ =	sdelay $0x1  }
0xe6: {  	s14 =	sshrl.u32 s14, $0x2;
	v31 =	vadd.f32 v31, v32  }
0xe7: {  	s16 =	sadd.s32 $0x68B0, s14  }
0xe8: {  	s17 =	simm.s32 $0x1;
	s15 =	smov.u32 s16;
	v32 =	vperm.xlane v31, v20  }
.LBB2_8:
0xe9: {  	s13 =	sadd.s32 $0x4, s13;
	s10 =	sadd.s32 $0x80, s10;
	s16 =	sadd.s32 $0x90, s16  }
0xea: {  	p1 =	sne.s32 s17, $0x2F;
	s18 =	smov.u32 s17;
	s17 =	sadd.s32 $0x1, s17;
	v31 =	vadd.f32 v31, v32  }
0xeb: {  	_ = 	snop  }
0xec: {  	v32 =	vperm.xlane v31, v21;
	_ =	sdelay $0x1  }
0xed: {  	v31 =	vadd.f32 v31, v32;
	_ =	sdelay $0x1  }
0xee: {  	v31 =	vmul.f32 $1.442695020e+00, v31;
	_ =	sdelay $0x1  }
0xef: {  	(erf) = vpow2.f32 v31;
	_ =	sdelay $0x3  }
0xf0: {  	s19 =	sand.u32 $0xC0, s13  }
0xf1: {  	s19 =	sshrl.u32 s19, $0x2;
	_ =	sdelay $0x3  }
0xf2: {  	v31 =	vpop (erf)  }
0xf3: {  	v26 =	vmul.f32 v31, v26;
	v27 =	vmul.f32 v31, v27  }
0xf4: {  	v25 =	vmul.f32 v31, v25;
	v24 =	vmul.f32 v31, v24  }
0xf5: {  	v23 =	vmul.f32 v31, v23;
	v28 =	vmul.f32 v31, v28;
	[tilespmem:s15+$0x0] =	vst v26  }
0xf6: {  	v26 =	vmul.f32 v31, v29;
	[tilespmem:s15+$0x10] =	vst v27;
	v27 =	vmul.f32 v31, v30  }
0xf7: {  	[tilespmem:s15+$0xFFFFFFC0] =	vst v25  }
0xf8: {  	[tilespmem:s15+$0xFFFFFFD0] =	vst v24  }
0xf9: {  	[tilespmem:s15+$0xFFFFFFE0] =	vst v23  }
0xfa: {  	[tilespmem:s15+$0x30] =	vst v27  }
0xfb: {  	v23 =	vmul.f32 v31, v17;
	[tilespmem:s15+$0xFFFFFFF0] =	vst v28  }
0xfc: {  	[tilespmem:s15+$0x20] =	vst v26  }
0xfd: {  	[tilespmem:s15+$0x40] =	vst v23;
	s15 =	smov.u32 s16;
	_ =	sdelay $0x2  }
0xfe: {  	v23 =	vld [tilespmem:s10+$0xFFFFE7B0]  }
0xff: {  	v24 =	vld [tilespmem:s10+$0xFFFFE7A0]  }
0x100: {  	v26 =	vld.idx.msk [tilespmem:v22+s19+$0x0 ss:$0x1], $0xffff  }
0x101: {  	v29 =	vld [tilespmem:s10+$0xFFFFFFA0]  }
0x102: {  	v28 =	vld [tilespmem:s10+$0xFFFFFF90]  }
0x103: {  	v30 =	vld [tilespmem:s10+$0xFFFFFFB0]  }
0x104: {  	v25 =	vld [tilespmem:s10+$0xFFFFE790]  }
0x105: {  	v27 =	vmov s18;
	v31 =	vld [tilespmem:s10+$0xFFFFFFD0]  }
0x106: {  	v32 =	vperm.xlane v26, v27;
	v26 =	vld [tilespmem:s10+$0xFFFFE7D0]  }
0x107: {  	v27 =	vld [tilespmem:s10+$0xFFFFE7E0]  }
0x108: {  	v33 =	vmul.f32 v32, v3;
	v35 =	vmul.f32 v32, v7;
	v30 =	vadd.f32 v30, v23;
	v34 =	vld [tilespmem:s10+$0xFFFFFFE0]  }
0x109: {  	v37 =	vmul.f32 v32, v1;
	v39 =	vmul.f32 v32, v5;
	v36 =	vadd.f32 v28, v25;
	v38 =	vld [tilespmem:s10+$0xFFFFFFC0]  }
0x10a: {  	v40 =	vmul.f32 v32, v2;
	v30 =	vadd.f32 v30, v33;
	v28 =	vld [tilespmem:s10+$0xFFFFE7C0];
	v33 =	vmul.f32 v32, v4  }
0x10b: {  	v29 =	vadd.f32 v29, v24;
	v36 =	vadd.f32 v36, v37;
	v37 =	vmul.f32 v32, v6  }
0x10c: {  	v31 =	vadd.f32 v31, v26;
	vm0 =	vgt.f32 v30, $0.0e+00;
	v41 =	vmul.f32 $2.000000030e-01, v30  }
0x10d: {  	v29 =	vadd.f32 v29, v40;
	v42 =	vmul.f32 $2.000000030e-01, v36;
	v34 =	vadd.f32 v34, v27  }
0x10e: {  	vm1 =	vgt.f32 v36, $0.0e+00;
	v40 =	vsel vm0, v30, v41;
	v30 =	vadd.f32 v31, v39  }
0x10f: {  	v31 =	vsel vm1, v36, v42;
	v36 =	vmul.f32 $2.000000030e-01, v29;
	v34 =	vadd.f32 v34, v37  }
0x110: {  	vm0 =	vgt.f32 v29, $0.0e+00;
	v37 =	vadd.f32 v38, v28;
	v31 =	vmul.f32 v31, v9;
	v38 =	vld [tilespmem:s10+$0xFFFFFFF0]  }
0x111: {  	v39 =	vmul.f32 $2.000000030e-01, v30;
	v36 =	vsel vm0, v29, v36;
	vm0 =	vgt.f32 v30, $0.0e+00;
	v29 =	vld [tilespmem:s10+$0xFFFFE7F0]  }
0x112: {  	v33 =	vadd.f32 v37, v33;
	v31 =	vadd.f32 $0.0e+00, v31;
	v36 =	vmul.f32 v36, v10;
	v37 =	vld [tilespmem:s10+$0x0]  }
0x113: {  	v32 =	vmul.f32 v32, v8;
	v41 =	vmul.f32 $2.000000030e-01, v34;
	v39 =	vsel vm0, v30, v39;
	v30 =	vld [tilespmem:s10+$0xFFFFE800]  }
0x114: {  	vm0 =	vgt.f32 v34, $0.0e+00;
	v31 =	vadd.f32 v36, v31;
	v36 =	vmul.f32 $2.000000030e-01, v33  }
0x115: {  	v40 =	vmul.f32 v40, v11;
	vm1 =	vgt.f32 v33, $0.0e+00;
	v34 =	vsel vm0, v34, v41  }
0x116: {  	v33 =	vsel vm1, v33, v36;
	v36 =	vadd.f32 v38, v29  }
0x117: {  	v31 =	vadd.f32 v40, v31;
	v33 =	vmul.f32 v33, v12  }
0x118: {  	v35 =	vadd.f32 v36, v35;
	v36 =	vadd.f32 v37, v30  }
0x119: {  	v31 =	vadd.f32 v33, v31;
	v33 =	vmul.f32 v39, v13  }
0x11a: {  	v37 =	vmul.f32 $2.000000030e-01, v35;
	v32 =	vadd.f32 v36, v32  }
0x11b: {  	vm0 =	vgt.f32 v35, $0.0e+00;
	v31 =	vadd.f32 v33, v31;
	v33 =	vmul.f32 v34, v14  }
0x11c: {  	v34 =	vsel vm0, v35, v37;
	v35 =	vmul.f32 $2.000000030e-01, v32  }
0x11d: {  	vm0 =	vgt.f32 v32, $0.0e+00;
	v31 =	vadd.f32 v33, v31;
	v33 =	vmul.f32 v34, v15  }
0x11e: {  	v32 =	vsel vm0, v32, v35  }
0x11f: {  	v31 =	vadd.f32 v33, v31;
	v32 =	vmul.f32 v32, v16;
	_ =	sdelay $0x1  }
0x120: {  	v31 =	vadd.f32 v32, v31;
	_ =	sdelay $0x1  }
0x121: {  	v32 =	vperm.xlane v31, v18;
	_ =	sdelay $0x1  }
0x122: {  	v31 =	vadd.f32 v31, v32;
	_ =	sdelay $0x1  }
.Ltmp3:
0x123: {  	v32 =	vperm.xlane v31, v19;
	(pc) =	sbr.rel @p1 .LBB2_8-.Ltmp3, $3  }
0x124: {  	_ = 	snop  }
0x125: {  	v31 =	vadd.f32 v31, v32;
	_ =	sdelay $0x1  }
0x126: {  	v32 =	vperm.xlane v31, v20  }
0x127: {  	_ = 	snop  }
0x128: {  	v22 =	vadd.f32 v31, v32;
	_ =	sdelay $0x1  }
0x129: {  	v31 =	vperm.xlane v22, v21;
	_ =	sdelay $0x1  }
0x12a: {  	v22 =	vadd.f32 v22, v31;
	_ =	sdelay $0x1  }
0x12b: {  	v22 =	vmul.f32 $1.442695020e+00, v22;
	_ =	sdelay $0x1  }
0x12c: {  	(erf) = vpow2.f32 v22;
	_ =	sdelay $0x8  }
0x12d: {  	v22 =	vpop (erf)  }
0x12e: {  	v26 =	vmul.f32 v22, v26  }
0x12f: {  	v27 =	vmul.f32 v22, v27  }
0x130: {  	v25 =	vmul.f32 v22, v25;
	[tilespmem:s15+$0x0] =	vst v26  }
0x131: {  	s10 =	smul.u32 $0xAB, s30;
	v24 =	vmul.f32 v22, v24;
	[tilespmem:s15+$0x10] =	vst v27  }
0x132: {  	v23 =	vmul.f32 v22, v23;
	[tilespmem:s15+$0xFFFFFFC0] =	vst v25  }
0x133: {  	s10 =	sshrl.u32 s10, $0x9;
	v61 =	vmul.f32 v22, v30;
	[tilespmem:s15+$0xFFFFFFD0] =	vst v24  }
0x134: {  	s13 =	sand.u32 @p0 $0x1, s30;
	s10 =	sand.u32 $0x7F, s10;
	v62 =	vmul.f32 v22, v28;
	[tilespmem:s15+$0xFFFFFFE0] =	vst v23  }
0x135: {  	s9 =	sadd.s32 @p0 s11, s9;
	p1 =	seq.s32 @p0 s13, $0x1;
	s10 =	smul.u32 $0x3, s10;
	v23 =	vmul.f32 v22, v29;
	[tilespmem:s15+$0x30] =	vst v61  }
0x136: {  	s13 =	simm.s32 @p0 $0x2A0;
	s9 =	smul.u32 @p0 $0x6, s9;
	p1 =	por !p1, !p0;
	[tilespmem:s15+$0xFFFFFFF0] =	vst v62;
	v22 =	vmul.f32 v22, v17  }
0x137: {  	s13 =	simm.s32 @p1 $0x270;
	s10 =	ssub.s32 s30, s10;
	[tilespmem:s15+$0x20] =	vst v23  }
0x138: {  	s9 =	sadd.s32 @p0 s8, s9;
	s10 =	sand.u32 $0xFF, s10;
	[tilespmem:s15+$0x40] =	vst v22;
	s15 =	simm.s32 @p0 $0x0  }
0x139: {  	[tilespmem:s13], [sflag:$0x2] =	stream.linear.gather @p0 [hbm4b:s9+s15], $0x30, $0x38;
	v63 =	vld [tilespmem:$0x0]  }
0x13a: {  	s10 =	smul.u32 $0xC0, s10;
	p0 =	slt.u32 s3, $0xD2  }
.Ltmp4:
0x13b: {  	_ = 	snop;
	(pc) =	sbr.rel @p0 .LBB2_4-.Ltmp4, $4  }
0x13c: {  	_ = 	snop  }
0x13d: {  	s18 =	sshrl.u32 s10, $0x2  }
0x13e: {  	s19 =	sadd.s32 $0x6870, s14;
	s30 =	smov.u32 s3;
	s9 =	sadd.s32 $0x1E0, s18  }
0x13f: {  	[spmem:s5] =	stream.indirect.scatter.add.f32 [tilespmem:s19], [sflag:$0x4], $0x90, s9, s25, $0xb8;
	v63 =	vld [tilespmem:$0x0]  }
0x140: {  	_ =	swait.ge [sflag:s28], $0x1B00  }
0x141: {  	[sflag:s28] =	ssyncset.done $0x0  }
0x142: {  	[sflag:s28] =	ssyncadd.s32 $0xFFFFE500  }
0x143: {  	s3 =	stileid.u32;
	_ =	swait.ge [sflag:s28], $0x1B00  }
0x144: {  	s9 =	sshrl.u32 s12, $0x3;
	s29 =	sadd.s32 $0x1, s29;
	[sflag:s28] =	ssyncset.done $0x0  }
0x145: {  	s3 =	sshll.u32 s3, $0x6;
	p0 =	sne.s32 s29, s24;
	[sflag:s28] =	ssyncadd.s32 $0xFFFFE500  }
.Ltmp5:
0x146: {  	s3 =	sor.u32 $0x1C05, s3;
	[bflag:$0x0] =	sbarrier.arrive $0xFFFF;
	(pc) =	sbr.rel @p0 .LBB2_1-.Ltmp5, $4  }
0x147: {  	[hbm:s23], [sflag:s3] =	dma.local [spmem:s9], $0x2C04  }
0x148: {  	_ =	swait.ge [sflag:s26], $0x2C04  }
0x149: {  	[sflag:s26] =	ssyncset.done $0x0  }
0x14a: {  	[sflag:s26] =	ssyncadd.s32 $0xFFFFD3FC  }
0x14b: {  	_ =	sfence.sel $0x180000  }
0x14c: {  	[bflag:$0x0] =	sbarrier.arrive $0xFFFF  }
0x14d: {  	_ =	strace $0x9000004D  }
0x14e: {  	s0 =	stileid.u32;
	[bflag:$0x2] =	sbarrier.arrive $0xFFFF  }
0x14f: {  	p0 =	sne.s32 s0, $0x0;
	s0 =	rddreg [dreg:$0x5]  }
0x150: {  	s0 =	sadd.s32 @!p0 $0x100000, s0  }
0x151: {  	[sflag:s0] =	ssyncadd.tile.s32 @!p0 $0x1;
	_ =	shalt  }
.Lfunc_end2:
_tile_overlayer_lowered:
.L_overlay_start_2:
0x152: {  	(tag) =	ssettag $0x2  }
0x153: {  	s0 =	rddreg [dreg:$0x0];
	s2 =	stileid.u32  }
0x154: {  	s1 =	rddreg [dreg:$0x1];
	p0 =	sne.s32 s2, $0x0  }
0x155: {  	s3 =	rddreg [dreg:$0x2];
	[bflag:$0x3] =	sbarrier.arrive $0xFFFF;
	s2 =	simm.s32 @!p0 $0x1C05  }
0x156: {  	[timem:s3], [sflag:s2] =	dma.local @!p0 [hbm:s0], s1  }
0x157: {  	s0 =	simm.s32 @!p0 $0x5  }
0x158: {  	_ =	swait.ge @!p0 [sflag:s0], s1  }
0x159: {  	s1 =	ssub.s32 @!p0 $0x0, s1;
	[sflag:s0] =	ssyncset.done @!p0 $0x0  }
0x15a: {  	[sflag:s0] =	ssyncadd.s32 @!p0 s1  }
0x15b: {  	[bflag:$0x3] =	sbarrier.arrive $0xFFFF  }
0x15c: {  	_ =	shalt  }

// kernel: kernel.9.cloned.1.call-start
scs
__scs_entry_jumppad:
0x0: {  	(pc) =	sbr.rel $0x88, $3  }
0x1: {  	(tag) =	ssettag $0x0;
	lr =	simm.s32 $0x1  }
0x2: {  	[smem:$0x3F89] =	sst lr;
	_ =	strace $0xD0000000  }
0x3: {  	_ = 	snop  }
0x4: {  	_ = 	snop  }
0x5: {  	_ = 	snop  }
0x6: {  	_ = 	snop  }
0x7: {  	_ = 	snop  }
__scs_overlays_trampoline_lowered:
0x8: {  	[smem:$0x3F98] =	sst s0  }
0x9: {  	[smem:$0x3F99] =	sst s1  }
0xa: {  	[smem:$0x3F9A] =	sst s2  }
0xb: {  	[smem:$0x3F9B] =	sst s3  }
0xc: {  	[smem:$0x3F9C] =	sst s4  }
0xd: {  	[smem:$0x3F9D] =	sst s5  }
0xe: {  	[smem:$0x3F9E] =	sst s6  }
0xf: {  	[smem:$0x3F9F] =	sst s7  }
0x10: {  	[smem:$0x3FA0] =	sst s8  }
0x11: {  	[smem:$0x3FA1] =	sst s9;
	s0 =	simm.s32 @!p0 $0x0  }
0x12: {  	s1 =	sld [smem:$0x3F87];
	s0 =	simm.s32 @p0 $0x1  }
0x13: {  	[smem:$0x3FA2] =	sst s0;
	s0 =	simm.s32 @!p1 $0x0  }
0x14: {  	s2 =	sld [smem:$0x3F86];
	s0 =	simm.s32 @p1 $0x1  }
0x15: {  	[smem:$0x3FA3] =	sst s0;
	s0 =	simm.s32 @!p2 $0x0  }
0x16: {  	s3 =	sld [smem:$0x3FDB];
	s0 =	simm.s32 @p2 $0x1  }
0x17: {  	s4 =	simm.s32 $0x1BF5;
	[smem:$0x3FA5] =	sst s0  }
0x18: {  	s0 =	sld [smem:$0x3F88];
	_ =	swait.ge [sflag:s4], $0x0  }
0x19: {  	s7 =	sld [smem:$0x3F89]  }
0x1a: {  	s8 =	sadd.s32 $0xFFFFE003, lr  }
0x1b: {  	s9 =	sadd.s32 $0xFFFFFEF7, lr;
	s5 =	simm.s32 $0xFFFFFFFF;
	p2 =	slt.u32 s8, $0xFFFFF086  }
0x1c: {  	p1 =	slt.u32 s9, $0xF7A;
	s5 =	simm.s32 @!p2 $0x0  }
0x1d: {  	s5 =	simm.s32 @p1 $0x1;
	p0 =	seq.s32 s7, s2  }
0x1e: {  	s7 =	smul.u32 @!p0 $0xF7A, s2;
	p2 =	seq.s32 @!p0 s5, $0x0  }
0x1f: {  	s9 =	smul.u32 $0xF7A, s1;
	s8 =	simm.s32 @!p0 $0x1BF5;
	p2 =	por !p2, p0  }
0x20: {  	[sflag:s8] =	ssyncset.s32 @!p0 $0xFFFFF086;
	s6 =	sadd.s32 @!p0 s3, s7;
	s7 =	simm.s32 @!p0 $0x108  }
0x21: {  	s3 =	sadd.s32 s3, s9;
	s6 =	sadd.s32 @!p0 $0x88, s6;
	s7 =	simm.s32 @p2 $0x1082  }
0x22: {  	[simem:s7], [sflag:s8] =	dma.local @!p0 [hbm:s6], $0xF7A  }
0x23: {  	s9 =	sor.u32 $0xD0000000, s2;
	s6 =	simm.s32 $0x108;
	_ =	swait.ge @!p0 [sflag:s8], $0x0  }
0x24: {  	s3 =	sadd.s32 $0x88, s3;
	s6 =	simm.s32 @!p1 $0x1082;
	[sflag:s4] =	ssyncset.s32 $0xFFFFF086  }
0x25: {  	[simem:s6], [sflag:s4] =	dma.local [hbm:s3], $0xF7A  }
0x26: {  	[smem:$0x3F89] =	sst s1;
	(tag) =	ssettag s2;
	_ =	strace s9  }
0x27: {  	s1 =	sld [smem:$0x3F99]  }
0x28: {  	s2 =	sld [smem:$0x3F9A]  }
0x29: {  	s4 =	sld [smem:$0x3F9C]  }
0x2a: {  	p0 =	seq.s32 s5, $0x0;
	s5 =	sld [smem:$0x3F9D]  }
0x2b: {  	s6 =	sld [smem:$0x3F9E]  }
0x2c: {  	s7 =	sld [smem:$0x3F9F]  }
0x2d: {  	s3 =	simm.s32 $0x108;
	s8 =	sld [smem:$0x3FA0]  }
0x2e: {  	s3 =	simm.s32 @!p0 $0x1082;
	s9 =	sld [smem:$0x3FA1]  }
0x2f: {  	lr =	sadd.s32 s0, s3;
	s0 =	sld [smem:$0x3F98]  }
0x30: {  	s3 =	sld [smem:$0x3F9B]  }
0x31: {  	[smem:$0x3FA4] =	sst s10  }
0x32: {  	s10 =	sld [smem:$0x3FA2];
	_ =	sdelay $0x3  }
0x33: {  	p0 =	seq.s32 s10, $0x1;
	s10 =	sld [smem:$0x3FA4];
	_ =	sdelay $0x3  }
0x34: {  	[smem:$0x3FA4] =	sst s10  }
0x35: {  	s10 =	sld [smem:$0x3FA3];
	_ =	sdelay $0x3  }
0x36: {  	p1 =	seq.s32 s10, $0x1;
	s10 =	sld [smem:$0x3FA4];
	_ =	sdelay $0x3  }
0x37: {  	[smem:$0x3FA4] =	sst s10  }
0x38: {  	s10 =	sld [smem:$0x3FA5]  }
0x39: {  	_ = 	snop;
	(pc) =	sbr.ind lr, $3  }
0x3a: {  	_ = 	snop  }
0x3b: {  	_ = 	snop  }
0x3c: {  	p2 =	seq.s32 s10, $0x1;
	s10 =	sld [smem:$0x3FA4]  }
0x3d: {  	_ =	shalt  }
0x3e: {  	_ =	shalt  }
0x3f: {  	_ =	shalt  }
0x40: {  	_ =	shalt  }
0x41: {  	_ =	shalt  }
0x42: {  	_ =	shalt  }
0x43: {  	_ =	shalt  }
0x44: {  	_ =	shalt  }
0x45: {  	_ =	shalt  }
0x46: {  	_ =	shalt  }
0x47: {  	_ =	shalt  }
0x48: {  	_ =	shalt  }
0x49: {  	_ =	shalt  }
0x4a: {  	_ =	shalt  }
0x4b: {  	_ =	shalt  }
0x4c: {  	_ =	shalt  }
0x4d: {  	_ =	shalt  }
0x4e: {  	_ =	shalt  }
0x4f: {  	_ =	shalt  }
0x50: {  	_ =	shalt  }
0x51: {  	_ =	shalt  }
0x52: {  	_ =	shalt  }
0x53: {  	_ =	shalt  }
0x54: {  	_ =	shalt  }
0x55: {  	_ =	shalt  }
0x56: {  	_ =	shalt  }
0x57: {  	_ =	shalt  }
0x58: {  	_ =	shalt  }
0x59: {  	_ =	shalt  }
0x5a: {  	_ =	shalt  }
0x5b: {  	_ =	shalt  }
0x5c: {  	_ =	shalt  }
0x5d: {  	_ =	shalt  }
0x5e: {  	_ =	shalt  }
0x5f: {  	_ =	shalt  }
0x60: {  	_ =	shalt  }
0x61: {  	_ =	shalt  }
0x62: {  	_ =	shalt  }
0x63: {  	_ =	shalt  }
0x64: {  	_ =	shalt  }
0x65: {  	_ =	shalt  }
0x66: {  	_ =	shalt  }
0x67: {  	_ =	shalt  }
0x68: {  	_ =	shalt  }
0x69: {  	_ =	shalt  }
0x6a: {  	_ =	shalt  }
0x6b: {  	_ =	shalt  }
0x6c: {  	_ =	shalt  }
0x6d: {  	_ =	shalt  }
0x6e: {  	_ =	shalt  }
0x6f: {  	_ =	shalt  }
0x70: {  	_ =	shalt  }
0x71: {  	_ =	shalt  }
0x72: {  	_ =	shalt  }
0x73: {  	_ =	shalt  }
0x74: {  	_ =	shalt  }
0x75: {  	_ =	shalt  }
0x76: {  	_ =	shalt  }
0x77: {  	_ =	shalt  }
0x78: {  	_ =	shalt  }
0x79: {  	_ =	shalt  }
0x7a: {  	_ =	shalt  }
0x7b: {  	_ =	shalt  }
0x7c: {  	_ =	shalt  }
0x7d: {  	_ =	shalt  }
0x7e: {  	_ =	shalt  }
0x7f: {  	_ =	shalt  }
0x80: {  	_ =	shalt  }
0x81: {  	_ =	shalt  }
0x82: {  	_ =	shalt  }
0x83: {  	_ =	shalt  }
0x84: {  	_ =	shalt  }
0x85: {  	_ =	shalt  }
0x86: {  	_ =	shalt  }
0x87: {  	_ =	shalt  }
.Lfunc_end0:
.L_simem_size_0:
called_computation_lowered:
.L_overlay_start_0:
0x88: {  	s2 =	sld [smem:$0x3FD9]  }
0x89: {  	s3 =	sld [smem:$0x3FFE];
	_ =	sdelay $0x1  }
0x8a: {  	s1 =	srdreg.scid  }
0x8b: {  	s0 =	sand.u32 $0x1, s1  }
0x8c: {  	s17 =	sshll.u32 s0, $0xA;
	s2 =	sadd.s32 s3, s2  }
0x8d: {  	s2 =	sadd.s32 s2, s17  }
0x8e: {  	[smem:$0x3FB0] =	sst s2  }
0x8f: {  	_ = 	snop  }
0x90: {  	s2 =	sld [smem:$0x3FC2]  }
0x91: {  	s18 =	sld [smem:$0x3FC1]  }
0x92: {  	s4 =	sld [smem:$0x3FD0];
	(tm) =	ssettm $0x1  }
0x93: {  	s5 =	sld [smem:$0x3FFB];
	_ =	sdelay $0x3  }
0x94: {  	_ =	strace s5  }
0x95: {  	s5 =	sld [smem:$0x3FFC];
	_ =	sdelay $0x3  }
0x96: {  	_ =	strace s5  }
0x97: {  	s5 =	sld [smem:$0x3FFD];
	_ =	sdelay $0x3  }
0x98: {  	_ =	strace s5  }
0x99: {  	_ =	strace $0x8FFFFFFF  }
0x9a: {  	s19 =	sld [smem:$0x3FDB];
	_ =	sdelay $0x1  }
0x9b: {  	s6 =	simm.s32 $_scs_section_size  }
0x9c: {  	s7 =	simm.s32 $_size__tile_overlayer_lowered;
	s8 =	simm.s32 $_tile_overlayer_lowered  }
0x9d: {  	s22 =	simm.s32 $0x1BFF;
	s21 =	sshll.u32 s8, $0x1;
	s5 =	sadd.s32 s6, s19  }
0x9e: {  	s9 =	simm.s32 $0x0;
	s20 =	sshll.u32 s7, $0x1;
	s7 =	sadd.s32 s21, s5  }
0x9f: {  	[timem:s9], [sflag:s22] =	dma.local [hbm:s7], s20  }
0xa0: {  	_ =	swait.ge [sflag:s22], s20  }
0xa1: {  	s6 =	ssub.s32 $0x0, s20;
	[sflag:s22] =	ssyncset.done $0x0  }
0xa2: {  	[sflag:s22] =	ssyncadd.s32 s6;
	_ =	sdelay $0x1  }
0xa3: {  	s23 =	simm.s32 $0x1B8B  }
0xa4: {  	_ =	swait.ge [sflag:s23], $0x1  }
0xa5: {  	[sflag:s23] =	ssyncset.done $0x0  }
0xa6: {  	s25 =	simm.s32 $0x1B8E;
	s24 =	sld [smem:$0x3FFE];
	[sflag:s23] =	ssyncadd.s32 $0xFFFFFFFF  }
0xa7: {  	s26 =	simm.s32 $execute0_lowered;
	[smem:$0x3FD2] =	sst s25  }
0xa8: {  	s7 =	sshll.u32 s26, $0x1;
	_ =	strace $0x80000046;
	[dreg:$0x1] =	wrdreg $0xFFFFFFFF  }
0xa9: {  	s28 =	simm.s32 $_size_execute0_lowered;
	s5 =	sadd.s32 s5, s7;
	[dreg:$0x0] =	wrdreg $0x0  }
0xaa: {  	s7 =	sshll.u32 s28, $0x1;
	[dreg:$0x2] =	wrdreg s5  }
0xab: {  	[dreg:$0x3] =	wrdreg s7  }
0xac: {  	[dreg:$0x4] =	wrdreg $0xC0  }
0xad: {  	_ =	task [dreg:s9], $0x5FFFF  }
0xae: {  	[dreg:$0x1] =	wrdreg $0xFFFFFFFF  }
0xaf: {  	[dreg:$0x0] =	wrdreg $0x60  }
0xb0: {  	[dreg:$0x2] =	wrdreg s24  }
0xb1: {  	[dreg:$0x3] =	wrdreg s4  }
0xb2: {  	[dreg:$0x4] =	wrdreg s2  }
0xb3: {  	[dreg:$0x5] =	wrdreg s18  }
0xb4: {  	[dreg:$0x6] =	wrdreg $0x9FC00  }
0xb5: {  	[dreg:$0x7] =	wrdreg $0x9  }
0xb6: {  	_ =	task.clear_ibuf [dreg:s9], $0x8FFFF;
	_ =	strace $0x90000046  }
0xb7: {  	s29 =	simm.s32 $0x9;
	_ =	strace $0x80000048  }
0xb8: {  	_ =	swait.ge [sflag:s29], $0x1  }
0xb9: {  	[sflag:s29] =	ssyncadd.s32 $0xFFFFFFFF  }
0xba: {  	_ =	strace $0x90000048  }
0xbb: {  	_ =	sfence  }
0xbc: {  	s30 =	sld [smem:$0x0];
	_ =	sdelay $0x2  }
0xbd: {  	s31 =	sshll.u32 s1, $0xD;
	s1 =	sshrl.u32 s1, $0x2  }
0xbe: {  	s3 =	sand.u32 $0x4000, s31;
	s1 =	sadd.s32 s1, s30  }
0xbf: {  	s0 =	sor.u32 s3, s0;
	s1 =	sshll.u32 s1, $0x11  }
0xc0: {  	s0 =	sor.u32 s1, s0  }
0xc1: {  	s0 =	sadd.s32 $0x8F2B, s0  }
0xc2: {  	[sflag:s0] =	ssyncadd.remote.s32 $0x1  }
0xc3: {  	_ =	sfence.sel $0xFFFF  }
0xc4: {  	[dreg:$0x0] =	wrdreg $0xFFFFFFFF;
	(pc) =	sbr.abs _section_cstart, $3  }
0xc5: {  	[dreg:$0x1] =	wrdreg $0xFFFFFFFF  }
0xc6: {  	_ =	task.clear_ibuf [dreg:s9], $0x2FFFF;
	_ =	strace $0x9FFFFFFF  }
0xc7: {  	(tm) =	ssettm $0x7FFFFFFF  }
tec
execute0_lowered:
.L_overlay_start_1:
0x0: {  	(tag) =	ssettag $0x1  }
0x1: {  	s0 =	rddreg [dreg:$0x0]  }
0x2: {  	s1 =	rddreg [dreg:$0x1]  }
0x3: {  	s5 =	rddreg [dreg:$0x4]  }
0x4: {  	s2 =	srdreg.scid;
	s11 =	stileid.u32  }
0x5: {  	s6 =	simm.s32 $0x0;
	s31 =	simm.s32 $0x6870;
	s28 =	simm.s32 $0x4  }
0x6: {  	s29 =	simm.s32 $0x0;
	s2 =	sand.u32 $0x1, s2;
	s3 =	smul.u32 $0x16020, s11  }
0x7: {  	[smem:$0x7FF] =	sst s6;
	s7 =	sadd.s32 $0xD400, s0;
	s8 =	sadd.s32 $0x3400, s0  }
0x8: {  	s9 =	sadd.s32 $0xD200, s0;
	s18 =	sadd.s32 $0x3200, s0;
	s19 =	smul.u32 $0x58080, s11  }
0x9: {  	s4 =	smul.u32 $0x160200, s2;
	_ =	strace $0x80000047;
	[dreg:$0x6] =	wrdreg s9  }
0xa: {  	[dreg:$0x7] =	wrdreg s18;
	s20 =	ssub.s32 $0x2, s2;
	s2 =	sshll.u32 s2, $0x4  }
0xb: {  	s10 =	sshrl.u32 s20, $0x1;
	s2 =	sor.u32 s11, s2;
	s9 =	sshrl.u32 s19, $0x2  }
0xc: {  	s12 =	sadd.s32 s3, s5;
	s11 =	smul.u32 $0xD2, s2;
	s9 =	sadd.s32 s9, s5  }
0xd: {  	s4 =	sadd.s32 s3, s4;
	s22 =	smul.u32 $0xEC4, s2;
	s21 =	sadd.s32 $0x3600, s9  }
0xe: {  	s2 =	smul.u32 $0x4EC, s2;
	s23 =	sadd.s32 $0x6C00, s9;
	[dreg:$0x8] =	wrdreg s21  }
0xf: {  	s4 =	sshrl.u32 s4, $0x3;
	s13 =	sadd.s32 $0xA200, s9;
	[dreg:$0x9] =	wrdreg s23  }
0x10: {  	s25 =	sadd.s32 $0xD800, s9;
	s14 =	sadd.s32 $0x10E00, s9;
	[dreg:$0xa] =	wrdreg s13  }
0x11: {  	s9 =	sadd.s32 $0x14400, s9;
	s0 =	sadd.s32 s4, s0;
	[dreg:$0xb] =	wrdreg s25  }
0x12: {  	s4 =	ssub.s32 s20, s10;
	s24 =	sor.u32 $0x1, s11;
	[dreg:$0xc] =	wrdreg s14  }
0x13: {  	[dreg:$0xd] =	wrdreg s9;
	s3 =	sadd.s32 s1, s22;
	s20 =	sadd.s32 s8, s2  }
0x14: {  	s2 =	simm.s32 $0x1;
	s25 =	simm.s32 $0x30;
	s26 =	smul.u32 $0x12, s24  }
0x15: {  	s30 =	smul.u32 $0x6, s24;
	[dreg:$0xe] =	wrdreg s3;
	s23 =	sadd.s32 $0x5B600, s0  }
0x16: {  	s24 =	smax.u32 s4, $0x1;
	s0 =	simm.s32 $0x3;
	s4 =	simm.s32 $0x2  }
0x17: {  	v0 =	vimm.f32 $0.0e+00;
	s21 =	sadd.s32 s1, s26;
	s22 =	sadd.s32 s8, s30;
	s26 =	simm.s32 $0x5  }
.LBB2_1:
0x18: {  	s3 =	rddreg [dreg:$0x2];
	s9 =	simm.s32 $0x9EC0  }
0x19: {  	[tilespmem:s9], [sflag:$0x5] =	stream.linear.gather [hbm4b:s3+s6], $0x80, $0x38;
	v63 =	vld [tilespmem:$0x0]  }
0x1a: {  	_ =	swait.ge [sflag:s26], $0x80  }
0x1b: {  	[sflag:s26] =	ssyncset.done $0x0  }
0x1c: {  	[sflag:s26] =	ssyncadd.s32 $0xFFFFFF80  }
0x1d: {  	s16 =	simm.s32 $0x9F40;
	s15 =	rddreg [dreg:$0x3]  }
0x1e: {  	[tilespmem:s16], [sflag:$0x5] =	stream.linear.gather [hbm4b:s15+s6], $0x80, $0x38;
	v63 =	vld [tilespmem:$0x0]  }
0x1f: {  	_ =	swait.ge [sflag:s26], $0x80  }
0x20: {  	[sflag:s26] =	ssyncset.done $0x0  }
0x21: {  	s18 =	simm.s32 $0x9E70;
	s17 =	rddreg [dreg:$0x6];
	[sflag:s26] =	ssyncadd.s32 $0xFFFFFF80  }
0x22: {  	[tilespmem:s18], [sflag:$0x5] =	stream.linear.gather [hbm4b:s17+s6], $0x40, $0x38;
	v63 =	vld [tilespmem:$0x0]  }
0x23: {  	_ =	swait.ge [sflag:s26], $0x40  }
0x24: {  	[sflag:s26] =	ssyncset.done $0x0  }
0x25: {  	s30 =	simm.s32 $0x9EB0;
	s19 =	rddreg [dreg:$0x7];
	[sflag:s26] =	ssyncadd.s32 $0xFFFFFFC0  }
0x26: {  	[tilespmem:s30], [sflag:$0x5] =	stream.linear.gather [hbm4b:s19+s6], $0x10, $0x38;
	v63 =	vld [tilespmem:$0x0]  }
0x27: {  	_ =	swait.ge [sflag:s26], $0x10  }
0x28: {  	[sflag:s26] =	ssyncset.done $0x0  }
0x29: {  	s3 =	simm.s32 $0x0;
	s9 =	simm.s32 $0x240;
	[sflag:s26] =	ssyncadd.s32 $0xFFFFFFF0  }
.LBB2_2:
0x2a: {  	p0 =	sne.s32 s9, $0xD5C0;
	[tilespmem:s3+$0x68F0] =	vst v0  }
0x2b: {  	[tilespmem:s3+$0x6870] =	vst v0  }
0x2c: {  	[tilespmem:s3+$0x6880] =	vst v0  }
0x2d: {  	[tilespmem:s3+$0x6890] =	vst v0  }
.Ltmp0:
0x2e: {  	[tilespmem:s3+$0x68A0] =	vst v0;
	(pc) =	sbr.rel @p0 .LBB2_2-.Ltmp0, $4  }
0x2f: {  	[tilespmem:s3+$0x68B0] =	vst v0  }
0x30: {  	[tilespmem:s3+$0x68C0] =	vst v0  }
0x31: {  	[tilespmem:s3+$0x68D0] =	vst v0  }
0x32: {  	[tilespmem:s3+$0x68E0] =	vst v0;
	s3 =	sshra.s32 s9, $0x2;
	s9 =	sadd.s32 $0x240, s9  }
0x33: {  	[tilespmem:s3+$0x68F0] =	vst v0  }
0x34: {  	[tilespmem:s3+$0x6870] =	vst v0  }
0x35: {  	[tilespmem:s3+$0x6880] =	vst v0  }
0x36: {  	[tilespmem:s3+$0x6890] =	vst v0  }
0x37: {  	[tilespmem:s3+$0x68A0] =	vst v0  }
0x38: {  	[tilespmem:s3+$0x68B0] =	vst v0  }
0x39: {  	[tilespmem:s3+$0x68C0] =	vst v0  }
0x3a: {  	[tilespmem:s3+$0x68D0] =	vst v0  }
0x3b: {  	[tilespmem:s3+$0x68E0] =	vst v0  }
0x3c: {  	[spmem:s12] =	stream.linear.scatter [tilespmem:s31], [sflag:$0x5], $0x3600, $0x38;
	v63 =	vld [tilespmem:$0x0]  }
0x3d: {  	_ =	swait.ge [sflag:s26], $0x3600  }
0x3e: {  	[sflag:s26] =	ssyncset.done $0x0  }
0x3f: {  	s18 =	rddreg [dreg:$0x8];
	[sflag:s26] =	ssyncadd.s32 $0xFFFFCA00  }
0x40: {  	[spmem:s18] =	stream.linear.scatter [tilespmem:s31], [sflag:$0x5], $0x3600, $0x38;
	v63 =	vld [tilespmem:$0x0]  }
0x41: {  	_ =	swait.ge [sflag:s26], $0x3600  }
0x42: {  	[sflag:s26] =	ssyncset.done $0x0  }
0x43: {  	s19 =	rddreg [dreg:$0x9];
	[sflag:s26] =	ssyncadd.s32 $0xFFFFCA00  }
0x44: {  	[spmem:s19] =	stream.linear.scatter [tilespmem:s31], [sflag:$0x5], $0x3600, $0x38;
	v63 =	vld [tilespmem:$0x0]  }
0x45: {  	_ =	swait.ge [sflag:s26], $0x3600  }
0x46: {  	[sflag:s26] =	ssyncset.done $0x0  }
0x47: {  	s9 =	rddreg [dreg:$0xa];
	[sflag:s26] =	ssyncadd.s32 $0xFFFFCA00  }
0x48: {  	[spmem:s9] =	stream.linear.scatter [tilespmem:s31], [sflag:$0x5], $0x3600, $0x38;
	v63 =	vld [tilespmem:$0x0]  }
0x49: {  	_ =	swait.ge [sflag:s26], $0x3600  }
0x4a: {  	[sflag:s26] =	ssyncset.done $0x0  }
0x4b: {  	s10 =	rddreg [dreg:$0xb];
	[sflag:s26] =	ssyncadd.s32 $0xFFFFCA00  }
0x4c: {  	[spmem:s10] =	stream.linear.scatter [tilespmem:s31], [sflag:$0x5], $0x3600, $0x38;
	v63 =	vld [tilespmem:$0x0]  }
0x4d: {  	_ =	swait.ge [sflag:s26], $0x3600  }
0x4e: {  	[sflag:s26] =	ssyncset.done $0x0  }
0x4f: {  	s13 =	rddreg [dreg:$0xc];
	[sflag:s26] =	ssyncadd.s32 $0xFFFFCA00  }
0x50: {  	[spmem:s13] =	stream.linear.scatter [tilespmem:s31], [sflag:$0x5], $0x3600, $0x38;
	v63 =	vld [tilespmem:$0x0]  }
0x51: {  	_ =	swait.ge [sflag:s26], $0x3600  }
0x52: {  	[sflag:s26] =	ssyncset.done $0x0  }
0x53: {  	s14 =	rddreg [dreg:$0xd];
	[sflag:s26] =	ssyncadd.s32 $0xFFFFCA00  }
0x54: {  	[spmem:s14] =	stream.linear.scatter [tilespmem:s31], [sflag:$0x5], $0x1C20, $0x38;
	v63 =	vld [tilespmem:$0x0]  }
0x55: {  	_ =	swait.ge [sflag:s26], $0x1C20  }
0x56: {  	[sflag:s26] =	ssyncset.done $0x0  }
0x57: {  	[sflag:s26] =	ssyncadd.s32 $0xFFFFE3E0  }
0x58: {  	[bflag:$0x0] =	sbarrier.arrive $0xFFFF  }
0x59: {  	v1 =	vld [tilespmem:$0x9EC0]  }
0x5a: {  	v2 =	vld [tilespmem:$0x9ED0]  }
0x5b: {  	v3 =	vld [tilespmem:$0x9EE0]  }
0x5c: {  	v4 =	vld [tilespmem:$0x9EF0]  }
0x5d: {  	v5 =	vld [tilespmem:$0x9F00]  }
0x5e: {  	v6 =	vld [tilespmem:$0x9F10]  }
0x5f: {  	v7 =	vld [tilespmem:$0x9F20]  }
0x60: {  	v8 =	vld [tilespmem:$0x9F30]  }
0x61: {  	v9 =	vld [tilespmem:$0x9F40]  }
0x62: {  	v10 =	vld [tilespmem:$0x9F50]  }
0x63: {  	v11 =	vld [tilespmem:$0x9F60]  }
0x64: {  	v12 =	vld [tilespmem:$0x9F70]  }
0x65: {  	v13 =	vld [tilespmem:$0x9F80]  }
0x66: {  	v14 =	vld [tilespmem:$0x9F90]  }
0x67: {  	v15 =	vld [tilespmem:$0x9FA0]  }
0x68: {  	v16 =	vld [tilespmem:$0x9FB0]  }
0x69: {  	v18 =	vld [tilespmem:$0x9E70]  }
0x6a: {  	v19 =	vld [tilespmem:$0x9E80]  }
0x6b: {  	v20 =	vld [tilespmem:$0x9E90]  }
0x6c: {  	s30 =	simm.s32 $0x0;
	v21 =	vld [tilespmem:$0x9EA0];
	s15 =	rddreg [dreg:$0xe]  }
0x6d: {  	v17 =	vld [tilespmem:$0x9EB0];
	[tilespmem:s30], [sflag:$0x1] =	stream.linear.gather [hbm4b:s15+s30], $0x90, $0x38  }
0x6e: {  	s16 =	simm.s32 $0x270  }
0x6f: {  	[tilespmem:s16], [sflag:$0x2] =	stream.linear.gather [hbm4b:s20+s30], $0x30, $0x38;
	v63 =	vld [tilespmem:$0x0]  }
0x70: {  	_ =	swait.ge [sflag:s2], $0x90  }
0x71: {  	[sflag:s2] =	ssyncset.done $0x0  }
0x72: {  	[sflag:s2] =	ssyncadd.s32 $0xFFFFFF70  }
0x73: {  	v22 =	vld [tilespmem:$0x0]  }
0x74: {  	v23 =	vld [tilespmem:$0x30]  }
0x75: {  	v24 =	vld [tilespmem:$0x60]  }
0x76: {  	v25 =	vld [tilespmem:$0x10]  }
0x77: {  	v26 =	vld [tilespmem:$0x40]  }
0x78: {  	v61 =	vld [tilespmem:$0x50];
	[tilespmem:$0x120] =	vst v22  }
0x79: {  	v62 =	vld [tilespmem:$0x80];
	[tilespmem:$0x150] =	vst v23  }
0x7a: {  	v22 =	vld [tilespmem:$0x70];
	[tilespmem:$0x1E0] =	vst v24  }
0x7b: {  	v23 =	vld [tilespmem:$0x20];
	[tilespmem:$0x130] =	vst v25  }
0x7c: {  	[tilespmem:$0x160] =	vst v26  }
0x7d: {  	[tilespmem:$0x170] =	vst v61  }
0x7e: {  	[tilespmem:$0x200] =	vst v62  }
0x7f: {  	[tilespmem:$0x1F0] =	vst v22  }
0x80: {  	s17 =	simm.s32 $0x90;
	[tilespmem:$0x140] =	vst v23  }
0x81: {  	[tilespmem:s17], [sflag:$0x1] =	stream.linear.gather [hbm4b:s21+s30], $0x90, $0x38;
	v63 =	vld [tilespmem:$0x0]  }
0x82: {  	s18 =	simm.s32 $0x2A0  }
0x83: {  	[tilespmem:s18], [sflag:$0x2] =	stream.linear.gather [hbm4b:s22+s30], $0x30, $0x38;
	v63 =	vld [tilespmem:$0x0]  }
0x84: {  	s19 =	simm.s32 $0x60;
	s9 =	simm.s32 $0x120;
	s10 =	simm.s32 $0x870;
	v18 =	vand.u32 $0xF, v18  }
0x85: {  	v19 =	vand.u32 $0xF, v19;
	v20 =	vand.u32 $0xF, v20;
	v21 =	vand.u32 $0xF, v21;
	[tilespmem:s10], [sflag:$0x3] =	stream.indirect.gather [hbm4b:s7+s19], $0x80, s9, s19, $0xb8;
	v63 =	vld [tilespmem:$0x0]  }
.LBB2_4:
0x86: {  	p0 =	slt.u32 s30, $0x2  }
0x87: {  	p1 =	seq.s32 @!p0 s30, $0xD1  }
0x88: {  	p1 =	por p0, !p1  }
.Ltmp1:
0x89: {  	_ = 	snop;
	(pc) =	sbr.rel @p1 .LBB2_6-.Ltmp1, $4  }
0x8a: {  	s3 =	simm.s32 @!p0 $0x4  }
0x8b: {  	_ =	swait.ge @!p0 [sflag:s3], $0x1B00  }
0x8c: {  	[sflag:s3] =	ssyncset.done @!p0 $0x0  }
0x8d: {  	[sflag:s3] =	ssyncadd.s32 @!p0 $0xFFFFE500  }
.Ltmp2:
0x8e: {  	(pc) =	sbr.rel .LBB2_7-.Ltmp2, $3  }
0x8f: {  	_ =	sdelay $0x1  }
0x90: {  	p1 =	por @!p0 $0x1, $0x1  }
0x91: {  	s3 =	simm.s32 @!p0 $0xD2;
	s9 =	simm.s32 @!p0 $0xD3;
	p0 =	por @!p0 $0x0, $0x0  }
.LBB2_6:
0x92: {  	s3 =	sadd.s32 $0x1, s30  }
0x93: {  	s9 =	sand.u32 $0x1, s3  }
0x94: {  	_ =	swait.ge [sflag:s2], $0x90;
	s10 =	smul.u32 $0x240, s9  }
0x95: {  	[sflag:s2] =	ssyncset.done $0x0  }
0x96: {  	[sflag:s2] =	ssyncadd.s32 $0xFFFFFF70;
	s10 =	sshrl.u32 s10, $0x2  }
0x97: {  	v22 =	vld [tilespmem:s10+$0x0];
	_ =	sdelay $0x1  }
0x98: {  	s9 =	smul.u32 $0x180, s9;
	_ =	sdelay $0x1  }
0x99: {  	s9 =	sshrl.u32 s9, $0x2  }
0x9a: {  	[tilespmem:s9+$0x120] =	vst v22  }
0x9b: {  	v22 =	vld [tilespmem:s10+$0x30]  }
0x9c: {  	s13 =	smul.u32 $0xAB, s3;
	_ =	sdelay $0x1  }
0x9d: {  	s13 =	sshrl.u32 s13, $0x9  }
0x9e: {  	s13 =	sand.u32 $0x7F, s13  }
0x9f: {  	s13 =	smul.u32 $0x3, s13;
	[tilespmem:s9+$0x150] =	vst v22  }
0xa0: {  	v22 =	vld [tilespmem:s10+$0x60]  }
0xa1: {  	s13 =	ssub.s32 s3, s13  }
0xa2: {  	s13 =	smul.u32 $0x30, s13;
	_ =	sdelay $0x1  }
0xa3: {  	s13 =	sand.u32 $0xF0, s13  }
0xa4: {  	[tilespmem:s13+$0x1E0] =	vst v22  }
0xa5: {  	v22 =	vld [tilespmem:s10+$0x10];
	_ =	sdelay $0x4  }
0xa6: {  	[tilespmem:s9+$0x130] =	vst v22  }
0xa7: {  	v22 =	vld [tilespmem:s10+$0x40];
	_ =	sdelay $0x4  }
0xa8: {  	[tilespmem:s9+$0x160] =	vst v22  }
0xa9: {  	v22 =	vld [tilespmem:s10+$0x70];
	_ =	sdelay $0x4  }
0xaa: {  	[tilespmem:s13+$0x1F0] =	vst v22  }
0xab: {  	v22 =	vld [tilespmem:s10+$0x20];
	_ =	sdelay $0x4  }
0xac: {  	[tilespmem:s9+$0x140] =	vst v22  }
0xad: {  	v22 =	vld [tilespmem:s10+$0x50];
	_ =	sdelay $0x4  }
0xae: {  	p2 =	sgt.u32 s30, $0xCF;
	[tilespmem:s9+$0x170] =	vst v22  }
0xaf: {  	p3 =	por @!p2 $0x0, $0x0;
	s9 =	sadd.s32 @!p2 $0x2, s30;
	v22 =	vld [tilespmem:s10+$0x80];
	s10 =	sand.u32 @!p2 $0x1, s30  }
0xb0: {  	p1 =	por @!p2 $0x1, $0x1;
	s14 =	sadd.s32 @!p2 s11, s9;
	p0 =	seq.s32 @!p2 s10, $0x1  }
0xb1: {  	s10 =	smul.u32 @!p2 $0x12, s14;
	s14 =	simm.s32 @!p2 $0x90;
	p0 =	por !p0, p2  }
0xb2: {  	s3 =	simm.s32 @p2 $0xD1;
	s14 =	simm.s32 @p0 $0x0;
	p0 =	por $0x0, $0x0  }
0xb3: {  	s9 =	simm.s32 @p2 $0xD2;
	p0 =	por @!p2 p1, p1;
	p1 =	por $0x0, $0x0  }
0xb4: {  	s10 =	sadd.s32 @!p2 s1, s10;
	[tilespmem:s13+$0x200] =	vst v22;
	s13 =	simm.s32 @!p2 $0x0;
	p1 =	por @!p2 p3, p3  }
0xb5: {  	[tilespmem:s14], [sflag:$0x1] =	stream.linear.gather @!p2 [hbm4b:s10+s13], $0x90, $0x38;
	v63 =	vld [tilespmem:$0x0]  }
.LBB2_7:
0xb6: {  	s10 =	sand.u32 @!p1 $0x1, s3  }
0xb7: {  	_ =	swait.ge [sflag:s0], $0x3000;
	s14 =	sand.u32 $0x1, s30;
	p2 =	seq.s32 @!p1 s10, $0x1  }
0xb8: {  	s13 =	simm.s32 @!p1 $0x60;
	s10 =	simm.s32 @!p1 $0x60;
	p2 =	por !p2, p1  }
0xb9: {  	[sflag:s0] =	ssyncset.done $0x0;
	s16 =	smul.u32 $0x30, s14;
	s10 =	simm.s32 @p2 $0x0  }
0xba: {  	s17 =	smul.u32 $0xC000, s14;
	[sflag:s0] =	ssyncadd.s32 $0xFFFFD000;
	s15 =	sshll.u32 @!p1 s10, $0x7  }
0xbb: {  	s16 =	sadd.s32 $0x270, s16;
	s10 =	sadd.s32 @!p1 $0x120, s10;
	s15 =	sor.u32 @!p1 $0x870, s15  }
0xbc: {  	[tilespmem:s15], [sflag:$0x3] =	stream.indirect.gather @!p1 [hbm4b:s7+s13], $0x80, s10, s13, $0xb8;
	v63 =	vld [tilespmem:$0x0]  }
0xbd: {  	v22 =	vmov s16;
	_ =	swait.ge [sflag:s4], $0x30  }
0xbe: {  	s18 =	sshrl.u32 s17, $0x2;
	[sflag:s4] =	ssyncset.done $0x0  }
0xbf: {  	s10 =	sadd.s32 $0x20E0, s18;
	s13 =	simm.s32 $0x0;
	[sflag:s4] =	ssyncadd.s32 $0xFFFFFFD0  }
0xc0: {  	s19 =	sand.u32 $0xC0, s13;
	v23 =	vld [tilespmem:s10+$0xFFFFE7B0]  }
0xc1: {  	s15 =	sshrl.u32 s19, $0x2;
	v24 =	vld [tilespmem:s10+$0xFFFFE7A0]  }
0xc2: {  	v26 =	vld.idx.msk [tilespmem:v22+s15+$0x0 ss:$0x1], $0xffff  }
0xc3: {  	v29 =	vld [tilespmem:s10+$0xFFFFFFA0]  }
0xc4: {  	v28 =	vld [tilespmem:s10+$0xFFFFFF90]  }
0xc5: {  	v30 =	vld [tilespmem:s10+$0xFFFFFFB0]  }
0xc6: {  	v25 =	vld [tilespmem:s10+$0xFFFFE790]  }
0xc7: {  	v31 =	vld [tilespmem:s10+$0xFFFFFFD0]  }
0xc8: {  	v34 =	vld [tilespmem:s10+$0xFFFFFFE0]  }
0xc9: {  	v27 =	vmov s13;
	v37 =	vld [tilespmem:s10+$0xFFFFFFC0]  }
0xca: {  	v32 =	vperm.xlane v26, v27;
	v26 =	vld [tilespmem:s10+$0xFFFFE7D0]  }
0xcb: {  	v27 =	vld [tilespmem:s10+$0xFFFFE7E0];
	v30 =	vadd.f32 v30, v23  }
0xcc: {  	v35 =	vadd.f32 v28, v25;
	v28 =	vld [tilespmem:s10+$0xFFFFE7C0];
	v33 =	vmul.f32 v32, v3;
	v36 =	vmul.f32 v32, v1  }
0xcd: {  	v29 =	vadd.f32 v29, v24;
	v38 =	vmul.f32 v32, v7;
	v46 =	vmul.f32 v32, v2  }
0xce: {  	v39 =	vmul.f32 v32, v5;
	v47 =	vmul.f32 v32, v4;
	v35 =	vadd.f32 v35, v36  }
0xcf: {  	v40 =	vmul.f32 v32, v6;
	v30 =	vadd.f32 v30, v33;
	v33 =	vadd.f32 v29, v46  }
0xd0: {  	v31 =	vadd.f32 v31, v26;
	v34 =	vadd.f32 v34, v27;
	v42 =	vmul.f32 $2.000000030e-01, v35  }
0xd1: {  	v37 =	vadd.f32 v37, v28;
	v41 =	vmul.f32 $2.000000030e-01, v30;
	vm1 =	vgt.f32 v35, $0.0e+00  }
0xd2: {  	v49 =	vld [tilespmem:s10+$0xFFFFFFF0];
	vm0 =	vgt.f32 v30, $0.0e+00;
	v48 =	vmul.f32 $2.000000030e-01, v33;
	v29 =	vsel vm1, v35, v42  }
0xd3: {  	vm10 =	vgt.f32 v33, $0.0e+00;
	v41 =	vsel vm0, v30, v41;
	v30 =	vmul.f32 v29, v9;
	v29 =	vld [tilespmem:s10+$0xFFFFE7F0]  }
0xd4: {  	v51 =	vld [tilespmem:s10+$0x0];
	v31 =	vadd.f32 v31, v39;
	v50 =	vadd.f32 v37, v47;
	v33 =	vsel vm10, v33, v48  }
0xd5: {  	v32 =	vmul.f32 v32, v8;
	v33 =	vmul.f32 v33, v10;
	v52 =	vadd.f32 $0.0e+00, v30;
	v30 =	vld [tilespmem:s10+$0xFFFFE800]  }
0xd6: {  	v34 =	vadd.f32 v34, v40;
	vm11 =	vgt.f32 v31, $0.0e+00;
	v53 =	vmul.f32 $2.000000030e-01, v50  }
0xd7: {  	v54 =	vmul.f32 v41, v11;
	vm12 =	vgt.f32 v50, $0.0e+00;
	v33 =	vadd.f32 v33, v52  }
0xd8: {  	v39 =	vmul.f32 $2.000000030e-01, v31;
	v35 =	vsel vm12, v50, v53;
	v55 =	vadd.f32 v49, v29  }
0xd9: {  	v56 =	vmul.f32 $2.000000030e-01, v34;
	v35 =	vmul.f32 v35, v12;
	v33 =	vadd.f32 v54, v33  }
0xda: {  	v31 =	vsel vm11, v31, v39;
	v57 =	vadd.f32 v55, v38;
	v36 =	vadd.f32 v51, v30  }
0xdb: {  	vm13 =	vgt.f32 v34, $0.0e+00;
	v31 =	vmul.f32 v31, v13;
	v33 =	vadd.f32 v35, v33  }
0xdc: {  	v34 =	vsel vm13, v34, v56;
	v58 =	vmul.f32 $2.000000030e-01, v57;
	v32 =	vadd.f32 v36, v32  }
0xdd: {  	v59 =	vmul.f32 v34, v14;
	vm14 =	vgt.f32 v57, $0.0e+00;
	v31 =	vadd.f32 v31, v33  }
0xde: {  	v60 =	vsel vm14, v57, v58;
	v61 =	vmul.f32 $2.000000030e-01, v32  }
0xdf: {  	vm15 =	vgt.f32 v32, $0.0e+00;
	v31 =	vadd.f32 v59, v31;
	v62 =	vmul.f32 v60, v15  }
0xe0: {  	v32 =	vsel vm15, v32, v61  }
0xe1: {  	v31 =	vadd.f32 v62, v31;
	v32 =	vmul.f32 v32, v16;
	_ =	sdelay $0x1  }
0xe2: {  	v31 =	vadd.f32 v32, v31;
	_ =	sdelay $0x1  }
0xe3: {  	v32 =	vperm.xlane v31, v18;
	_ =	sdelay $0x1  }
0xe4: {  	v31 =	vadd.f32 v31, v32;
	_ =	sdelay $0x1  }
0xe5: {  	s14 =	smul.u32 $0x6C00, s14;
	v32 =	vperm.xlane v31, v19;
	_ =	sdelay $0x1  }
0xe6: {  	s14 =	sshrl.u32 s14, $0x2;
	v31 =	vadd.f32 v31, v32  }
0xe7: {  	s16 =	sadd.s32 $0x68B0, s14  }
0xe8: {  	s17 =	simm.s32 $0x1;
	s15 =	smov.u32 s16;
	v32 =	vperm.xlane v31, v20  }
.LBB2_8:
0xe9: {  	s13 =	sadd.s32 $0x4, s13;
	s10 =	sadd.s32 $0x80, s10;
	s16 =	sadd.s32 $0x90, s16  }
0xea: {  	p1 =	sne.s32 s17, $0x2F;
	s18 =	smov.u32 s17;
	s17 =	sadd.s32 $0x1, s17;
	v31 =	vadd.f32 v31, v32  }
0xeb: {  	_ = 	snop  }
0xec: {  	v32 =	vperm.xlane v31, v21;
	_ =	sdelay $0x1  }
0xed: {  	v31 =	vadd.f32 v31, v32;
	_ =	sdelay $0x1  }
0xee: {  	v31 =	vmul.f32 $1.442695020e+00, v31;
	_ =	sdelay $0x1  }
0xef: {  	(erf) = vpow2.f32 v31;
	_ =	sdelay $0x3  }
0xf0: {  	s19 =	sand.u32 $0xC0, s13  }
0xf1: {  	s19 =	sshrl.u32 s19, $0x2;
	_ =	sdelay $0x3  }
0xf2: {  	v31 =	vpop (erf)  }
0xf3: {  	v26 =	vmul.f32 v31, v26;
	v27 =	vmul.f32 v31, v27  }
0xf4: {  	v25 =	vmul.f32 v31, v25;
	v24 =	vmul.f32 v31, v24  }
0xf5: {  	v23 =	vmul.f32 v31, v23;
	v28 =	vmul.f32 v31, v28;
	[tilespmem:s15+$0x0] =	vst v26  }
0xf6: {  	v26 =	vmul.f32 v31, v29;
	[tilespmem:s15+$0x10] =	vst v27;
	v27 =	vmul.f32 v31, v30  }
0xf7: {  	[tilespmem:s15+$0xFFFFFFC0] =	vst v25  }
0xf8: {  	[tilespmem:s15+$0xFFFFFFD0] =	vst v24  }
0xf9: {  	[tilespmem:s15+$0xFFFFFFE0] =	vst v23  }
0xfa: {  	[tilespmem:s15+$0x30] =	vst v27  }
0xfb: {  	v23 =	vmul.f32 v31, v17;
	[tilespmem:s15+$0xFFFFFFF0] =	vst v28  }
0xfc: {  	[tilespmem:s15+$0x20] =	vst v26  }
0xfd: {  	[tilespmem:s15+$0x40] =	vst v23;
	s15 =	smov.u32 s16;
	_ =	sdelay $0x2  }
0xfe: {  	v23 =	vld [tilespmem:s10+$0xFFFFE7B0]  }
0xff: {  	v24 =	vld [tilespmem:s10+$0xFFFFE7A0]  }
0x100: {  	v26 =	vld.idx.msk [tilespmem:v22+s19+$0x0 ss:$0x1], $0xffff  }
0x101: {  	v29 =	vld [tilespmem:s10+$0xFFFFFFA0]  }
0x102: {  	v28 =	vld [tilespmem:s10+$0xFFFFFF90]  }
0x103: {  	v30 =	vld [tilespmem:s10+$0xFFFFFFB0]  }
0x104: {  	v25 =	vld [tilespmem:s10+$0xFFFFE790]  }
0x105: {  	v27 =	vmov s18;
	v31 =	vld [tilespmem:s10+$0xFFFFFFD0]  }
0x106: {  	v32 =	vperm.xlane v26, v27;
	v26 =	vld [tilespmem:s10+$0xFFFFE7D0]  }
0x107: {  	v27 =	vld [tilespmem:s10+$0xFFFFE7E0]  }
0x108: {  	v33 =	vmul.f32 v32, v3;
	v35 =	vmul.f32 v32, v7;
	v30 =	vadd.f32 v30, v23;
	v34 =	vld [tilespmem:s10+$0xFFFFFFE0]  }
0x109: {  	v37 =	vmul.f32 v32, v1;
	v39 =	vmul.f32 v32, v5;
	v36 =	vadd.f32 v28, v25;
	v38 =	vld [tilespmem:s10+$0xFFFFFFC0]  }
0x10a: {  	v40 =	vmul.f32 v32, v2;
	v30 =	vadd.f32 v30, v33;
	v28 =	vld [tilespmem:s10+$0xFFFFE7C0];
	v33 =	vmul.f32 v32, v4  }
0x10b: {  	v29 =	vadd.f32 v29, v24;
	v36 =	vadd.f32 v36, v37;
	v37 =	vmul.f32 v32, v6  }
0x10c: {  	v31 =	vadd.f32 v31, v26;
	vm0 =	vgt.f32 v30, $0.0e+00;
	v41 =	vmul.f32 $2.000000030e-01, v30  }
0x10d: {  	v29 =	vadd.f32 v29, v40;
	v42 =	vmul.f32 $2.000000030e-01, v36;
	v34 =	vadd.f32 v34, v27  }
0x10e: {  	vm1 =	vgt.f32 v36, $0.0e+00;
	v40 =	vsel vm0, v30, v41;
	v30 =	vadd.f32 v31, v39  }
0x10f: {  	v31 =	vsel vm1, v36, v42;
	v36 =	vmul.f32 $2.000000030e-01, v29;
	v34 =	vadd.f32 v34, v37  }
0x110: {  	vm0 =	vgt.f32 v29, $0.0e+00;
	v37 =	vadd.f32 v38, v28;
	v31 =	vmul.f32 v31, v9;
	v38 =	vld [tilespmem:s10+$0xFFFFFFF0]  }
0x111: {  	v39 =	vmul.f32 $2.000000030e-01, v30;
	v36 =	vsel vm0, v29, v36;
	vm0 =	vgt.f32 v30, $0.0e+00;
	v29 =	vld [tilespmem:s10+$0xFFFFE7F0]  }
0x112: {  	v33 =	vadd.f32 v37, v33;
	v31 =	vadd.f32 $0.0e+00, v31;
	v36 =	vmul.f32 v36, v10;
	v37 =	vld [tilespmem:s10+$0x0]  }
0x113: {  	v32 =	vmul.f32 v32, v8;
	v41 =	vmul.f32 $2.000000030e-01, v34;
	v39 =	vsel vm0, v30, v39;
	v30 =	vld [tilespmem:s10+$0xFFFFE800]  }
0x114: {  	vm0 =	vgt.f32 v34, $0.0e+00;
	v31 =	vadd.f32 v36, v31;
	v36 =	vmul.f32 $2.000000030e-01, v33  }
0x115: {  	v40 =	vmul.f32 v40, v11;
	vm1 =	vgt.f32 v33, $0.0e+00;
	v34 =	vsel vm0, v34, v41  }
0x116: {  	v33 =	vsel vm1, v33, v36;
	v36 =	vadd.f32 v38, v29  }
0x117: {  	v31 =	vadd.f32 v40, v31;
	v33 =	vmul.f32 v33, v12  }
0x118: {  	v35 =	vadd.f32 v36, v35;
	v36 =	vadd.f32 v37, v30  }
0x119: {  	v31 =	vadd.f32 v33, v31;
	v33 =	vmul.f32 v39, v13  }
0x11a: {  	v37 =	vmul.f32 $2.000000030e-01, v35;
	v32 =	vadd.f32 v36, v32  }
0x11b: {  	vm0 =	vgt.f32 v35, $0.0e+00;
	v31 =	vadd.f32 v33, v31;
	v33 =	vmul.f32 v34, v14  }
0x11c: {  	v34 =	vsel vm0, v35, v37;
	v35 =	vmul.f32 $2.000000030e-01, v32  }
0x11d: {  	vm0 =	vgt.f32 v32, $0.0e+00;
	v31 =	vadd.f32 v33, v31;
	v33 =	vmul.f32 v34, v15  }
0x11e: {  	v32 =	vsel vm0, v32, v35  }
0x11f: {  	v31 =	vadd.f32 v33, v31;
	v32 =	vmul.f32 v32, v16;
	_ =	sdelay $0x1  }
0x120: {  	v31 =	vadd.f32 v32, v31;
	_ =	sdelay $0x1  }
0x121: {  	v32 =	vperm.xlane v31, v18;
	_ =	sdelay $0x1  }
0x122: {  	v31 =	vadd.f32 v31, v32;
	_ =	sdelay $0x1  }
.Ltmp3:
0x123: {  	v32 =	vperm.xlane v31, v19;
	(pc) =	sbr.rel @p1 .LBB2_8-.Ltmp3, $3  }
0x124: {  	_ = 	snop  }
0x125: {  	v31 =	vadd.f32 v31, v32;
	_ =	sdelay $0x1  }
0x126: {  	v32 =	vperm.xlane v31, v20  }
0x127: {  	_ = 	snop  }
0x128: {  	v22 =	vadd.f32 v31, v32;
	_ =	sdelay $0x1  }
0x129: {  	v31 =	vperm.xlane v22, v21;
	_ =	sdelay $0x1  }
0x12a: {  	v22 =	vadd.f32 v22, v31;
	_ =	sdelay $0x1  }
0x12b: {  	v22 =	vmul.f32 $1.442695020e+00, v22;
	_ =	sdelay $0x1  }
0x12c: {  	(erf) = vpow2.f32 v22;
	_ =	sdelay $0x8  }
0x12d: {  	v22 =	vpop (erf)  }
0x12e: {  	v26 =	vmul.f32 v22, v26  }
0x12f: {  	v27 =	vmul.f32 v22, v27  }
0x130: {  	v25 =	vmul.f32 v22, v25;
	[tilespmem:s15+$0x0] =	vst v26  }
0x131: {  	s10 =	smul.u32 $0xAB, s30;
	v24 =	vmul.f32 v22, v24;
	[tilespmem:s15+$0x10] =	vst v27  }
0x132: {  	v23 =	vmul.f32 v22, v23;
	[tilespmem:s15+$0xFFFFFFC0] =	vst v25  }
0x133: {  	s10 =	sshrl.u32 s10, $0x9;
	v61 =	vmul.f32 v22, v30;
	[tilespmem:s15+$0xFFFFFFD0] =	vst v24  }
0x134: {  	s13 =	sand.u32 @p0 $0x1, s30;
	s10 =	sand.u32 $0x7F, s10;
	v62 =	vmul.f32 v22, v28;
	[tilespmem:s15+$0xFFFFFFE0] =	vst v23  }
0x135: {  	s9 =	sadd.s32 @p0 s11, s9;
	p1 =	seq.s32 @p0 s13, $0x1;
	s10 =	smul.u32 $0x3, s10;
	v23 =	vmul.f32 v22, v29;
	[tilespmem:s15+$0x30] =	vst v61  }
0x136: {  	s13 =	simm.s32 @p0 $0x2A0;
	s9 =	smul.u32 @p0 $0x6, s9;
	p1 =	por !p1, !p0;
	[tilespmem:s15+$0xFFFFFFF0] =	vst v62;
	v22 =	vmul.f32 v22, v17  }
0x137: {  	s13 =	simm.s32 @p1 $0x270;
	s10 =	ssub.s32 s30, s10;
	[tilespmem:s15+$0x20] =	vst v23  }
0x138: {  	s9 =	sadd.s32 @p0 s8, s9;
	s10 =	sand.u32 $0xFF, s10;
	[tilespmem:s15+$0x40] =	vst v22;
	s15 =	simm.s32 @p0 $0x0  }
0x139: {  	[tilespmem:s13], [sflag:$0x2] =	stream.linear.gather @p0 [hbm4b:s9+s15], $0x30, $0x38;
	v63 =	vld [tilespmem:$0x0]  }
0x13a: {  	s10 =	smul.u32 $0xC0, s10;
	p0 =	slt.u32 s3, $0xD2  }
.Ltmp4:
0x13b: {  	_ = 	snop;
	(pc) =	sbr.rel @p0 .LBB2_4-.Ltmp4, $4  }
0x13c: {  	_ = 	snop  }
0x13d: {  	s18 =	sshrl.u32 s10, $0x2  }
0x13e: {  	s19 =	sadd.s32 $0x6870, s14;
	s30 =	smov.u32 s3;
	s9 =	sadd.s32 $0x1E0, s18  }
0x13f: {  	[spmem:s5] =	stream.indirect.scatter.add.f32 [tilespmem:s19], [sflag:$0x4], $0x90, s9, s25, $0xb8;
	v63 =	vld [tilespmem:$0x0]  }
0x140: {  	_ =	swait.ge [sflag:s28], $0x1B00  }
0x141: {  	[sflag:s28] =	ssyncset.done $0x0  }
0x142: {  	[sflag:s28] =	ssyncadd.s32 $0xFFFFE500  }
0x143: {  	s3 =	stileid.u32;
	_ =	swait.ge [sflag:s28], $0x1B00  }
0x144: {  	s9 =	sshrl.u32 s12, $0x3;
	s29 =	sadd.s32 $0x1, s29;
	[sflag:s28] =	ssyncset.done $0x0  }
0x145: {  	s3 =	sshll.u32 s3, $0x6;
	p0 =	sne.s32 s29, s24;
	[sflag:s28] =	ssyncadd.s32 $0xFFFFE500  }
.Ltmp5:
0x146: {  	s3 =	sor.u32 $0x1C05, s3;
	[bflag:$0x0] =	sbarrier.arrive $0xFFFF;
	(pc) =	sbr.rel @p0 .LBB2_1-.Ltmp5, $4  }
0x147: {  	[hbm:s23], [sflag:s3] =	dma.local [spmem:s9], $0x2C04  }
0x148: {  	_ =	swait.ge [sflag:s26], $0x2C04  }
0x149: {  	[sflag:s26] =	ssyncset.done $0x0  }
0x14a: {  	[sflag:s26] =	ssyncadd.s32 $0xFFFFD3FC  }
0x14b: {  	_ =	sfence.sel $0x180000  }
0x14c: {  	[bflag:$0x0] =	sbarrier.arrive $0xFFFF  }
0x14d: {  	_ =	strace $0x90000047  }
0x14e: {  	s0 =	stileid.u32;
	[bflag:$0x2] =	sbarrier.arrive $0xFFFF  }
0x14f: {  	p0 =	sne.s32 s0, $0x0;
	s0 =	rddreg [dreg:$0x5]  }
0x150: {  	s0 =	sadd.s32 @!p0 $0x100000, s0  }
0x151: {  	[sflag:s0] =	ssyncadd.tile.s32 @!p0 $0x1;
	_ =	shalt  }
.Lfunc_end2:
_tile_overlayer_lowered:
.L_overlay_start_2:
0x152: {  	(tag) =	ssettag $0x2  }
0x153: {  	s0 =	rddreg [dreg:$0x0];
	s2 =	stileid.u32  }
0x154: {  	s1 =	rddreg [dreg:$0x1];
	p0 =	sne.s32 s2, $0x0  }
0x155: {  	s3 =	rddreg [dreg:$0x2];
	[bflag:$0x3] =	sbarrier.arrive $0xFFFF;
	s2 =	simm.s32 @!p0 $0x1C05  }
0x156: {  	[timem:s3], [sflag:s2] =	dma.local @!p0 [hbm:s0], s1  }
0x157: {  	s0 =	simm.s32 @!p0 $0x5  }
0x158: {  	_ =	swait.ge @!p0 [sflag:s0], s1  }
0x159: {  	s1 =	ssub.s32 @!p0 $0x0, s1;
	[sflag:s0] =	ssyncset.done @!p0 $0x0  }
0x15a: {  	[sflag:s0] =	ssyncadd.s32 @!p0 s1  }
0x15b: {  	[bflag:$0x3] =	sbarrier.arrive $0xFFFF  }
0x15c: {  	_ =	shalt  }

</sc_bundles>
